<compile_context>
chip_gen: v7x
topology: tpu7x:2x2x1
jax: 0.10.2.dev20260603
libtpu: 0.0.44.dev20260713+nightly
codegen_flags: <defaults>
</compile_context>

<pallas_src>
import functools

import jax
import jax.numpy as jnp
from jax import lax
from jax.experimental import pallas as pl
from jax.experimental.pallas import tpu as pltpu
from jax.experimental.pallas import tpu_sc as plsc

L = 16
NBUF = 2
TB = 2


def _build_sc_call(n_tokens, vocab, d_model, nc, ns):
    nw = nc * ns
    per_w = n_tokens // nw
    chunk = 400
    while per_w % chunk:
        chunk //= 2
    n_chunks = per_w // chunk
    n_groups = chunk // L
    n_slices = d_model // L

    mesh = plsc.VectorSubcoreMesh(core_axis_name="c", subcore_axis_name="s",
                                  num_cores=nc, num_subcores=ns)

    @functools.partial(
        pl.kernel,
        out_type=jax.ShapeDtypeStruct((n_tokens * d_model,), jnp.float32),
        mesh=mesh,
        scratch_types=[
            pltpu.VMEM((vocab * d_model,), jnp.float32),
            [pltpu.VMEM((chunk,), jnp.int32)
             for _ in range(NBUF)],
            [pltpu.VMEM((chunk,), jnp.float32)
             for _ in range(NBUF)],
            [pltpu.VMEM((chunk * d_model,), jnp.float32)
             for _ in range(NBUF)],
            [pltpu.SemaphoreType.DMA for _ in range(NBUF)],
            [pltpu.SemaphoreType.DMA for _ in range(NBUF)],
        ],
        compiler_params=pltpu.CompilerParams(needs_layout_passes=False),
    )
    def emb_kernel(x_hbm, mask_hbm, table_hbm, out_hbm,
                   table_v, idx_bufs, mask_bufs, out_bufs, out_sems, in_sems):
        wid = lax.axis_index("s") * nc + lax.axis_index("c")
        base = wid * per_w
        pltpu.sync_copy(table_hbm, table_v)
        lane = lax.iota(jnp.int32, L)
        soff = [s * L + lane for s in range(n_slices)]
        dnums = lax.GatherDimensionNumbers(
            offset_dims=(), collapsed_slice_dims=(0,), start_index_map=(0,))

        def lane_bcast(vec, j):
            jvec = jnp.full((L, 1), j, jnp.int32)
            return lax.gather(vec, jvec, dnums, (1,),
                              mode=lax.GatherScatterMode.PROMISE_IN_BOUNDS)

        def start_loads(ci, b):
            start = base + ci * chunk
            pltpu.async_copy(x_hbm.at[pl.ds(start, chunk)],
                             idx_bufs[b], in_sems[b])
            pltpu.async_copy(mask_hbm.at[pl.ds(start, chunk)],
                             mask_bufs[b], in_sems[b])

        def wait_loads(ci, b):
            start = base + ci * chunk
            pltpu.make_async_copy(x_hbm.at[pl.ds(start, chunk)],
                                  idx_bufs[b], in_sems[b]).wait()
            pltpu.make_async_copy(mask_hbm.at[pl.ds(start, chunk)],
                                  mask_bufs[b], in_sems[b]).wait()

        def do_chunk(ci, b, buf, sem):
            start = base + ci * chunk
            idx_v = idx_bufs[b]
            mask_v = mask_bufs[b]

            @plsc.parallel_loop(0, n_groups, 1)
            def group_body(g):
                tok0 = g * L
                rows16 = idx_v[pl.ds(tok0, L)] * d_model
                msk16 = mask_v[pl.ds(tok0, L)]

                def batch_loads(j0):
                    cols = []
                    for j in range(j0, j0 + TB):
                        row_s = lane_bcast(rows16, j)
                        for s in range(n_slices):
                            cols.append(
                                plsc.load_gather(table_v, [row_s + soff[s]]))
                    return cols

                def batch_stores(j0, cols):
                    k = 0
                    for j in range(j0, j0 + TB):
                        msk_s = lane_bcast(msk16, j)
                        tbase = (tok0 + j) * d_model
                        for s in range(n_slices):
                            buf[pl.ds(tbase + s * L, L)] = cols[k] * msk_s
                            k += 1

                cols = batch_loads(0)
                for j0 in range(TB, L, TB):
                    nxt = batch_loads(j0)
                    batch_stores(j0 - TB, cols)
                    cols = nxt
                batch_stores(L - TB, cols)
            pltpu.async_copy(
                buf, out_hbm.at[pl.ds(start * d_model, chunk * d_model)], sem)

        for b in range(NBUF):
            start_loads(b, b)

        def outer(i, carry):
            for b in range(NBUF):
                ci = i * NBUF + b
                wait_loads(ci, b)

                @pl.when(ci >= NBUF)
                def _():
                    prev = base + (ci - NBUF) * chunk
                    pltpu.make_async_copy(
                        out_bufs[b],
                        out_hbm.at[pl.ds(prev * d_model, chunk * d_model)],
                        out_sems[b]).wait()

                do_chunk(ci, b, out_bufs[b], out_sems[b])

                @pl.when(ci + NBUF < n_chunks)
                def _():
                    start_loads(ci + NBUF, b)
            return carry

        lax.fori_loop(0, n_chunks // NBUF, outer, 0)
        for b in range(NBUF):
            last = base + (n_chunks - NBUF + b) * chunk
            pltpu.make_async_copy(
                out_bufs[b],
                out_hbm.at[pl.ds(last * d_model, chunk * d_model)],
                out_sems[b]).wait()

    return emb_kernel


def kernel(x, mask, emb_table):
    b, h = x.shape
    vocab, d_model = emb_table.shape
    n = b * h
    x_flat = x.T.reshape(n).astype(jnp.int32)
    mask_flat = mask.T.reshape(n).astype(jnp.float32)
    table_flat = emb_table.reshape(vocab * d_model).astype(jnp.float32)
    info = plsc.get_sparse_core_info()
    call = _build_sc_call(n, vocab, d_model, info.num_cores, info.num_subcores)
    out = call(x_flat, mask_flat, table_flat)
    return out.reshape(h, b, d_model).transpose(1, 0, 2)

# --- scband reference (transcript-rebuilt; emitter-appended) ---
"""Pipeline reference for scband-embedding-64235530879498 (READ-ONLY COPY).

The authoritative reference and input builder live on the scoring server;
editing this copy changes nothing except your own understanding.
"""

import jax, jax.numpy as jnp
import numpy as np

VOCAB = 51
D_MODEL = 128
BATCH = 4096
HIST = 50

def setup_inputs(seed: int = 0) -> dict:
    key = jax.random.key(seed)
    k1, k2, k3 = jax.random.split(key, 3)
    x = jax.random.randint(k1, (BATCH, HIST), 0, VOCAB, dtype=jnp.int64 if jax.config.jax_enable_x64 else jnp.int32)
    mask = jax.random.uniform(k2, (BATCH, HIST), dtype=jnp.float32)
    emb_table = jax.random.normal(k3, (VOCAB, D_MODEL), dtype=jnp.float32)
    return {"x": x, "mask": mask, "emb_table": emb_table}

def reference(x, mask, emb_table):
    # nn.Embedding lookup -> gather rows
    out = jnp.take(emb_table, x, axis=0)          # [B, L, D]
    out = out * mask[..., None]                    # mask.unsqueeze(-1)
    # f.dropout with training=False (eval mode) is identity
    return out

if __name__ == "__main__":
    import jax
    _d = setup_inputs()
    print(jax.jit(kernel)(*tuple(_d.values())))

</pallas_src>

<mosaic_0001>
#map = affine_map<(d0, d1) -> (0)>
module attributes {stable_mosaic.version = 14 : i64} {
  func.func @emb_kernel(%arg0: i32, %arg1: i32, %arg2: memref<204800xi32, #tpu.memory_space<hbm>>, %arg3: memref<204800xf32, #tpu.memory_space<hbm>>, %arg4: memref<6528xf32, #tpu.memory_space<hbm>>, %arg5: memref<26214400xf32, #tpu.memory_space<hbm>>, %arg6: memref<6528xf32, #tpu.memory_space<vmem>>, %arg7: memref<400xi32, #tpu.memory_space<vmem>>, %arg8: memref<400xi32, #tpu.memory_space<vmem>>, %arg9: memref<400xf32, #tpu.memory_space<vmem>>, %arg10: memref<400xf32, #tpu.memory_space<vmem>>, %arg11: memref<51200xf32, #tpu.memory_space<vmem>>, %arg12: memref<51200xf32, #tpu.memory_space<vmem>>, %arg13: memref<!tpu.dma_semaphore, #tpu.memory_space<semaphore_mem>>, %arg14: memref<!tpu.dma_semaphore, #tpu.memory_space<semaphore_mem>>, %arg15: memref<!tpu.dma_semaphore, #tpu.memory_space<semaphore_mem>>, %arg16: memref<!tpu.dma_semaphore, #tpu.memory_space<semaphore_mem>>) attributes {dimension_semantics = [#tpu.dimension_semantics<core_parallel>, #tpu.dimension_semantics<subcore_parallel>], iteration_bounds = array<i64: 2, 16>, scalar_prefetch = 0 : i64, scratch_operands = 11 : i64, tpu.core_type = #tpu.core_type<sc_vector_subcore>, window_params = [{transform_indices = #map}, {transform_indices = #map}, {transform_indices = #map}, {transform_indices = #map}]} {
    %mul3A = arith.constant 2 : i32
    %mul3A_0 = arith.muli %arg1, %mul3A : i32
    %add3A = arith.addi %mul3A_0, %arg0 : i32
    %mul3A_1 = arith.constant 6400 : i32
    %mul3A_2 = arith.muli %add3A, %mul3A_1 : i32
    "tpu.region"() ({
      %run_scoped3A = tpu.sem_alloc : memref<!tpu.dma_semaphore, #tpu.memory_space<semaphore_mem>>
      tpu.enqueue_dma source(%arg4 : memref<6528xf32, #tpu.memory_space<hbm>>) target(%arg6 : memref<6528xf32, #tpu.memory_space<vmem>>) target_semaphore(%run_scoped3A : memref<!tpu.dma_semaphore, #tpu.memory_space<semaphore_mem>>)
      tpu.wait_dma2 semaphore(%run_scoped3A : memref<!tpu.dma_semaphore, #tpu.memory_space<semaphore_mem>>) src(%arg4 : memref<6528xf32, #tpu.memory_space<hbm>>) dst(%arg6 : memref<6528xf32, #tpu.memory_space<vmem>>)
      tpu.yield
    }) : () -> ()
    %iota3A = tpu.iota {dimensions = array<i32: 0>} : vector<16xi32>
    %add3A_3 = arith.constant 0 : i32
    %add3A_4 = vector.broadcast %add3A_3 : i32 to vector<16xi32>
    %add3A_5 = arith.addi %add3A_4, %iota3A : vector<16xi32>
    %add3A_6 = arith.constant 16 : i32
    %add3A_7 = vector.broadcast %add3A_6 : i32 to vector<16xi32>
    %add3A_8 = arith.addi %add3A_7, %iota3A : vector<16xi32>
    %add3A_9 = arith.constant 32 : i32
    %add3A_10 = vector.broadcast %add3A_9 : i32 to vector<16xi32>
    %add3A_11 = arith.addi %add3A_10, %iota3A : vector<16xi32>
    %add3A_12 = arith.constant 48 : i32
    %add3A_13 = vector.broadcast %add3A_12 : i32 to vector<16xi32>
    %add3A_14 = arith.addi %add3A_13, %iota3A : vector<16xi32>
    %add3A_15 = arith.constant 64 : i32
    %add3A_16 = vector.broadcast %add3A_15 : i32 to vector<16xi32>
    %add3A_17 = arith.addi %add3A_16, %iota3A : vector<16xi32>
    %add3A_18 = arith.constant 80 : i32
    %add3A_19 = vector.broadcast %add3A_18 : i32 to vector<16xi32>
    %add3A_20 = arith.addi %add3A_19, %iota3A : vector<16xi32>
    %add3A_21 = arith.constant 96 : i32
    %add3A_22 = vector.broadcast %add3A_21 : i32 to vector<16xi32>
    %add3A_23 = arith.addi %add3A_22, %iota3A : vector<16xi32>
    %add3A_24 = arith.constant 112 : i32
    %add3A_25 = vector.broadcast %add3A_24 : i32 to vector<16xi32>
    %add3A_26 = arith.addi %add3A_25, %iota3A : vector<16xi32>
    %add3A_27 = arith.constant 0 : i32
    %add3A_28 = arith.addi %mul3A_2, %add3A_27 : i32
    %dma_start3A = tpu.memref_slice %arg2[%add3A_28] : memref<204800xi32, #tpu.memory_space<hbm>> -> memref<400xi32, #tpu.memory_space<hbm>>
    %dma_start3A_29 = tpu.memref_slice %arg2[%add3A_28] : memref<204800xi32, #tpu.memory_space<hbm>> -> memref<400xi32, #tpu.memory_space<hbm>>
    tpu.enqueue_dma source(%dma_start3A_29 : memref<400xi32, #tpu.memory_space<hbm>>) target(%arg7 : memref<400xi32, #tpu.memory_space<vmem>>) target_semaphore(%arg15 : memref<!tpu.dma_semaphore, #tpu.memory_space<semaphore_mem>>)
    %dma_start3A_30 = tpu.memref_slice %arg3[%add3A_28] : memref<204800xf32, #tpu.memory_space<hbm>> -> memref<400xf32, #tpu.memory_space<hbm>>
    %dma_start3A_31 = tpu.memref_slice %arg3[%add3A_28] : memref<204800xf32, #tpu.memory_space<hbm>> -> memref<400xf32, #tpu.memory_space<hbm>>
    tpu.enqueue_dma source(%dma_start3A_31 : memref<400xf32, #tpu.memory_space<hbm>>) target(%arg9 : memref<400xf32, #tpu.memory_space<vmem>>) target_semaphore(%arg15 : memref<!tpu.dma_semaphore, #tpu.memory_space<semaphore_mem>>)
    %add3A_32 = arith.constant 400 : i32
    %add3A_33 = arith.addi %mul3A_2, %add3A_32 : i32
    %dma_start3A_34 = tpu.memref_slice %arg2[%add3A_33] : memref<204800xi32, #tpu.memory_space<hbm>> -> memref<400xi32, #tpu.memory_space<hbm>>
    %dma_start3A_35 = tpu.memref_slice %arg2[%add3A_33] : memref<204800xi32, #tpu.memory_space<hbm>> -> memref<400xi32, #tpu.memory_space<hbm>>
    tpu.enqueue_dma source(%dma_start3A_35 : memref<400xi32, #tpu.memory_space<hbm>>) target(%arg8 : memref<400xi32, #tpu.memory_space<vmem>>) target_semaphore(%arg16 : memref<!tpu.dma_semaphore, #tpu.memory_space<semaphore_mem>>)
    %dma_start3A_36 = tpu.memref_slice %arg3[%add3A_33] : memref<204800xf32, #tpu.memory_space<hbm>> -> memref<400xf32, #tpu.memory_space<hbm>>
    %dma_start3A_37 = tpu.memref_slice %arg3[%add3A_33] : memref<204800xf32, #tpu.memory_space<hbm>> -> memref<400xf32, #tpu.memory_space<hbm>>
    tpu.enqueue_dma source(%dma_start3A_37 : memref<400xf32, #tpu.memory_space<hbm>>) target(%arg10 : memref<400xf32, #tpu.memory_space<vmem>>) target_semaphore(%arg16 : memref<!tpu.dma_semaphore, #tpu.memory_space<semaphore_mem>>)
    %scan3A = arith.constant 0 : i32
    %scan3A_38 = arith.constant 0 : i32
    %scan3A_39 = arith.constant 8 : i32
    %scan3A_40 = arith.addi %scan3A_38, %scan3A_39 : i32
    %scan3A_41 = arith.constant 1 : i32
    scf.for %scan3A_54 = %scan3A_38 to %scan3A_40 step %scan3A_41  : i32 {
      %mul3A_55 = arith.constant 2 : i32
      %mul3A_56 = arith.muli %scan3A_54, %mul3A_55 : i32
      %add3A_57 = arith.constant 0 : i32
      %add3A_58 = arith.addi %mul3A_56, %add3A_57 : i32
      %mul3A_59 = arith.constant 400 : i32
      %mul3A_60 = arith.muli %add3A_58, %mul3A_59 : i32
      %add3A_61 = arith.addi %mul3A_2, %mul3A_60 : i32
      %dma_wait3A_62 = tpu.memref_slice %arg2[%add3A_61] : memref<204800xi32, #tpu.memory_space<hbm>> -> memref<400xi32, #tpu.memory_space<hbm>>
      %dma_wait3A_63 = tpu.memref_slice %arg2[%add3A_61] : memref<204800xi32, #tpu.memory_space<hbm>> -> memref<400xi32, #tpu.memory_space<hbm>>
      tpu.wait_dma2 semaphore(%arg15 : memref<!tpu.dma_semaphore, #tpu.memory_space<semaphore_mem>>) src(%dma_wait3A_63 : memref<400xi32, #tpu.memory_space<hbm>>) dst(%arg7 : memref<400xi32, #tpu.memory_space<vmem>>)
      %dma_wait3A_64 = tpu.memref_slice %arg3[%add3A_61] : memref<204800xf32, #tpu.memory_space<hbm>> -> memref<400xf32, #tpu.memory_space<hbm>>
      %dma_wait3A_65 = tpu.memref_slice %arg3[%add3A_61] : memref<204800xf32, #tpu.memory_space<hbm>> -> memref<400xf32, #tpu.memory_space<hbm>>
      tpu.wait_dma2 semaphore(%arg15 : memref<!tpu.dma_semaphore, #tpu.memory_space<semaphore_mem>>) src(%dma_wait3A_65 : memref<400xf32, #tpu.memory_space<hbm>>) dst(%arg9 : memref<400xf32, #tpu.memory_space<vmem>>)
      %ge3A = arith.constant 2 : i32
      %ge3A_66 = arith.cmpi sge, %add3A_58, %ge3A : i32
      %convert_element_type3A = arith.extui %ge3A_66 : i1 to i32
      %cond3A = arith.constant 0 : i32
      %cond3A_67 = arith.cmpi ne, %convert_element_type3A, %cond3A : i32
      scf.if %cond3A_67 {
        %sub3A = arith.constant 2 : i32
        %sub3A_116 = arith.subi %add3A_58, %sub3A : i32
        %mul3A_117 = arith.constant 400 : i32
        %mul3A_118 = arith.muli %sub3A_116, %mul3A_117 : i32
        %add3A_119 = arith.addi %mul3A_2, %mul3A_118 : i32
        %mul3A_120 = arith.constant 128 : i32
        %mul3A_121 = arith.muli %add3A_119, %mul3A_120 : i32
        %dma_wait3A_122 = tpu.memref_slice %arg5[%mul3A_121] : memref<26214400xf32, #tpu.memory_space<hbm>> -> memref<51200xf32, #tpu.memory_space<hbm>>
        %dma_wait3A_123 = tpu.memref_slice %arg5[%mul3A_121] : memref<26214400xf32, #tpu.memory_space<hbm>> -> memref<51200xf32, #tpu.memory_space<hbm>>
        tpu.wait_dma2 semaphore(%arg13 : memref<!tpu.dma_semaphore, #tpu.memory_space<semaphore_mem>>) src(%arg11 : memref<51200xf32, #tpu.memory_space<vmem>>) dst(%dma_wait3A_123 : memref<51200xf32, #tpu.memory_space<hbm>>)
      } else {
      }
      %mul3A_68 = arith.constant 400 : i32
      %mul3A_69 = arith.muli %add3A_58, %mul3A_68 : i32
      %add3A_70 = arith.addi %mul3A_2, %mul3A_69 : i32
      %parallel_loop3A = arith.constant 0 : i32
      %parallel_loop3A_71 = arith.constant 25 : i32
      %parallel_loop3A_72 = arith.constant 1 : i32
      scf.for %parallel_loop3A_116 = %parallel_loop3A to %parallel_loop3A_71 step %parallel_loop3A_72  : i32 {
        %parallel_loop3A_117 = arith.constant 16 : i32
        %parallel_loop3A_118 = arith.muli %parallel_loop3A_116, %parallel_loop3A_117 : i32
        %parallel_loop3A_119 = arith.index_cast %parallel_loop3A_118 : i32 to index
        %parallel_loop3A_120 = tpu.vector_load %arg7[%parallel_loop3A_119] {strides = array<i32>} : memref<400xi32, #tpu.memory_space<vmem>>, vector<16xi32>,
        %parallel_loop3A_121 = arith.constant 128 : i32
        %parallel_loop3A_122 = vector.broadcast %parallel_loop3A_121 : i32 to vector<16xi32>
        %parallel_loop3A_123 = arith.muli %parallel_loop3A_120, %parallel_loop3A_122 : vector<16xi32>
        %parallel_loop3A_124 = arith.index_cast %parallel_loop3A_118 : i32 to index
        %parallel_loop3A_125 = tpu.vector_load %arg9[%parallel_loop3A_124] {strides = array<i32>} : memref<400xf32, #tpu.memory_space<vmem>>, vector<16xf32>,
        %parallel_loop3A_126 = arith.constant 0 : i32
        %parallel_loop3A_127 = vector.broadcast %parallel_loop3A_126 : i32 to vector<16x1xi32>
        %parallel_loop3A_128 = vector.shape_cast %parallel_loop3A_127 : vector<16x1xi32> to vector<16xi32>
        %parallel_loop3A_129 = tpu.dynamic_gather %parallel_loop3A_123[%parallel_loop3A_128] in [0] : vector<16xi32>, vector<16xi32> -> vector<16xi32>
        %parallel_loop3A_130 = arith.addi %parallel_loop3A_129, %add3A_5 : vector<16xi32>
        %parallel_loop3A_131 = tpu.vector_load_idx %arg6[%parallel_loop3A_130] : memref<6528xf32, #tpu.memory_space<vmem>>[vector<16xi32>], vector<16xf32>,
        %parallel_loop3A_132 = arith.addi %parallel_loop3A_129, %add3A_8 : vector<16xi32>
        %parallel_loop3A_133 = tpu.vector_load_idx %arg6[%parallel_loop3A_132] : memref<6528xf32, #tpu.memory_space<vmem>>[vector<16xi32>], vector<16xf32>,
        %parallel_loop3A_134 = arith.addi %parallel_loop3A_129, %add3A_11 : vector<16xi32>
        %parallel_loop3A_135 = tpu.vector_load_idx %arg6[%parallel_loop3A_134] : memref<6528xf32, #tpu.memory_space<vmem>>[vector<16xi32>], vector<16xf32>,
        %parallel_loop3A_136 = arith.addi %parallel_loop3A_129, %add3A_14 : vector<16xi32>
        %parallel_loop3A_137 = tpu.vector_load_idx %arg6[%parallel_loop3A_136] : memref<6528xf32, #tpu.memory_space<vmem>>[vector<16xi32>], vector<16xf32>,
        %parallel_loop3A_138 = arith.addi %parallel_loop3A_129, %add3A_17 : vector<16xi32>
        %parallel_loop3A_139 = tpu.vector_load_idx %arg6[%parallel_loop3A_138] : memref<6528xf32, #tpu.memory_space<vmem>>[vector<16xi32>], vector<16xf32>,
        %parallel_loop3A_140 = arith.addi %parallel_loop3A_129, %add3A_20 : vector<16xi32>
        %parallel_loop3A_141 = tpu.vector_load_idx %arg6[%parallel_loop3A_140] : memref<6528xf32, #tpu.memory_space<vmem>>[vector<16xi32>], vector<16xf32>,
        %parallel_loop3A_142 = arith.addi %parallel_loop3A_129, %add3A_23 : vector<16xi32>
        %parallel_loop3A_143 = tpu.vector_load_idx %arg6[%parallel_loop3A_142] : memref<6528xf32, #tpu.memory_space<vmem>>[vector<16xi32>], vector<16xf32>,
        %parallel_loop3A_144 = arith.addi %parallel_loop3A_129, %add3A_26 : vector<16xi32>
        %parallel_loop3A_145 = tpu.vector_load_idx %arg6[%parallel_loop3A_144] : memref<6528xf32, #tpu.memory_space<vmem>>[vector<16xi32>], vector<16xf32>,
        %parallel_loop3A_146 = arith.constant 1 : i32
        %parallel_loop3A_147 = vector.broadcast %parallel_loop3A_146 : i32 to vector<16x1xi32>
        %parallel_loop3A_148 = vector.shape_cast %parallel_loop3A_147 : vector<16x1xi32> to vector<16xi32>
        %parallel_loop3A_149 = tpu.dynamic_gather %parallel_loop3A_123[%parallel_loop3A_148] in [0] : vector<16xi32>, vector<16xi32> -> vector<16xi32>
        %parallel_loop3A_150 = arith.addi %parallel_loop3A_149, %add3A_5 : vector<16xi32>
        %parallel_loop3A_151 = tpu.vector_load_idx %arg6[%parallel_loop3A_150] : memref<6528xf32, #tpu.memory_space<vmem>>[vector<16xi32>], vector<16xf32>,
        %parallel_loop3A_152 = arith.addi %parallel_loop3A_149, %add3A_8 : vector<16xi32>
        %parallel_loop3A_153 = tpu.vector_load_idx %arg6[%parallel_loop3A_152] : memref<6528xf32, #tpu.memory_space<vmem>>[vector<16xi32>], vector<16xf32>,
        %parallel_loop3A_154 = arith.addi %parallel_loop3A_149, %add3A_11 : vector<16xi32>
        %parallel_loop3A_155 = tpu.vector_load_idx %arg6[%parallel_loop3A_154] : memref<6528xf32, #tpu.memory_space<vmem>>[vector<16xi32>], vector<16xf32>,
        %parallel_loop3A_156 = arith.addi %parallel_loop3A_149, %add3A_14 : vector<16xi32>
        %parallel_loop3A_157 = tpu.vector_load_idx %arg6[%parallel_loop3A_156] : memref<6528xf32, #tpu.memory_space<vmem>>[vector<16xi32>], vector<16xf32>,
        %parallel_loop3A_158 = arith.addi %parallel_loop3A_149, %add3A_17 : vector<16xi32>
        %parallel_loop3A_159 = tpu.vector_load_idx %arg6[%parallel_loop3A_158] : memref<6528xf32, #tpu.memory_space<vmem>>[vector<16xi32>], vector<16xf32>,
        %parallel_loop3A_160 = arith.addi %parallel_loop3A_149, %add3A_20 : vector<16xi32>
        %parallel_loop3A_161 = tpu.vector_load_idx %arg6[%parallel_loop3A_160] : memref<6528xf32, #tpu.memory_space<vmem>>[vector<16xi32>], vector<16xf32>,
        %parallel_loop3A_162 = arith.addi %parallel_loop3A_149, %add3A_23 : vector<16xi32>
        %parallel_loop3A_163 = tpu.vector_load_idx %arg6[%parallel_loop3A_162] : memref<6528xf32, #tpu.memory_space<vmem>>[vector<16xi32>], vector<16xf32>,
        %parallel_loop3A_164 = arith.addi %parallel_loop3A_149, %add3A_26 : vector<16xi32>
        %parallel_loop3A_165 = tpu.vector_load_idx %arg6[%parallel_loop3A_164] : memref<6528xf32, #tpu.memory_space<vmem>>[vector<16xi32>], vector<16xf32>,
        %parallel_loop3A_166 = arith.constant 2 : i32
        %parallel_loop3A_167 = vector.broadcast %parallel_loop3A_166 : i32 to vector<16x1xi32>
        %parallel_loop3A_168 = vector.shape_cast %parallel_loop3A_167 : vector<16x1xi32> to vector<16xi32>
        %parallel_loop3A_169 = tpu.dynamic_gather %parallel_loop3A_123[%parallel_loop3A_168] in [0] : vector<16xi32>, vector<16xi32> -> vector<16xi32>
        %parallel_loop3A_170 = arith.addi %parallel_loop3A_169, %add3A_5 : vector<16xi32>
        %parallel_loop3A_171 = tpu.vector_load_idx %arg6[%parallel_loop3A_170] : memref<6528xf32, #tpu.memory_space<vmem>>[vector<16xi32>], vector<16xf32>,
        %parallel_loop3A_172 = arith.addi %parallel_loop3A_169, %add3A_8 : vector<16xi32>
        %parallel_loop3A_173 = tpu.vector_load_idx %arg6[%parallel_loop3A_172] : memref<6528xf32, #tpu.memory_space<vmem>>[vector<16xi32>], vector<16xf32>,
        %parallel_loop3A_174 = arith.addi %parallel_loop3A_169, %add3A_11 : vector<16xi32>
        %parallel_loop3A_175 = tpu.vector_load_idx %arg6[%parallel_loop3A_174] : memref<6528xf32, #tpu.memory_space<vmem>>[vector<16xi32>], vector<16xf32>,
        %parallel_loop3A_176 = arith.addi %parallel_loop3A_169, %add3A_14 : vector<16xi32>
        %parallel_loop3A_177 = tpu.vector_load_idx %arg6[%parallel_loop3A_176] : memref<6528xf32, #tpu.memory_space<vmem>>[vector<16xi32>], vector<16xf32>,
        %parallel_loop3A_178 = arith.addi %parallel_loop3A_169, %add3A_17 : vector<16xi32>
        %parallel_loop3A_179 = tpu.vector_load_idx %arg6[%parallel_loop3A_178] : memref<6528xf32, #tpu.memory_space<vmem>>[vector<16xi32>], vector<16xf32>,
        %parallel_loop3A_180 = arith.addi %parallel_loop3A_169, %add3A_20 : vector<16xi32>
        %parallel_loop3A_181 = tpu.vector_load_idx %arg6[%parallel_loop3A_180] : memref<6528xf32, #tpu.memory_space<vmem>>[vector<16xi32>], vector<16xf32>,
        %parallel_loop3A_182 = arith.addi %parallel_loop3A_169, %add3A_23 : vector<16xi32>
        %parallel_loop3A_183 = tpu.vector_load_idx %arg6[%parallel_loop3A_182] : memref<6528xf32, #tpu.memory_space<vmem>>[vector<16xi32>], vector<16xf32>,
        %parallel_loop3A_184 = arith.addi %parallel_loop3A_169, %add3A_26 : vector<16xi32>
        %parallel_loop3A_185 = tpu.vector_load_idx %arg6[%parallel_loop3A_184] : memref<6528xf32, #tpu.memory_space<vmem>>[vector<16xi32>], vector<16xf32>,
        %parallel_loop3A_186 = arith.constant 3 : i32
        %parallel_loop3A_187 = vector.broadcast %parallel_loop3A_186 : i32 to vector<16x1xi32>
        %parallel_loop3A_188 = vector.shape_cast %parallel_loop3A_187 : vector<16x1xi32> to vector<16xi32>
        %parallel_loop3A_189 = tpu.dynamic_gather %parallel_loop3A_123[%parallel_loop3A_188] in [0] : vector<16xi32>, vector<16xi32> -> vector<16xi32>
        %parallel_loop3A_190 = arith.addi %parallel_loop3A_189, %add3A_5 : vector<16xi32>
        %parallel_loop3A_191 = tpu.vector_load_idx %arg6[%parallel_loop3A_190] : memref<6528xf32, #tpu.memory_space<vmem>>[vector<16xi32>], vector<16xf32>,
        %parallel_loop3A_192 = arith.addi %parallel_loop3A_189, %add3A_8 : vector<16xi32>
        %parallel_loop3A_193 = tpu.vector_load_idx %arg6[%parallel_loop3A_192] : memref<6528xf32, #tpu.memory_space<vmem>>[vector<16xi32>], vector<16xf32>,
        %parallel_loop3A_194 = arith.addi %parallel_loop3A_189, %add3A_11 : vector<16xi32>
        %parallel_loop3A_195 = tpu.vector_load_idx %arg6[%parallel_loop3A_194] : memref<6528xf32, #tpu.memory_space<vmem>>[vector<16xi32>], vector<16xf32>,
        %parallel_loop3A_196 = arith.addi %parallel_loop3A_189, %add3A_14 : vector<16xi32>
        %parallel_loop3A_197 = tpu.vector_load_idx %arg6[%parallel_loop3A_196] : memref<6528xf32, #tpu.memory_space<vmem>>[vector<16xi32>], vector<16xf32>,
        %parallel_loop3A_198 = arith.addi %parallel_loop3A_189, %add3A_17 : vector<16xi32>
        %parallel_loop3A_199 = tpu.vector_load_idx %arg6[%parallel_loop3A_198] : memref<6528xf32, #tpu.memory_space<vmem>>[vector<16xi32>], vector<16xf32>,
        %parallel_loop3A_200 = arith.addi %parallel_loop3A_189, %add3A_20 : vector<16xi32>
        %parallel_loop3A_201 = tpu.vector_load_idx %arg6[%parallel_loop3A_200] : memref<6528xf32, #tpu.memory_space<vmem>>[vector<16xi32>], vector<16xf32>,
        %parallel_loop3A_202 = arith.addi %parallel_loop3A_189, %add3A_23 : vector<16xi32>
        %parallel_loop3A_203 = tpu.vector_load_idx %arg6[%parallel_loop3A_202] : memref<6528xf32, #tpu.memory_space<vmem>>[vector<16xi32>], vector<16xf32>,
        %parallel_loop3A_204 = arith.addi %parallel_loop3A_189, %add3A_26 : vector<16xi32>
        %parallel_loop3A_205 = tpu.vector_load_idx %arg6[%parallel_loop3A_204] : memref<6528xf32, #tpu.memory_space<vmem>>[vector<16xi32>], vector<16xf32>,
        %parallel_loop3A_206 = arith.constant 0 : i32
        %parallel_loop3A_207 = vector.broadcast %parallel_loop3A_206 : i32 to vector<16x1xi32>
        %parallel_loop3A_208 = vector.shape_cast %parallel_loop3A_207 : vector<16x1xi32> to vector<16xi32>
        %parallel_loop3A_209 = tpu.dynamic_gather %parallel_loop3A_125[%parallel_loop3A_208] in [0] : vector<16xf32>, vector<16xi32> -> vector<16xf32>
        %parallel_loop3A_210 = arith.constant 0 : i32
        %parallel_loop3A_211 = arith.addi %parallel_loop3A_118, %parallel_loop3A_210 : i32
        %parallel_loop3A_212 = arith.constant 128 : i32
        %parallel_loop3A_213 = arith.muli %parallel_loop3A_211, %parallel_loop3A_212 : i32
        %parallel_loop3A_214 = arith.mulf %parallel_loop3A_131, %parallel_loop3A_209 : vector<16xf32>
        %parallel_loop3A_215 = arith.constant 0 : i32
        %parallel_loop3A_216 = arith.addi %parallel_loop3A_213, %parallel_loop3A_215 : i32
        %parallel_loop3A_217 = arith.index_cast %parallel_loop3A_216 : i32 to index
        %parallel_loop3A_218 = tpu.vector_load %arg11[%parallel_loop3A_217] {strides = array<i32>} : memref<51200xf32, #tpu.memory_space<vmem>>, vector<16xf32>,
        tpu.vector_store %arg11[%parallel_loop3A_217], %parallel_loop3A_214 {strides = array<i32>} : memref<51200xf32, #tpu.memory_space<vmem>>, vector<16xf32>,
        %parallel_loop3A_219 = arith.mulf %parallel_loop3A_133, %parallel_loop3A_209 : vector<16xf32>
        %parallel_loop3A_220 = arith.constant 16 : i32
        %parallel_loop3A_221 = arith.addi %parallel_loop3A_213, %parallel_loop3A_220 : i32
        %parallel_loop3A_222 = arith.index_cast %parallel_loop3A_221 : i32 to index
        %parallel_loop3A_223 = tpu.vector_load %arg11[%parallel_loop3A_222] {strides = array<i32>} : memref<51200xf32, #tpu.memory_space<vmem>>, vector<16xf32>,
        tpu.vector_store %arg11[%parallel_loop3A_222], %parallel_loop3A_219 {strides = array<i32>} : memref<51200xf32, #tpu.memory_space<vmem>>, vector<16xf32>,
        %parallel_loop3A_224 = arith.mulf %parallel_loop3A_135, %parallel_loop3A_209 : vector<16xf32>
        %parallel_loop3A_225 = arith.constant 32 : i32
        %parallel_loop3A_226 = arith.addi %parallel_loop3A_213, %parallel_loop3A_225 : i32
        %parallel_loop3A_227 = arith.index_cast %parallel_loop3A_226 : i32 to index
        %parallel_loop3A_228 = tpu.vector_load %arg11[%parallel_loop3A_227] {strides = array<i32>} : memref<51200xf32, #tpu.memory_space<vmem>>, vector<16xf32>,
        tpu.vector_store %arg11[%parallel_loop3A_227], %parallel_loop3A_224 {strides = array<i32>} : memref<51200xf32, #tpu.memory_space<vmem>>, vector<16xf32>,
        %parallel_loop3A_229 = arith.mulf %parallel_loop3A_137, %parallel_loop3A_209 : vector<16xf32>
        %parallel_loop3A_230 = arith.constant 48 : i32
        %parallel_loop3A_231 = arith.addi %parallel_loop3A_213, %parallel_loop3A_230 : i32
        %parallel_loop3A_232 = arith.index_cast %parallel_loop3A_231 : i32 to index
        %parallel_loop3A_233 = tpu.vector_load %arg11[%parallel_loop3A_232] {strides = array<i32>} : memref<51200xf32, #tpu.memory_space<vmem>>, vector<16xf32>,
        tpu.vector_store %arg11[%parallel_loop3A_232], %parallel_loop3A_229 {strides = array<i32>} : memref<51200xf32, #tpu.memory_space<vmem>>, vector<16xf32>,
        %parallel_loop3A_234 = arith.mulf %parallel_loop3A_139, %parallel_loop3A_209 : vector<16xf32>
        %parallel_loop3A_235 = arith.constant 64 : i32
        %parallel_loop3A_236 = arith.addi %parallel_loop3A_213, %parallel_loop3A_235 : i32
        %parallel_loop3A_237 = arith.index_cast %parallel_loop3A_236 : i32 to index
        %parallel_loop3A_238 = tpu.vector_load %arg11[%parallel_loop3A_237] {strides = array<i32>} : memref<51200xf32, #tpu.memory_space<vmem>>, vector<16xf32>,
        tpu.vector_store %arg11[%parallel_loop3A_237], %parallel_loop3A_234 {strides = array<i32>} : memref<51200xf32, #tpu.memory_space<vmem>>, vector<16xf32>,
        %parallel_loop3A_239 = arith.mulf %parallel_loop3A_141, %parallel_loop3A_209 : vector<16xf32>
        %parallel_loop3A_240 = arith.constant 80 : i32
        %parallel_loop3A_241 = arith.addi %parallel_loop3A_213, %parallel_loop3A_240 : i32
        %parallel_loop3A_242 = arith.index_cast %parallel_loop3A_241 : i32 to index
        %parallel_loop3A_243 = tpu.vector_load %arg11[%parallel_loop3A_242] {strides = array<i32>} : memref<51200xf32, #tpu.memory_space<vmem>>, vector<16xf32>,
        tpu.vector_store %arg11[%parallel_loop3A_242], %parallel_loop3A_239 {strides = array<i32>} : memref<51200xf32, #tpu.memory_space<vmem>>, vector<16xf32>,
        %parallel_loop3A_244 = arith.mulf %parallel_loop3A_143, %parallel_loop3A_209 : vector<16xf32>
        %parallel_loop3A_245 = arith.constant 96 : i32
        %parallel_loop3A_246 = arith.addi %parallel_loop3A_213, %parallel_loop3A_245 : i32
        %parallel_loop3A_247 = arith.index_cast %parallel_loop3A_246 : i32 to index
        %parallel_loop3A_248 = tpu.vector_load %arg11[%parallel_loop3A_247] {strides = array<i32>} : memref<51200xf32, #tpu.memory_space<vmem>>, vector<16xf32>,
        tpu.vector_store %arg11[%parallel_loop3A_247], %parallel_loop3A_244 {strides = array<i32>} : memref<51200xf32, #tpu.memory_space<vmem>>, vector<16xf32>,
        %parallel_loop3A_249 = arith.mulf %parallel_loop3A_145, %parallel_loop3A_209 : vector<16xf32>
        %parallel_loop3A_250 = arith.constant 112 : i32
        %parallel_loop3A_251 = arith.addi %parallel_loop3A_213, %parallel_loop3A_250 : i32
        %parallel_loop3A_252 = arith.index_cast %parallel_loop3A_251 : i32 to index
        %parallel_loop3A_253 = tpu.vector_load %arg11[%parallel_loop3A_252] {strides = array<i32>} : memref<51200xf32, #tpu.memory_space<vmem>>, vector<16xf32>,
        tpu.vector_store %arg11[%parallel_loop3A_252], %parallel_loop3A_249 {strides = array<i32>} : memref<51200xf32, #tpu.memory_space<vmem>>, vector<16xf32>,
        %parallel_loop3A_254 = arith.constant 1 : i32
        %parallel_loop3A_255 = vector.broadcast %parallel_loop3A_254 : i32 to vector<16x1xi32>
        %parallel_loop3A_256 = vector.shape_cast %parallel_loop3A_255 : vector<16x1xi32> to vector<16xi32>
        %parallel_loop3A_257 = tpu.dynamic_gather %parallel_loop3A_125[%parallel_loop3A_256] in [0] : vector<16xf32>, vector<16xi32> -> vector<16xf32>
        %parallel_loop3A_258 = arith.constant 1 : i32
        %parallel_loop3A_259 = arith.addi %parallel_loop3A_118, %parallel_loop3A_258 : i32
        %parallel_loop3A_260 = arith.constant 128 : i32
        %parallel_loop3A_261 = arith.muli %parallel_loop3A_259, %parallel_loop3A_260 : i32
        %parallel_loop3A_262 = arith.mulf %parallel_loop3A_151, %parallel_loop3A_257 : vector<16xf32>
        %parallel_loop3A_263 = arith.constant 0 : i32
        %parallel_loop3A_264 = arith.addi %parallel_loop3A_261, %parallel_loop3A_263 : i32
        %parallel_loop3A_265 = arith.index_cast %parallel_loop3A_264 : i32 to index
        %parallel_loop3A_266 = tpu.vector_load %arg11[%parallel_loop3A_265] {strides = array<i32>} : memref<51200xf32, #tpu.memory_space<vmem>>, vector<16xf32>,
        tpu.vector_store %arg11[%parallel_loop3A_265], %parallel_loop3A_262 {strides = array<i32>} : memref<51200xf32, #tpu.memory_space<vmem>>, vector<16xf32>,
        %parallel_loop3A_267 = arith.mulf %parallel_loop3A_153, %parallel_loop3A_257 : vector<16xf32>
        %parallel_loop3A_268 = arith.constant 16 : i32
        %parallel_loop3A_269 = arith.addi %parallel_loop3A_261, %parallel_loop3A_268 : i32
        %parallel_loop3A_270 = arith.index_cast %parallel_loop3A_269 : i32 to index
        %parallel_loop3A_271 = tpu.vector_load %arg11[%parallel_loop3A_270] {strides = array<i32>} : memref<51200xf32, #tpu.memory_space<vmem>>, vector<16xf32>,
        tpu.vector_store %arg11[%parallel_loop3A_270], %parallel_loop3A_267 {strides = array<i32>} : memref<51200xf32, #tpu.memory_space<vmem>>, vector<16xf32>,
        %parallel_loop3A_272 = arith.mulf %parallel_loop3A_155, %parallel_loop3A_257 : vector<16xf32>
        %parallel_loop3A_273 = arith.constant 32 : i32
        %parallel_loop3A_274 = arith.addi %parallel_loop3A_261, %parallel_loop3A_273 : i32
        %parallel_loop3A_275 = arith.index_cast %parallel_loop3A_274 : i32 to index
        %parallel_loop3A_276 = tpu.vector_load %arg11[%parallel_loop3A_275] {strides = array<i32>} : memref<51200xf32, #tpu.memory_space<vmem>>, vector<16xf32>,
        tpu.vector_store %arg11[%parallel_loop3A_275], %parallel_loop3A_272 {strides = array<i32>} : memref<51200xf32, #tpu.memory_space<vmem>>, vector<16xf32>,
        %parallel_loop3A_277 = arith.mulf %parallel_loop3A_157, %parallel_loop3A_257 : vector<16xf32>
        %parallel_loop3A_278 = arith.constant 48 : i32
        %parallel_loop3A_279 = arith.addi %parallel_loop3A_261, %parallel_loop3A_278 : i32
        %parallel_loop3A_280 = arith.index_cast %parallel_loop3A_279 : i32 to index
        %parallel_loop3A_281 = tpu.vector_load %arg11[%parallel_loop3A_280] {strides = array<i32>} : memref<51200xf32, #tpu.memory_space<vmem>>, vector<16xf32>,
        tpu.vector_store %arg11[%parallel_loop3A_280], %parallel_loop3A_277 {strides = array<i32>} : memref<51200xf32, #tpu.memory_space<vmem>>, vector<16xf32>,
        %parallel_loop3A_282 = arith.mulf %parallel_loop3A_159, %parallel_loop3A_257 : vector<16xf32>
        %parallel_loop3A_283 = arith.constant 64 : i32
        %parallel_loop3A_284 = arith.addi %parallel_loop3A_261, %parallel_loop3A_283 : i32
        %parallel_loop3A_285 = arith.index_cast %parallel_loop3A_284 : i32 to index
        %parallel_loop3A_286 = tpu.vector_load %arg11[%parallel_loop3A_285] {strides = array<i32>} : memref<51200xf32, #tpu.memory_space<vmem>>, vector<16xf32>,
        tpu.vector_store %arg11[%parallel_loop3A_285], %parallel_loop3A_282 {strides = array<i32>} : memref<51200xf32, #tpu.memory_space<vmem>>, vector<16xf32>,
        %parallel_loop3A_287 = arith.mulf %parallel_loop3A_161, %parallel_loop3A_257 : vector<16xf32>
        %parallel_loop3A_288 = arith.constant 80 : i32
        %parallel_loop3A_289 = arith.addi %parallel_loop3A_261, %parallel_loop3A_288 : i32
        %parallel_loop3A_290 = arith.index_cast %parallel_loop3A_289 : i32 to index
        %parallel_loop3A_291 = tpu.vector_load %arg11[%parallel_loop3A_290] {strides = array<i32>} : memref<51200xf32, #tpu.memory_space<vmem>>, vector<16xf32>,
        tpu.vector_store %arg11[%parallel_loop3A_290], %parallel_loop3A_287 {strides = array<i32>} : memref<51200xf32, #tpu.memory_space<vmem>>, vector<16xf32>,
        %parallel_loop3A_292 = arith.mulf %parallel_loop3A_163, %parallel_loop3A_257 : vector<16xf32>
        %parallel_loop3A_293 = arith.constant 96 : i32
        %parallel_loop3A_294 = arith.addi %parallel_loop3A_261, %parallel_loop3A_293 : i32
        %parallel_loop3A_295 = arith.index_cast %parallel_loop3A_294 : i32 to index
        %parallel_loop3A_296 = tpu.vector_load %arg11[%parallel_loop3A_295] {strides = array<i32>} : memref<51200xf32, #tpu.memory_space<vmem>>, vector<16xf32>,
        tpu.vector_store %arg11[%parallel_loop3A_295], %parallel_loop3A_292 {strides = array<i32>} : memref<51200xf32, #tpu.memory_space<vmem>>, vector<16xf32>,
        %parallel_loop3A_297 = arith.mulf %parallel_loop3A_165, %parallel_loop3A_257 : vector<16xf32>
        %parallel_loop3A_298 = arith.constant 112 : i32
        %parallel_loop3A_299 = arith.addi %parallel_loop3A_261, %parallel_loop3A_298 : i32
        %parallel_loop3A_300 = arith.index_cast %parallel_loop3A_299 : i32 to index
        %parallel_loop3A_301 = tpu.vector_load %arg11[%parallel_loop3A_300] {strides = array<i32>} : memref<51200xf32, #tpu.memory_space<vmem>>, vector<16xf32>,
        tpu.vector_store %arg11[%parallel_loop3A_300], %parallel_loop3A_297 {strides = array<i32>} : memref<51200xf32, #tpu.memory_space<vmem>>, vector<16xf32>,
        %parallel_loop3A_302 = arith.constant 4 : i32
        %parallel_loop3A_303 = vector.broadcast %parallel_loop3A_302 : i32 to vector<16x1xi32>
        %parallel_loop3A_304 = vector.shape_cast %parallel_loop3A_303 : vector<16x1xi32> to vector<16xi32>
        %parallel_loop3A_305 = tpu.dynamic_gather %parallel_loop3A_123[%parallel_loop3A_304] in [0] : vector<16xi32>, vector<16xi32> -> vector<16xi32>
        %parallel_loop3A_306 = arith.addi %parallel_loop3A_305, %add3A_5 : vector<16xi32>
        %parallel_loop3A_307 = tpu.vector_load_idx %arg6[%parallel_loop3A_306] : memref<6528xf32, #tpu.memory_space<vmem>>[vector<16xi32>], vector<16xf32>,
        %parallel_loop3A_308 = arith.addi %parallel_loop3A_305, %add3A_8 : vector<16xi32>
        %parallel_loop3A_309 = tpu.vector_load_idx %arg6[%parallel_loop3A_308] : memref<6528xf32, #tpu.memory_space<vmem>>[vector<16xi32>], vector<16xf32>,
        %parallel_loop3A_310 = arith.addi %parallel_loop3A_305, %add3A_11 : vector<16xi32>
        %parallel_loop3A_311 = tpu.vector_load_idx %arg6[%parallel_loop3A_310] : memref<6528xf32, #tpu.memory_space<vmem>>[vector<16xi32>], vector<16xf32>,
        %parallel_loop3A_312 = arith.addi %parallel_loop3A_305, %add3A_14 : vector<16xi32>
        %parallel_loop3A_313 = tpu.vector_load_idx %arg6[%parallel_loop3A_312] : memref<6528xf32, #tpu.memory_space<vmem>>[vector<16xi32>], vector<16xf32>,
        %parallel_loop3A_314 = arith.addi %parallel_loop3A_305, %add3A_17 : vector<16xi32>
        %parallel_loop3A_315 = tpu.vector_load_idx %arg6[%parallel_loop3A_314] : memref<6528xf32, #tpu.memory_space<vmem>>[vector<16xi32>], vector<16xf32>,
        %parallel_loop3A_316 = arith.addi %parallel_loop3A_305, %add3A_20 : vector<16xi32>
        %parallel_loop3A_317 = tpu.vector_load_idx %arg6[%parallel_loop3A_316] : memref<6528xf32, #tpu.memory_space<vmem>>[vector<16xi32>], vector<16xf32>,
        %parallel_loop3A_318 = arith.addi %parallel_loop3A_305, %add3A_23 : vector<16xi32>
        %parallel_loop3A_319 = tpu.vector_load_idx %arg6[%parallel_loop3A_318] : memref<6528xf32, #tpu.memory_space<vmem>>[vector<16xi32>], vector<16xf32>,
        %parallel_loop3A_320 = arith.addi %parallel_loop3A_305, %add3A_26 : vector<16xi32>
        %parallel_loop3A_321 = tpu.vector_load_idx %arg6[%parallel_loop3A_320] : memref<6528xf32, #tpu.memory_space<vmem>>[vector<16xi32>], vector<16xf32>,
        %parallel_loop3A_322 = arith.constant 5 : i32
        %parallel_loop3A_323 = vector.broadcast %parallel_loop3A_322 : i32 to vector<16x1xi32>
        %parallel_loop3A_324 = vector.shape_cast %parallel_loop3A_323 : vector<16x1xi32> to vector<16xi32>
        %parallel_loop3A_325 = tpu.dynamic_gather %parallel_loop3A_123[%parallel_loop3A_324] in [0] : vector<16xi32>, vector<16xi32> -> vector<16xi32>
        %parallel_loop3A_326 = arith.addi %parallel_loop3A_325, %add3A_5 : vector<16xi32>
        %parallel_loop3A_327 = tpu.vector_load_idx %arg6[%parallel_loop3A_326] : memref<6528xf32, #tpu.memory_space<vmem>>[vector<16xi32>], vector<16xf32>,
        %parallel_loop3A_328 = arith.addi %parallel_loop3A_325, %add3A_8 : vector<16xi32>
        %parallel_loop3A_329 = tpu.vector_load_idx %arg6[%parallel_loop3A_328] : memref<6528xf32, #tpu.memory_space<vmem>>[vector<16xi32>], vector<16xf32>,
        %parallel_loop3A_330 = arith.addi %parallel_loop3A_325, %add3A_11 : vector<16xi32>
        %parallel_loop3A_331 = tpu.vector_load_idx %arg6[%parallel_loop3A_330] : memref<6528xf32, #tpu.memory_space<vmem>>[vector<16xi32>], vector<16xf32>,
        %parallel_loop3A_332 = arith.addi %parallel_loop3A_325, %add3A_14 : vector<16xi32>
        %parallel_loop3A_333 = tpu.vector_load_idx %arg6[%parallel_loop3A_332] : memref<6528xf32, #tpu.memory_space<vmem>>[vector<16xi32>], vector<16xf32>,
        %parallel_loop3A_334 = arith.addi %parallel_loop3A_325, %add3A_17 : vector<16xi32>
        %parallel_loop3A_335 = tpu.vector_load_idx %arg6[%parallel_loop3A_334] : memref<6528xf32, #tpu.memory_space<vmem>>[vector<16xi32>], vector<16xf32>,
        %parallel_loop3A_336 = arith.addi %parallel_loop3A_325, %add3A_20 : vector<16xi32>
        %parallel_loop3A_337 = tpu.vector_load_idx %arg6[%parallel_loop3A_336] : memref<6528xf32, #tpu.memory_space<vmem>>[vector<16xi32>], vector<16xf32>,
        %parallel_loop3A_338 = arith.addi %parallel_loop3A_325, %add3A_23 : vector<16xi32>
        %parallel_loop3A_339 = tpu.vector_load_idx %arg6[%parallel_loop3A_338] : memref<6528xf32, #tpu.memory_space<vmem>>[vector<16xi32>], vector<16xf32>,
        %parallel_loop3A_340 = arith.addi %parallel_loop3A_325, %add3A_26 : vector<16xi32>
        %parallel_loop3A_341 = tpu.vector_load_idx %arg6[%parallel_loop3A_340] : memref<6528xf32, #tpu.memory_space<vmem>>[vector<16xi32>], vector<16xf32>,
        %parallel_loop3A_342 = arith.constant 2 : i32
        %parallel_loop3A_343 = vector.broadcast %parallel_loop3A_342 : i32 to vector<16x1xi32>
        %parallel_loop3A_344 = vector.shape_cast %parallel_loop3A_343 : vector<16x1xi32> to vector<16xi32>
        %parallel_loop3A_345 = tpu.dynamic_gather %parallel_loop3A_125[%parallel_loop3A_344] in [0] : vector<16xf32>, vector<16xi32> -> vector<16xf32>
        %parallel_loop3A_346 = arith.constant 2 : i32
        %parallel_loop3A_347 = arith.addi %parallel_loop3A_118, %parallel_loop3A_346 : i32
        %parallel_loop3A_348 = arith.constant 128 : i32
        %parallel_loop3A_349 = arith.muli %parallel_loop3A_347, %parallel_loop3A_348 : i32
        %parallel_loop3A_350 = arith.mulf %parallel_loop3A_171, %parallel_loop3A_345 : vector<16xf32>
        %parallel_loop3A_351 = arith.constant 0 : i32
        %parallel_loop3A_352 = arith.addi %parallel_loop3A_349, %parallel_loop3A_351 : i32
        %parallel_loop3A_353 = arith.index_cast %parallel_loop3A_352 : i32 to index
        %parallel_loop3A_354 = tpu.vector_load %arg11[%parallel_loop3A_353] {strides = array<i32>} : memref<51200xf32, #tpu.memory_space<vmem>>, vector<16xf32>,
        tpu.vector_store %arg11[%parallel_loop3A_353], %parallel_loop3A_350 {strides = array<i32>} : memref<51200xf32, #tpu.memory_space<vmem>>, vector<16xf32>,
        %parallel_loop3A_355 = arith.mulf %parallel_loop3A_173, %parallel_loop3A_345 : vector<16xf32>
        %parallel_loop3A_356 = arith.constant 16 : i32
        %parallel_loop3A_357 = arith.addi %parallel_loop3A_349, %parallel_loop3A_356 : i32
        %parallel_loop3A_358 = arith.index_cast %parallel_loop3A_357 : i32 to index
        %parallel_loop3A_359 = tpu.vector_load %arg11[%parallel_loop3A_358] {strides = array<i32>} : memref<51200xf32, #tpu.memory_space<vmem>>, vector<16xf32>,
        tpu.vector_store %arg11[%parallel_loop3A_358], %parallel_loop3A_355 {strides = array<i32>} : memref<51200xf32, #tpu.memory_space<vmem>>, vector<16xf32>,
        %parallel_loop3A_360 = arith.mulf %parallel_loop3A_175, %parallel_loop3A_345 : vector<16xf32>
        %parallel_loop3A_361 = arith.constant 32 : i32
        %parallel_loop3A_362 = arith.addi %parallel_loop3A_349, %parallel_loop3A_361 : i32
        %parallel_loop3A_363 = arith.index_cast %parallel_loop3A_362 : i32 to index
        %parallel_loop3A_364 = tpu.vector_load %arg11[%parallel_loop3A_363] {strides = array<i32>} : memref<51200xf32, #tpu.memory_space<vmem>>, vector<16xf32>,
        tpu.vector_store %arg11[%parallel_loop3A_363], %parallel_loop3A_360 {strides = array<i32>} : memref<51200xf32, #tpu.memory_space<vmem>>, vector<16xf32>,
        %parallel_loop3A_365 = arith.mulf %parallel_loop3A_177, %parallel_loop3A_345 : vector<16xf32>
        %parallel_loop3A_366 = arith.constant 48 : i32
        %parallel_loop3A_367 = arith.addi %parallel_loop3A_349, %parallel_loop3A_366 : i32
        %parallel_loop3A_368 = arith.index_cast %parallel_loop3A_367 : i32 to index
        %parallel_loop3A_369 = tpu.vector_load %arg11[%parallel_loop3A_368] {strides = array<i32>} : memref<51200xf32, #tpu.memory_space<vmem>>, vector<16xf32>,
        tpu.vector_store %arg11[%parallel_loop3A_368], %parallel_loop3A_365 {strides = array<i32>} : memref<51200xf32, #tpu.memory_space<vmem>>, vector<16xf32>,
        %parallel_loop3A_370 = arith.mulf %parallel_loop3A_179, %parallel_loop3A_345 : vector<16xf32>
        %parallel_loop3A_371 = arith.constant 64 : i32
        %parallel_loop3A_372 = arith.addi %parallel_loop3A_349, %parallel_loop3A_371 : i32
        %parallel_loop3A_373 = arith.index_cast %parallel_loop3A_372 : i32 to index
        %parallel_loop3A_374 = tpu.vector_load %arg11[%parallel_loop3A_373] {strides = array<i32>} : memref<51200xf32, #tpu.memory_space<vmem>>, vector<16xf32>,
        tpu.vector_store %arg11[%parallel_loop3A_373], %parallel_loop3A_370 {strides = array<i32>} : memref<51200xf32, #tpu.memory_space<vmem>>, vector<16xf32>,
        %parallel_loop3A_375 = arith.mulf %parallel_loop3A_181, %parallel_loop3A_345 : vector<16xf32>
        %parallel_loop3A_376 = arith.constant 80 : i32
        %parallel_loop3A_377 = arith.addi %parallel_loop3A_349, %parallel_loop3A_376 : i32
        %parallel_loop3A_378 = arith.index_cast %parallel_loop3A_377 : i32 to index
        %parallel_loop3A_379 = tpu.vector_load %arg11[%parallel_loop3A_378] {strides = array<i32>} : memref<51200xf32, #tpu.memory_space<vmem>>, vector<16xf32>,
        tpu.vector_store %arg11[%parallel_loop3A_378], %parallel_loop3A_375 {strides = array<i32>} : memref<51200xf32, #tpu.memory_space<vmem>>, vector<16xf32>,
        %parallel_loop3A_380 = arith.mulf %parallel_loop3A_183, %parallel_loop3A_345 : vector<16xf32>
        %parallel_loop3A_381 = arith.constant 96 : i32
        %parallel_loop3A_382 = arith.addi %parallel_loop3A_349, %parallel_loop3A_381 : i32
        %parallel_loop3A_383 = arith.index_cast %parallel_loop3A_382 : i32 to index
        %parallel_loop3A_384 = tpu.vector_load %arg11[%parallel_loop3A_383] {strides = array<i32>} : memref<51200xf32, #tpu.memory_space<vmem>>, vector<16xf32>,
        tpu.vector_store %arg11[%parallel_loop3A_383], %parallel_loop3A_380 {strides = array<i32>} : memref<51200xf32, #tpu.memory_space<vmem>>, vector<16xf32>,
        %parallel_loop3A_385 = arith.mulf %parallel_loop3A_185, %parallel_loop3A_345 : vector<16xf32>
        %parallel_loop3A_386 = arith.constant 112 : i32
        %parallel_loop3A_387 = arith.addi %parallel_loop3A_349, %parallel_loop3A_386 : i32
        %parallel_loop3A_388 = arith.index_cast %parallel_loop3A_387 : i32 to index
        %parallel_loop3A_389 = tpu.vector_load %arg11[%parallel_loop3A_388] {strides = array<i32>} : memref<51200xf32, #tpu.memory_space<vmem>>, vector<16xf32>,
        tpu.vector_store %arg11[%parallel_loop3A_388], %parallel_loop3A_385 {strides = array<i32>} : memref<51200xf32, #tpu.memory_space<vmem>>, vector<16xf32>,
        %parallel_loop3A_390 = arith.constant 3 : i32
        %parallel_loop3A_391 = vector.broadcast %parallel_loop3A_390 : i32 to vector<16x1xi32>
        %parallel_loop3A_392 = vector.shape_cast %parallel_loop3A_391 : vector<16x1xi32> to vector<16xi32>
        %parallel_loop3A_393 = tpu.dynamic_gather %parallel_loop3A_125[%parallel_loop3A_392] in [0] : vector<16xf32>, vector<16xi32> -> vector<16xf32>
        %parallel_loop3A_394 = arith.constant 3 : i32
        %parallel_loop3A_395 = arith.addi %parallel_loop3A_118, %parallel_loop3A_394 : i32
        %parallel_loop3A_396 = arith.constant 128 : i32
        %parallel_loop3A_397 = arith.muli %parallel_loop3A_395, %parallel_loop3A_396 : i32
        %parallel_loop3A_398 = arith.mulf %parallel_loop3A_191, %parallel_loop3A_393 : vector<16xf32>
        %parallel_loop3A_399 = arith.constant 0 : i32
        %parallel_loop3A_400 = arith.addi %parallel_loop3A_397, %parallel_loop3A_399 : i32
        %parallel_loop3A_401 = arith.index_cast %parallel_loop3A_400 : i32 to index
        %parallel_loop3A_402 = tpu.vector_load %arg11[%parallel_loop3A_401] {strides = array<i32>} : memref<51200xf32, #tpu.memory_space<vmem>>, vector<16xf32>,
        tpu.vector_store %arg11[%parallel_loop3A_401], %parallel_loop3A_398 {strides = array<i32>} : memref<51200xf32, #tpu.memory_space<vmem>>, vector<16xf32>,
        %parallel_loop3A_403 = arith.mulf %parallel_loop3A_193, %parallel_loop3A_393 : vector<16xf32>
        %parallel_loop3A_404 = arith.constant 16 : i32
        %parallel_loop3A_405 = arith.addi %parallel_loop3A_397, %parallel_loop3A_404 : i32
        %parallel_loop3A_406 = arith.index_cast %parallel_loop3A_405 : i32 to index
        %parallel_loop3A_407 = tpu.vector_load %arg11[%parallel_loop3A_406] {strides = array<i32>} : memref<51200xf32, #tpu.memory_space<vmem>>, vector<16xf32>,
        tpu.vector_store %arg11[%parallel_loop3A_406], %parallel_loop3A_403 {strides = array<i32>} : memref<51200xf32, #tpu.memory_space<vmem>>, vector<16xf32>,
        %parallel_loop3A_408 = arith.mulf %parallel_loop3A_195, %parallel_loop3A_393 : vector<16xf32>
        %parallel_loop3A_409 = arith.constant 32 : i32
        %parallel_loop3A_410 = arith.addi %parallel_loop3A_397, %parallel_loop3A_409 : i32
        %parallel_loop3A_411 = arith.index_cast %parallel_loop3A_410 : i32 to index
        %parallel_loop3A_412 = tpu.vector_load %arg11[%parallel_loop3A_411] {strides = array<i32>} : memref<51200xf32, #tpu.memory_space<vmem>>, vector<16xf32>,
        tpu.vector_store %arg11[%parallel_loop3A_411], %parallel_loop3A_408 {strides = array<i32>} : memref<51200xf32, #tpu.memory_space<vmem>>, vector<16xf32>,
        %parallel_loop3A_413 = arith.mulf %parallel_loop3A_197, %parallel_loop3A_393 : vector<16xf32>
        %parallel_loop3A_414 = arith.constant 48 : i32
        %parallel_loop3A_415 = arith.addi %parallel_loop3A_397, %parallel_loop3A_414 : i32
        %parallel_loop3A_416 = arith.index_cast %parallel_loop3A_415 : i32 to index
        %parallel_loop3A_417 = tpu.vector_load %arg11[%parallel_loop3A_416] {strides = array<i32>} : memref<51200xf32, #tpu.memory_space<vmem>>, vector<16xf32>,
        tpu.vector_store %arg11[%parallel_loop3A_416], %parallel_loop3A_413 {strides = array<i32>} : memref<51200xf32, #tpu.memory_space<vmem>>, vector<16xf32>,
        %parallel_loop3A_418 = arith.mulf %parallel_loop3A_199, %parallel_loop3A_393 : vector<16xf32>
        %parallel_loop3A_419 = arith.constant 64 : i32
        %parallel_loop3A_420 = arith.addi %parallel_loop3A_397, %parallel_loop3A_419 : i32
        %parallel_loop3A_421 = arith.index_cast %parallel_loop3A_420 : i32 to index
        %parallel_loop3A_422 = tpu.vector_load %arg11[%parallel_loop3A_421] {strides = array<i32>} : memref<51200xf32, #tpu.memory_space<vmem>>, vector<16xf32>,
        tpu.vector_store %arg11[%parallel_loop3A_421], %parallel_loop3A_418 {strides = array<i32>} : memref<51200xf32, #tpu.memory_space<vmem>>, vector<16xf32>,
        %parallel_loop3A_423 = arith.mulf %parallel_loop3A_201, %parallel_loop3A_393 : vector<16xf32>
        %parallel_loop3A_424 = arith.constant 80 : i32
        %parallel_loop3A_425 = arith.addi %parallel_loop3A_397, %parallel_loop3A_424 : i32
        %parallel_loop3A_426 = arith.index_cast %parallel_loop3A_425 : i32 to index
        %parallel_loop3A_427 = tpu.vector_load %arg11[%parallel_loop3A_426] {strides = array<i32>} : memref<51200xf32, #tpu.memory_space<vmem>>, vector<16xf32>,
        tpu.vector_store %arg11[%parallel_loop3A_426], %parallel_loop3A_423 {strides = array<i32>} : memref<51200xf32, #tpu.memory_space<vmem>>, vector<16xf32>,
        %parallel_loop3A_428 = arith.mulf %parallel_loop3A_203, %parallel_loop3A_393 : vector<16xf32>
        %parallel_loop3A_429 = arith.constant 96 : i32
        %parallel_loop3A_430 = arith.addi %parallel_loop3A_397, %parallel_loop3A_429 : i32
        %parallel_loop3A_431 = arith.index_cast %parallel_loop3A_430 : i32 to index
        %parallel_loop3A_432 = tpu.vector_load %arg11[%parallel_loop3A_431] {strides = array<i32>} : memref<51200xf32, #tpu.memory_space<vmem>>, vector<16xf32>,
        tpu.vector_store %arg11[%parallel_loop3A_431], %parallel_loop3A_428 {strides = array<i32>} : memref<51200xf32, #tpu.memory_space<vmem>>, vector<16xf32>,
        %parallel_loop3A_433 = arith.mulf %parallel_loop3A_205, %parallel_loop3A_393 : vector<16xf32>
        %parallel_loop3A_434 = arith.constant 112 : i32
        %parallel_loop3A_435 = arith.addi %parallel_loop3A_397, %parallel_loop3A_434 : i32
        %parallel_loop3A_436 = arith.index_cast %parallel_loop3A_435 : i32 to index
        %parallel_loop3A_437 = tpu.vector_load %arg11[%parallel_loop3A_436] {strides = array<i32>} : memref<51200xf32, #tpu.memory_space<vmem>>, vector<16xf32>,
        tpu.vector_store %arg11[%parallel_loop3A_436], %parallel_loop3A_433 {strides = array<i32>} : memref<51200xf32, #tpu.memory_space<vmem>>, vector<16xf32>,
        %parallel_loop3A_438 = arith.constant 6 : i32
        %parallel_loop3A_439 = vector.broadcast %parallel_loop3A_438 : i32 to vector<16x1xi32>
        %parallel_loop3A_440 = vector.shape_cast %parallel_loop3A_439 : vector<16x1xi32> to vector<16xi32>
        %parallel_loop3A_441 = tpu.dynamic_gather %parallel_loop3A_123[%parallel_loop3A_440] in [0] : vector<16xi32>, vector<16xi32> -> vector<16xi32>
        %parallel_loop3A_442 = arith.addi %parallel_loop3A_441, %add3A_5 : vector<16xi32>
        %parallel_loop3A_443 = tpu.vector_load_idx %arg6[%parallel_loop3A_442] : memref<6528xf32, #tpu.memory_space<vmem>>[vector<16xi32>], vector<16xf32>,
        %parallel_loop3A_444 = arith.addi %parallel_loop3A_441, %add3A_8 : vector<16xi32>
        %parallel_loop3A_445 = tpu.vector_load_idx %arg6[%parallel_loop3A_444] : memref<6528xf32, #tpu.memory_space<vmem>>[vector<16xi32>], vector<16xf32>,
        %parallel_loop3A_446 = arith.addi %parallel_loop3A_441, %add3A_11 : vector<16xi32>
        %parallel_loop3A_447 = tpu.vector_load_idx %arg6[%parallel_loop3A_446] : memref<6528xf32, #tpu.memory_space<vmem>>[vector<16xi32>], vector<16xf32>,
        %parallel_loop3A_448 = arith.addi %parallel_loop3A_441, %add3A_14 : vector<16xi32>
        %parallel_loop3A_449 = tpu.vector_load_idx %arg6[%parallel_loop3A_448] : memref<6528xf32, #tpu.memory_space<vmem>>[vector<16xi32>], vector<16xf32>,
        %parallel_loop3A_450 = arith.addi %parallel_loop3A_441, %add3A_17 : vector<16xi32>
        %parallel_loop3A_451 = tpu.vector_load_idx %arg6[%parallel_loop3A_450] : memref<6528xf32, #tpu.memory_space<vmem>>[vector<16xi32>], vector<16xf32>,
        %parallel_loop3A_452 = arith.addi %parallel_loop3A_441, %add3A_20 : vector<16xi32>
        %parallel_loop3A_453 = tpu.vector_load_idx %arg6[%parallel_loop3A_452] : memref<6528xf32, #tpu.memory_space<vmem>>[vector<16xi32>], vector<16xf32>,
        %parallel_loop3A_454 = arith.addi %parallel_loop3A_441, %add3A_23 : vector<16xi32>
        %parallel_loop3A_455 = tpu.vector_load_idx %arg6[%parallel_loop3A_454] : memref<6528xf32, #tpu.memory_space<vmem>>[vector<16xi32>], vector<16xf32>,
        %parallel_loop3A_456 = arith.addi %parallel_loop3A_441, %add3A_26 : vector<16xi32>
        %parallel_loop3A_457 = tpu.vector_load_idx %arg6[%parallel_loop3A_456] : memref<6528xf32, #tpu.memory_space<vmem>>[vector<16xi32>], vector<16xf32>,
        %parallel_loop3A_458 = arith.constant 7 : i32
        %parallel_loop3A_459 = vector.broadcast %parallel_loop3A_458 : i32 to vector<16x1xi32>
        %parallel_loop3A_460 = vector.shape_cast %parallel_loop3A_459 : vector<16x1xi32> to vector<16xi32>
        %parallel_loop3A_461 = tpu.dynamic_gather %parallel_loop3A_123[%parallel_loop3A_460] in [0] : vector<16xi32>, vector<16xi32> -> vector<16xi32>
        %parallel_loop3A_462 = arith.addi %parallel_loop3A_461, %add3A_5 : vector<16xi32>
        %parallel_loop3A_463 = tpu.vector_load_idx %arg6[%parallel_loop3A_462] : memref<6528xf32, #tpu.memory_space<vmem>>[vector<16xi32>], vector<16xf32>,
        %parallel_loop3A_464 = arith.addi %parallel_loop3A_461, %add3A_8 : vector<16xi32>
        %parallel_loop3A_465 = tpu.vector_load_idx %arg6[%parallel_loop3A_464] : memref<6528xf32, #tpu.memory_space<vmem>>[vector<16xi32>], vector<16xf32>,
        %parallel_loop3A_466 = arith.addi %parallel_loop3A_461, %add3A_11 : vector<16xi32>
        %parallel_loop3A_467 = tpu.vector_load_idx %arg6[%parallel_loop3A_466] : memref<6528xf32, #tpu.memory_space<vmem>>[vector<16xi32>], vector<16xf32>,
        %parallel_loop3A_468 = arith.addi %parallel_loop3A_461, %add3A_14 : vector<16xi32>
        %parallel_loop3A_469 = tpu.vector_load_idx %arg6[%parallel_loop3A_468] : memref<6528xf32, #tpu.memory_space<vmem>>[vector<16xi32>], vector<16xf32>,
        %parallel_loop3A_470 = arith.addi %parallel_loop3A_461, %add3A_17 : vector<16xi32>
        %parallel_loop3A_471 = tpu.vector_load_idx %arg6[%parallel_loop3A_470] : memref<6528xf32, #tpu.memory_space<vmem>>[vector<16xi32>], vector<16xf32>,
        %parallel_loop3A_472 = arith.addi %parallel_loop3A_461, %add3A_20 : vector<16xi32>
        %parallel_loop3A_473 = tpu.vector_load_idx %arg6[%parallel_loop3A_472] : memref<6528xf32, #tpu.memory_space<vmem>>[vector<16xi32>], vector<16xf32>,
        %parallel_loop3A_474 = arith.addi %parallel_loop3A_461, %add3A_23 : vector<16xi32>
        %parallel_loop3A_475 = tpu.vector_load_idx %arg6[%parallel_loop3A_474] : memref<6528xf32, #tpu.memory_space<vmem>>[vector<16xi32>], vector<16xf32>,
        %parallel_loop3A_476 = arith.addi %parallel_loop3A_461, %add3A_26 : vector<16xi32>
        %parallel_loop3A_477 = tpu.vector_load_idx %arg6[%parallel_loop3A_476] : memref<6528xf32, #tpu.memory_space<vmem>>[vector<16xi32>], vector<16xf32>,
        %parallel_loop3A_478 = arith.constant 4 : i32
        %parallel_loop3A_479 = vector.broadcast %parallel_loop3A_478 : i32 to vector<16x1xi32>
        %parallel_loop3A_480 = vector.shape_cast %parallel_loop3A_479 : vector<16x1xi32> to vector<16xi32>
        %parallel_loop3A_481 = tpu.dynamic_gather %parallel_loop3A_125[%parallel_loop3A_480] in [0] : vector<16xf32>, vector<16xi32> -> vector<16xf32>
        %parallel_loop3A_482 = arith.constant 4 : i32
        %parallel_loop3A_483 = arith.addi %parallel_loop3A_118, %parallel_loop3A_482 : i32
        %parallel_loop3A_484 = arith.constant 128 : i32
        %parallel_loop3A_485 = arith.muli %parallel_loop3A_483, %parallel_loop3A_484 : i32
        %parallel_loop3A_486 = arith.mulf %parallel_loop3A_307, %parallel_loop3A_481 : vector<16xf32>
        %parallel_loop3A_487 = arith.constant 0 : i32
        %parallel_loop3A_488 = arith.addi %parallel_loop3A_485, %parallel_loop3A_487 : i32
        %parallel_loop3A_489 = arith.index_cast %parallel_loop3A_488 : i32 to index
        %parallel_loop3A_490 = tpu.vector_load %arg11[%parallel_loop3A_489] {strides = array<i32>} : memref<51200xf32, #tpu.memory_space<vmem>>, vector<16xf32>,
        tpu.vector_store %arg11[%parallel_loop3A_489], %parallel_loop3A_486 {strides = array<i32>} : memref<51200xf32, #tpu.memory_space<vmem>>, vector<16xf32>,
        %parallel_loop3A_491 = arith.mulf %parallel_loop3A_309, %parallel_loop3A_481 : vector<16xf32>
        %parallel_loop3A_492 = arith.constant 16 : i32
        %parallel_loop3A_493 = arith.addi %parallel_loop3A_485, %parallel_loop3A_492 : i32
        %parallel_loop3A_494 = arith.index_cast %parallel_loop3A_493 : i32 to index
        %parallel_loop3A_495 = tpu.vector_load %arg11[%parallel_loop3A_494] {strides = array<i32>} : memref<51200xf32, #tpu.memory_space<vmem>>, vector<16xf32>,
        tpu.vector_store %arg11[%parallel_loop3A_494], %parallel_loop3A_491 {strides = array<i32>} : memref<51200xf32, #tpu.memory_space<vmem>>, vector<16xf32>,
        %parallel_loop3A_496 = arith.mulf %parallel_loop3A_311, %parallel_loop3A_481 : vector<16xf32>
        %parallel_loop3A_497 = arith.constant 32 : i32
        %parallel_loop3A_498 = arith.addi %parallel_loop3A_485, %parallel_loop3A_497 : i32
        %parallel_loop3A_499 = arith.index_cast %parallel_loop3A_498 : i32 to index
        %parallel_loop3A_500 = tpu.vector_load %arg11[%parallel_loop3A_499] {strides = array<i32>} : memref<51200xf32, #tpu.memory_space<vmem>>, vector<16xf32>,
        tpu.vector_store %arg11[%parallel_loop3A_499], %parallel_loop3A_496 {strides = array<i32>} : memref<51200xf32, #tpu.memory_space<vmem>>, vector<16xf32>,
        %parallel_loop3A_501 = arith.mulf %parallel_loop3A_313, %parallel_loop3A_481 : vector<16xf32>
        %parallel_loop3A_502 = arith.constant 48 : i32
        %parallel_loop3A_503 = arith.addi %parallel_loop3A_485, %parallel_loop3A_502 : i32
        %parallel_loop3A_504 = arith.index_cast %parallel_loop3A_503 : i32 to index
        %parallel_loop3A_505 = tpu.vector_load %arg11[%parallel_loop3A_504] {strides = array<i32>} : memref<51200xf32, #tpu.memory_space<vmem>>, vector<16xf32>,
        tpu.vector_store %arg11[%parallel_loop3A_504], %parallel_loop3A_501 {strides = array<i32>} : memref<51200xf32, #tpu.memory_space<vmem>>, vector<16xf32>,
        %parallel_loop3A_506 = arith.mulf %parallel_loop3A_315, %parallel_loop3A_481 : vector<16xf32>
        %parallel_loop3A_507 = arith.constant 64 : i32
        %parallel_loop3A_508 = arith.addi %parallel_loop3A_485, %parallel_loop3A_507 : i32
        %parallel_loop3A_509 = arith.index_cast %parallel_loop3A_508 : i32 to index
        %parallel_loop3A_510 = tpu.vector_load %arg11[%parallel_loop3A_509] {strides = array<i32>} : memref<51200xf32, #tpu.memory_space<vmem>>, vector<16xf32>,
        tpu.vector_store %arg11[%parallel_loop3A_509], %parallel_loop3A_506 {strides = array<i32>} : memref<51200xf32, #tpu.memory_space<vmem>>, vector<16xf32>,
        %parallel_loop3A_511 = arith.mulf %parallel_loop3A_317, %parallel_loop3A_481 : vector<16xf32>
        %parallel_loop3A_512 = arith.constant 80 : i32
        %parallel_loop3A_513 = arith.addi %parallel_loop3A_485, %parallel_loop3A_512 : i32
        %parallel_loop3A_514 = arith.index_cast %parallel_loop3A_513 : i32 to index
        %parallel_loop3A_515 = tpu.vector_load %arg11[%parallel_loop3A_514] {strides = array<i32>} : memref<51200xf32, #tpu.memory_space<vmem>>, vector<16xf32>,
        tpu.vector_store %arg11[%parallel_loop3A_514], %parallel_loop3A_511 {strides = array<i32>} : memref<51200xf32, #tpu.memory_space<vmem>>, vector<16xf32>,
        %parallel_loop3A_516 = arith.mulf %parallel_loop3A_319, %parallel_loop3A_481 : vector<16xf32>
        %parallel_loop3A_517 = arith.constant 96 : i32
        %parallel_loop3A_518 = arith.addi %parallel_loop3A_485, %parallel_loop3A_517 : i32
        %parallel_loop3A_519 = arith.index_cast %parallel_loop3A_518 : i32 to index
        %parallel_loop3A_520 = tpu.vector_load %arg11[%parallel_loop3A_519] {strides = array<i32>} : memref<51200xf32, #tpu.memory_space<vmem>>, vector<16xf32>,
        tpu.vector_store %arg11[%parallel_loop3A_519], %parallel_loop3A_516 {strides = array<i32>} : memref<51200xf32, #tpu.memory_space<vmem>>, vector<16xf32>,
        %parallel_loop3A_521 = arith.mulf %parallel_loop3A_321, %parallel_loop3A_481 : vector<16xf32>
        %parallel_loop3A_522 = arith.constant 112 : i32
        %parallel_loop3A_523 = arith.addi %parallel_loop3A_485, %parallel_loop3A_522 : i32
        %parallel_loop3A_524 = arith.index_cast %parallel_loop3A_523 : i32 to index
        %parallel_loop3A_525 = tpu.vector_load %arg11[%parallel_loop3A_524] {strides = array<i32>} : memref<51200xf32, #tpu.memory_space<vmem>>, vector<16xf32>,
        tpu.vector_store %arg11[%parallel_loop3A_524], %parallel_loop3A_521 {strides = array<i32>} : memref<51200xf32, #tpu.memory_space<vmem>>, vector<16xf32>,
        %parallel_loop3A_526 = arith.constant 5 : i32
        %parallel_loop3A_527 = vector.broadcast %parallel_loop3A_526 : i32 to vector<16x1xi32>
        %parallel_loop3A_528 = vector.shape_cast %parallel_loop3A_527 : vector<16x1xi32> to vector<16xi32>
        %parallel_loop3A_529 = tpu.dynamic_gather %parallel_loop3A_125[%parallel_loop3A_528] in [0] : vector<16xf32>, vector<16xi32> -> vector<16xf32>
        %parallel_loop3A_530 = arith.constant 5 : i32
        %parallel_loop3A_531 = arith.addi %parallel_loop3A_118, %parallel_loop3A_530 : i32
        %parallel_loop3A_532 = arith.constant 128 : i32
        %parallel_loop3A_533 = arith.muli %parallel_loop3A_531, %parallel_loop3A_532 : i32
        %parallel_loop3A_534 = arith.mulf %parallel_loop3A_327, %parallel_loop3A_529 : vector<16xf32>
        %parallel_loop3A_535 = arith.constant 0 : i32
        %parallel_loop3A_536 = arith.addi %parallel_loop3A_533, %parallel_loop3A_535 : i32
        %parallel_loop3A_537 = arith.index_cast %parallel_loop3A_536 : i32 to index
        %parallel_loop3A_538 = tpu.vector_load %arg11[%parallel_loop3A_537] {strides = array<i32>} : memref<51200xf32, #tpu.memory_space<vmem>>, vector<16xf32>,
        tpu.vector_store %arg11[%parallel_loop3A_537], %parallel_loop3A_534 {strides = array<i32>} : memref<51200xf32, #tpu.memory_space<vmem>>, vector<16xf32>,
        %parallel_loop3A_539 = arith.mulf %parallel_loop3A_329, %parallel_loop3A_529 : vector<16xf32>
        %parallel_loop3A_540 = arith.constant 16 : i32
        %parallel_loop3A_541 = arith.addi %parallel_loop3A_533, %parallel_loop3A_540 : i32
        %parallel_loop3A_542 = arith.index_cast %parallel_loop3A_541 : i32 to index
        %parallel_loop3A_543 = tpu.vector_load %arg11[%parallel_loop3A_542] {strides = array<i32>} : memref<51200xf32, #tpu.memory_space<vmem>>, vector<16xf32>,
        tpu.vector_store %arg11[%parallel_loop3A_542], %parallel_loop3A_539 {strides = array<i32>} : memref<51200xf32, #tpu.memory_space<vmem>>, vector<16xf32>,
        %parallel_loop3A_544 = arith.mulf %parallel_loop3A_331, %parallel_loop3A_529 : vector<16xf32>
        %parallel_loop3A_545 = arith.constant 32 : i32
        %parallel_loop3A_546 = arith.addi %parallel_loop3A_533, %parallel_loop3A_545 : i32
        %parallel_loop3A_547 = arith.index_cast %parallel_loop3A_546 : i32 to index
        %parallel_loop3A_548 = tpu.vector_load %arg11[%parallel_loop3A_547] {strides = array<i32>} : memref<51200xf32, #tpu.memory_space<vmem>>, vector<16xf32>,
        tpu.vector_store %arg11[%parallel_loop3A_547], %parallel_loop3A_544 {strides = array<i32>} : memref<51200xf32, #tpu.memory_space<vmem>>, vector<16xf32>,
        %parallel_loop3A_549 = arith.mulf %parallel_loop3A_333, %parallel_loop3A_529 : vector<16xf32>
        %parallel_loop3A_550 = arith.constant 48 : i32
        %parallel_loop3A_551 = arith.addi %parallel_loop3A_533, %parallel_loop3A_550 : i32
        %parallel_loop3A_552 = arith.index_cast %parallel_loop3A_551 : i32 to index
        %parallel_loop3A_553 = tpu.vector_load %arg11[%parallel_loop3A_552] {strides = array<i32>} : memref<51200xf32, #tpu.memory_space<vmem>>, vector<16xf32>,
        tpu.vector_store %arg11[%parallel_loop3A_552], %parallel_loop3A_549 {strides = array<i32>} : memref<51200xf32, #tpu.memory_space<vmem>>, vector<16xf32>,
        %parallel_loop3A_554 = arith.mulf %parallel_loop3A_335, %parallel_loop3A_529 : vector<16xf32>
        %parallel_loop3A_555 = arith.constant 64 : i32
        %parallel_loop3A_556 = arith.addi %parallel_loop3A_533, %parallel_loop3A_555 : i32
        %parallel_loop3A_557 = arith.index_cast %parallel_loop3A_556 : i32 to index
        %parallel_loop3A_558 = tpu.vector_load %arg11[%parallel_loop3A_557] {strides = array<i32>} : memref<51200xf32, #tpu.memory_space<vmem>>, vector<16xf32>,
        tpu.vector_store %arg11[%parallel_loop3A_557], %parallel_loop3A_554 {strides = array<i32>} : memref<51200xf32, #tpu.memory_space<vmem>>, vector<16xf32>,
        %parallel_loop3A_559 = arith.mulf %parallel_loop3A_337, %parallel_loop3A_529 : vector<16xf32>
        %parallel_loop3A_560 = arith.constant 80 : i32
        %parallel_loop3A_561 = arith.addi %parallel_loop3A_533, %parallel_loop3A_560 : i32
        %parallel_loop3A_562 = arith.index_cast %parallel_loop3A_561 : i32 to index
        %parallel_loop3A_563 = tpu.vector_load %arg11[%parallel_loop3A_562] {strides = array<i32>} : memref<51200xf32, #tpu.memory_space<vmem>>, vector<16xf32>,
        tpu.vector_store %arg11[%parallel_loop3A_562], %parallel_loop3A_559 {strides = array<i32>} : memref<51200xf32, #tpu.memory_space<vmem>>, vector<16xf32>,
        %parallel_loop3A_564 = arith.mulf %parallel_loop3A_339, %parallel_loop3A_529 : vector<16xf32>
        %parallel_loop3A_565 = arith.constant 96 : i32
        %parallel_loop3A_566 = arith.addi %parallel_loop3A_533, %parallel_loop3A_565 : i32
        %parallel_loop3A_567 = arith.index_cast %parallel_loop3A_566 : i32 to index
        %parallel_loop3A_568 = tpu.vector_load %arg11[%parallel_loop3A_567] {strides = array<i32>} : memref<51200xf32, #tpu.memory_space<vmem>>, vector<16xf32>,
        tpu.vector_store %arg11[%parallel_loop3A_567], %parallel_loop3A_564 {strides = array<i32>} : memref<51200xf32, #tpu.memory_space<vmem>>, vector<16xf32>,
        %parallel_loop3A_569 = arith.mulf %parallel_loop3A_341, %parallel_loop3A_529 : vector<16xf32>
        %parallel_loop3A_570 = arith.constant 112 : i32
        %parallel_loop3A_571 = arith.addi %parallel_loop3A_533, %parallel_loop3A_570 : i32
        %parallel_loop3A_572 = arith.index_cast %parallel_loop3A_571 : i32 to index
        %parallel_loop3A_573 = tpu.vector_load %arg11[%parallel_loop3A_572] {strides = array<i32>} : memref<51200xf32, #tpu.memory_space<vmem>>, vector<16xf32>,
        tpu.vector_store %arg11[%parallel_loop3A_572], %parallel_loop3A_569 {strides = array<i32>} : memref<51200xf32, #tpu.memory_space<vmem>>, vector<16xf32>,
        %parallel_loop3A_574 = arith.constant 8 : i32
        %parallel_loop3A_575 = vector.broadcast %parallel_loop3A_574 : i32 to vector<16x1xi32>
        %parallel_loop3A_576 = vector.shape_cast %parallel_loop3A_575 : vector<16x1xi32> to vector<16xi32>
        %parallel_loop3A_577 = tpu.dynamic_gather %parallel_loop3A_123[%parallel_loop3A_576] in [0] : vector<16xi32>, vector<16xi32> -> vector<16xi32>
        %parallel_loop3A_578 = arith.addi %parallel_loop3A_577, %add3A_5 : vector<16xi32>
        %parallel_loop3A_579 = tpu.vector_load_idx %arg6[%parallel_loop3A_578] : memref<6528xf32, #tpu.memory_space<vmem>>[vector<16xi32>], vector<16xf32>,
        %parallel_loop3A_580 = arith.addi %parallel_loop3A_577, %add3A_8 : vector<16xi32>
        %parallel_loop3A_581 = tpu.vector_load_idx %arg6[%parallel_loop3A_580] : memref<6528xf32, #tpu.memory_space<vmem>>[vector<16xi32>], vector<16xf32>,
        %parallel_loop3A_582 = arith.addi %parallel_loop3A_577, %add3A_11 : vector<16xi32>
        %parallel_loop3A_583 = tpu.vector_load_idx %arg6[%parallel_loop3A_582] : memref<6528xf32, #tpu.memory_space<vmem>>[vector<16xi32>], vector<16xf32>,
        %parallel_loop3A_584 = arith.addi %parallel_loop3A_577, %add3A_14 : vector<16xi32>
        %parallel_loop3A_585 = tpu.vector_load_idx %arg6[%parallel_loop3A_584] : memref<6528xf32, #tpu.memory_space<vmem>>[vector<16xi32>], vector<16xf32>,
        %parallel_loop3A_586 = arith.addi %parallel_loop3A_577, %add3A_17 : vector<16xi32>
        %parallel_loop3A_587 = tpu.vector_load_idx %arg6[%parallel_loop3A_586] : memref<6528xf32, #tpu.memory_space<vmem>>[vector<16xi32>], vector<16xf32>,
        %parallel_loop3A_588 = arith.addi %parallel_loop3A_577, %add3A_20 : vector<16xi32>
        %parallel_loop3A_589 = tpu.vector_load_idx %arg6[%parallel_loop3A_588] : memref<6528xf32, #tpu.memory_space<vmem>>[vector<16xi32>], vector<16xf32>,
        %parallel_loop3A_590 = arith.addi %parallel_loop3A_577, %add3A_23 : vector<16xi32>
        %parallel_loop3A_591 = tpu.vector_load_idx %arg6[%parallel_loop3A_590] : memref<6528xf32, #tpu.memory_space<vmem>>[vector<16xi32>], vector<16xf32>,
        %parallel_loop3A_592 = arith.addi %parallel_loop3A_577, %add3A_26 : vector<16xi32>
        %parallel_loop3A_593 = tpu.vector_load_idx %arg6[%parallel_loop3A_592] : memref<6528xf32, #tpu.memory_space<vmem>>[vector<16xi32>], vector<16xf32>,
        %parallel_loop3A_594 = arith.constant 9 : i32
        %parallel_loop3A_595 = vector.broadcast %parallel_loop3A_594 : i32 to vector<16x1xi32>
        %parallel_loop3A_596 = vector.shape_cast %parallel_loop3A_595 : vector<16x1xi32> to vector<16xi32>
        %parallel_loop3A_597 = tpu.dynamic_gather %parallel_loop3A_123[%parallel_loop3A_596] in [0] : vector<16xi32>, vector<16xi32> -> vector<16xi32>
        %parallel_loop3A_598 = arith.addi %parallel_loop3A_597, %add3A_5 : vector<16xi32>
        %parallel_loop3A_599 = tpu.vector_load_idx %arg6[%parallel_loop3A_598] : memref<6528xf32, #tpu.memory_space<vmem>>[vector<16xi32>], vector<16xf32>,
        %parallel_loop3A_600 = arith.addi %parallel_loop3A_597, %add3A_8 : vector<16xi32>
        %parallel_loop3A_601 = tpu.vector_load_idx %arg6[%parallel_loop3A_600] : memref<6528xf32, #tpu.memory_space<vmem>>[vector<16xi32>], vector<16xf32>,
        %parallel_loop3A_602 = arith.addi %parallel_loop3A_597, %add3A_11 : vector<16xi32>
        %parallel_loop3A_603 = tpu.vector_load_idx %arg6[%parallel_loop3A_602] : memref<6528xf32, #tpu.memory_space<vmem>>[vector<16xi32>], vector<16xf32>,
        %parallel_loop3A_604 = arith.addi %parallel_loop3A_597, %add3A_14 : vector<16xi32>
        %parallel_loop3A_605 = tpu.vector_load_idx %arg6[%parallel_loop3A_604] : memref<6528xf32, #tpu.memory_space<vmem>>[vector<16xi32>], vector<16xf32>,
        %parallel_loop3A_606 = arith.addi %parallel_loop3A_597, %add3A_17 : vector<16xi32>
        %parallel_loop3A_607 = tpu.vector_load_idx %arg6[%parallel_loop3A_606] : memref<6528xf32, #tpu.memory_space<vmem>>[vector<16xi32>], vector<16xf32>,
        %parallel_loop3A_608 = arith.addi %parallel_loop3A_597, %add3A_20 : vector<16xi32>
        %parallel_loop3A_609 = tpu.vector_load_idx %arg6[%parallel_loop3A_608] : memref<6528xf32, #tpu.memory_space<vmem>>[vector<16xi32>], vector<16xf32>,
        %parallel_loop3A_610 = arith.addi %parallel_loop3A_597, %add3A_23 : vector<16xi32>
        %parallel_loop3A_611 = tpu.vector_load_idx %arg6[%parallel_loop3A_610] : memref<6528xf32, #tpu.memory_space<vmem>>[vector<16xi32>], vector<16xf32>,
        %parallel_loop3A_612 = arith.addi %parallel_loop3A_597, %add3A_26 : vector<16xi32>
        %parallel_loop3A_613 = tpu.vector_load_idx %arg6[%parallel_loop3A_612] : memref<6528xf32, #tpu.memory_space<vmem>>[vector<16xi32>], vector<16xf32>,
        %parallel_loop3A_614 = arith.constant 6 : i32
        %parallel_loop3A_615 = vector.broadcast %parallel_loop3A_614 : i32 to vector<16x1xi32>
        %parallel_loop3A_616 = vector.shape_cast %parallel_loop3A_615 : vector<16x1xi32> to vector<16xi32>
        %parallel_loop3A_617 = tpu.dynamic_gather %parallel_loop3A_125[%parallel_loop3A_616] in [0] : vector<16xf32>, vector<16xi32> -> vector<16xf32>
        %parallel_loop3A_618 = arith.constant 6 : i32
        %parallel_loop3A_619 = arith.addi %parallel_loop3A_118, %parallel_loop3A_618 : i32
        %parallel_loop3A_620 = arith.constant 128 : i32
        %parallel_loop3A_621 = arith.muli %parallel_loop3A_619, %parallel_loop3A_620 : i32
        %parallel_loop3A_622 = arith.mulf %parallel_loop3A_443, %parallel_loop3A_617 : vector<16xf32>
        %parallel_loop3A_623 = arith.constant 0 : i32
        %parallel_loop3A_624 = arith.addi %parallel_loop3A_621, %parallel_loop3A_623 : i32
        %parallel_loop3A_625 = arith.index_cast %parallel_loop3A_624 : i32 to index
        %parallel_loop3A_626 = tpu.vector_load %arg11[%parallel_loop3A_625] {strides = array<i32>} : memref<51200xf32, #tpu.memory_space<vmem>>, vector<16xf32>,
        tpu.vector_store %arg11[%parallel_loop3A_625], %parallel_loop3A_622 {strides = array<i32>} : memref<51200xf32, #tpu.memory_space<vmem>>, vector<16xf32>,
        %parallel_loop3A_627 = arith.mulf %parallel_loop3A_445, %parallel_loop3A_617 : vector<16xf32>
        %parallel_loop3A_628 = arith.constant 16 : i32
        %parallel_loop3A_629 = arith.addi %parallel_loop3A_621, %parallel_loop3A_628 : i32
        %parallel_loop3A_630 = arith.index_cast %parallel_loop3A_629 : i32 to index
        %parallel_loop3A_631 = tpu.vector_load %arg11[%parallel_loop3A_630] {strides = array<i32>} : memref<51200xf32, #tpu.memory_space<vmem>>, vector<16xf32>,
        tpu.vector_store %arg11[%parallel_loop3A_630], %parallel_loop3A_627 {strides = array<i32>} : memref<51200xf32, #tpu.memory_space<vmem>>, vector<16xf32>,
        %parallel_loop3A_632 = arith.mulf %parallel_loop3A_447, %parallel_loop3A_617 : vector<16xf32>
        %parallel_loop3A_633 = arith.constant 32 : i32
        %parallel_loop3A_634 = arith.addi %parallel_loop3A_621, %parallel_loop3A_633 : i32
        %parallel_loop3A_635 = arith.index_cast %parallel_loop3A_634 : i32 to index
        %parallel_loop3A_636 = tpu.vector_load %arg11[%parallel_loop3A_635] {strides = array<i32>} : memref<51200xf32, #tpu.memory_space<vmem>>, vector<16xf32>,
        tpu.vector_store %arg11[%parallel_loop3A_635], %parallel_loop3A_632 {strides = array<i32>} : memref<51200xf32, #tpu.memory_space<vmem>>, vector<16xf32>,
        %parallel_loop3A_637 = arith.mulf %parallel_loop3A_449, %parallel_loop3A_617 : vector<16xf32>
        %parallel_loop3A_638 = arith.constant 48 : i32
        %parallel_loop3A_639 = arith.addi %parallel_loop3A_621, %parallel_loop3A_638 : i32
        %parallel_loop3A_640 = arith.index_cast %parallel_loop3A_639 : i32 to index
        %parallel_loop3A_641 = tpu.vector_load %arg11[%parallel_loop3A_640] {strides = array<i32>} : memref<51200xf32, #tpu.memory_space<vmem>>, vector<16xf32>,
        tpu.vector_store %arg11[%parallel_loop3A_640], %parallel_loop3A_637 {strides = array<i32>} : memref<51200xf32, #tpu.memory_space<vmem>>, vector<16xf32>,
        %parallel_loop3A_642 = arith.mulf %parallel_loop3A_451, %parallel_loop3A_617 : vector<16xf32>
        %parallel_loop3A_643 = arith.constant 64 : i32
        %parallel_loop3A_644 = arith.addi %parallel_loop3A_621, %parallel_loop3A_643 : i32
        %parallel_loop3A_645 = arith.index_cast %parallel_loop3A_644 : i32 to index
        %parallel_loop3A_646 = tpu.vector_load %arg11[%parallel_loop3A_645] {strides = array<i32>} : memref<51200xf32, #tpu.memory_space<vmem>>, vector<16xf32>,
        tpu.vector_store %arg11[%parallel_loop3A_645], %parallel_loop3A_642 {strides = array<i32>} : memref<51200xf32, #tpu.memory_space<vmem>>, vector<16xf32>,
        %parallel_loop3A_647 = arith.mulf %parallel_loop3A_453, %parallel_loop3A_617 : vector<16xf32>
        %parallel_loop3A_648 = arith.constant 80 : i32
        %parallel_loop3A_649 = arith.addi %parallel_loop3A_621, %parallel_loop3A_648 : i32
        %parallel_loop3A_650 = arith.index_cast %parallel_loop3A_649 : i32 to index
        %parallel_loop3A_651 = tpu.vector_load %arg11[%parallel_loop3A_650] {strides = array<i32>} : memref<51200xf32, #tpu.memory_space<vmem>>, vector<16xf32>,
        tpu.vector_store %arg11[%parallel_loop3A_650], %parallel_loop3A_647 {strides = array<i32>} : memref<51200xf32, #tpu.memory_space<vmem>>, vector<16xf32>,
        %parallel_loop3A_652 = arith.mulf %parallel_loop3A_455, %parallel_loop3A_617 : vector<16xf32>
        %parallel_loop3A_653 = arith.constant 96 : i32
        %parallel_loop3A_654 = arith.addi %parallel_loop3A_621, %parallel_loop3A_653 : i32
        %parallel_loop3A_655 = arith.index_cast %parallel_loop3A_654 : i32 to index
        %parallel_loop3A_656 = tpu.vector_load %arg11[%parallel_loop3A_655] {strides = array<i32>} : memref<51200xf32, #tpu.memory_space<vmem>>, vector<16xf32>,
        tpu.vector_store %arg11[%parallel_loop3A_655], %parallel_loop3A_652 {strides = array<i32>} : memref<51200xf32, #tpu.memory_space<vmem>>, vector<16xf32>,
        %parallel_loop3A_657 = arith.mulf %parallel_loop3A_457, %parallel_loop3A_617 : vector<16xf32>
        %parallel_loop3A_658 = arith.constant 112 : i32
        %parallel_loop3A_659 = arith.addi %parallel_loop3A_621, %parallel_loop3A_658 : i32
        %parallel_loop3A_660 = arith.index_cast %parallel_loop3A_659 : i32 to index
        %parallel_loop3A_661 = tpu.vector_load %arg11[%parallel_loop3A_660] {strides = array<i32>} : memref<51200xf32, #tpu.memory_space<vmem>>, vector<16xf32>,
        tpu.vector_store %arg11[%parallel_loop3A_660], %parallel_loop3A_657 {strides = array<i32>} : memref<51200xf32, #tpu.memory_space<vmem>>, vector<16xf32>,
        %parallel_loop3A_662 = arith.constant 7 : i32
        %parallel_loop3A_663 = vector.broadcast %parallel_loop3A_662 : i32 to vector<16x1xi32>
        %parallel_loop3A_664 = vector.shape_cast %parallel_loop3A_663 : vector<16x1xi32> to vector<16xi32>
        %parallel_loop3A_665 = tpu.dynamic_gather %parallel_loop3A_125[%parallel_loop3A_664] in [0] : vector<16xf32>, vector<16xi32> -> vector<16xf32>
        %parallel_loop3A_666 = arith.constant 7 : i32
        %parallel_loop3A_667 = arith.addi %parallel_loop3A_118, %parallel_loop3A_666 : i32
        %parallel_loop3A_668 = arith.constant 128 : i32
        %parallel_loop3A_669 = arith.muli %parallel_loop3A_667, %parallel_loop3A_668 : i32
        %parallel_loop3A_670 = arith.mulf %parallel_loop3A_463, %parallel_loop3A_665 : vector<16xf32>
        %parallel_loop3A_671 = arith.constant 0 : i32
        %parallel_loop3A_672 = arith.addi %parallel_loop3A_669, %parallel_loop3A_671 : i32
        %parallel_loop3A_673 = arith.index_cast %parallel_loop3A_672 : i32 to index
        %parallel_loop3A_674 = tpu.vector_load %arg11[%parallel_loop3A_673] {strides = array<i32>} : memref<51200xf32, #tpu.memory_space<vmem>>, vector<16xf32>,
        tpu.vector_store %arg11[%parallel_loop3A_673], %parallel_loop3A_670 {strides = array<i32>} : memref<51200xf32, #tpu.memory_space<vmem>>, vector<16xf32>,
        %parallel_loop3A_675 = arith.mulf %parallel_loop3A_465, %parallel_loop3A_665 : vector<16xf32>
        %parallel_loop3A_676 = arith.constant 16 : i32
        %parallel_loop3A_677 = arith.addi %parallel_loop3A_669, %parallel_loop3A_676 : i32
        %parallel_loop3A_678 = arith.index_cast %parallel_loop3A_677 : i32 to index
        %parallel_loop3A_679 = tpu.vector_load %arg11[%parallel_loop3A_678] {strides = array<i32>} : memref<51200xf32, #tpu.memory_space<vmem>>, vector<16xf32>,
        tpu.vector_store %arg11[%parallel_loop3A_678], %parallel_loop3A_675 {strides = array<i32>} : memref<51200xf32, #tpu.memory_space<vmem>>, vector<16xf32>,
        %parallel_loop3A_680 = arith.mulf %parallel_loop3A_467, %parallel_loop3A_665 : vector<16xf32>
        %parallel_loop3A_681 = arith.constant 32 : i32
        %parallel_loop3A_682 = arith.addi %parallel_loop3A_669, %parallel_loop3A_681 : i32
        %parallel_loop3A_683 = arith.index_cast %parallel_loop3A_682 : i32 to index
        %parallel_loop3A_684 = tpu.vector_load %arg11[%parallel_loop3A_683] {strides = array<i32>} : memref<51200xf32, #tpu.memory_space<vmem>>, vector<16xf32>,
        tpu.vector_store %arg11[%parallel_loop3A_683], %parallel_loop3A_680 {strides = array<i32>} : memref<51200xf32, #tpu.memory_space<vmem>>, vector<16xf32>,
        %parallel_loop3A_685 = arith.mulf %parallel_loop3A_469, %parallel_loop3A_665 : vector<16xf32>
        %parallel_loop3A_686 = arith.constant 48 : i32
        %parallel_loop3A_687 = arith.addi %parallel_loop3A_669, %parallel_loop3A_686 : i32
        %parallel_loop3A_688 = arith.index_cast %parallel_loop3A_687 : i32 to index
        %parallel_loop3A_689 = tpu.vector_load %arg11[%parallel_loop3A_688] {strides = array<i32>} : memref<51200xf32, #tpu.memory_space<vmem>>, vector<16xf32>,
        tpu.vector_store %arg11[%parallel_loop3A_688], %parallel_loop3A_685 {strides = array<i32>} : memref<51200xf32, #tpu.memory_space<vmem>>, vector<16xf32>,
        %parallel_loop3A_690 = arith.mulf %parallel_loop3A_471, %parallel_loop3A_665 : vector<16xf32>
        %parallel_loop3A_691 = arith.constant 64 : i32
        %parallel_loop3A_692 = arith.addi %parallel_loop3A_669, %parallel_loop3A_691 : i32
        %parallel_loop3A_693 = arith.index_cast %parallel_loop3A_692 : i32 to index
        %parallel_loop3A_694 = tpu.vector_load %arg11[%parallel_loop3A_693] {strides = array<i32>} : memref<51200xf32, #tpu.memory_space<vmem>>, vector<16xf32>,
        tpu.vector_store %arg11[%parallel_loop3A_693], %parallel_loop3A_690 {strides = array<i32>} : memref<51200xf32, #tpu.memory_space<vmem>>, vector<16xf32>,
        %parallel_loop3A_695 = arith.mulf %parallel_loop3A_473, %parallel_loop3A_665 : vector<16xf32>
        %parallel_loop3A_696 = arith.constant 80 : i32
        %parallel_loop3A_697 = arith.addi %parallel_loop3A_669, %parallel_loop3A_696 : i32
        %parallel_loop3A_698 = arith.index_cast %parallel_loop3A_697 : i32 to index
        %parallel_loop3A_699 = tpu.vector_load %arg11[%parallel_loop3A_698] {strides = array<i32>} : memref<51200xf32, #tpu.memory_space<vmem>>, vector<16xf32>,
        tpu.vector_store %arg11[%parallel_loop3A_698], %parallel_loop3A_695 {strides = array<i32>} : memref<51200xf32, #tpu.memory_space<vmem>>, vector<16xf32>,
        %parallel_loop3A_700 = arith.mulf %parallel_loop3A_475, %parallel_loop3A_665 : vector<16xf32>
        %parallel_loop3A_701 = arith.constant 96 : i32
        %parallel_loop3A_702 = arith.addi %parallel_loop3A_669, %parallel_loop3A_701 : i32
        %parallel_loop3A_703 = arith.index_cast %parallel_loop3A_702 : i32 to index
        %parallel_loop3A_704 = tpu.vector_load %arg11[%parallel_loop3A_703] {strides = array<i32>} : memref<51200xf32, #tpu.memory_space<vmem>>, vector<16xf32>,
        tpu.vector_store %arg11[%parallel_loop3A_703], %parallel_loop3A_700 {strides = array<i32>} : memref<51200xf32, #tpu.memory_space<vmem>>, vector<16xf32>,
        %parallel_loop3A_705 = arith.mulf %parallel_loop3A_477, %parallel_loop3A_665 : vector<16xf32>
        %parallel_loop3A_706 = arith.constant 112 : i32
        %parallel_loop3A_707 = arith.addi %parallel_loop3A_669, %parallel_loop3A_706 : i32
        %parallel_loop3A_708 = arith.index_cast %parallel_loop3A_707 : i32 to index
        %parallel_loop3A_709 = tpu.vector_load %arg11[%parallel_loop3A_708] {strides = array<i32>} : memref<51200xf32, #tpu.memory_space<vmem>>, vector<16xf32>,
        tpu.vector_store %arg11[%parallel_loop3A_708], %parallel_loop3A_705 {strides = array<i32>} : memref<51200xf32, #tpu.memory_space<vmem>>, vector<16xf32>,
        %parallel_loop3A_710 = arith.constant 10 : i32
        %parallel_loop3A_711 = vector.broadcast %parallel_loop3A_710 : i32 to vector<16x1xi32>
        %parallel_loop3A_712 = vector.shape_cast %parallel_loop3A_711 : vector<16x1xi32> to vector<16xi32>
        %parallel_loop3A_713 = tpu.dynamic_gather %parallel_loop3A_123[%parallel_loop3A_712] in [0] : vector<16xi32>, vector<16xi32> -> vector<16xi32>
        %parallel_loop3A_714 = arith.addi %parallel_loop3A_713, %add3A_5 : vector<16xi32>
        %parallel_loop3A_715 = tpu.vector_load_idx %arg6[%parallel_loop3A_714] : memref<6528xf32, #tpu.memory_space<vmem>>[vector<16xi32>], vector<16xf32>,
        %parallel_loop3A_716 = arith.addi %parallel_loop3A_713, %add3A_8 : vector<16xi32>
        %parallel_loop3A_717 = tpu.vector_load_idx %arg6[%parallel_loop3A_716] : memref<6528xf32, #tpu.memory_space<vmem>>[vector<16xi32>], vector<16xf32>,
        %parallel_loop3A_718 = arith.addi %parallel_loop3A_713, %add3A_11 : vector<16xi32>
        %parallel_loop3A_719 = tpu.vector_load_idx %arg6[%parallel_loop3A_718] : memref<6528xf32, #tpu.memory_space<vmem>>[vector<16xi32>], vector<16xf32>,
        %parallel_loop3A_720 = arith.addi %parallel_loop3A_713, %add3A_14 : vector<16xi32>
        %parallel_loop3A_721 = tpu.vector_load_idx %arg6[%parallel_loop3A_720] : memref<6528xf32, #tpu.memory_space<vmem>>[vector<16xi32>], vector<16xf32>,
        %parallel_loop3A_722 = arith.addi %parallel_loop3A_713, %add3A_17 : vector<16xi32>
        %parallel_loop3A_723 = tpu.vector_load_idx %arg6[%parallel_loop3A_722] : memref<6528xf32, #tpu.memory_space<vmem>>[vector<16xi32>], vector<16xf32>,
        %parallel_loop3A_724 = arith.addi %parallel_loop3A_713, %add3A_20 : vector<16xi32>
        %parallel_loop3A_725 = tpu.vector_load_idx %arg6[%parallel_loop3A_724] : memref<6528xf32, #tpu.memory_space<vmem>>[vector<16xi32>], vector<16xf32>,
        %parallel_loop3A_726 = arith.addi %parallel_loop3A_713, %add3A_23 : vector<16xi32>
        %parallel_loop3A_727 = tpu.vector_load_idx %arg6[%parallel_loop3A_726] : memref<6528xf32, #tpu.memory_space<vmem>>[vector<16xi32>], vector<16xf32>,
        %parallel_loop3A_728 = arith.addi %parallel_loop3A_713, %add3A_26 : vector<16xi32>
        %parallel_loop3A_729 = tpu.vector_load_idx %arg6[%parallel_loop3A_728] : memref<6528xf32, #tpu.memory_space<vmem>>[vector<16xi32>], vector<16xf32>,
        %parallel_loop3A_730 = arith.constant 11 : i32
        %parallel_loop3A_731 = vector.broadcast %parallel_loop3A_730 : i32 to vector<16x1xi32>
        %parallel_loop3A_732 = vector.shape_cast %parallel_loop3A_731 : vector<16x1xi32> to vector<16xi32>
        %parallel_loop3A_733 = tpu.dynamic_gather %parallel_loop3A_123[%parallel_loop3A_732] in [0] : vector<16xi32>, vector<16xi32> -> vector<16xi32>
        %parallel_loop3A_734 = arith.addi %parallel_loop3A_733, %add3A_5 : vector<16xi32>
        %parallel_loop3A_735 = tpu.vector_load_idx %arg6[%parallel_loop3A_734] : memref<6528xf32, #tpu.memory_space<vmem>>[vector<16xi32>], vector<16xf32>,
        %parallel_loop3A_736 = arith.addi %parallel_loop3A_733, %add3A_8 : vector<16xi32>
        %parallel_loop3A_737 = tpu.vector_load_idx %arg6[%parallel_loop3A_736] : memref<6528xf32, #tpu.memory_space<vmem>>[vector<16xi32>], vector<16xf32>,
        %parallel_loop3A_738 = arith.addi %parallel_loop3A_733, %add3A_11 : vector<16xi32>
        %parallel_loop3A_739 = tpu.vector_load_idx %arg6[%parallel_loop3A_738] : memref<6528xf32, #tpu.memory_space<vmem>>[vector<16xi32>], vector<16xf32>,
        %parallel_loop3A_740 = arith.addi %parallel_loop3A_733, %add3A_14 : vector<16xi32>
        %parallel_loop3A_741 = tpu.vector_load_idx %arg6[%parallel_loop3A_740] : memref<6528xf32, #tpu.memory_space<vmem>>[vector<16xi32>], vector<16xf32>,
        %parallel_loop3A_742 = arith.addi %parallel_loop3A_733, %add3A_17 : vector<16xi32>
        %parallel_loop3A_743 = tpu.vector_load_idx %arg6[%parallel_loop3A_742] : memref<6528xf32, #tpu.memory_space<vmem>>[vector<16xi32>], vector<16xf32>,
        %parallel_loop3A_744 = arith.addi %parallel_loop3A_733, %add3A_20 : vector<16xi32>
        %parallel_loop3A_745 = tpu.vector_load_idx %arg6[%parallel_loop3A_744] : memref<6528xf32, #tpu.memory_space<vmem>>[vector<16xi32>], vector<16xf32>,
        %parallel_loop3A_746 = arith.addi %parallel_loop3A_733, %add3A_23 : vector<16xi32>
        %parallel_loop3A_747 = tpu.vector_load_idx %arg6[%parallel_loop3A_746] : memref<6528xf32, #tpu.memory_space<vmem>>[vector<16xi32>], vector<16xf32>,
        %parallel_loop3A_748 = arith.addi %parallel_loop3A_733, %add3A_26 : vector<16xi32>
        %parallel_loop3A_749 = tpu.vector_load_idx %arg6[%parallel_loop3A_748] : memref<6528xf32, #tpu.memory_space<vmem>>[vector<16xi32>], vector<16xf32>,
        %parallel_loop3A_750 = arith.constant 8 : i32
        %parallel_loop3A_751 = vector.broadcast %parallel_loop3A_750 : i32 to vector<16x1xi32>
        %parallel_loop3A_752 = vector.shape_cast %parallel_loop3A_751 : vector<16x1xi32> to vector<16xi32>
        %parallel_loop3A_753 = tpu.dynamic_gather %parallel_loop3A_125[%parallel_loop3A_752] in [0] : vector<16xf32>, vector<16xi32> -> vector<16xf32>
        %parallel_loop3A_754 = arith.constant 8 : i32
        %parallel_loop3A_755 = arith.addi %parallel_loop3A_118, %parallel_loop3A_754 : i32
        %parallel_loop3A_756 = arith.constant 128 : i32
        %parallel_loop3A_757 = arith.muli %parallel_loop3A_755, %parallel_loop3A_756 : i32
        %parallel_loop3A_758 = arith.mulf %parallel_loop3A_579, %parallel_loop3A_753 : vector<16xf32>
        %parallel_loop3A_759 = arith.constant 0 : i32
        %parallel_loop3A_760 = arith.addi %parallel_loop3A_757, %parallel_loop3A_759 : i32
        %parallel_loop3A_761 = arith.index_cast %parallel_loop3A_760 : i32 to index
        %parallel_loop3A_762 = tpu.vector_load %arg11[%parallel_loop3A_761] {strides = array<i32>} : memref<51200xf32, #tpu.memory_space<vmem>>, vector<16xf32>,
        tpu.vector_store %arg11[%parallel_loop3A_761], %parallel_loop3A_758 {strides = array<i32>} : memref<51200xf32, #tpu.memory_space<vmem>>, vector<16xf32>,
        %parallel_loop3A_763 = arith.mulf %parallel_loop3A_581, %parallel_loop3A_753 : vector<16xf32>
        %parallel_loop3A_764 = arith.constant 16 : i32
        %parallel_loop3A_765 = arith.addi %parallel_loop3A_757, %parallel_loop3A_764 : i32
        %parallel_loop3A_766 = arith.index_cast %parallel_loop3A_765 : i32 to index
        %parallel_loop3A_767 = tpu.vector_load %arg11[%parallel_loop3A_766] {strides = array<i32>} : memref<51200xf32, #tpu.memory_space<vmem>>, vector<16xf32>,
        tpu.vector_store %arg11[%parallel_loop3A_766], %parallel_loop3A_763 {strides = array<i32>} : memref<51200xf32, #tpu.memory_space<vmem>>, vector<16xf32>,
        %parallel_loop3A_768 = arith.mulf %parallel_loop3A_583, %parallel_loop3A_753 : vector<16xf32>
        %parallel_loop3A_769 = arith.constant 32 : i32
        %parallel_loop3A_770 = arith.addi %parallel_loop3A_757, %parallel_loop3A_769 : i32
        %parallel_loop3A_771 = arith.index_cast %parallel_loop3A_770 : i32 to index
        %parallel_loop3A_772 = tpu.vector_load %arg11[%parallel_loop3A_771] {strides = array<i32>} : memref<51200xf32, #tpu.memory_space<vmem>>, vector<16xf32>,
        tpu.vector_store %arg11[%parallel_loop3A_771], %parallel_loop3A_768 {strides = array<i32>} : memref<51200xf32, #tpu.memory_space<vmem>>, vector<16xf32>,
        %parallel_loop3A_773 = arith.mulf %parallel_loop3A_585, %parallel_loop3A_753 : vector<16xf32>
        %parallel_loop3A_774 = arith.constant 48 : i32
        %parallel_loop3A_775 = arith.addi %parallel_loop3A_757, %parallel_loop3A_774 : i32
        %parallel_loop3A_776 = arith.index_cast %parallel_loop3A_775 : i32 to index
        %parallel_loop3A_777 = tpu.vector_load %arg11[%parallel_loop3A_776] {strides = array<i32>} : memref<51200xf32, #tpu.memory_space<vmem>>, vector<16xf32>,
        tpu.vector_store %arg11[%parallel_loop3A_776], %parallel_loop3A_773 {strides = array<i32>} : memref<51200xf32, #tpu.memory_space<vmem>>, vector<16xf32>,
        %parallel_loop3A_778 = arith.mulf %parallel_loop3A_587, %parallel_loop3A_753 : vector<16xf32>
        %parallel_loop3A_779 = arith.constant 64 : i32
        %parallel_loop3A_780 = arith.addi %parallel_loop3A_757, %parallel_loop3A_779 : i32
        %parallel_loop3A_781 = arith.index_cast %parallel_loop3A_780 : i32 to index
        %parallel_loop3A_782 = tpu.vector_load %arg11[%parallel_loop3A_781] {strides = array<i32>} : memref<51200xf32, #tpu.memory_space<vmem>>, vector<16xf32>,
        tpu.vector_store %arg11[%parallel_loop3A_781], %parallel_loop3A_778 {strides = array<i32>} : memref<51200xf32, #tpu.memory_space<vmem>>, vector<16xf32>,
        %parallel_loop3A_783 = arith.mulf %parallel_loop3A_589, %parallel_loop3A_753 : vector<16xf32>
        %parallel_loop3A_784 = arith.constant 80 : i32
        %parallel_loop3A_785 = arith.addi %parallel_loop3A_757, %parallel_loop3A_784 : i32
        %parallel_loop3A_786 = arith.index_cast %parallel_loop3A_785 : i32 to index
        %parallel_loop3A_787 = tpu.vector_load %arg11[%parallel_loop3A_786] {strides = array<i32>} : memref<51200xf32, #tpu.memory_space<vmem>>, vector<16xf32>,
        tpu.vector_store %arg11[%parallel_loop3A_786], %parallel_loop3A_783 {strides = array<i32>} : memref<51200xf32, #tpu.memory_space<vmem>>, vector<16xf32>,
        %parallel_loop3A_788 = arith.mulf %parallel_loop3A_591, %parallel_loop3A_753 : vector<16xf32>
        %parallel_loop3A_789 = arith.constant 96 : i32
        %parallel_loop3A_790 = arith.addi %parallel_loop3A_757, %parallel_loop3A_789 : i32
        %parallel_loop3A_791 = arith.index_cast %parallel_loop3A_790 : i32 to index
        %parallel_loop3A_792 = tpu.vector_load %arg11[%parallel_loop3A_791] {strides = array<i32>} : memref<51200xf32, #tpu.memory_space<vmem>>, vector<16xf32>,
        tpu.vector_store %arg11[%parallel_loop3A_791], %parallel_loop3A_788 {strides = array<i32>} : memref<51200xf32, #tpu.memory_space<vmem>>, vector<16xf32>,
        %parallel_loop3A_793 = arith.mulf %parallel_loop3A_593, %parallel_loop3A_753 : vector<16xf32>
        %parallel_loop3A_794 = arith.constant 112 : i32
        %parallel_loop3A_795 = arith.addi %parallel_loop3A_757, %parallel_loop3A_794 : i32
        %parallel_loop3A_796 = arith.index_cast %parallel_loop3A_795 : i32 to index
        %parallel_loop3A_797 = tpu.vector_load %arg11[%parallel_loop3A_796] {strides = array<i32>} : memref<51200xf32, #tpu.memory_space<vmem>>, vector<16xf32>,
        tpu.vector_store %arg11[%parallel_loop3A_796], %parallel_loop3A_793 {strides = array<i32>} : memref<51200xf32, #tpu.memory_space<vmem>>, vector<16xf32>,
        %parallel_loop3A_798 = arith.constant 9 : i32
        %parallel_loop3A_799 = vector.broadcast %parallel_loop3A_798 : i32 to vector<16x1xi32>
        %parallel_loop3A_800 = vector.shape_cast %parallel_loop3A_799 : vector<16x1xi32> to vector<16xi32>
        %parallel_loop3A_801 = tpu.dynamic_gather %parallel_loop3A_125[%parallel_loop3A_800] in [0] : vector<16xf32>, vector<16xi32> -> vector<16xf32>
        %parallel_loop3A_802 = arith.constant 9 : i32
        %parallel_loop3A_803 = arith.addi %parallel_loop3A_118, %parallel_loop3A_802 : i32
        %parallel_loop3A_804 = arith.constant 128 : i32
        %parallel_loop3A_805 = arith.muli %parallel_loop3A_803, %parallel_loop3A_804 : i32
        %parallel_loop3A_806 = arith.mulf %parallel_loop3A_599, %parallel_loop3A_801 : vector<16xf32>
        %parallel_loop3A_807 = arith.constant 0 : i32
        %parallel_loop3A_808 = arith.addi %parallel_loop3A_805, %parallel_loop3A_807 : i32
        %parallel_loop3A_809 = arith.index_cast %parallel_loop3A_808 : i32 to index
        %parallel_loop3A_810 = tpu.vector_load %arg11[%parallel_loop3A_809] {strides = array<i32>} : memref<51200xf32, #tpu.memory_space<vmem>>, vector<16xf32>,
        tpu.vector_store %arg11[%parallel_loop3A_809], %parallel_loop3A_806 {strides = array<i32>} : memref<51200xf32, #tpu.memory_space<vmem>>, vector<16xf32>,
        %parallel_loop3A_811 = arith.mulf %parallel_loop3A_601, %parallel_loop3A_801 : vector<16xf32>
        %parallel_loop3A_812 = arith.constant 16 : i32
        %parallel_loop3A_813 = arith.addi %parallel_loop3A_805, %parallel_loop3A_812 : i32
        %parallel_loop3A_814 = arith.index_cast %parallel_loop3A_813 : i32 to index
        %parallel_loop3A_815 = tpu.vector_load %arg11[%parallel_loop3A_814] {strides = array<i32>} : memref<51200xf32, #tpu.memory_space<vmem>>, vector<16xf32>,
        tpu.vector_store %arg11[%parallel_loop3A_814], %parallel_loop3A_811 {strides = array<i32>} : memref<51200xf32, #tpu.memory_space<vmem>>, vector<16xf32>,
        %parallel_loop3A_816 = arith.mulf %parallel_loop3A_603, %parallel_loop3A_801 : vector<16xf32>
        %parallel_loop3A_817 = arith.constant 32 : i32
        %parallel_loop3A_818 = arith.addi %parallel_loop3A_805, %parallel_loop3A_817 : i32
        %parallel_loop3A_819 = arith.index_cast %parallel_loop3A_818 : i32 to index
        %parallel_loop3A_820 = tpu.vector_load %arg11[%parallel_loop3A_819] {strides = array<i32>} : memref<51200xf32, #tpu.memory_space<vmem>>, vector<16xf32>,
        tpu.vector_store %arg11[%parallel_loop3A_819], %parallel_loop3A_816 {strides = array<i32>} : memref<51200xf32, #tpu.memory_space<vmem>>, vector<16xf32>,
        %parallel_loop3A_821 = arith.mulf %parallel_loop3A_605, %parallel_loop3A_801 : vector<16xf32>
        %parallel_loop3A_822 = arith.constant 48 : i32
        %parallel_loop3A_823 = arith.addi %parallel_loop3A_805, %parallel_loop3A_822 : i32
        %parallel_loop3A_824 = arith.index_cast %parallel_loop3A_823 : i32 to index
        %parallel_loop3A_825 = tpu.vector_load %arg11[%parallel_loop3A_824] {strides = array<i32>} : memref<51200xf32, #tpu.memory_space<vmem>>, vector<16xf32>,
        tpu.vector_store %arg11[%parallel_loop3A_824], %parallel_loop3A_821 {strides = array<i32>} : memref<51200xf32, #tpu.memory_space<vmem>>, vector<16xf32>,
        %parallel_loop3A_826 = arith.mulf %parallel_loop3A_607, %parallel_loop3A_801 : vector<16xf32>
        %parallel_loop3A_827 = arith.constant 64 : i32
        %parallel_loop3A_828 = arith.addi %parallel_loop3A_805, %parallel_loop3A_827 : i32
        %parallel_loop3A_829 = arith.index_cast %parallel_loop3A_828 : i32 to index
        %parallel_loop3A_830 = tpu.vector_load %arg11[%parallel_loop3A_829] {strides = array<i32>} : memref<51200xf32, #tpu.memory_space<vmem>>, vector<16xf32>,
        tpu.vector_store %arg11[%parallel_loop3A_829], %parallel_loop3A_826 {strides = array<i32>} : memref<51200xf32, #tpu.memory_space<vmem>>, vector<16xf32>,
        %parallel_loop3A_831 = arith.mulf %parallel_loop3A_609, %parallel_loop3A_801 : vector<16xf32>
        %parallel_loop3A_832 = arith.constant 80 : i32
        %parallel_loop3A_833 = arith.addi %parallel_loop3A_805, %parallel_loop3A_832 : i32
        %parallel_loop3A_834 = arith.index_cast %parallel_loop3A_833 : i32 to index
        %parallel_loop3A_835 = tpu.vector_load %arg11[%parallel_loop3A_834] {strides = array<i32>} : memref<51200xf32, #tpu.memory_space<vmem>>, vector<16xf32>,
        tpu.vector_store %arg11[%parallel_loop3A_834], %parallel_loop3A_831 {strides = array<i32>} : memref<51200xf32, #tpu.memory_space<vmem>>, vector<16xf32>,
        %parallel_loop3A_836 = arith.mulf %parallel_loop3A_611, %parallel_loop3A_801 : vector<16xf32>
        %parallel_loop3A_837 = arith.constant 96 : i32
        %parallel_loop3A_838 = arith.addi %parallel_loop3A_805, %parallel_loop3A_837 : i32
        %parallel_loop3A_839 = arith.index_cast %parallel_loop3A_838 : i32 to index
        %parallel_loop3A_840 = tpu.vector_load %arg11[%parallel_loop3A_839] {strides = array<i32>} : memref<51200xf32, #tpu.memory_space<vmem>>, vector<16xf32>,
        tpu.vector_store %arg11[%parallel_loop3A_839], %parallel_loop3A_836 {strides = array<i32>} : memref<51200xf32, #tpu.memory_space<vmem>>, vector<16xf32>,
        %parallel_loop3A_841 = arith.mulf %parallel_loop3A_613, %parallel_loop3A_801 : vector<16xf32>
        %parallel_loop3A_842 = arith.constant 112 : i32
        %parallel_loop3A_843 = arith.addi %parallel_loop3A_805, %parallel_loop3A_842 : i32
        %parallel_loop3A_844 = arith.index_cast %parallel_loop3A_843 : i32 to index
        %parallel_loop3A_845 = tpu.vector_load %arg11[%parallel_loop3A_844] {strides = array<i32>} : memref<51200xf32, #tpu.memory_space<vmem>>, vector<16xf32>,
        tpu.vector_store %arg11[%parallel_loop3A_844], %parallel_loop3A_841 {strides = array<i32>} : memref<51200xf32, #tpu.memory_space<vmem>>, vector<16xf32>,
        %parallel_loop3A_846 = arith.constant 12 : i32
        %parallel_loop3A_847 = vector.broadcast %parallel_loop3A_846 : i32 to vector<16x1xi32>
        %parallel_loop3A_848 = vector.shape_cast %parallel_loop3A_847 : vector<16x1xi32> to vector<16xi32>
        %parallel_loop3A_849 = tpu.dynamic_gather %parallel_loop3A_123[%parallel_loop3A_848] in [0] : vector<16xi32>, vector<16xi32> -> vector<16xi32>
        %parallel_loop3A_850 = arith.addi %parallel_loop3A_849, %add3A_5 : vector<16xi32>
        %parallel_loop3A_851 = tpu.vector_load_idx %arg6[%parallel_loop3A_850] : memref<6528xf32, #tpu.memory_space<vmem>>[vector<16xi32>], vector<16xf32>,
        %parallel_loop3A_852 = arith.addi %parallel_loop3A_849, %add3A_8 : vector<16xi32>
        %parallel_loop3A_853 = tpu.vector_load_idx %arg6[%parallel_loop3A_852] : memref<6528xf32, #tpu.memory_space<vmem>>[vector<16xi32>], vector<16xf32>,
        %parallel_loop3A_854 = arith.addi %parallel_loop3A_849, %add3A_11 : vector<16xi32>
        %parallel_loop3A_855 = tpu.vector_load_idx %arg6[%parallel_loop3A_854] : memref<6528xf32, #tpu.memory_space<vmem>>[vector<16xi32>], vector<16xf32>,
        %parallel_loop3A_856 = arith.addi %parallel_loop3A_849, %add3A_14 : vector<16xi32>
        %parallel_loop3A_857 = tpu.vector_load_idx %arg6[%parallel_loop3A_856] : memref<6528xf32, #tpu.memory_space<vmem>>[vector<16xi32>], vector<16xf32>,
        %parallel_loop3A_858 = arith.addi %parallel_loop3A_849, %add3A_17 : vector<16xi32>
        %parallel_loop3A_859 = tpu.vector_load_idx %arg6[%parallel_loop3A_858] : memref<6528xf32, #tpu.memory_space<vmem>>[vector<16xi32>], vector<16xf32>,
        %parallel_loop3A_860 = arith.addi %parallel_loop3A_849, %add3A_20 : vector<16xi32>
        %parallel_loop3A_861 = tpu.vector_load_idx %arg6[%parallel_loop3A_860] : memref<6528xf32, #tpu.memory_space<vmem>>[vector<16xi32>], vector<16xf32>,
        %parallel_loop3A_862 = arith.addi %parallel_loop3A_849, %add3A_23 : vector<16xi32>
        %parallel_loop3A_863 = tpu.vector_load_idx %arg6[%parallel_loop3A_862] : memref<6528xf32, #tpu.memory_space<vmem>>[vector<16xi32>], vector<16xf32>,
        %parallel_loop3A_864 = arith.addi %parallel_loop3A_849, %add3A_26 : vector<16xi32>
        %parallel_loop3A_865 = tpu.vector_load_idx %arg6[%parallel_loop3A_864] : memref<6528xf32, #tpu.memory_space<vmem>>[vector<16xi32>], vector<16xf32>,
        %parallel_loop3A_866 = arith.constant 13 : i32
        %parallel_loop3A_867 = vector.broadcast %parallel_loop3A_866 : i32 to vector<16x1xi32>
        %parallel_loop3A_868 = vector.shape_cast %parallel_loop3A_867 : vector<16x1xi32> to vector<16xi32>
        %parallel_loop3A_869 = tpu.dynamic_gather %parallel_loop3A_123[%parallel_loop3A_868] in [0] : vector<16xi32>, vector<16xi32> -> vector<16xi32>
        %parallel_loop3A_870 = arith.addi %parallel_loop3A_869, %add3A_5 : vector<16xi32>
        %parallel_loop3A_871 = tpu.vector_load_idx %arg6[%parallel_loop3A_870] : memref<6528xf32, #tpu.memory_space<vmem>>[vector<16xi32>], vector<16xf32>,
        %parallel_loop3A_872 = arith.addi %parallel_loop3A_869, %add3A_8 : vector<16xi32>
        %parallel_loop3A_873 = tpu.vector_load_idx %arg6[%parallel_loop3A_872] : memref<6528xf32, #tpu.memory_space<vmem>>[vector<16xi32>], vector<16xf32>,
        %parallel_loop3A_874 = arith.addi %parallel_loop3A_869, %add3A_11 : vector<16xi32>
        %parallel_loop3A_875 = tpu.vector_load_idx %arg6[%parallel_loop3A_874] : memref<6528xf32, #tpu.memory_space<vmem>>[vector<16xi32>], vector<16xf32>,
        %parallel_loop3A_876 = arith.addi %parallel_loop3A_869, %add3A_14 : vector<16xi32>
        %parallel_loop3A_877 = tpu.vector_load_idx %arg6[%parallel_loop3A_876] : memref<6528xf32, #tpu.memory_space<vmem>>[vector<16xi32>], vector<16xf32>,
        %parallel_loop3A_878 = arith.addi %parallel_loop3A_869, %add3A_17 : vector<16xi32>
        %parallel_loop3A_879 = tpu.vector_load_idx %arg6[%parallel_loop3A_878] : memref<6528xf32, #tpu.memory_space<vmem>>[vector<16xi32>], vector<16xf32>,
        %parallel_loop3A_880 = arith.addi %parallel_loop3A_869, %add3A_20 : vector<16xi32>
        %parallel_loop3A_881 = tpu.vector_load_idx %arg6[%parallel_loop3A_880] : memref<6528xf32, #tpu.memory_space<vmem>>[vector<16xi32>], vector<16xf32>,
        %parallel_loop3A_882 = arith.addi %parallel_loop3A_869, %add3A_23 : vector<16xi32>
        %parallel_loop3A_883 = tpu.vector_load_idx %arg6[%parallel_loop3A_882] : memref<6528xf32, #tpu.memory_space<vmem>>[vector<16xi32>], vector<16xf32>,
        %parallel_loop3A_884 = arith.addi %parallel_loop3A_869, %add3A_26 : vector<16xi32>
        %parallel_loop3A_885 = tpu.vector_load_idx %arg6[%parallel_loop3A_884] : memref<6528xf32, #tpu.memory_space<vmem>>[vector<16xi32>], vector<16xf32>,
        %parallel_loop3A_886 = arith.constant 10 : i32
        %parallel_loop3A_887 = vector.broadcast %parallel_loop3A_886 : i32 to vector<16x1xi32>
        %parallel_loop3A_888 = vector.shape_cast %parallel_loop3A_887 : vector<16x1xi32> to vector<16xi32>
        %parallel_loop3A_889 = tpu.dynamic_gather %parallel_loop3A_125[%parallel_loop3A_888] in [0] : vector<16xf32>, vector<16xi32> -> vector<16xf32>
        %parallel_loop3A_890 = arith.constant 10 : i32
        %parallel_loop3A_891 = arith.addi %parallel_loop3A_118, %parallel_loop3A_890 : i32
        %parallel_loop3A_892 = arith.constant 128 : i32
        %parallel_loop3A_893 = arith.muli %parallel_loop3A_891, %parallel_loop3A_892 : i32
        %parallel_loop3A_894 = arith.mulf %parallel_loop3A_715, %parallel_loop3A_889 : vector<16xf32>
        %parallel_loop3A_895 = arith.constant 0 : i32
        %parallel_loop3A_896 = arith.addi %parallel_loop3A_893, %parallel_loop3A_895 : i32
        %parallel_loop3A_897 = arith.index_cast %parallel_loop3A_896 : i32 to index
        %parallel_loop3A_898 = tpu.vector_load %arg11[%parallel_loop3A_897] {strides = array<i32>} : memref<51200xf32, #tpu.memory_space<vmem>>, vector<16xf32>,
        tpu.vector_store %arg11[%parallel_loop3A_897], %parallel_loop3A_894 {strides = array<i32>} : memref<51200xf32, #tpu.memory_space<vmem>>, vector<16xf32>,
        %parallel_loop3A_899 = arith.mulf %parallel_loop3A_717, %parallel_loop3A_889 : vector<16xf32>
        %parallel_loop3A_900 = arith.constant 16 : i32
        %parallel_loop3A_901 = arith.addi %parallel_loop3A_893, %parallel_loop3A_900 : i32
        %parallel_loop3A_902 = arith.index_cast %parallel_loop3A_901 : i32 to index
        %parallel_loop3A_903 = tpu.vector_load %arg11[%parallel_loop3A_902] {strides = array<i32>} : memref<51200xf32, #tpu.memory_space<vmem>>, vector<16xf32>,
        tpu.vector_store %arg11[%parallel_loop3A_902], %parallel_loop3A_899 {strides = array<i32>} : memref<51200xf32, #tpu.memory_space<vmem>>, vector<16xf32>,
        %parallel_loop3A_904 = arith.mulf %parallel_loop3A_719, %parallel_loop3A_889 : vector<16xf32>
        %parallel_loop3A_905 = arith.constant 32 : i32
        %parallel_loop3A_906 = arith.addi %parallel_loop3A_893, %parallel_loop3A_905 : i32
        %parallel_loop3A_907 = arith.index_cast %parallel_loop3A_906 : i32 to index
        %parallel_loop3A_908 = tpu.vector_load %arg11[%parallel_loop3A_907] {strides = array<i32>} : memref<51200xf32, #tpu.memory_space<vmem>>, vector<16xf32>,
        tpu.vector_store %arg11[%parallel_loop3A_907], %parallel_loop3A_904 {strides = array<i32>} : memref<51200xf32, #tpu.memory_space<vmem>>, vector<16xf32>,
        %parallel_loop3A_909 = arith.mulf %parallel_loop3A_721, %parallel_loop3A_889 : vector<16xf32>
        %parallel_loop3A_910 = arith.constant 48 : i32
        %parallel_loop3A_911 = arith.addi %parallel_loop3A_893, %parallel_loop3A_910 : i32
        %parallel_loop3A_912 = arith.index_cast %parallel_loop3A_911 : i32 to index
        %parallel_loop3A_913 = tpu.vector_load %arg11[%parallel_loop3A_912] {strides = array<i32>} : memref<51200xf32, #tpu.memory_space<vmem>>, vector<16xf32>,
        tpu.vector_store %arg11[%parallel_loop3A_912], %parallel_loop3A_909 {strides = array<i32>} : memref<51200xf32, #tpu.memory_space<vmem>>, vector<16xf32>,
        %parallel_loop3A_914 = arith.mulf %parallel_loop3A_723, %parallel_loop3A_889 : vector<16xf32>
        %parallel_loop3A_915 = arith.constant 64 : i32
        %parallel_loop3A_916 = arith.addi %parallel_loop3A_893, %parallel_loop3A_915 : i32
        %parallel_loop3A_917 = arith.index_cast %parallel_loop3A_916 : i32 to index
        %parallel_loop3A_918 = tpu.vector_load %arg11[%parallel_loop3A_917] {strides = array<i32>} : memref<51200xf32, #tpu.memory_space<vmem>>, vector<16xf32>,
        tpu.vector_store %arg11[%parallel_loop3A_917], %parallel_loop3A_914 {strides = array<i32>} : memref<51200xf32, #tpu.memory_space<vmem>>, vector<16xf32>,
        %parallel_loop3A_919 = arith.mulf %parallel_loop3A_725, %parallel_loop3A_889 : vector<16xf32>
        %parallel_loop3A_920 = arith.constant 80 : i32
        %parallel_loop3A_921 = arith.addi %parallel_loop3A_893, %parallel_loop3A_920 : i32
        %parallel_loop3A_922 = arith.index_cast %parallel_loop3A_921 : i32 to index
        %parallel_loop3A_923 = tpu.vector_load %arg11[%parallel_loop3A_922] {strides = array<i32>} : memref<51200xf32, #tpu.memory_space<vmem>>, vector<16xf32>,
        tpu.vector_store %arg11[%parallel_loop3A_922], %parallel_loop3A_919 {strides = array<i32>} : memref<51200xf32, #tpu.memory_space<vmem>>, vector<16xf32>,
        %parallel_loop3A_924 = arith.mulf %parallel_loop3A_727, %parallel_loop3A_889 : vector<16xf32>
        %parallel_loop3A_925 = arith.constant 96 : i32
        %parallel_loop3A_926 = arith.addi %parallel_loop3A_893, %parallel_loop3A_925 : i32
        %parallel_loop3A_927 = arith.index_cast %parallel_loop3A_926 : i32 to index
        %parallel_loop3A_928 = tpu.vector_load %arg11[%parallel_loop3A_927] {strides = array<i32>} : memref<51200xf32, #tpu.memory_space<vmem>>, vector<16xf32>,
        tpu.vector_store %arg11[%parallel_loop3A_927], %parallel_loop3A_924 {strides = array<i32>} : memref<51200xf32, #tpu.memory_space<vmem>>, vector<16xf32>,
        %parallel_loop3A_929 = arith.mulf %parallel_loop3A_729, %parallel_loop3A_889 : vector<16xf32>
        %parallel_loop3A_930 = arith.constant 112 : i32
        %parallel_loop3A_931 = arith.addi %parallel_loop3A_893, %parallel_loop3A_930 : i32
        %parallel_loop3A_932 = arith.index_cast %parallel_loop3A_931 : i32 to index
        %parallel_loop3A_933 = tpu.vector_load %arg11[%parallel_loop3A_932] {strides = array<i32>} : memref<51200xf32, #tpu.memory_space<vmem>>, vector<16xf32>,
        tpu.vector_store %arg11[%parallel_loop3A_932], %parallel_loop3A_929 {strides = array<i32>} : memref<51200xf32, #tpu.memory_space<vmem>>, vector<16xf32>,
        %parallel_loop3A_934 = arith.constant 11 : i32
        %parallel_loop3A_935 = vector.broadcast %parallel_loop3A_934 : i32 to vector<16x1xi32>
        %parallel_loop3A_936 = vector.shape_cast %parallel_loop3A_935 : vector<16x1xi32> to vector<16xi32>
        %parallel_loop3A_937 = tpu.dynamic_gather %parallel_loop3A_125[%parallel_loop3A_936] in [0] : vector<16xf32>, vector<16xi32> -> vector<16xf32>
        %parallel_loop3A_938 = arith.constant 11 : i32
        %parallel_loop3A_939 = arith.addi %parallel_loop3A_118, %parallel_loop3A_938 : i32
        %parallel_loop3A_940 = arith.constant 128 : i32
        %parallel_loop3A_941 = arith.muli %parallel_loop3A_939, %parallel_loop3A_940 : i32
        %parallel_loop3A_942 = arith.mulf %parallel_loop3A_735, %parallel_loop3A_937 : vector<16xf32>
        %parallel_loop3A_943 = arith.constant 0 : i32
        %parallel_loop3A_944 = arith.addi %parallel_loop3A_941, %parallel_loop3A_943 : i32
        %parallel_loop3A_945 = arith.index_cast %parallel_loop3A_944 : i32 to index
        %parallel_loop3A_946 = tpu.vector_load %arg11[%parallel_loop3A_945] {strides = array<i32>} : memref<51200xf32, #tpu.memory_space<vmem>>, vector<16xf32>,
        tpu.vector_store %arg11[%parallel_loop3A_945], %parallel_loop3A_942 {strides = array<i32>} : memref<51200xf32, #tpu.memory_space<vmem>>, vector<16xf32>,
        %parallel_loop3A_947 = arith.mulf %parallel_loop3A_737, %parallel_loop3A_937 : vector<16xf32>
        %parallel_loop3A_948 = arith.constant 16 : i32
        %parallel_loop3A_949 = arith.addi %parallel_loop3A_941, %parallel_loop3A_948 : i32
        %parallel_loop3A_950 = arith.index_cast %parallel_loop3A_949 : i32 to index
        %parallel_loop3A_951 = tpu.vector_load %arg11[%parallel_loop3A_950] {strides = array<i32>} : memref<51200xf32, #tpu.memory_space<vmem>>, vector<16xf32>,
        tpu.vector_store %arg11[%parallel_loop3A_950], %parallel_loop3A_947 {strides = array<i32>} : memref<51200xf32, #tpu.memory_space<vmem>>, vector<16xf32>,
        %parallel_loop3A_952 = arith.mulf %parallel_loop3A_739, %parallel_loop3A_937 : vector<16xf32>
        %parallel_loop3A_953 = arith.constant 32 : i32
        %parallel_loop3A_954 = arith.addi %parallel_loop3A_941, %parallel_loop3A_953 : i32
        %parallel_loop3A_955 = arith.index_cast %parallel_loop3A_954 : i32 to index
        %parallel_loop3A_956 = tpu.vector_load %arg11[%parallel_loop3A_955] {strides = array<i32>} : memref<51200xf32, #tpu.memory_space<vmem>>, vector<16xf32>,
        tpu.vector_store %arg11[%parallel_loop3A_955], %parallel_loop3A_952 {strides = array<i32>} : memref<51200xf32, #tpu.memory_space<vmem>>, vector<16xf32>,
        %parallel_loop3A_957 = arith.mulf %parallel_loop3A_741, %parallel_loop3A_937 : vector<16xf32>
        %parallel_loop3A_958 = arith.constant 48 : i32
        %parallel_loop3A_959 = arith.addi %parallel_loop3A_941, %parallel_loop3A_958 : i32
        %parallel_loop3A_960 = arith.index_cast %parallel_loop3A_959 : i32 to index
        %parallel_loop3A_961 = tpu.vector_load %arg11[%parallel_loop3A_960] {strides = array<i32>} : memref<51200xf32, #tpu.memory_space<vmem>>, vector<16xf32>,
        tpu.vector_store %arg11[%parallel_loop3A_960], %parallel_loop3A_957 {strides = array<i32>} : memref<51200xf32, #tpu.memory_space<vmem>>, vector<16xf32>,
        %parallel_loop3A_962 = arith.mulf %parallel_loop3A_743, %parallel_loop3A_937 : vector<16xf32>
        %parallel_loop3A_963 = arith.constant 64 : i32
        %parallel_loop3A_964 = arith.addi %parallel_loop3A_941, %parallel_loop3A_963 : i32
        %parallel_loop3A_965 = arith.index_cast %parallel_loop3A_964 : i32 to index
        %parallel_loop3A_966 = tpu.vector_load %arg11[%parallel_loop3A_965] {strides = array<i32>} : memref<51200xf32, #tpu.memory_space<vmem>>, vector<16xf32>,
        tpu.vector_store %arg11[%parallel_loop3A_965], %parallel_loop3A_962 {strides = array<i32>} : memref<51200xf32, #tpu.memory_space<vmem>>, vector<16xf32>,
        %parallel_loop3A_967 = arith.mulf %parallel_loop3A_745, %parallel_loop3A_937 : vector<16xf32>
        %parallel_loop3A_968 = arith.constant 80 : i32
        %parallel_loop3A_969 = arith.addi %parallel_loop3A_941, %parallel_loop3A_968 : i32
        %parallel_loop3A_970 = arith.index_cast %parallel_loop3A_969 : i32 to index
        %parallel_loop3A_971 = tpu.vector_load %arg11[%parallel_loop3A_970] {strides = array<i32>} : memref<51200xf32, #tpu.memory_space<vmem>>, vector<16xf32>,
        tpu.vector_store %arg11[%parallel_loop3A_970], %parallel_loop3A_967 {strides = array<i32>} : memref<51200xf32, #tpu.memory_space<vmem>>, vector<16xf32>,
        %parallel_loop3A_972 = arith.mulf %parallel_loop3A_747, %parallel_loop3A_937 : vector<16xf32>
        %parallel_loop3A_973 = arith.constant 96 : i32
        %parallel_loop3A_974 = arith.addi %parallel_loop3A_941, %parallel_loop3A_973 : i32
        %parallel_loop3A_975 = arith.index_cast %parallel_loop3A_974 : i32 to index
        %parallel_loop3A_976 = tpu.vector_load %arg11[%parallel_loop3A_975] {strides = array<i32>} : memref<51200xf32, #tpu.memory_space<vmem>>, vector<16xf32>,
        tpu.vector_store %arg11[%parallel_loop3A_975], %parallel_loop3A_972 {strides = array<i32>} : memref<51200xf32, #tpu.memory_space<vmem>>, vector<16xf32>,
        %parallel_loop3A_977 = arith.mulf %parallel_loop3A_749, %parallel_loop3A_937 : vector<16xf32>
        %parallel_loop3A_978 = arith.constant 112 : i32
        %parallel_loop3A_979 = arith.addi %parallel_loop3A_941, %parallel_loop3A_978 : i32
        %parallel_loop3A_980 = arith.index_cast %parallel_loop3A_979 : i32 to index
        %parallel_loop3A_981 = tpu.vector_load %arg11[%parallel_loop3A_980] {strides = array<i32>} : memref<51200xf32, #tpu.memory_space<vmem>>, vector<16xf32>,
        tpu.vector_store %arg11[%parallel_loop3A_980], %parallel_loop3A_977 {strides = array<i32>} : memref<51200xf32, #tpu.memory_space<vmem>>, vector<16xf32>,
        %parallel_loop3A_982 = arith.constant 14 : i32
        %parallel_loop3A_983 = vector.broadcast %parallel_loop3A_982 : i32 to vector<16x1xi32>
        %parallel_loop3A_984 = vector.shape_cast %parallel_loop3A_983 : vector<16x1xi32> to vector<16xi32>
        %parallel_loop3A_985 = tpu.dynamic_gather %parallel_loop3A_123[%parallel_loop3A_984] in [0] : vector<16xi32>, vector<16xi32> -> vector<16xi32>
        %parallel_loop3A_986 = arith.addi %parallel_loop3A_985, %add3A_5 : vector<16xi32>
        %parallel_loop3A_987 = tpu.vector_load_idx %arg6[%parallel_loop3A_986] : memref<6528xf32, #tpu.memory_space<vmem>>[vector<16xi32>], vector<16xf32>,
        %parallel_loop3A_988 = arith.addi %parallel_loop3A_985, %add3A_8 : vector<16xi32>
        %parallel_loop3A_989 = tpu.vector_load_idx %arg6[%parallel_loop3A_988] : memref<6528xf32, #tpu.memory_space<vmem>>[vector<16xi32>], vector<16xf32>,
        %parallel_loop3A_990 = arith.addi %parallel_loop3A_985, %add3A_11 : vector<16xi32>
        %parallel_loop3A_991 = tpu.vector_load_idx %arg6[%parallel_loop3A_990] : memref<6528xf32, #tpu.memory_space<vmem>>[vector<16xi32>], vector<16xf32>,
        %parallel_loop3A_992 = arith.addi %parallel_loop3A_985, %add3A_14 : vector<16xi32>
        %parallel_loop3A_993 = tpu.vector_load_idx %arg6[%parallel_loop3A_992] : memref<6528xf32, #tpu.memory_space<vmem>>[vector<16xi32>], vector<16xf32>,
        %parallel_loop3A_994 = arith.addi %parallel_loop3A_985, %add3A_17 : vector<16xi32>
        %parallel_loop3A_995 = tpu.vector_load_idx %arg6[%parallel_loop3A_994] : memref<6528xf32, #tpu.memory_space<vmem>>[vector<16xi32>], vector<16xf32>,
        %parallel_loop3A_996 = arith.addi %parallel_loop3A_985, %add3A_20 : vector<16xi32>
        %parallel_loop3A_997 = tpu.vector_load_idx %arg6[%parallel_loop3A_996] : memref<6528xf32, #tpu.memory_space<vmem>>[vector<16xi32>], vector<16xf32>,
        %parallel_loop3A_998 = arith.addi %parallel_loop3A_985, %add3A_23 : vector<16xi32>
        %parallel_loop3A_999 = tpu.vector_load_idx %arg6[%parallel_loop3A_998] : memref<6528xf32, #tpu.memory_space<vmem>>[vector<16xi32>], vector<16xf32>,
        %parallel_loop3A_1000 = arith.addi %parallel_loop3A_985, %add3A_26 : vector<16xi32>
        %parallel_loop3A_1001 = tpu.vector_load_idx %arg6[%parallel_loop3A_1000] : memref<6528xf32, #tpu.memory_space<vmem>>[vector<16xi32>], vector<16xf32>,
        %parallel_loop3A_1002 = arith.constant 15 : i32
        %parallel_loop3A_1003 = vector.broadcast %parallel_loop3A_1002 : i32 to vector<16x1xi32>
        %parallel_loop3A_1004 = vector.shape_cast %parallel_loop3A_1003 : vector<16x1xi32> to vector<16xi32>
        %parallel_loop3A_1005 = tpu.dynamic_gather %parallel_loop3A_123[%parallel_loop3A_1004] in [0] : vector<16xi32>, vector<16xi32> -> vector<16xi32>
        %parallel_loop3A_1006 = arith.addi %parallel_loop3A_1005, %add3A_5 : vector<16xi32>
        %parallel_loop3A_1007 = tpu.vector_load_idx %arg6[%parallel_loop3A_1006] : memref<6528xf32, #tpu.memory_space<vmem>>[vector<16xi32>], vector<16xf32>,
        %parallel_loop3A_1008 = arith.addi %parallel_loop3A_1005, %add3A_8 : vector<16xi32>
        %parallel_loop3A_1009 = tpu.vector_load_idx %arg6[%parallel_loop3A_1008] : memref<6528xf32, #tpu.memory_space<vmem>>[vector<16xi32>], vector<16xf32>,
        %parallel_loop3A_1010 = arith.addi %parallel_loop3A_1005, %add3A_11 : vector<16xi32>
        %parallel_loop3A_1011 = tpu.vector_load_idx %arg6[%parallel_loop3A_1010] : memref<6528xf32, #tpu.memory_space<vmem>>[vector<16xi32>], vector<16xf32>,
        %parallel_loop3A_1012 = arith.addi %parallel_loop3A_1005, %add3A_14 : vector<16xi32>
        %parallel_loop3A_1013 = tpu.vector_load_idx %arg6[%parallel_loop3A_1012] : memref<6528xf32, #tpu.memory_space<vmem>>[vector<16xi32>], vector<16xf32>,
        %parallel_loop3A_1014 = arith.addi %parallel_loop3A_1005, %add3A_17 : vector<16xi32>
        %parallel_loop3A_1015 = tpu.vector_load_idx %arg6[%parallel_loop3A_1014] : memref<6528xf32, #tpu.memory_space<vmem>>[vector<16xi32>], vector<16xf32>,
        %parallel_loop3A_1016 = arith.addi %parallel_loop3A_1005, %add3A_20 : vector<16xi32>
        %parallel_loop3A_1017 = tpu.vector_load_idx %arg6[%parallel_loop3A_1016] : memref<6528xf32, #tpu.memory_space<vmem>>[vector<16xi32>], vector<16xf32>,
        %parallel_loop3A_1018 = arith.addi %parallel_loop3A_1005, %add3A_23 : vector<16xi32>
        %parallel_loop3A_1019 = tpu.vector_load_idx %arg6[%parallel_loop3A_1018] : memref<6528xf32, #tpu.memory_space<vmem>>[vector<16xi32>], vector<16xf32>,
        %parallel_loop3A_1020 = arith.addi %parallel_loop3A_1005, %add3A_26 : vector<16xi32>
        %parallel_loop3A_1021 = tpu.vector_load_idx %arg6[%parallel_loop3A_1020] : memref<6528xf32, #tpu.memory_space<vmem>>[vector<16xi32>], vector<16xf32>,
        %parallel_loop3A_1022 = arith.constant 12 : i32
        %parallel_loop3A_1023 = vector.broadcast %parallel_loop3A_1022 : i32 to vector<16x1xi32>
        %parallel_loop3A_1024 = vector.shape_cast %parallel_loop3A_1023 : vector<16x1xi32> to vector<16xi32>
        %parallel_loop3A_1025 = tpu.dynamic_gather %parallel_loop3A_125[%parallel_loop3A_1024] in [0] : vector<16xf32>, vector<16xi32> -> vector<16xf32>
        %parallel_loop3A_1026 = arith.constant 12 : i32
        %parallel_loop3A_1027 = arith.addi %parallel_loop3A_118, %parallel_loop3A_1026 : i32
        %parallel_loop3A_1028 = arith.constant 128 : i32
        %parallel_loop3A_1029 = arith.muli %parallel_loop3A_1027, %parallel_loop3A_1028 : i32
        %parallel_loop3A_1030 = arith.mulf %parallel_loop3A_851, %parallel_loop3A_1025 : vector<16xf32>
        %parallel_loop3A_1031 = arith.constant 0 : i32
        %parallel_loop3A_1032 = arith.addi %parallel_loop3A_1029, %parallel_loop3A_1031 : i32
        %parallel_loop3A_1033 = arith.index_cast %parallel_loop3A_1032 : i32 to index
        %parallel_loop3A_1034 = tpu.vector_load %arg11[%parallel_loop3A_1033] {strides = array<i32>} : memref<51200xf32, #tpu.memory_space<vmem>>, vector<16xf32>,
        tpu.vector_store %arg11[%parallel_loop3A_1033], %parallel_loop3A_1030 {strides = array<i32>} : memref<51200xf32, #tpu.memory_space<vmem>>, vector<16xf32>,
        %parallel_loop3A_1035 = arith.mulf %parallel_loop3A_853, %parallel_loop3A_1025 : vector<16xf32>
        %parallel_loop3A_1036 = arith.constant 16 : i32
        %parallel_loop3A_1037 = arith.addi %parallel_loop3A_1029, %parallel_loop3A_1036 : i32
        %parallel_loop3A_1038 = arith.index_cast %parallel_loop3A_1037 : i32 to index
        %parallel_loop3A_1039 = tpu.vector_load %arg11[%parallel_loop3A_1038] {strides = array<i32>} : memref<51200xf32, #tpu.memory_space<vmem>>, vector<16xf32>,
        tpu.vector_store %arg11[%parallel_loop3A_1038], %parallel_loop3A_1035 {strides = array<i32>} : memref<51200xf32, #tpu.memory_space<vmem>>, vector<16xf32>,
        %parallel_loop3A_1040 = arith.mulf %parallel_loop3A_855, %parallel_loop3A_1025 : vector<16xf32>
        %parallel_loop3A_1041 = arith.constant 32 : i32
        %parallel_loop3A_1042 = arith.addi %parallel_loop3A_1029, %parallel_loop3A_1041 : i32
        %parallel_loop3A_1043 = arith.index_cast %parallel_loop3A_1042 : i32 to index
        %parallel_loop3A_1044 = tpu.vector_load %arg11[%parallel_loop3A_1043] {strides = array<i32>} : memref<51200xf32, #tpu.memory_space<vmem>>, vector<16xf32>,
        tpu.vector_store %arg11[%parallel_loop3A_1043], %parallel_loop3A_1040 {strides = array<i32>} : memref<51200xf32, #tpu.memory_space<vmem>>, vector<16xf32>,
        %parallel_loop3A_1045 = arith.mulf %parallel_loop3A_857, %parallel_loop3A_1025 : vector<16xf32>
        %parallel_loop3A_1046 = arith.constant 48 : i32
        %parallel_loop3A_1047 = arith.addi %parallel_loop3A_1029, %parallel_loop3A_1046 : i32
        %parallel_loop3A_1048 = arith.index_cast %parallel_loop3A_1047 : i32 to index
        %parallel_loop3A_1049 = tpu.vector_load %arg11[%parallel_loop3A_1048] {strides = array<i32>} : memref<51200xf32, #tpu.memory_space<vmem>>, vector<16xf32>,
        tpu.vector_store %arg11[%parallel_loop3A_1048], %parallel_loop3A_1045 {strides = array<i32>} : memref<51200xf32, #tpu.memory_space<vmem>>, vector<16xf32>,
        %parallel_loop3A_1050 = arith.mulf %parallel_loop3A_859, %parallel_loop3A_1025 : vector<16xf32>
        %parallel_loop3A_1051 = arith.constant 64 : i32
        %parallel_loop3A_1052 = arith.addi %parallel_loop3A_1029, %parallel_loop3A_1051 : i32
        %parallel_loop3A_1053 = arith.index_cast %parallel_loop3A_1052 : i32 to index
        %parallel_loop3A_1054 = tpu.vector_load %arg11[%parallel_loop3A_1053] {strides = array<i32>} : memref<51200xf32, #tpu.memory_space<vmem>>, vector<16xf32>,
        tpu.vector_store %arg11[%parallel_loop3A_1053], %parallel_loop3A_1050 {strides = array<i32>} : memref<51200xf32, #tpu.memory_space<vmem>>, vector<16xf32>,
        %parallel_loop3A_1055 = arith.mulf %parallel_loop3A_861, %parallel_loop3A_1025 : vector<16xf32>
        %parallel_loop3A_1056 = arith.constant 80 : i32
        %parallel_loop3A_1057 = arith.addi %parallel_loop3A_1029, %parallel_loop3A_1056 : i32
        %parallel_loop3A_1058 = arith.index_cast %parallel_loop3A_1057 : i32 to index
        %parallel_loop3A_1059 = tpu.vector_load %arg11[%parallel_loop3A_1058] {strides = array<i32>} : memref<51200xf32, #tpu.memory_space<vmem>>, vector<16xf32>,
        tpu.vector_store %arg11[%parallel_loop3A_1058], %parallel_loop3A_1055 {strides = array<i32>} : memref<51200xf32, #tpu.memory_space<vmem>>, vector<16xf32>,
        %parallel_loop3A_1060 = arith.mulf %parallel_loop3A_863, %parallel_loop3A_1025 : vector<16xf32>
        %parallel_loop3A_1061 = arith.constant 96 : i32
        %parallel_loop3A_1062 = arith.addi %parallel_loop3A_1029, %parallel_loop3A_1061 : i32
        %parallel_loop3A_1063 = arith.index_cast %parallel_loop3A_1062 : i32 to index
        %parallel_loop3A_1064 = tpu.vector_load %arg11[%parallel_loop3A_1063] {strides = array<i32>} : memref<51200xf32, #tpu.memory_space<vmem>>, vector<16xf32>,
        tpu.vector_store %arg11[%parallel_loop3A_1063], %parallel_loop3A_1060 {strides = array<i32>} : memref<51200xf32, #tpu.memory_space<vmem>>, vector<16xf32>,
        %parallel_loop3A_1065 = arith.mulf %parallel_loop3A_865, %parallel_loop3A_1025 : vector<16xf32>
        %parallel_loop3A_1066 = arith.constant 112 : i32
        %parallel_loop3A_1067 = arith.addi %parallel_loop3A_1029, %parallel_loop3A_1066 : i32
        %parallel_loop3A_1068 = arith.index_cast %parallel_loop3A_1067 : i32 to index
        %parallel_loop3A_1069 = tpu.vector_load %arg11[%parallel_loop3A_1068] {strides = array<i32>} : memref<51200xf32, #tpu.memory_space<vmem>>, vector<16xf32>,
        tpu.vector_store %arg11[%parallel_loop3A_1068], %parallel_loop3A_1065 {strides = array<i32>} : memref<51200xf32, #tpu.memory_space<vmem>>, vector<16xf32>,
        %parallel_loop3A_1070 = arith.constant 13 : i32
        %parallel_loop3A_1071 = vector.broadcast %parallel_loop3A_1070 : i32 to vector<16x1xi32>
        %parallel_loop3A_1072 = vector.shape_cast %parallel_loop3A_1071 : vector<16x1xi32> to vector<16xi32>
        %parallel_loop3A_1073 = tpu.dynamic_gather %parallel_loop3A_125[%parallel_loop3A_1072] in [0] : vector<16xf32>, vector<16xi32> -> vector<16xf32>
        %parallel_loop3A_1074 = arith.constant 13 : i32
        %parallel_loop3A_1075 = arith.addi %parallel_loop3A_118, %parallel_loop3A_1074 : i32
        %parallel_loop3A_1076 = arith.constant 128 : i32
        %parallel_loop3A_1077 = arith.muli %parallel_loop3A_1075, %parallel_loop3A_1076 : i32
        %parallel_loop3A_1078 = arith.mulf %parallel_loop3A_871, %parallel_loop3A_1073 : vector<16xf32>
        %parallel_loop3A_1079 = arith.constant 0 : i32
        %parallel_loop3A_1080 = arith.addi %parallel_loop3A_1077, %parallel_loop3A_1079 : i32
        %parallel_loop3A_1081 = arith.index_cast %parallel_loop3A_1080 : i32 to index
        %parallel_loop3A_1082 = tpu.vector_load %arg11[%parallel_loop3A_1081] {strides = array<i32>} : memref<51200xf32, #tpu.memory_space<vmem>>, vector<16xf32>,
        tpu.vector_store %arg11[%parallel_loop3A_1081], %parallel_loop3A_1078 {strides = array<i32>} : memref<51200xf32, #tpu.memory_space<vmem>>, vector<16xf32>,
        %parallel_loop3A_1083 = arith.mulf %parallel_loop3A_873, %parallel_loop3A_1073 : vector<16xf32>
        %parallel_loop3A_1084 = arith.constant 16 : i32
        %parallel_loop3A_1085 = arith.addi %parallel_loop3A_1077, %parallel_loop3A_1084 : i32
        %parallel_loop3A_1086 = arith.index_cast %parallel_loop3A_1085 : i32 to index
        %parallel_loop3A_1087 = tpu.vector_load %arg11[%parallel_loop3A_1086] {strides = array<i32>} : memref<51200xf32, #tpu.memory_space<vmem>>, vector<16xf32>,
        tpu.vector_store %arg11[%parallel_loop3A_1086], %parallel_loop3A_1083 {strides = array<i32>} : memref<51200xf32, #tpu.memory_space<vmem>>, vector<16xf32>,
        %parallel_loop3A_1088 = arith.mulf %parallel_loop3A_875, %parallel_loop3A_1073 : vector<16xf32>
        %parallel_loop3A_1089 = arith.constant 32 : i32
        %parallel_loop3A_1090 = arith.addi %parallel_loop3A_1077, %parallel_loop3A_1089 : i32
        %parallel_loop3A_1091 = arith.index_cast %parallel_loop3A_1090 : i32 to index
        %parallel_loop3A_1092 = tpu.vector_load %arg11[%parallel_loop3A_1091] {strides = array<i32>} : memref<51200xf32, #tpu.memory_space<vmem>>, vector<16xf32>,
        tpu.vector_store %arg11[%parallel_loop3A_1091], %parallel_loop3A_1088 {strides = array<i32>} : memref<51200xf32, #tpu.memory_space<vmem>>, vector<16xf32>,
        %parallel_loop3A_1093 = arith.mulf %parallel_loop3A_877, %parallel_loop3A_1073 : vector<16xf32>
        %parallel_loop3A_1094 = arith.constant 48 : i32
        %parallel_loop3A_1095 = arith.addi %parallel_loop3A_1077, %parallel_loop3A_1094 : i32
        %parallel_loop3A_1096 = arith.index_cast %parallel_loop3A_1095 : i32 to index
        %parallel_loop3A_1097 = tpu.vector_load %arg11[%parallel_loop3A_1096] {strides = array<i32>} : memref<51200xf32, #tpu.memory_space<vmem>>, vector<16xf32>,
        tpu.vector_store %arg11[%parallel_loop3A_1096], %parallel_loop3A_1093 {strides = array<i32>} : memref<51200xf32, #tpu.memory_space<vmem>>, vector<16xf32>,
        %parallel_loop3A_1098 = arith.mulf %parallel_loop3A_879, %parallel_loop3A_1073 : vector<16xf32>
        %parallel_loop3A_1099 = arith.constant 64 : i32
        %parallel_loop3A_1100 = arith.addi %parallel_loop3A_1077, %parallel_loop3A_1099 : i32
        %parallel_loop3A_1101 = arith.index_cast %parallel_loop3A_1100 : i32 to index
        %parallel_loop3A_1102 = tpu.vector_load %arg11[%parallel_loop3A_1101] {strides = array<i32>} : memref<51200xf32, #tpu.memory_space<vmem>>, vector<16xf32>,
        tpu.vector_store %arg11[%parallel_loop3A_1101], %parallel_loop3A_1098 {strides = array<i32>} : memref<51200xf32, #tpu.memory_space<vmem>>, vector<16xf32>,
        %parallel_loop3A_1103 = arith.mulf %parallel_loop3A_881, %parallel_loop3A_1073 : vector<16xf32>
        %parallel_loop3A_1104 = arith.constant 80 : i32
        %parallel_loop3A_1105 = arith.addi %parallel_loop3A_1077, %parallel_loop3A_1104 : i32
        %parallel_loop3A_1106 = arith.index_cast %parallel_loop3A_1105 : i32 to index
        %parallel_loop3A_1107 = tpu.vector_load %arg11[%parallel_loop3A_1106] {strides = array<i32>} : memref<51200xf32, #tpu.memory_space<vmem>>, vector<16xf32>,
        tpu.vector_store %arg11[%parallel_loop3A_1106], %parallel_loop3A_1103 {strides = array<i32>} : memref<51200xf32, #tpu.memory_space<vmem>>, vector<16xf32>,
        %parallel_loop3A_1108 = arith.mulf %parallel_loop3A_883, %parallel_loop3A_1073 : vector<16xf32>
        %parallel_loop3A_1109 = arith.constant 96 : i32
        %parallel_loop3A_1110 = arith.addi %parallel_loop3A_1077, %parallel_loop3A_1109 : i32
        %parallel_loop3A_1111 = arith.index_cast %parallel_loop3A_1110 : i32 to index
        %parallel_loop3A_1112 = tpu.vector_load %arg11[%parallel_loop3A_1111] {strides = array<i32>} : memref<51200xf32, #tpu.memory_space<vmem>>, vector<16xf32>,
        tpu.vector_store %arg11[%parallel_loop3A_1111], %parallel_loop3A_1108 {strides = array<i32>} : memref<51200xf32, #tpu.memory_space<vmem>>, vector<16xf32>,
        %parallel_loop3A_1113 = arith.mulf %parallel_loop3A_885, %parallel_loop3A_1073 : vector<16xf32>
        %parallel_loop3A_1114 = arith.constant 112 : i32
        %parallel_loop3A_1115 = arith.addi %parallel_loop3A_1077, %parallel_loop3A_1114 : i32
        %parallel_loop3A_1116 = arith.index_cast %parallel_loop3A_1115 : i32 to index
        %parallel_loop3A_1117 = tpu.vector_load %arg11[%parallel_loop3A_1116] {strides = array<i32>} : memref<51200xf32, #tpu.memory_space<vmem>>, vector<16xf32>,
        tpu.vector_store %arg11[%parallel_loop3A_1116], %parallel_loop3A_1113 {strides = array<i32>} : memref<51200xf32, #tpu.memory_space<vmem>>, vector<16xf32>,
        %parallel_loop3A_1118 = arith.constant 14 : i32
        %parallel_loop3A_1119 = vector.broadcast %parallel_loop3A_1118 : i32 to vector<16x1xi32>
        %parallel_loop3A_1120 = vector.shape_cast %parallel_loop3A_1119 : vector<16x1xi32> to vector<16xi32>
        %parallel_loop3A_1121 = tpu.dynamic_gather %parallel_loop3A_125[%parallel_loop3A_1120] in [0] : vector<16xf32>, vector<16xi32> -> vector<16xf32>
        %parallel_loop3A_1122 = arith.constant 14 : i32
        %parallel_loop3A_1123 = arith.addi %parallel_loop3A_118, %parallel_loop3A_1122 : i32
        %parallel_loop3A_1124 = arith.constant 128 : i32
        %parallel_loop3A_1125 = arith.muli %parallel_loop3A_1123, %parallel_loop3A_1124 : i32
        %parallel_loop3A_1126 = arith.mulf %parallel_loop3A_987, %parallel_loop3A_1121 : vector<16xf32>
        %parallel_loop3A_1127 = arith.constant 0 : i32
        %parallel_loop3A_1128 = arith.addi %parallel_loop3A_1125, %parallel_loop3A_1127 : i32
        %parallel_loop3A_1129 = arith.index_cast %parallel_loop3A_1128 : i32 to index
        %parallel_loop3A_1130 = tpu.vector_load %arg11[%parallel_loop3A_1129] {strides = array<i32>} : memref<51200xf32, #tpu.memory_space<vmem>>, vector<16xf32>,
        tpu.vector_store %arg11[%parallel_loop3A_1129], %parallel_loop3A_1126 {strides = array<i32>} : memref<51200xf32, #tpu.memory_space<vmem>>, vector<16xf32>,
        %parallel_loop3A_1131 = arith.mulf %parallel_loop3A_989, %parallel_loop3A_1121 : vector<16xf32>
        %parallel_loop3A_1132 = arith.constant 16 : i32
        %parallel_loop3A_1133 = arith.addi %parallel_loop3A_1125, %parallel_loop3A_1132 : i32
        %parallel_loop3A_1134 = arith.index_cast %parallel_loop3A_1133 : i32 to index
        %parallel_loop3A_1135 = tpu.vector_load %arg11[%parallel_loop3A_1134] {strides = array<i32>} : memref<51200xf32, #tpu.memory_space<vmem>>, vector<16xf32>,
        tpu.vector_store %arg11[%parallel_loop3A_1134], %parallel_loop3A_1131 {strides = array<i32>} : memref<51200xf32, #tpu.memory_space<vmem>>, vector<16xf32>,
        %parallel_loop3A_1136 = arith.mulf %parallel_loop3A_991, %parallel_loop3A_1121 : vector<16xf32>
        %parallel_loop3A_1137 = arith.constant 32 : i32
        %parallel_loop3A_1138 = arith.addi %parallel_loop3A_1125, %parallel_loop3A_1137 : i32
        %parallel_loop3A_1139 = arith.index_cast %parallel_loop3A_1138 : i32 to index
        %parallel_loop3A_1140 = tpu.vector_load %arg11[%parallel_loop3A_1139] {strides = array<i32>} : memref<51200xf32, #tpu.memory_space<vmem>>, vector<16xf32>,
        tpu.vector_store %arg11[%parallel_loop3A_1139], %parallel_loop3A_1136 {strides = array<i32>} : memref<51200xf32, #tpu.memory_space<vmem>>, vector<16xf32>,
        %parallel_loop3A_1141 = arith.mulf %parallel_loop3A_993, %parallel_loop3A_1121 : vector<16xf32>
        %parallel_loop3A_1142 = arith.constant 48 : i32
        %parallel_loop3A_1143 = arith.addi %parallel_loop3A_1125, %parallel_loop3A_1142 : i32
        %parallel_loop3A_1144 = arith.index_cast %parallel_loop3A_1143 : i32 to index
        %parallel_loop3A_1145 = tpu.vector_load %arg11[%parallel_loop3A_1144] {strides = array<i32>} : memref<51200xf32, #tpu.memory_space<vmem>>, vector<16xf32>,
        tpu.vector_store %arg11[%parallel_loop3A_1144], %parallel_loop3A_1141 {strides = array<i32>} : memref<51200xf32, #tpu.memory_space<vmem>>, vector<16xf32>,
        %parallel_loop3A_1146 = arith.mulf %parallel_loop3A_995, %parallel_loop3A_1121 : vector<16xf32>
        %parallel_loop3A_1147 = arith.constant 64 : i32
        %parallel_loop3A_1148 = arith.addi %parallel_loop3A_1125, %parallel_loop3A_1147 : i32
        %parallel_loop3A_1149 = arith.index_cast %parallel_loop3A_1148 : i32 to index
        %parallel_loop3A_1150 = tpu.vector_load %arg11[%parallel_loop3A_1149] {strides = array<i32>} : memref<51200xf32, #tpu.memory_space<vmem>>, vector<16xf32>,
        tpu.vector_store %arg11[%parallel_loop3A_1149], %parallel_loop3A_1146 {strides = array<i32>} : memref<51200xf32, #tpu.memory_space<vmem>>, vector<16xf32>,
        %parallel_loop3A_1151 = arith.mulf %parallel_loop3A_997, %parallel_loop3A_1121 : vector<16xf32>
        %parallel_loop3A_1152 = arith.constant 80 : i32
        %parallel_loop3A_1153 = arith.addi %parallel_loop3A_1125, %parallel_loop3A_1152 : i32
        %parallel_loop3A_1154 = arith.index_cast %parallel_loop3A_1153 : i32 to index
        %parallel_loop3A_1155 = tpu.vector_load %arg11[%parallel_loop3A_1154] {strides = array<i32>} : memref<51200xf32, #tpu.memory_space<vmem>>, vector<16xf32>,
        tpu.vector_store %arg11[%parallel_loop3A_1154], %parallel_loop3A_1151 {strides = array<i32>} : memref<51200xf32, #tpu.memory_space<vmem>>, vector<16xf32>,
        %parallel_loop3A_1156 = arith.mulf %parallel_loop3A_999, %parallel_loop3A_1121 : vector<16xf32>
        %parallel_loop3A_1157 = arith.constant 96 : i32
        %parallel_loop3A_1158 = arith.addi %parallel_loop3A_1125, %parallel_loop3A_1157 : i32
        %parallel_loop3A_1159 = arith.index_cast %parallel_loop3A_1158 : i32 to index
        %parallel_loop3A_1160 = tpu.vector_load %arg11[%parallel_loop3A_1159] {strides = array<i32>} : memref<51200xf32, #tpu.memory_space<vmem>>, vector<16xf32>,
        tpu.vector_store %arg11[%parallel_loop3A_1159], %parallel_loop3A_1156 {strides = array<i32>} : memref<51200xf32, #tpu.memory_space<vmem>>, vector<16xf32>,
        %parallel_loop3A_1161 = arith.mulf %parallel_loop3A_1001, %parallel_loop3A_1121 : vector<16xf32>
        %parallel_loop3A_1162 = arith.constant 112 : i32
        %parallel_loop3A_1163 = arith.addi %parallel_loop3A_1125, %parallel_loop3A_1162 : i32
        %parallel_loop3A_1164 = arith.index_cast %parallel_loop3A_1163 : i32 to index
        %parallel_loop3A_1165 = tpu.vector_load %arg11[%parallel_loop3A_1164] {strides = array<i32>} : memref<51200xf32, #tpu.memory_space<vmem>>, vector<16xf32>,
        tpu.vector_store %arg11[%parallel_loop3A_1164], %parallel_loop3A_1161 {strides = array<i32>} : memref<51200xf32, #tpu.memory_space<vmem>>, vector<16xf32>,
        %parallel_loop3A_1166 = arith.constant 15 : i32
        %parallel_loop3A_1167 = vector.broadcast %parallel_loop3A_1166 : i32 to vector<16x1xi32>
        %parallel_loop3A_1168 = vector.shape_cast %parallel_loop3A_1167 : vector<16x1xi32> to vector<16xi32>
        %parallel_loop3A_1169 = tpu.dynamic_gather %parallel_loop3A_125[%parallel_loop3A_1168] in [0] : vector<16xf32>, vector<16xi32> -> vector<16xf32>
        %parallel_loop3A_1170 = arith.constant 15 : i32
        %parallel_loop3A_1171 = arith.addi %parallel_loop3A_118, %parallel_loop3A_1170 : i32
        %parallel_loop3A_1172 = arith.constant 128 : i32
        %parallel_loop3A_1173 = arith.muli %parallel_loop3A_1171, %parallel_loop3A_1172 : i32
        %parallel_loop3A_1174 = arith.mulf %parallel_loop3A_1007, %parallel_loop3A_1169 : vector<16xf32>
        %parallel_loop3A_1175 = arith.constant 0 : i32
        %parallel_loop3A_1176 = arith.addi %parallel_loop3A_1173, %parallel_loop3A_1175 : i32
        %parallel_loop3A_1177 = arith.index_cast %parallel_loop3A_1176 : i32 to index
        %parallel_loop3A_1178 = tpu.vector_load %arg11[%parallel_loop3A_1177] {strides = array<i32>} : memref<51200xf32, #tpu.memory_space<vmem>>, vector<16xf32>,
        tpu.vector_store %arg11[%parallel_loop3A_1177], %parallel_loop3A_1174 {strides = array<i32>} : memref<51200xf32, #tpu.memory_space<vmem>>, vector<16xf32>,
        %parallel_loop3A_1179 = arith.mulf %parallel_loop3A_1009, %parallel_loop3A_1169 : vector<16xf32>
        %parallel_loop3A_1180 = arith.constant 16 : i32
        %parallel_loop3A_1181 = arith.addi %parallel_loop3A_1173, %parallel_loop3A_1180 : i32
        %parallel_loop3A_1182 = arith.index_cast %parallel_loop3A_1181 : i32 to index
        %parallel_loop3A_1183 = tpu.vector_load %arg11[%parallel_loop3A_1182] {strides = array<i32>} : memref<51200xf32, #tpu.memory_space<vmem>>, vector<16xf32>,
        tpu.vector_store %arg11[%parallel_loop3A_1182], %parallel_loop3A_1179 {strides = array<i32>} : memref<51200xf32, #tpu.memory_space<vmem>>, vector<16xf32>,
        %parallel_loop3A_1184 = arith.mulf %parallel_loop3A_1011, %parallel_loop3A_1169 : vector<16xf32>
        %parallel_loop3A_1185 = arith.constant 32 : i32
        %parallel_loop3A_1186 = arith.addi %parallel_loop3A_1173, %parallel_loop3A_1185 : i32
        %parallel_loop3A_1187 = arith.index_cast %parallel_loop3A_1186 : i32 to index
        %parallel_loop3A_1188 = tpu.vector_load %arg11[%parallel_loop3A_1187] {strides = array<i32>} : memref<51200xf32, #tpu.memory_space<vmem>>, vector<16xf32>,
        tpu.vector_store %arg11[%parallel_loop3A_1187], %parallel_loop3A_1184 {strides = array<i32>} : memref<51200xf32, #tpu.memory_space<vmem>>, vector<16xf32>,
        %parallel_loop3A_1189 = arith.mulf %parallel_loop3A_1013, %parallel_loop3A_1169 : vector<16xf32>
        %parallel_loop3A_1190 = arith.constant 48 : i32
        %parallel_loop3A_1191 = arith.addi %parallel_loop3A_1173, %parallel_loop3A_1190 : i32
        %parallel_loop3A_1192 = arith.index_cast %parallel_loop3A_1191 : i32 to index
        %parallel_loop3A_1193 = tpu.vector_load %arg11[%parallel_loop3A_1192] {strides = array<i32>} : memref<51200xf32, #tpu.memory_space<vmem>>, vector<16xf32>,
        tpu.vector_store %arg11[%parallel_loop3A_1192], %parallel_loop3A_1189 {strides = array<i32>} : memref<51200xf32, #tpu.memory_space<vmem>>, vector<16xf32>,
        %parallel_loop3A_1194 = arith.mulf %parallel_loop3A_1015, %parallel_loop3A_1169 : vector<16xf32>
        %parallel_loop3A_1195 = arith.constant 64 : i32
        %parallel_loop3A_1196 = arith.addi %parallel_loop3A_1173, %parallel_loop3A_1195 : i32
        %parallel_loop3A_1197 = arith.index_cast %parallel_loop3A_1196 : i32 to index
        %parallel_loop3A_1198 = tpu.vector_load %arg11[%parallel_loop3A_1197] {strides = array<i32>} : memref<51200xf32, #tpu.memory_space<vmem>>, vector<16xf32>,
        tpu.vector_store %arg11[%parallel_loop3A_1197], %parallel_loop3A_1194 {strides = array<i32>} : memref<51200xf32, #tpu.memory_space<vmem>>, vector<16xf32>,
        %parallel_loop3A_1199 = arith.mulf %parallel_loop3A_1017, %parallel_loop3A_1169 : vector<16xf32>
        %parallel_loop3A_1200 = arith.constant 80 : i32
        %parallel_loop3A_1201 = arith.addi %parallel_loop3A_1173, %parallel_loop3A_1200 : i32
        %parallel_loop3A_1202 = arith.index_cast %parallel_loop3A_1201 : i32 to index
        %parallel_loop3A_1203 = tpu.vector_load %arg11[%parallel_loop3A_1202] {strides = array<i32>} : memref<51200xf32, #tpu.memory_space<vmem>>, vector<16xf32>,
        tpu.vector_store %arg11[%parallel_loop3A_1202], %parallel_loop3A_1199 {strides = array<i32>} : memref<51200xf32, #tpu.memory_space<vmem>>, vector<16xf32>,
        %parallel_loop3A_1204 = arith.mulf %parallel_loop3A_1019, %parallel_loop3A_1169 : vector<16xf32>
        %parallel_loop3A_1205 = arith.constant 96 : i32
        %parallel_loop3A_1206 = arith.addi %parallel_loop3A_1173, %parallel_loop3A_1205 : i32
        %parallel_loop3A_1207 = arith.index_cast %parallel_loop3A_1206 : i32 to index
        %parallel_loop3A_1208 = tpu.vector_load %arg11[%parallel_loop3A_1207] {strides = array<i32>} : memref<51200xf32, #tpu.memory_space<vmem>>, vector<16xf32>,
        tpu.vector_store %arg11[%parallel_loop3A_1207], %parallel_loop3A_1204 {strides = array<i32>} : memref<51200xf32, #tpu.memory_space<vmem>>, vector<16xf32>,
        %parallel_loop3A_1209 = arith.mulf %parallel_loop3A_1021, %parallel_loop3A_1169 : vector<16xf32>
        %parallel_loop3A_1210 = arith.constant 112 : i32
        %parallel_loop3A_1211 = arith.addi %parallel_loop3A_1173, %parallel_loop3A_1210 : i32
        %parallel_loop3A_1212 = arith.index_cast %parallel_loop3A_1211 : i32 to index
        %parallel_loop3A_1213 = tpu.vector_load %arg11[%parallel_loop3A_1212] {strides = array<i32>} : memref<51200xf32, #tpu.memory_space<vmem>>, vector<16xf32>,
        tpu.vector_store %arg11[%parallel_loop3A_1212], %parallel_loop3A_1209 {strides = array<i32>} : memref<51200xf32, #tpu.memory_space<vmem>>, vector<16xf32>,
      } {sc.loop_unroll_factor = 1 : i64, sc.parallel_access}
      %mul3A_73 = arith.constant 128 : i32
      %mul3A_74 = arith.muli %add3A_70, %mul3A_73 : i32
      %dma_start3A_75 = tpu.memref_slice %arg5[%mul3A_74] : memref<26214400xf32, #tpu.memory_space<hbm>> -> memref<51200xf32, #tpu.memory_space<hbm>>
      %dma_start3A_76 = tpu.memref_slice %arg5[%mul3A_74] : memref<26214400xf32, #tpu.memory_space<hbm>> -> memref<51200xf32, #tpu.memory_space<hbm>>
      tpu.enqueue_dma source(%arg11 : memref<51200xf32, #tpu.memory_space<vmem>>) target(%dma_start3A_76 : memref<51200xf32, #tpu.memory_space<hbm>>) target_semaphore(%arg13 : memref<!tpu.dma_semaphore, #tpu.memory_space<semaphore_mem>>)
      %add3A_77 = arith.constant 2 : i32
      %add3A_78 = arith.addi %add3A_58, %add3A_77 : i32
      %lt3A = arith.constant 16 : i32
      %lt3A_79 = arith.cmpi slt, %add3A_78, %lt3A : i32
      %convert_element_type3A_80 = arith.extui %lt3A_79 : i1 to i32
      %cond3A_81 = arith.constant 0 : i32
      %cond3A_82 = arith.cmpi ne, %convert_element_type3A_80, %cond3A_81 : i32
      scf.if %cond3A_82 {
        %add3A_116 = arith.constant 2 : i32
        %add3A_117 = arith.addi %add3A_58, %add3A_116 : i32
        %mul3A_118 = arith.constant 400 : i32
        %mul3A_119 = arith.muli %add3A_117, %mul3A_118 : i32
        %add3A_120 = arith.addi %mul3A_2, %mul3A_119 : i32
        %dma_start3A_121 = tpu.memref_slice %arg2[%add3A_120] : memref<204800xi32, #tpu.memory_space<hbm>> -> memref<400xi32, #tpu.memory_space<hbm>>
        %dma_start3A_122 = tpu.memref_slice %arg2[%add3A_120] : memref<204800xi32, #tpu.memory_space<hbm>> -> memref<400xi32, #tpu.memory_space<hbm>>
        tpu.enqueue_dma source(%dma_start3A_122 : memref<400xi32, #tpu.memory_space<hbm>>) target(%arg7 : memref<400xi32, #tpu.memory_space<vmem>>) target_semaphore(%arg15 : memref<!tpu.dma_semaphore, #tpu.memory_space<semaphore_mem>>)
        %dma_start3A_123 = tpu.memref_slice %arg3[%add3A_120] : memref<204800xf32, #tpu.memory_space<hbm>> -> memref<400xf32, #tpu.memory_space<hbm>>
        %dma_start3A_124 = tpu.memref_slice %arg3[%add3A_120] : memref<204800xf32, #tpu.memory_space<hbm>> -> memref<400xf32, #tpu.memory_space<hbm>>
        tpu.enqueue_dma source(%dma_start3A_124 : memref<400xf32, #tpu.memory_space<hbm>>) target(%arg9 : memref<400xf32, #tpu.memory_space<vmem>>) target_semaphore(%arg15 : memref<!tpu.dma_semaphore, #tpu.memory_space<semaphore_mem>>)
      } else {
      }
      %mul3A_83 = arith.constant 2 : i32
      %mul3A_84 = arith.muli %scan3A_54, %mul3A_83 : i32
      %add3A_85 = arith.constant 1 : i32
      %add3A_86 = arith.addi %mul3A_84, %add3A_85 : i32
      %mul3A_87 = arith.constant 400 : i32
      %mul3A_88 = arith.muli %add3A_86, %mul3A_87 : i32
      %add3A_89 = arith.addi %mul3A_2, %mul3A_88 : i32
      %dma_wait3A_90 = tpu.memref_slice %arg2[%add3A_89] : memref<204800xi32, #tpu.memory_space<hbm>> -> memref<400xi32, #tpu.memory_space<hbm>>
      %dma_wait3A_91 = tpu.memref_slice %arg2[%add3A_89] : memref<204800xi32, #tpu.memory_space<hbm>> -> memref<400xi32, #tpu.memory_space<hbm>>
      tpu.wait_dma2 semaphore(%arg16 : memref<!tpu.dma_semaphore, #tpu.memory_space<semaphore_mem>>) src(%dma_wait3A_91 : memref<400xi32, #tpu.memory_space<hbm>>) dst(%arg8 : memref<400xi32, #tpu.memory_space<vmem>>)
      %dma_wait3A_92 = tpu.memref_slice %arg3[%add3A_89] : memref<204800xf32, #tpu.memory_space<hbm>> -> memref<400xf32, #tpu.memory_space<hbm>>
      %dma_wait3A_93 = tpu.memref_slice %arg3[%add3A_89] : memref<204800xf32, #tpu.memory_space<hbm>> -> memref<400xf32, #tpu.memory_space<hbm>>
      tpu.wait_dma2 semaphore(%arg16 : memref<!tpu.dma_semaphore, #tpu.memory_space<semaphore_mem>>) src(%dma_wait3A_93 : memref<400xf32, #tpu.memory_space<hbm>>) dst(%arg10 : memref<400xf32, #tpu.memory_space<vmem>>)
      %ge3A_94 = arith.constant 2 : i32
      %ge3A_95 = arith.cmpi sge, %add3A_86, %ge3A_94 : i32
      %convert_element_type3A_96 = arith.extui %ge3A_95 : i1 to i32
      %cond3A_97 = arith.constant 0 : i32
      %cond3A_98 = arith.cmpi ne, %convert_element_type3A_96, %cond3A_97 : i32
      scf.if %cond3A_98 {
        %sub3A = arith.constant 2 : i32
        %sub3A_116 = arith.subi %add3A_86, %sub3A : i32
        %mul3A_117 = arith.constant 400 : i32
        %mul3A_118 = arith.muli %sub3A_116, %mul3A_117 : i32
        %add3A_119 = arith.addi %mul3A_2, %mul3A_118 : i32
        %mul3A_120 = arith.constant 128 : i32
        %mul3A_121 = arith.muli %add3A_119, %mul3A_120 : i32
        %dma_wait3A_122 = tpu.memref_slice %arg5[%mul3A_121] : memref<26214400xf32, #tpu.memory_space<hbm>> -> memref<51200xf32, #tpu.memory_space<hbm>>
        %dma_wait3A_123 = tpu.memref_slice %arg5[%mul3A_121] : memref<26214400xf32, #tpu.memory_space<hbm>> -> memref<51200xf32, #tpu.memory_space<hbm>>
        tpu.wait_dma2 semaphore(%arg14 : memref<!tpu.dma_semaphore, #tpu.memory_space<semaphore_mem>>) src(%arg12 : memref<51200xf32, #tpu.memory_space<vmem>>) dst(%dma_wait3A_123 : memref<51200xf32, #tpu.memory_space<hbm>>)
      } else {
      }
      %mul3A_99 = arith.constant 400 : i32
      %mul3A_100 = arith.muli %add3A_86, %mul3A_99 : i32
      %add3A_101 = arith.addi %mul3A_2, %mul3A_100 : i32
      %parallel_loop3A_102 = arith.constant 0 : i32
      %parallel_loop3A_103 = arith.constant 25 : i32
      %parallel_loop3A_104 = arith.constant 1 : i32
      scf.for %parallel_loop3A_116 = %parallel_loop3A_102 to %parallel_loop3A_103 step %parallel_loop3A_104  : i32 {
        %parallel_loop3A_117 = arith.constant 16 : i32
        %parallel_loop3A_118 = arith.muli %parallel_loop3A_116, %parallel_loop3A_117 : i32
        %parallel_loop3A_119 = arith.index_cast %parallel_loop3A_118 : i32 to index
        %parallel_loop3A_120 = tpu.vector_load %arg8[%parallel_loop3A_119] {strides = array<i32>} : memref<400xi32, #tpu.memory_space<vmem>>, vector<16xi32>,
        %parallel_loop3A_121 = arith.constant 128 : i32
        %parallel_loop3A_122 = vector.broadcast %parallel_loop3A_121 : i32 to vector<16xi32>
        %parallel_loop3A_123 = arith.muli %parallel_loop3A_120, %parallel_loop3A_122 : vector<16xi32>
        %parallel_loop3A_124 = arith.index_cast %parallel_loop3A_118 : i32 to index
        %parallel_loop3A_125 = tpu.vector_load %arg10[%parallel_loop3A_124] {strides = array<i32>} : memref<400xf32, #tpu.memory_space<vmem>>, vector<16xf32>,
        %parallel_loop3A_126 = arith.constant 0 : i32
        %parallel_loop3A_127 = vector.broadcast %parallel_loop3A_126 : i32 to vector<16x1xi32>
        %parallel_loop3A_128 = vector.shape_cast %parallel_loop3A_127 : vector<16x1xi32> to vector<16xi32>
        %parallel_loop3A_129 = tpu.dynamic_gather %parallel_loop3A_123[%parallel_loop3A_128] in [0] : vector<16xi32>, vector<16xi32> -> vector<16xi32>
        %parallel_loop3A_130 = arith.addi %parallel_loop3A_129, %add3A_5 : vector<16xi32>
        %parallel_loop3A_131 = tpu.vector_load_idx %arg6[%parallel_loop3A_130] : memref<6528xf32, #tpu.memory_space<vmem>>[vector<16xi32>], vector<16xf32>,
        %parallel_loop3A_132 = arith.addi %parallel_loop3A_129, %add3A_8 : vector<16xi32>
        %parallel_loop3A_133 = tpu.vector_load_idx %arg6[%parallel_loop3A_132] : memref<6528xf32, #tpu.memory_space<vmem>>[vector<16xi32>], vector<16xf32>,
        %parallel_loop3A_134 = arith.addi %parallel_loop3A_129, %add3A_11 : vector<16xi32>
        %parallel_loop3A_135 = tpu.vector_load_idx %arg6[%parallel_loop3A_134] : memref<6528xf32, #tpu.memory_space<vmem>>[vector<16xi32>], vector<16xf32>,
        %parallel_loop3A_136 = arith.addi %parallel_loop3A_129, %add3A_14 : vector<16xi32>
        %parallel_loop3A_137 = tpu.vector_load_idx %arg6[%parallel_loop3A_136] : memref<6528xf32, #tpu.memory_space<vmem>>[vector<16xi32>], vector<16xf32>,
        %parallel_loop3A_138 = arith.addi %parallel_loop3A_129, %add3A_17 : vector<16xi32>
        %parallel_loop3A_139 = tpu.vector_load_idx %arg6[%parallel_loop3A_138] : memref<6528xf32, #tpu.memory_space<vmem>>[vector<16xi32>], vector<16xf32>,
        %parallel_loop3A_140 = arith.addi %parallel_loop3A_129, %add3A_20 : vector<16xi32>
        %parallel_loop3A_141 = tpu.vector_load_idx %arg6[%parallel_loop3A_140] : memref<6528xf32, #tpu.memory_space<vmem>>[vector<16xi32>], vector<16xf32>,
        %parallel_loop3A_142 = arith.addi %parallel_loop3A_129, %add3A_23 : vector<16xi32>
        %parallel_loop3A_143 = tpu.vector_load_idx %arg6[%parallel_loop3A_142] : memref<6528xf32, #tpu.memory_space<vmem>>[vector<16xi32>], vector<16xf32>,
        %parallel_loop3A_144 = arith.addi %parallel_loop3A_129, %add3A_26 : vector<16xi32>
        %parallel_loop3A_145 = tpu.vector_load_idx %arg6[%parallel_loop3A_144] : memref<6528xf32, #tpu.memory_space<vmem>>[vector<16xi32>], vector<16xf32>,
        %parallel_loop3A_146 = arith.constant 1 : i32
        %parallel_loop3A_147 = vector.broadcast %parallel_loop3A_146 : i32 to vector<16x1xi32>
        %parallel_loop3A_148 = vector.shape_cast %parallel_loop3A_147 : vector<16x1xi32> to vector<16xi32>
        %parallel_loop3A_149 = tpu.dynamic_gather %parallel_loop3A_123[%parallel_loop3A_148] in [0] : vector<16xi32>, vector<16xi32> -> vector<16xi32>
        %parallel_loop3A_150 = arith.addi %parallel_loop3A_149, %add3A_5 : vector<16xi32>
        %parallel_loop3A_151 = tpu.vector_load_idx %arg6[%parallel_loop3A_150] : memref<6528xf32, #tpu.memory_space<vmem>>[vector<16xi32>], vector<16xf32>,
        %parallel_loop3A_152 = arith.addi %parallel_loop3A_149, %add3A_8 : vector<16xi32>
        %parallel_loop3A_153 = tpu.vector_load_idx %arg6[%parallel_loop3A_152] : memref<6528xf32, #tpu.memory_space<vmem>>[vector<16xi32>], vector<16xf32>,
        %parallel_loop3A_154 = arith.addi %parallel_loop3A_149, %add3A_11 : vector<16xi32>
        %parallel_loop3A_155 = tpu.vector_load_idx %arg6[%parallel_loop3A_154] : memref<6528xf32, #tpu.memory_space<vmem>>[vector<16xi32>], vector<16xf32>,
        %parallel_loop3A_156 = arith.addi %parallel_loop3A_149, %add3A_14 : vector<16xi32>
        %parallel_loop3A_157 = tpu.vector_load_idx %arg6[%parallel_loop3A_156] : memref<6528xf32, #tpu.memory_space<vmem>>[vector<16xi32>], vector<16xf32>,
        %parallel_loop3A_158 = arith.addi %parallel_loop3A_149, %add3A_17 : vector<16xi32>
        %parallel_loop3A_159 = tpu.vector_load_idx %arg6[%parallel_loop3A_158] : memref<6528xf32, #tpu.memory_space<vmem>>[vector<16xi32>], vector<16xf32>,
        %parallel_loop3A_160 = arith.addi %parallel_loop3A_149, %add3A_20 : vector<16xi32>
        %parallel_loop3A_161 = tpu.vector_load_idx %arg6[%parallel_loop3A_160] : memref<6528xf32, #tpu.memory_space<vmem>>[vector<16xi32>], vector<16xf32>,
        %parallel_loop3A_162 = arith.addi %parallel_loop3A_149, %add3A_23 : vector<16xi32>
        %parallel_loop3A_163 = tpu.vector_load_idx %arg6[%parallel_loop3A_162] : memref<6528xf32, #tpu.memory_space<vmem>>[vector<16xi32>], vector<16xf32>,
        %parallel_loop3A_164 = arith.addi %parallel_loop3A_149, %add3A_26 : vector<16xi32>
        %parallel_loop3A_165 = tpu.vector_load_idx %arg6[%parallel_loop3A_164] : memref<6528xf32, #tpu.memory_space<vmem>>[vector<16xi32>], vector<16xf32>,
        %parallel_loop3A_166 = arith.constant 2 : i32
        %parallel_loop3A_167 = vector.broadcast %parallel_loop3A_166 : i32 to vector<16x1xi32>
        %parallel_loop3A_168 = vector.shape_cast %parallel_loop3A_167 : vector<16x1xi32> to vector<16xi32>
        %parallel_loop3A_169 = tpu.dynamic_gather %parallel_loop3A_123[%parallel_loop3A_168] in [0] : vector<16xi32>, vector<16xi32> -> vector<16xi32>
        %parallel_loop3A_170 = arith.addi %parallel_loop3A_169, %add3A_5 : vector<16xi32>
        %parallel_loop3A_171 = tpu.vector_load_idx %arg6[%parallel_loop3A_170] : memref<6528xf32, #tpu.memory_space<vmem>>[vector<16xi32>], vector<16xf32>,
        %parallel_loop3A_172 = arith.addi %parallel_loop3A_169, %add3A_8 : vector<16xi32>
        %parallel_loop3A_173 = tpu.vector_load_idx %arg6[%parallel_loop3A_172] : memref<6528xf32, #tpu.memory_space<vmem>>[vector<16xi32>], vector<16xf32>,
        %parallel_loop3A_174 = arith.addi %parallel_loop3A_169, %add3A_11 : vector<16xi32>
        %parallel_loop3A_175 = tpu.vector_load_idx %arg6[%parallel_loop3A_174] : memref<6528xf32, #tpu.memory_space<vmem>>[vector<16xi32>], vector<16xf32>,
        %parallel_loop3A_176 = arith.addi %parallel_loop3A_169, %add3A_14 : vector<16xi32>
        %parallel_loop3A_177 = tpu.vector_load_idx %arg6[%parallel_loop3A_176] : memref<6528xf32, #tpu.memory_space<vmem>>[vector<16xi32>], vector<16xf32>,
        %parallel_loop3A_178 = arith.addi %parallel_loop3A_169, %add3A_17 : vector<16xi32>
        %parallel_loop3A_179 = tpu.vector_load_idx %arg6[%parallel_loop3A_178] : memref<6528xf32, #tpu.memory_space<vmem>>[vector<16xi32>], vector<16xf32>,
        %parallel_loop3A_180 = arith.addi %parallel_loop3A_169, %add3A_20 : vector<16xi32>
        %parallel_loop3A_181 = tpu.vector_load_idx %arg6[%parallel_loop3A_180] : memref<6528xf32, #tpu.memory_space<vmem>>[vector<16xi32>], vector<16xf32>,
        %parallel_loop3A_182 = arith.addi %parallel_loop3A_169, %add3A_23 : vector<16xi32>
        %parallel_loop3A_183 = tpu.vector_load_idx %arg6[%parallel_loop3A_182] : memref<6528xf32, #tpu.memory_space<vmem>>[vector<16xi32>], vector<16xf32>,
        %parallel_loop3A_184 = arith.addi %parallel_loop3A_169, %add3A_26 : vector<16xi32>
        %parallel_loop3A_185 = tpu.vector_load_idx %arg6[%parallel_loop3A_184] : memref<6528xf32, #tpu.memory_space<vmem>>[vector<16xi32>], vector<16xf32>,
        %parallel_loop3A_186 = arith.constant 3 : i32
        %parallel_loop3A_187 = vector.broadcast %parallel_loop3A_186 : i32 to vector<16x1xi32>
        %parallel_loop3A_188 = vector.shape_cast %parallel_loop3A_187 : vector<16x1xi32> to vector<16xi32>
        %parallel_loop3A_189 = tpu.dynamic_gather %parallel_loop3A_123[%parallel_loop3A_188] in [0] : vector<16xi32>, vector<16xi32> -> vector<16xi32>
        %parallel_loop3A_190 = arith.addi %parallel_loop3A_189, %add3A_5 : vector<16xi32>
        %parallel_loop3A_191 = tpu.vector_load_idx %arg6[%parallel_loop3A_190] : memref<6528xf32, #tpu.memory_space<vmem>>[vector<16xi32>], vector<16xf32>,
        %parallel_loop3A_192 = arith.addi %parallel_loop3A_189, %add3A_8 : vector<16xi32>
        %parallel_loop3A_193 = tpu.vector_load_idx %arg6[%parallel_loop3A_192] : memref<6528xf32, #tpu.memory_space<vmem>>[vector<16xi32>], vector<16xf32>,
        %parallel_loop3A_194 = arith.addi %parallel_loop3A_189, %add3A_11 : vector<16xi32>
        %parallel_loop3A_195 = tpu.vector_load_idx %arg6[%parallel_loop3A_194] : memref<6528xf32, #tpu.memory_space<vmem>>[vector<16xi32>], vector<16xf32>,
        %parallel_loop3A_196 = arith.addi %parallel_loop3A_189, %add3A_14 : vector<16xi32>
        %parallel_loop3A_197 = tpu.vector_load_idx %arg6[%parallel_loop3A_196] : memref<6528xf32, #tpu.memory_space<vmem>>[vector<16xi32>], vector<16xf32>,
        %parallel_loop3A_198 = arith.addi %parallel_loop3A_189, %add3A_17 : vector<16xi32>
        %parallel_loop3A_199 = tpu.vector_load_idx %arg6[%parallel_loop3A_198] : memref<6528xf32, #tpu.memory_space<vmem>>[vector<16xi32>], vector<16xf32>,
        %parallel_loop3A_200 = arith.addi %parallel_loop3A_189, %add3A_20 : vector<16xi32>
        %parallel_loop3A_201 = tpu.vector_load_idx %arg6[%parallel_loop3A_200] : memref<6528xf32, #tpu.memory_space<vmem>>[vector<16xi32>], vector<16xf32>,
        %parallel_loop3A_202 = arith.addi %parallel_loop3A_189, %add3A_23 : vector<16xi32>
        %parallel_loop3A_203 = tpu.vector_load_idx %arg6[%parallel_loop3A_202] : memref<6528xf32, #tpu.memory_space<vmem>>[vector<16xi32>], vector<16xf32>,
        %parallel_loop3A_204 = arith.addi %parallel_loop3A_189, %add3A_26 : vector<16xi32>
        %parallel_loop3A_205 = tpu.vector_load_idx %arg6[%parallel_loop3A_204] : memref<6528xf32, #tpu.memory_space<vmem>>[vector<16xi32>], vector<16xf32>,
        %parallel_loop3A_206 = arith.constant 0 : i32
        %parallel_loop3A_207 = vector.broadcast %parallel_loop3A_206 : i32 to vector<16x1xi32>
        %parallel_loop3A_208 = vector.shape_cast %parallel_loop3A_207 : vector<16x1xi32> to vector<16xi32>
        %parallel_loop3A_209 = tpu.dynamic_gather %parallel_loop3A_125[%parallel_loop3A_208] in [0] : vector<16xf32>, vector<16xi32> -> vector<16xf32>
        %parallel_loop3A_210 = arith.constant 0 : i32
        %parallel_loop3A_211 = arith.addi %parallel_loop3A_118, %parallel_loop3A_210 : i32
        %parallel_loop3A_212 = arith.constant 128 : i32
        %parallel_loop3A_213 = arith.muli %parallel_loop3A_211, %parallel_loop3A_212 : i32
        %parallel_loop3A_214 = arith.mulf %parallel_loop3A_131, %parallel_loop3A_209 : vector<16xf32>
        %parallel_loop3A_215 = arith.constant 0 : i32
        %parallel_loop3A_216 = arith.addi %parallel_loop3A_213, %parallel_loop3A_215 : i32
        %parallel_loop3A_217 = arith.index_cast %parallel_loop3A_216 : i32 to index
        %parallel_loop3A_218 = tpu.vector_load %arg12[%parallel_loop3A_217] {strides = array<i32>} : memref<51200xf32, #tpu.memory_space<vmem>>, vector<16xf32>,
        tpu.vector_store %arg12[%parallel_loop3A_217], %parallel_loop3A_214 {strides = array<i32>} : memref<51200xf32, #tpu.memory_space<vmem>>, vector<16xf32>,
        %parallel_loop3A_219 = arith.mulf %parallel_loop3A_133, %parallel_loop3A_209 : vector<16xf32>
        %parallel_loop3A_220 = arith.constant 16 : i32
        %parallel_loop3A_221 = arith.addi %parallel_loop3A_213, %parallel_loop3A_220 : i32
        %parallel_loop3A_222 = arith.index_cast %parallel_loop3A_221 : i32 to index
        %parallel_loop3A_223 = tpu.vector_load %arg12[%parallel_loop3A_222] {strides = array<i32>} : memref<51200xf32, #tpu.memory_space<vmem>>, vector<16xf32>,
        tpu.vector_store %arg12[%parallel_loop3A_222], %parallel_loop3A_219 {strides = array<i32>} : memref<51200xf32, #tpu.memory_space<vmem>>, vector<16xf32>,
        %parallel_loop3A_224 = arith.mulf %parallel_loop3A_135, %parallel_loop3A_209 : vector<16xf32>
        %parallel_loop3A_225 = arith.constant 32 : i32
        %parallel_loop3A_226 = arith.addi %parallel_loop3A_213, %parallel_loop3A_225 : i32
        %parallel_loop3A_227 = arith.index_cast %parallel_loop3A_226 : i32 to index
        %parallel_loop3A_228 = tpu.vector_load %arg12[%parallel_loop3A_227] {strides = array<i32>} : memref<51200xf32, #tpu.memory_space<vmem>>, vector<16xf32>,
        tpu.vector_store %arg12[%parallel_loop3A_227], %parallel_loop3A_224 {strides = array<i32>} : memref<51200xf32, #tpu.memory_space<vmem>>, vector<16xf32>,
        %parallel_loop3A_229 = arith.mulf %parallel_loop3A_137, %parallel_loop3A_209 : vector<16xf32>
        %parallel_loop3A_230 = arith.constant 48 : i32
        %parallel_loop3A_231 = arith.addi %parallel_loop3A_213, %parallel_loop3A_230 : i32
        %parallel_loop3A_232 = arith.index_cast %parallel_loop3A_231 : i32 to index
        %parallel_loop3A_233 = tpu.vector_load %arg12[%parallel_loop3A_232] {strides = array<i32>} : memref<51200xf32, #tpu.memory_space<vmem>>, vector<16xf32>,
        tpu.vector_store %arg12[%parallel_loop3A_232], %parallel_loop3A_229 {strides = array<i32>} : memref<51200xf32, #tpu.memory_space<vmem>>, vector<16xf32>,
        %parallel_loop3A_234 = arith.mulf %parallel_loop3A_139, %parallel_loop3A_209 : vector<16xf32>
        %parallel_loop3A_235 = arith.constant 64 : i32
        %parallel_loop3A_236 = arith.addi %parallel_loop3A_213, %parallel_loop3A_235 : i32
        %parallel_loop3A_237 = arith.index_cast %parallel_loop3A_236 : i32 to index
        %parallel_loop3A_238 = tpu.vector_load %arg12[%parallel_loop3A_237] {strides = array<i32>} : memref<51200xf32, #tpu.memory_space<vmem>>, vector<16xf32>,
        tpu.vector_store %arg12[%parallel_loop3A_237], %parallel_loop3A_234 {strides = array<i32>} : memref<51200xf32, #tpu.memory_space<vmem>>, vector<16xf32>,
        %parallel_loop3A_239 = arith.mulf %parallel_loop3A_141, %parallel_loop3A_209 : vector<16xf32>
        %parallel_loop3A_240 = arith.constant 80 : i32
        %parallel_loop3A_241 = arith.addi %parallel_loop3A_213, %parallel_loop3A_240 : i32
        %parallel_loop3A_242 = arith.index_cast %parallel_loop3A_241 : i32 to index
        %parallel_loop3A_243 = tpu.vector_load %arg12[%parallel_loop3A_242] {strides = array<i32>} : memref<51200xf32, #tpu.memory_space<vmem>>, vector<16xf32>,
        tpu.vector_store %arg12[%parallel_loop3A_242], %parallel_loop3A_239 {strides = array<i32>} : memref<51200xf32, #tpu.memory_space<vmem>>, vector<16xf32>,
        %parallel_loop3A_244 = arith.mulf %parallel_loop3A_143, %parallel_loop3A_209 : vector<16xf32>
        %parallel_loop3A_245 = arith.constant 96 : i32
        %parallel_loop3A_246 = arith.addi %parallel_loop3A_213, %parallel_loop3A_245 : i32
        %parallel_loop3A_247 = arith.index_cast %parallel_loop3A_246 : i32 to index
        %parallel_loop3A_248 = tpu.vector_load %arg12[%parallel_loop3A_247] {strides = array<i32>} : memref<51200xf32, #tpu.memory_space<vmem>>, vector<16xf32>,
        tpu.vector_store %arg12[%parallel_loop3A_247], %parallel_loop3A_244 {strides = array<i32>} : memref<51200xf32, #tpu.memory_space<vmem>>, vector<16xf32>,
        %parallel_loop3A_249 = arith.mulf %parallel_loop3A_145, %parallel_loop3A_209 : vector<16xf32>
        %parallel_loop3A_250 = arith.constant 112 : i32
        %parallel_loop3A_251 = arith.addi %parallel_loop3A_213, %parallel_loop3A_250 : i32
        %parallel_loop3A_252 = arith.index_cast %parallel_loop3A_251 : i32 to index
        %parallel_loop3A_253 = tpu.vector_load %arg12[%parallel_loop3A_252] {strides = array<i32>} : memref<51200xf32, #tpu.memory_space<vmem>>, vector<16xf32>,
        tpu.vector_store %arg12[%parallel_loop3A_252], %parallel_loop3A_249 {strides = array<i32>} : memref<51200xf32, #tpu.memory_space<vmem>>, vector<16xf32>,
        %parallel_loop3A_254 = arith.constant 1 : i32
        %parallel_loop3A_255 = vector.broadcast %parallel_loop3A_254 : i32 to vector<16x1xi32>
        %parallel_loop3A_256 = vector.shape_cast %parallel_loop3A_255 : vector<16x1xi32> to vector<16xi32>
        %parallel_loop3A_257 = tpu.dynamic_gather %parallel_loop3A_125[%parallel_loop3A_256] in [0] : vector<16xf32>, vector<16xi32> -> vector<16xf32>
        %parallel_loop3A_258 = arith.constant 1 : i32
        %parallel_loop3A_259 = arith.addi %parallel_loop3A_118, %parallel_loop3A_258 : i32
        %parallel_loop3A_260 = arith.constant 128 : i32
        %parallel_loop3A_261 = arith.muli %parallel_loop3A_259, %parallel_loop3A_260 : i32
        %parallel_loop3A_262 = arith.mulf %parallel_loop3A_151, %parallel_loop3A_257 : vector<16xf32>
        %parallel_loop3A_263 = arith.constant 0 : i32
        %parallel_loop3A_264 = arith.addi %parallel_loop3A_261, %parallel_loop3A_263 : i32
        %parallel_loop3A_265 = arith.index_cast %parallel_loop3A_264 : i32 to index
        %parallel_loop3A_266 = tpu.vector_load %arg12[%parallel_loop3A_265] {strides = array<i32>} : memref<51200xf32, #tpu.memory_space<vmem>>, vector<16xf32>,
        tpu.vector_store %arg12[%parallel_loop3A_265], %parallel_loop3A_262 {strides = array<i32>} : memref<51200xf32, #tpu.memory_space<vmem>>, vector<16xf32>,
        %parallel_loop3A_267 = arith.mulf %parallel_loop3A_153, %parallel_loop3A_257 : vector<16xf32>
        %parallel_loop3A_268 = arith.constant 16 : i32
        %parallel_loop3A_269 = arith.addi %parallel_loop3A_261, %parallel_loop3A_268 : i32
        %parallel_loop3A_270 = arith.index_cast %parallel_loop3A_269 : i32 to index
        %parallel_loop3A_271 = tpu.vector_load %arg12[%parallel_loop3A_270] {strides = array<i32>} : memref<51200xf32, #tpu.memory_space<vmem>>, vector<16xf32>,
        tpu.vector_store %arg12[%parallel_loop3A_270], %parallel_loop3A_267 {strides = array<i32>} : memref<51200xf32, #tpu.memory_space<vmem>>, vector<16xf32>,
        %parallel_loop3A_272 = arith.mulf %parallel_loop3A_155, %parallel_loop3A_257 : vector<16xf32>
        %parallel_loop3A_273 = arith.constant 32 : i32
        %parallel_loop3A_274 = arith.addi %parallel_loop3A_261, %parallel_loop3A_273 : i32
        %parallel_loop3A_275 = arith.index_cast %parallel_loop3A_274 : i32 to index
        %parallel_loop3A_276 = tpu.vector_load %arg12[%parallel_loop3A_275] {strides = array<i32>} : memref<51200xf32, #tpu.memory_space<vmem>>, vector<16xf32>,
        tpu.vector_store %arg12[%parallel_loop3A_275], %parallel_loop3A_272 {strides = array<i32>} : memref<51200xf32, #tpu.memory_space<vmem>>, vector<16xf32>,
        %parallel_loop3A_277 = arith.mulf %parallel_loop3A_157, %parallel_loop3A_257 : vector<16xf32>
        %parallel_loop3A_278 = arith.constant 48 : i32
        %parallel_loop3A_279 = arith.addi %parallel_loop3A_261, %parallel_loop3A_278 : i32
        %parallel_loop3A_280 = arith.index_cast %parallel_loop3A_279 : i32 to index
        %parallel_loop3A_281 = tpu.vector_load %arg12[%parallel_loop3A_280] {strides = array<i32>} : memref<51200xf32, #tpu.memory_space<vmem>>, vector<16xf32>,
        tpu.vector_store %arg12[%parallel_loop3A_280], %parallel_loop3A_277 {strides = array<i32>} : memref<51200xf32, #tpu.memory_space<vmem>>, vector<16xf32>,
        %parallel_loop3A_282 = arith.mulf %parallel_loop3A_159, %parallel_loop3A_257 : vector<16xf32>
        %parallel_loop3A_283 = arith.constant 64 : i32
        %parallel_loop3A_284 = arith.addi %parallel_loop3A_261, %parallel_loop3A_283 : i32
        %parallel_loop3A_285 = arith.index_cast %parallel_loop3A_284 : i32 to index
        %parallel_loop3A_286 = tpu.vector_load %arg12[%parallel_loop3A_285] {strides = array<i32>} : memref<51200xf32, #tpu.memory_space<vmem>>, vector<16xf32>,
        tpu.vector_store %arg12[%parallel_loop3A_285], %parallel_loop3A_282 {strides = array<i32>} : memref<51200xf32, #tpu.memory_space<vmem>>, vector<16xf32>,
        %parallel_loop3A_287 = arith.mulf %parallel_loop3A_161, %parallel_loop3A_257 : vector<16xf32>
        %parallel_loop3A_288 = arith.constant 80 : i32
        %parallel_loop3A_289 = arith.addi %parallel_loop3A_261, %parallel_loop3A_288 : i32
        %parallel_loop3A_290 = arith.index_cast %parallel_loop3A_289 : i32 to index
        %parallel_loop3A_291 = tpu.vector_load %arg12[%parallel_loop3A_290] {strides = array<i32>} : memref<51200xf32, #tpu.memory_space<vmem>>, vector<16xf32>,
        tpu.vector_store %arg12[%parallel_loop3A_290], %parallel_loop3A_287 {strides = array<i32>} : memref<51200xf32, #tpu.memory_space<vmem>>, vector<16xf32>,
        %parallel_loop3A_292 = arith.mulf %parallel_loop3A_163, %parallel_loop3A_257 : vector<16xf32>
        %parallel_loop3A_293 = arith.constant 96 : i32
        %parallel_loop3A_294 = arith.addi %parallel_loop3A_261, %parallel_loop3A_293 : i32
        %parallel_loop3A_295 = arith.index_cast %parallel_loop3A_294 : i32 to index
        %parallel_loop3A_296 = tpu.vector_load %arg12[%parallel_loop3A_295] {strides = array<i32>} : memref<51200xf32, #tpu.memory_space<vmem>>, vector<16xf32>,
        tpu.vector_store %arg12[%parallel_loop3A_295], %parallel_loop3A_292 {strides = array<i32>} : memref<51200xf32, #tpu.memory_space<vmem>>, vector<16xf32>,
        %parallel_loop3A_297 = arith.mulf %parallel_loop3A_165, %parallel_loop3A_257 : vector<16xf32>
        %parallel_loop3A_298 = arith.constant 112 : i32
        %parallel_loop3A_299 = arith.addi %parallel_loop3A_261, %parallel_loop3A_298 : i32
        %parallel_loop3A_300 = arith.index_cast %parallel_loop3A_299 : i32 to index
        %parallel_loop3A_301 = tpu.vector_load %arg12[%parallel_loop3A_300] {strides = array<i32>} : memref<51200xf32, #tpu.memory_space<vmem>>, vector<16xf32>,
        tpu.vector_store %arg12[%parallel_loop3A_300], %parallel_loop3A_297 {strides = array<i32>} : memref<51200xf32, #tpu.memory_space<vmem>>, vector<16xf32>,
        %parallel_loop3A_302 = arith.constant 4 : i32
        %parallel_loop3A_303 = vector.broadcast %parallel_loop3A_302 : i32 to vector<16x1xi32>
        %parallel_loop3A_304 = vector.shape_cast %parallel_loop3A_303 : vector<16x1xi32> to vector<16xi32>
        %parallel_loop3A_305 = tpu.dynamic_gather %parallel_loop3A_123[%parallel_loop3A_304] in [0] : vector<16xi32>, vector<16xi32> -> vector<16xi32>
        %parallel_loop3A_306 = arith.addi %parallel_loop3A_305, %add3A_5 : vector<16xi32>
        %parallel_loop3A_307 = tpu.vector_load_idx %arg6[%parallel_loop3A_306] : memref<6528xf32, #tpu.memory_space<vmem>>[vector<16xi32>], vector<16xf32>,
        %parallel_loop3A_308 = arith.addi %parallel_loop3A_305, %add3A_8 : vector<16xi32>
        %parallel_loop3A_309 = tpu.vector_load_idx %arg6[%parallel_loop3A_308] : memref<6528xf32, #tpu.memory_space<vmem>>[vector<16xi32>], vector<16xf32>,
        %parallel_loop3A_310 = arith.addi %parallel_loop3A_305, %add3A_11 : vector<16xi32>
        %parallel_loop3A_311 = tpu.vector_load_idx %arg6[%parallel_loop3A_310] : memref<6528xf32, #tpu.memory_space<vmem>>[vector<16xi32>], vector<16xf32>,
        %parallel_loop3A_312 = arith.addi %parallel_loop3A_305, %add3A_14 : vector<16xi32>
        %parallel_loop3A_313 = tpu.vector_load_idx %arg6[%parallel_loop3A_312] : memref<6528xf32, #tpu.memory_space<vmem>>[vector<16xi32>], vector<16xf32>,
        %parallel_loop3A_314 = arith.addi %parallel_loop3A_305, %add3A_17 : vector<16xi32>
        %parallel_loop3A_315 = tpu.vector_load_idx %arg6[%parallel_loop3A_314] : memref<6528xf32, #tpu.memory_space<vmem>>[vector<16xi32>], vector<16xf32>,
        %parallel_loop3A_316 = arith.addi %parallel_loop3A_305, %add3A_20 : vector<16xi32>
        %parallel_loop3A_317 = tpu.vector_load_idx %arg6[%parallel_loop3A_316] : memref<6528xf32, #tpu.memory_space<vmem>>[vector<16xi32>], vector<16xf32>,
        %parallel_loop3A_318 = arith.addi %parallel_loop3A_305, %add3A_23 : vector<16xi32>
        %parallel_loop3A_319 = tpu.vector_load_idx %arg6[%parallel_loop3A_318] : memref<6528xf32, #tpu.memory_space<vmem>>[vector<16xi32>], vector<16xf32>,
        %parallel_loop3A_320 = arith.addi %parallel_loop3A_305, %add3A_26 : vector<16xi32>
        %parallel_loop3A_321 = tpu.vector_load_idx %arg6[%parallel_loop3A_320] : memref<6528xf32, #tpu.memory_space<vmem>>[vector<16xi32>], vector<16xf32>,
        %parallel_loop3A_322 = arith.constant 5 : i32
        %parallel_loop3A_323 = vector.broadcast %parallel_loop3A_322 : i32 to vector<16x1xi32>
        %parallel_loop3A_324 = vector.shape_cast %parallel_loop3A_323 : vector<16x1xi32> to vector<16xi32>
        %parallel_loop3A_325 = tpu.dynamic_gather %parallel_loop3A_123[%parallel_loop3A_324] in [0] : vector<16xi32>, vector<16xi32> -> vector<16xi32>
        %parallel_loop3A_326 = arith.addi %parallel_loop3A_325, %add3A_5 : vector<16xi32>
        %parallel_loop3A_327 = tpu.vector_load_idx %arg6[%parallel_loop3A_326] : memref<6528xf32, #tpu.memory_space<vmem>>[vector<16xi32>], vector<16xf32>,
        %parallel_loop3A_328 = arith.addi %parallel_loop3A_325, %add3A_8 : vector<16xi32>
        %parallel_loop3A_329 = tpu.vector_load_idx %arg6[%parallel_loop3A_328] : memref<6528xf32, #tpu.memory_space<vmem>>[vector<16xi32>], vector<16xf32>,
        %parallel_loop3A_330 = arith.addi %parallel_loop3A_325, %add3A_11 : vector<16xi32>
        %parallel_loop3A_331 = tpu.vector_load_idx %arg6[%parallel_loop3A_330] : memref<6528xf32, #tpu.memory_space<vmem>>[vector<16xi32>], vector<16xf32>,
        %parallel_loop3A_332 = arith.addi %parallel_loop3A_325, %add3A_14 : vector<16xi32>
        %parallel_loop3A_333 = tpu.vector_load_idx %arg6[%parallel_loop3A_332] : memref<6528xf32, #tpu.memory_space<vmem>>[vector<16xi32>], vector<16xf32>,
        %parallel_loop3A_334 = arith.addi %parallel_loop3A_325, %add3A_17 : vector<16xi32>
        %parallel_loop3A_335 = tpu.vector_load_idx %arg6[%parallel_loop3A_334] : memref<6528xf32, #tpu.memory_space<vmem>>[vector<16xi32>], vector<16xf32>,
        %parallel_loop3A_336 = arith.addi %parallel_loop3A_325, %add3A_20 : vector<16xi32>
        %parallel_loop3A_337 = tpu.vector_load_idx %arg6[%parallel_loop3A_336] : memref<6528xf32, #tpu.memory_space<vmem>>[vector<16xi32>], vector<16xf32>,
        %parallel_loop3A_338 = arith.addi %parallel_loop3A_325, %add3A_23 : vector<16xi32>
        %parallel_loop3A_339 = tpu.vector_load_idx %arg6[%parallel_loop3A_338] : memref<6528xf32, #tpu.memory_space<vmem>>[vector<16xi32>], vector<16xf32>,
        %parallel_loop3A_340 = arith.addi %parallel_loop3A_325, %add3A_26 : vector<16xi32>
        %parallel_loop3A_341 = tpu.vector_load_idx %arg6[%parallel_loop3A_340] : memref<6528xf32, #tpu.memory_space<vmem>>[vector<16xi32>], vector<16xf32>,
        %parallel_loop3A_342 = arith.constant 2 : i32
        %parallel_loop3A_343 = vector.broadcast %parallel_loop3A_342 : i32 to vector<16x1xi32>
        %parallel_loop3A_344 = vector.shape_cast %parallel_loop3A_343 : vector<16x1xi32> to vector<16xi32>
        %parallel_loop3A_345 = tpu.dynamic_gather %parallel_loop3A_125[%parallel_loop3A_344] in [0] : vector<16xf32>, vector<16xi32> -> vector<16xf32>
        %parallel_loop3A_346 = arith.constant 2 : i32
        %parallel_loop3A_347 = arith.addi %parallel_loop3A_118, %parallel_loop3A_346 : i32
        %parallel_loop3A_348 = arith.constant 128 : i32
        %parallel_loop3A_349 = arith.muli %parallel_loop3A_347, %parallel_loop3A_348 : i32
        %parallel_loop3A_350 = arith.mulf %parallel_loop3A_171, %parallel_loop3A_345 : vector<16xf32>
        %parallel_loop3A_351 = arith.constant 0 : i32
        %parallel_loop3A_352 = arith.addi %parallel_loop3A_349, %parallel_loop3A_351 : i32
        %parallel_loop3A_353 = arith.index_cast %parallel_loop3A_352 : i32 to index
        %parallel_loop3A_354 = tpu.vector_load %arg12[%parallel_loop3A_353] {strides = array<i32>} : memref<51200xf32, #tpu.memory_space<vmem>>, vector<16xf32>,
        tpu.vector_store %arg12[%parallel_loop3A_353], %parallel_loop3A_350 {strides = array<i32>} : memref<51200xf32, #tpu.memory_space<vmem>>, vector<16xf32>,
        %parallel_loop3A_355 = arith.mulf %parallel_loop3A_173, %parallel_loop3A_345 : vector<16xf32>
        %parallel_loop3A_356 = arith.constant 16 : i32
        %parallel_loop3A_357 = arith.addi %parallel_loop3A_349, %parallel_loop3A_356 : i32
        %parallel_loop3A_358 = arith.index_cast %parallel_loop3A_357 : i32 to index
        %parallel_loop3A_359 = tpu.vector_load %arg12[%parallel_loop3A_358] {strides = array<i32>} : memref<51200xf32, #tpu.memory_space<vmem>>, vector<16xf32>,
        tpu.vector_store %arg12[%parallel_loop3A_358], %parallel_loop3A_355 {strides = array<i32>} : memref<51200xf32, #tpu.memory_space<vmem>>, vector<16xf32>,
        %parallel_loop3A_360 = arith.mulf %parallel_loop3A_175, %parallel_loop3A_345 : vector<16xf32>
        %parallel_loop3A_361 = arith.constant 32 : i32
        %parallel_loop3A_362 = arith.addi %parallel_loop3A_349, %parallel_loop3A_361 : i32
        %parallel_loop3A_363 = arith.index_cast %parallel_loop3A_362 : i32 to index
        %parallel_loop3A_364 = tpu.vector_load %arg12[%parallel_loop3A_363] {strides = array<i32>} : memref<51200xf32, #tpu.memory_space<vmem>>, vector<16xf32>,
        tpu.vector_store %arg12[%parallel_loop3A_363], %parallel_loop3A_360 {strides = array<i32>} : memref<51200xf32, #tpu.memory_space<vmem>>, vector<16xf32>,
        %parallel_loop3A_365 = arith.mulf %parallel_loop3A_177, %parallel_loop3A_345 : vector<16xf32>
        %parallel_loop3A_366 = arith.constant 48 : i32
        %parallel_loop3A_367 = arith.addi %parallel_loop3A_349, %parallel_loop3A_366 : i32
        %parallel_loop3A_368 = arith.index_cast %parallel_loop3A_367 : i32 to index
        %parallel_loop3A_369 = tpu.vector_load %arg12[%parallel_loop3A_368] {strides = array<i32>} : memref<51200xf32, #tpu.memory_space<vmem>>, vector<16xf32>,
        tpu.vector_store %arg12[%parallel_loop3A_368], %parallel_loop3A_365 {strides = array<i32>} : memref<51200xf32, #tpu.memory_space<vmem>>, vector<16xf32>,
        %parallel_loop3A_370 = arith.mulf %parallel_loop3A_179, %parallel_loop3A_345 : vector<16xf32>
        %parallel_loop3A_371 = arith.constant 64 : i32
        %parallel_loop3A_372 = arith.addi %parallel_loop3A_349, %parallel_loop3A_371 : i32
        %parallel_loop3A_373 = arith.index_cast %parallel_loop3A_372 : i32 to index
        %parallel_loop3A_374 = tpu.vector_load %arg12[%parallel_loop3A_373] {strides = array<i32>} : memref<51200xf32, #tpu.memory_space<vmem>>, vector<16xf32>,
        tpu.vector_store %arg12[%parallel_loop3A_373], %parallel_loop3A_370 {strides = array<i32>} : memref<51200xf32, #tpu.memory_space<vmem>>, vector<16xf32>,
        %parallel_loop3A_375 = arith.mulf %parallel_loop3A_181, %parallel_loop3A_345 : vector<16xf32>
        %parallel_loop3A_376 = arith.constant 80 : i32
        %parallel_loop3A_377 = arith.addi %parallel_loop3A_349, %parallel_loop3A_376 : i32
        %parallel_loop3A_378 = arith.index_cast %parallel_loop3A_377 : i32 to index
        %parallel_loop3A_379 = tpu.vector_load %arg12[%parallel_loop3A_378] {strides = array<i32>} : memref<51200xf32, #tpu.memory_space<vmem>>, vector<16xf32>,
        tpu.vector_store %arg12[%parallel_loop3A_378], %parallel_loop3A_375 {strides = array<i32>} : memref<51200xf32, #tpu.memory_space<vmem>>, vector<16xf32>,
        %parallel_loop3A_380 = arith.mulf %parallel_loop3A_183, %parallel_loop3A_345 : vector<16xf32>
        %parallel_loop3A_381 = arith.constant 96 : i32
        %parallel_loop3A_382 = arith.addi %parallel_loop3A_349, %parallel_loop3A_381 : i32
        %parallel_loop3A_383 = arith.index_cast %parallel_loop3A_382 : i32 to index
        %parallel_loop3A_384 = tpu.vector_load %arg12[%parallel_loop3A_383] {strides = array<i32>} : memref<51200xf32, #tpu.memory_space<vmem>>, vector<16xf32>,
        tpu.vector_store %arg12[%parallel_loop3A_383], %parallel_loop3A_380 {strides = array<i32>} : memref<51200xf32, #tpu.memory_space<vmem>>, vector<16xf32>,
        %parallel_loop3A_385 = arith.mulf %parallel_loop3A_185, %parallel_loop3A_345 : vector<16xf32>
        %parallel_loop3A_386 = arith.constant 112 : i32
        %parallel_loop3A_387 = arith.addi %parallel_loop3A_349, %parallel_loop3A_386 : i32
        %parallel_loop3A_388 = arith.index_cast %parallel_loop3A_387 : i32 to index
        %parallel_loop3A_389 = tpu.vector_load %arg12[%parallel_loop3A_388] {strides = array<i32>} : memref<51200xf32, #tpu.memory_space<vmem>>, vector<16xf32>,
        tpu.vector_store %arg12[%parallel_loop3A_388], %parallel_loop3A_385 {strides = array<i32>} : memref<51200xf32, #tpu.memory_space<vmem>>, vector<16xf32>,
        %parallel_loop3A_390 = arith.constant 3 : i32
        %parallel_loop3A_391 = vector.broadcast %parallel_loop3A_390 : i32 to vector<16x1xi32>
        %parallel_loop3A_392 = vector.shape_cast %parallel_loop3A_391 : vector<16x1xi32> to vector<16xi32>
        %parallel_loop3A_393 = tpu.dynamic_gather %parallel_loop3A_125[%parallel_loop3A_392] in [0] : vector<16xf32>, vector<16xi32> -> vector<16xf32>
        %parallel_loop3A_394 = arith.constant 3 : i32
        %parallel_loop3A_395 = arith.addi %parallel_loop3A_118, %parallel_loop3A_394 : i32
        %parallel_loop3A_396 = arith.constant 128 : i32
        %parallel_loop3A_397 = arith.muli %parallel_loop3A_395, %parallel_loop3A_396 : i32
        %parallel_loop3A_398 = arith.mulf %parallel_loop3A_191, %parallel_loop3A_393 : vector<16xf32>
        %parallel_loop3A_399 = arith.constant 0 : i32
        %parallel_loop3A_400 = arith.addi %parallel_loop3A_397, %parallel_loop3A_399 : i32
        %parallel_loop3A_401 = arith.index_cast %parallel_loop3A_400 : i32 to index
        %parallel_loop3A_402 = tpu.vector_load %arg12[%parallel_loop3A_401] {strides = array<i32>} : memref<51200xf32, #tpu.memory_space<vmem>>, vector<16xf32>,
        tpu.vector_store %arg12[%parallel_loop3A_401], %parallel_loop3A_398 {strides = array<i32>} : memref<51200xf32, #tpu.memory_space<vmem>>, vector<16xf32>,
        %parallel_loop3A_403 = arith.mulf %parallel_loop3A_193, %parallel_loop3A_393 : vector<16xf32>
        %parallel_loop3A_404 = arith.constant 16 : i32
        %parallel_loop3A_405 = arith.addi %parallel_loop3A_397, %parallel_loop3A_404 : i32
        %parallel_loop3A_406 = arith.index_cast %parallel_loop3A_405 : i32 to index
        %parallel_loop3A_407 = tpu.vector_load %arg12[%parallel_loop3A_406] {strides = array<i32>} : memref<51200xf32, #tpu.memory_space<vmem>>, vector<16xf32>,
        tpu.vector_store %arg12[%parallel_loop3A_406], %parallel_loop3A_403 {strides = array<i32>} : memref<51200xf32, #tpu.memory_space<vmem>>, vector<16xf32>,
        %parallel_loop3A_408 = arith.mulf %parallel_loop3A_195, %parallel_loop3A_393 : vector<16xf32>
        %parallel_loop3A_409 = arith.constant 32 : i32
        %parallel_loop3A_410 = arith.addi %parallel_loop3A_397, %parallel_loop3A_409 : i32
        %parallel_loop3A_411 = arith.index_cast %parallel_loop3A_410 : i32 to index
        %parallel_loop3A_412 = tpu.vector_load %arg12[%parallel_loop3A_411] {strides = array<i32>} : memref<51200xf32, #tpu.memory_space<vmem>>, vector<16xf32>,
        tpu.vector_store %arg12[%parallel_loop3A_411], %parallel_loop3A_408 {strides = array<i32>} : memref<51200xf32, #tpu.memory_space<vmem>>, vector<16xf32>,
        %parallel_loop3A_413 = arith.mulf %parallel_loop3A_197, %parallel_loop3A_393 : vector<16xf32>
        %parallel_loop3A_414 = arith.constant 48 : i32
        %parallel_loop3A_415 = arith.addi %parallel_loop3A_397, %parallel_loop3A_414 : i32
        %parallel_loop3A_416 = arith.index_cast %parallel_loop3A_415 : i32 to index
        %parallel_loop3A_417 = tpu.vector_load %arg12[%parallel_loop3A_416] {strides = array<i32>} : memref<51200xf32, #tpu.memory_space<vmem>>, vector<16xf32>,
        tpu.vector_store %arg12[%parallel_loop3A_416], %parallel_loop3A_413 {strides = array<i32>} : memref<51200xf32, #tpu.memory_space<vmem>>, vector<16xf32>,
        %parallel_loop3A_418 = arith.mulf %parallel_loop3A_199, %parallel_loop3A_393 : vector<16xf32>
        %parallel_loop3A_419 = arith.constant 64 : i32
        %parallel_loop3A_420 = arith.addi %parallel_loop3A_397, %parallel_loop3A_419 : i32
        %parallel_loop3A_421 = arith.index_cast %parallel_loop3A_420 : i32 to index
        %parallel_loop3A_422 = tpu.vector_load %arg12[%parallel_loop3A_421] {strides = array<i32>} : memref<51200xf32, #tpu.memory_space<vmem>>, vector<16xf32>,
        tpu.vector_store %arg12[%parallel_loop3A_421], %parallel_loop3A_418 {strides = array<i32>} : memref<51200xf32, #tpu.memory_space<vmem>>, vector<16xf32>,
        %parallel_loop3A_423 = arith.mulf %parallel_loop3A_201, %parallel_loop3A_393 : vector<16xf32>
        %parallel_loop3A_424 = arith.constant 80 : i32
        %parallel_loop3A_425 = arith.addi %parallel_loop3A_397, %parallel_loop3A_424 : i32
        %parallel_loop3A_426 = arith.index_cast %parallel_loop3A_425 : i32 to index
        %parallel_loop3A_427 = tpu.vector_load %arg12[%parallel_loop3A_426] {strides = array<i32>} : memref<51200xf32, #tpu.memory_space<vmem>>, vector<16xf32>,
        tpu.vector_store %arg12[%parallel_loop3A_426], %parallel_loop3A_423 {strides = array<i32>} : memref<51200xf32, #tpu.memory_space<vmem>>, vector<16xf32>,
        %parallel_loop3A_428 = arith.mulf %parallel_loop3A_203, %parallel_loop3A_393 : vector<16xf32>
        %parallel_loop3A_429 = arith.constant 96 : i32
        %parallel_loop3A_430 = arith.addi %parallel_loop3A_397, %parallel_loop3A_429 : i32
        %parallel_loop3A_431 = arith.index_cast %parallel_loop3A_430 : i32 to index
        %parallel_loop3A_432 = tpu.vector_load %arg12[%parallel_loop3A_431] {strides = array<i32>} : memref<51200xf32, #tpu.memory_space<vmem>>, vector<16xf32>,
        tpu.vector_store %arg12[%parallel_loop3A_431], %parallel_loop3A_428 {strides = array<i32>} : memref<51200xf32, #tpu.memory_space<vmem>>, vector<16xf32>,
        %parallel_loop3A_433 = arith.mulf %parallel_loop3A_205, %parallel_loop3A_393 : vector<16xf32>
        %parallel_loop3A_434 = arith.constant 112 : i32
        %parallel_loop3A_435 = arith.addi %parallel_loop3A_397, %parallel_loop3A_434 : i32
        %parallel_loop3A_436 = arith.index_cast %parallel_loop3A_435 : i32 to index
        %parallel_loop3A_437 = tpu.vector_load %arg12[%parallel_loop3A_436] {strides = array<i32>} : memref<51200xf32, #tpu.memory_space<vmem>>, vector<16xf32>,
        tpu.vector_store %arg12[%parallel_loop3A_436], %parallel_loop3A_433 {strides = array<i32>} : memref<51200xf32, #tpu.memory_space<vmem>>, vector<16xf32>,
        %parallel_loop3A_438 = arith.constant 6 : i32
        %parallel_loop3A_439 = vector.broadcast %parallel_loop3A_438 : i32 to vector<16x1xi32>
        %parallel_loop3A_440 = vector.shape_cast %parallel_loop3A_439 : vector<16x1xi32> to vector<16xi32>
        %parallel_loop3A_441 = tpu.dynamic_gather %parallel_loop3A_123[%parallel_loop3A_440] in [0] : vector<16xi32>, vector<16xi32> -> vector<16xi32>
        %parallel_loop3A_442 = arith.addi %parallel_loop3A_441, %add3A_5 : vector<16xi32>
        %parallel_loop3A_443 = tpu.vector_load_idx %arg6[%parallel_loop3A_442] : memref<6528xf32, #tpu.memory_space<vmem>>[vector<16xi32>], vector<16xf32>,
        %parallel_loop3A_444 = arith.addi %parallel_loop3A_441, %add3A_8 : vector<16xi32>
        %parallel_loop3A_445 = tpu.vector_load_idx %arg6[%parallel_loop3A_444] : memref<6528xf32, #tpu.memory_space<vmem>>[vector<16xi32>], vector<16xf32>,
        %parallel_loop3A_446 = arith.addi %parallel_loop3A_441, %add3A_11 : vector<16xi32>
        %parallel_loop3A_447 = tpu.vector_load_idx %arg6[%parallel_loop3A_446] : memref<6528xf32, #tpu.memory_space<vmem>>[vector<16xi32>], vector<16xf32>,
        %parallel_loop3A_448 = arith.addi %parallel_loop3A_441, %add3A_14 : vector<16xi32>
        %parallel_loop3A_449 = tpu.vector_load_idx %arg6[%parallel_loop3A_448] : memref<6528xf32, #tpu.memory_space<vmem>>[vector<16xi32>], vector<16xf32>,
        %parallel_loop3A_450 = arith.addi %parallel_loop3A_441, %add3A_17 : vector<16xi32>
        %parallel_loop3A_451 = tpu.vector_load_idx %arg6[%parallel_loop3A_450] : memref<6528xf32, #tpu.memory_space<vmem>>[vector<16xi32>], vector<16xf32>,
        %parallel_loop3A_452 = arith.addi %parallel_loop3A_441, %add3A_20 : vector<16xi32>
        %parallel_loop3A_453 = tpu.vector_load_idx %arg6[%parallel_loop3A_452] : memref<6528xf32, #tpu.memory_space<vmem>>[vector<16xi32>], vector<16xf32>,
        %parallel_loop3A_454 = arith.addi %parallel_loop3A_441, %add3A_23 : vector<16xi32>
        %parallel_loop3A_455 = tpu.vector_load_idx %arg6[%parallel_loop3A_454] : memref<6528xf32, #tpu.memory_space<vmem>>[vector<16xi32>], vector<16xf32>,
        %parallel_loop3A_456 = arith.addi %parallel_loop3A_441, %add3A_26 : vector<16xi32>
        %parallel_loop3A_457 = tpu.vector_load_idx %arg6[%parallel_loop3A_456] : memref<6528xf32, #tpu.memory_space<vmem>>[vector<16xi32>], vector<16xf32>,
        %parallel_loop3A_458 = arith.constant 7 : i32
        %parallel_loop3A_459 = vector.broadcast %parallel_loop3A_458 : i32 to vector<16x1xi32>
        %parallel_loop3A_460 = vector.shape_cast %parallel_loop3A_459 : vector<16x1xi32> to vector<16xi32>
        %parallel_loop3A_461 = tpu.dynamic_gather %parallel_loop3A_123[%parallel_loop3A_460] in [0] : vector<16xi32>, vector<16xi32> -> vector<16xi32>
        %parallel_loop3A_462 = arith.addi %parallel_loop3A_461, %add3A_5 : vector<16xi32>
        %parallel_loop3A_463 = tpu.vector_load_idx %arg6[%parallel_loop3A_462] : memref<6528xf32, #tpu.memory_space<vmem>>[vector<16xi32>], vector<16xf32>,
        %parallel_loop3A_464 = arith.addi %parallel_loop3A_461, %add3A_8 : vector<16xi32>
        %parallel_loop3A_465 = tpu.vector_load_idx %arg6[%parallel_loop3A_464] : memref<6528xf32, #tpu.memory_space<vmem>>[vector<16xi32>], vector<16xf32>,
        %parallel_loop3A_466 = arith.addi %parallel_loop3A_461, %add3A_11 : vector<16xi32>
        %parallel_loop3A_467 = tpu.vector_load_idx %arg6[%parallel_loop3A_466] : memref<6528xf32, #tpu.memory_space<vmem>>[vector<16xi32>], vector<16xf32>,
        %parallel_loop3A_468 = arith.addi %parallel_loop3A_461, %add3A_14 : vector<16xi32>
        %parallel_loop3A_469 = tpu.vector_load_idx %arg6[%parallel_loop3A_468] : memref<6528xf32, #tpu.memory_space<vmem>>[vector<16xi32>], vector<16xf32>,
        %parallel_loop3A_470 = arith.addi %parallel_loop3A_461, %add3A_17 : vector<16xi32>
        %parallel_loop3A_471 = tpu.vector_load_idx %arg6[%parallel_loop3A_470] : memref<6528xf32, #tpu.memory_space<vmem>>[vector<16xi32>], vector<16xf32>,
        %parallel_loop3A_472 = arith.addi %parallel_loop3A_461, %add3A_20 : vector<16xi32>
        %parallel_loop3A_473 = tpu.vector_load_idx %arg6[%parallel_loop3A_472] : memref<6528xf32, #tpu.memory_space<vmem>>[vector<16xi32>], vector<16xf32>,
        %parallel_loop3A_474 = arith.addi %parallel_loop3A_461, %add3A_23 : vector<16xi32>
        %parallel_loop3A_475 = tpu.vector_load_idx %arg6[%parallel_loop3A_474] : memref<6528xf32, #tpu.memory_space<vmem>>[vector<16xi32>], vector<16xf32>,
        %parallel_loop3A_476 = arith.addi %parallel_loop3A_461, %add3A_26 : vector<16xi32>
        %parallel_loop3A_477 = tpu.vector_load_idx %arg6[%parallel_loop3A_476] : memref<6528xf32, #tpu.memory_space<vmem>>[vector<16xi32>], vector<16xf32>,
        %parallel_loop3A_478 = arith.constant 4 : i32
        %parallel_loop3A_479 = vector.broadcast %parallel_loop3A_478 : i32 to vector<16x1xi32>
        %parallel_loop3A_480 = vector.shape_cast %parallel_loop3A_479 : vector<16x1xi32> to vector<16xi32>
        %parallel_loop3A_481 = tpu.dynamic_gather %parallel_loop3A_125[%parallel_loop3A_480] in [0] : vector<16xf32>, vector<16xi32> -> vector<16xf32>
        %parallel_loop3A_482 = arith.constant 4 : i32
        %parallel_loop3A_483 = arith.addi %parallel_loop3A_118, %parallel_loop3A_482 : i32
        %parallel_loop3A_484 = arith.constant 128 : i32
        %parallel_loop3A_485 = arith.muli %parallel_loop3A_483, %parallel_loop3A_484 : i32
        %parallel_loop3A_486 = arith.mulf %parallel_loop3A_307, %parallel_loop3A_481 : vector<16xf32>
        %parallel_loop3A_487 = arith.constant 0 : i32
        %parallel_loop3A_488 = arith.addi %parallel_loop3A_485, %parallel_loop3A_487 : i32
        %parallel_loop3A_489 = arith.index_cast %parallel_loop3A_488 : i32 to index
        %parallel_loop3A_490 = tpu.vector_load %arg12[%parallel_loop3A_489] {strides = array<i32>} : memref<51200xf32, #tpu.memory_space<vmem>>, vector<16xf32>,
        tpu.vector_store %arg12[%parallel_loop3A_489], %parallel_loop3A_486 {strides = array<i32>} : memref<51200xf32, #tpu.memory_space<vmem>>, vector<16xf32>,
        %parallel_loop3A_491 = arith.mulf %parallel_loop3A_309, %parallel_loop3A_481 : vector<16xf32>
        %parallel_loop3A_492 = arith.constant 16 : i32
        %parallel_loop3A_493 = arith.addi %parallel_loop3A_485, %parallel_loop3A_492 : i32
        %parallel_loop3A_494 = arith.index_cast %parallel_loop3A_493 : i32 to index
        %parallel_loop3A_495 = tpu.vector_load %arg12[%parallel_loop3A_494] {strides = array<i32>} : memref<51200xf32, #tpu.memory_space<vmem>>, vector<16xf32>,
        tpu.vector_store %arg12[%parallel_loop3A_494], %parallel_loop3A_491 {strides = array<i32>} : memref<51200xf32, #tpu.memory_space<vmem>>, vector<16xf32>,
        %parallel_loop3A_496 = arith.mulf %parallel_loop3A_311, %parallel_loop3A_481 : vector<16xf32>
        %parallel_loop3A_497 = arith.constant 32 : i32
        %parallel_loop3A_498 = arith.addi %parallel_loop3A_485, %parallel_loop3A_497 : i32
        %parallel_loop3A_499 = arith.index_cast %parallel_loop3A_498 : i32 to index
        %parallel_loop3A_500 = tpu.vector_load %arg12[%parallel_loop3A_499] {strides = array<i32>} : memref<51200xf32, #tpu.memory_space<vmem>>, vector<16xf32>,
        tpu.vector_store %arg12[%parallel_loop3A_499], %parallel_loop3A_496 {strides = array<i32>} : memref<51200xf32, #tpu.memory_space<vmem>>, vector<16xf32>,
        %parallel_loop3A_501 = arith.mulf %parallel_loop3A_313, %parallel_loop3A_481 : vector<16xf32>
        %parallel_loop3A_502 = arith.constant 48 : i32
        %parallel_loop3A_503 = arith.addi %parallel_loop3A_485, %parallel_loop3A_502 : i32
        %parallel_loop3A_504 = arith.index_cast %parallel_loop3A_503 : i32 to index
        %parallel_loop3A_505 = tpu.vector_load %arg12[%parallel_loop3A_504] {strides = array<i32>} : memref<51200xf32, #tpu.memory_space<vmem>>, vector<16xf32>,
        tpu.vector_store %arg12[%parallel_loop3A_504], %parallel_loop3A_501 {strides = array<i32>} : memref<51200xf32, #tpu.memory_space<vmem>>, vector<16xf32>,
        %parallel_loop3A_506 = arith.mulf %parallel_loop3A_315, %parallel_loop3A_481 : vector<16xf32>
        %parallel_loop3A_507 = arith.constant 64 : i32
        %parallel_loop3A_508 = arith.addi %parallel_loop3A_485, %parallel_loop3A_507 : i32
        %parallel_loop3A_509 = arith.index_cast %parallel_loop3A_508 : i32 to index
        %parallel_loop3A_510 = tpu.vector_load %arg12[%parallel_loop3A_509] {strides = array<i32>} : memref<51200xf32, #tpu.memory_space<vmem>>, vector<16xf32>,
        tpu.vector_store %arg12[%parallel_loop3A_509], %parallel_loop3A_506 {strides = array<i32>} : memref<51200xf32, #tpu.memory_space<vmem>>, vector<16xf32>,
        %parallel_loop3A_511 = arith.mulf %parallel_loop3A_317, %parallel_loop3A_481 : vector<16xf32>
        %parallel_loop3A_512 = arith.constant 80 : i32
        %parallel_loop3A_513 = arith.addi %parallel_loop3A_485, %parallel_loop3A_512 : i32
        %parallel_loop3A_514 = arith.index_cast %parallel_loop3A_513 : i32 to index
        %parallel_loop3A_515 = tpu.vector_load %arg12[%parallel_loop3A_514] {strides = array<i32>} : memref<51200xf32, #tpu.memory_space<vmem>>, vector<16xf32>,
        tpu.vector_store %arg12[%parallel_loop3A_514], %parallel_loop3A_511 {strides = array<i32>} : memref<51200xf32, #tpu.memory_space<vmem>>, vector<16xf32>,
        %parallel_loop3A_516 = arith.mulf %parallel_loop3A_319, %parallel_loop3A_481 : vector<16xf32>
        %parallel_loop3A_517 = arith.constant 96 : i32
        %parallel_loop3A_518 = arith.addi %parallel_loop3A_485, %parallel_loop3A_517 : i32
        %parallel_loop3A_519 = arith.index_cast %parallel_loop3A_518 : i32 to index
        %parallel_loop3A_520 = tpu.vector_load %arg12[%parallel_loop3A_519] {strides = array<i32>} : memref<51200xf32, #tpu.memory_space<vmem>>, vector<16xf32>,
        tpu.vector_store %arg12[%parallel_loop3A_519], %parallel_loop3A_516 {strides = array<i32>} : memref<51200xf32, #tpu.memory_space<vmem>>, vector<16xf32>,
        %parallel_loop3A_521 = arith.mulf %parallel_loop3A_321, %parallel_loop3A_481 : vector<16xf32>
        %parallel_loop3A_522 = arith.constant 112 : i32
        %parallel_loop3A_523 = arith.addi %parallel_loop3A_485, %parallel_loop3A_522 : i32
        %parallel_loop3A_524 = arith.index_cast %parallel_loop3A_523 : i32 to index
        %parallel_loop3A_525 = tpu.vector_load %arg12[%parallel_loop3A_524] {strides = array<i32>} : memref<51200xf32, #tpu.memory_space<vmem>>, vector<16xf32>,
        tpu.vector_store %arg12[%parallel_loop3A_524], %parallel_loop3A_521 {strides = array<i32>} : memref<51200xf32, #tpu.memory_space<vmem>>, vector<16xf32>,
        %parallel_loop3A_526 = arith.constant 5 : i32
        %parallel_loop3A_527 = vector.broadcast %parallel_loop3A_526 : i32 to vector<16x1xi32>
        %parallel_loop3A_528 = vector.shape_cast %parallel_loop3A_527 : vector<16x1xi32> to vector<16xi32>
        %parallel_loop3A_529 = tpu.dynamic_gather %parallel_loop3A_125[%parallel_loop3A_528] in [0] : vector<16xf32>, vector<16xi32> -> vector<16xf32>
        %parallel_loop3A_530 = arith.constant 5 : i32
        %parallel_loop3A_531 = arith.addi %parallel_loop3A_118, %parallel_loop3A_530 : i32
        %parallel_loop3A_532 = arith.constant 128 : i32
        %parallel_loop3A_533 = arith.muli %parallel_loop3A_531, %parallel_loop3A_532 : i32
        %parallel_loop3A_534 = arith.mulf %parallel_loop3A_327, %parallel_loop3A_529 : vector<16xf32>
        %parallel_loop3A_535 = arith.constant 0 : i32
        %parallel_loop3A_536 = arith.addi %parallel_loop3A_533, %parallel_loop3A_535 : i32
        %parallel_loop3A_537 = arith.index_cast %parallel_loop3A_536 : i32 to index
        %parallel_loop3A_538 = tpu.vector_load %arg12[%parallel_loop3A_537] {strides = array<i32>} : memref<51200xf32, #tpu.memory_space<vmem>>, vector<16xf32>,
        tpu.vector_store %arg12[%parallel_loop3A_537], %parallel_loop3A_534 {strides = array<i32>} : memref<51200xf32, #tpu.memory_space<vmem>>, vector<16xf32>,
        %parallel_loop3A_539 = arith.mulf %parallel_loop3A_329, %parallel_loop3A_529 : vector<16xf32>
        %parallel_loop3A_540 = arith.constant 16 : i32
        %parallel_loop3A_541 = arith.addi %parallel_loop3A_533, %parallel_loop3A_540 : i32
        %parallel_loop3A_542 = arith.index_cast %parallel_loop3A_541 : i32 to index
        %parallel_loop3A_543 = tpu.vector_load %arg12[%parallel_loop3A_542] {strides = array<i32>} : memref<51200xf32, #tpu.memory_space<vmem>>, vector<16xf32>,
        tpu.vector_store %arg12[%parallel_loop3A_542], %parallel_loop3A_539 {strides = array<i32>} : memref<51200xf32, #tpu.memory_space<vmem>>, vector<16xf32>,
        %parallel_loop3A_544 = arith.mulf %parallel_loop3A_331, %parallel_loop3A_529 : vector<16xf32>
        %parallel_loop3A_545 = arith.constant 32 : i32
        %parallel_loop3A_546 = arith.addi %parallel_loop3A_533, %parallel_loop3A_545 : i32
        %parallel_loop3A_547 = arith.index_cast %parallel_loop3A_546 : i32 to index
        %parallel_loop3A_548 = tpu.vector_load %arg12[%parallel_loop3A_547] {strides = array<i32>} : memref<51200xf32, #tpu.memory_space<vmem>>, vector<16xf32>,
        tpu.vector_store %arg12[%parallel_loop3A_547], %parallel_loop3A_544 {strides = array<i32>} : memref<51200xf32, #tpu.memory_space<vmem>>, vector<16xf32>,
        %parallel_loop3A_549 = arith.mulf %parallel_loop3A_333, %parallel_loop3A_529 : vector<16xf32>
        %parallel_loop3A_550 = arith.constant 48 : i32
        %parallel_loop3A_551 = arith.addi %parallel_loop3A_533, %parallel_loop3A_550 : i32
        %parallel_loop3A_552 = arith.index_cast %parallel_loop3A_551 : i32 to index
        %parallel_loop3A_553 = tpu.vector_load %arg12[%parallel_loop3A_552] {strides = array<i32>} : memref<51200xf32, #tpu.memory_space<vmem>>, vector<16xf32>,
        tpu.vector_store %arg12[%parallel_loop3A_552], %parallel_loop3A_549 {strides = array<i32>} : memref<51200xf32, #tpu.memory_space<vmem>>, vector<16xf32>,
        %parallel_loop3A_554 = arith.mulf %parallel_loop3A_335, %parallel_loop3A_529 : vector<16xf32>
        %parallel_loop3A_555 = arith.constant 64 : i32
        %parallel_loop3A_556 = arith.addi %parallel_loop3A_533, %parallel_loop3A_555 : i32
        %parallel_loop3A_557 = arith.index_cast %parallel_loop3A_556 : i32 to index
        %parallel_loop3A_558 = tpu.vector_load %arg12[%parallel_loop3A_557] {strides = array<i32>} : memref<51200xf32, #tpu.memory_space<vmem>>, vector<16xf32>,
        tpu.vector_store %arg12[%parallel_loop3A_557], %parallel_loop3A_554 {strides = array<i32>} : memref<51200xf32, #tpu.memory_space<vmem>>, vector<16xf32>,
        %parallel_loop3A_559 = arith.mulf %parallel_loop3A_337, %parallel_loop3A_529 : vector<16xf32>
        %parallel_loop3A_560 = arith.constant 80 : i32
        %parallel_loop3A_561 = arith.addi %parallel_loop3A_533, %parallel_loop3A_560 : i32
        %parallel_loop3A_562 = arith.index_cast %parallel_loop3A_561 : i32 to index
        %parallel_loop3A_563 = tpu.vector_load %arg12[%parallel_loop3A_562] {strides = array<i32>} : memref<51200xf32, #tpu.memory_space<vmem>>, vector<16xf32>,
        tpu.vector_store %arg12[%parallel_loop3A_562], %parallel_loop3A_559 {strides = array<i32>} : memref<51200xf32, #tpu.memory_space<vmem>>, vector<16xf32>,
        %parallel_loop3A_564 = arith.mulf %parallel_loop3A_339, %parallel_loop3A_529 : vector<16xf32>
        %parallel_loop3A_565 = arith.constant 96 : i32
        %parallel_loop3A_566 = arith.addi %parallel_loop3A_533, %parallel_loop3A_565 : i32
        %parallel_loop3A_567 = arith.index_cast %parallel_loop3A_566 : i32 to index
        %parallel_loop3A_568 = tpu.vector_load %arg12[%parallel_loop3A_567] {strides = array<i32>} : memref<51200xf32, #tpu.memory_space<vmem>>, vector<16xf32>,
        tpu.vector_store %arg12[%parallel_loop3A_567], %parallel_loop3A_564 {strides = array<i32>} : memref<51200xf32, #tpu.memory_space<vmem>>, vector<16xf32>,
        %parallel_loop3A_569 = arith.mulf %parallel_loop3A_341, %parallel_loop3A_529 : vector<16xf32>
        %parallel_loop3A_570 = arith.constant 112 : i32
        %parallel_loop3A_571 = arith.addi %parallel_loop3A_533, %parallel_loop3A_570 : i32
        %parallel_loop3A_572 = arith.index_cast %parallel_loop3A_571 : i32 to index
        %parallel_loop3A_573 = tpu.vector_load %arg12[%parallel_loop3A_572] {strides = array<i32>} : memref<51200xf32, #tpu.memory_space<vmem>>, vector<16xf32>,
        tpu.vector_store %arg12[%parallel_loop3A_572], %parallel_loop3A_569 {strides = array<i32>} : memref<51200xf32, #tpu.memory_space<vmem>>, vector<16xf32>,
        %parallel_loop3A_574 = arith.constant 8 : i32
        %parallel_loop3A_575 = vector.broadcast %parallel_loop3A_574 : i32 to vector<16x1xi32>
        %parallel_loop3A_576 = vector.shape_cast %parallel_loop3A_575 : vector<16x1xi32> to vector<16xi32>
        %parallel_loop3A_577 = tpu.dynamic_gather %parallel_loop3A_123[%parallel_loop3A_576] in [0] : vector<16xi32>, vector<16xi32> -> vector<16xi32>
        %parallel_loop3A_578 = arith.addi %parallel_loop3A_577, %add3A_5 : vector<16xi32>
        %parallel_loop3A_579 = tpu.vector_load_idx %arg6[%parallel_loop3A_578] : memref<6528xf32, #tpu.memory_space<vmem>>[vector<16xi32>], vector<16xf32>,
        %parallel_loop3A_580 = arith.addi %parallel_loop3A_577, %add3A_8 : vector<16xi32>
        %parallel_loop3A_581 = tpu.vector_load_idx %arg6[%parallel_loop3A_580] : memref<6528xf32, #tpu.memory_space<vmem>>[vector<16xi32>], vector<16xf32>,
        %parallel_loop3A_582 = arith.addi %parallel_loop3A_577, %add3A_11 : vector<16xi32>
        %parallel_loop3A_583 = tpu.vector_load_idx %arg6[%parallel_loop3A_582] : memref<6528xf32, #tpu.memory_space<vmem>>[vector<16xi32>], vector<16xf32>,
        %parallel_loop3A_584 = arith.addi %parallel_loop3A_577, %add3A_14 : vector<16xi32>
        %parallel_loop3A_585 = tpu.vector_load_idx %arg6[%parallel_loop3A_584] : memref<6528xf32, #tpu.memory_space<vmem>>[vector<16xi32>], vector<16xf32>,
        %parallel_loop3A_586 = arith.addi %parallel_loop3A_577, %add3A_17 : vector<16xi32>
        %parallel_loop3A_587 = tpu.vector_load_idx %arg6[%parallel_loop3A_586] : memref<6528xf32, #tpu.memory_space<vmem>>[vector<16xi32>], vector<16xf32>,
        %parallel_loop3A_588 = arith.addi %parallel_loop3A_577, %add3A_20 : vector<16xi32>
        %parallel_loop3A_589 = tpu.vector_load_idx %arg6[%parallel_loop3A_588] : memref<6528xf32, #tpu.memory_space<vmem>>[vector<16xi32>], vector<16xf32>,
        %parallel_loop3A_590 = arith.addi %parallel_loop3A_577, %add3A_23 : vector<16xi32>
        %parallel_loop3A_591 = tpu.vector_load_idx %arg6[%parallel_loop3A_590] : memref<6528xf32, #tpu.memory_space<vmem>>[vector<16xi32>], vector<16xf32>,
        %parallel_loop3A_592 = arith.addi %parallel_loop3A_577, %add3A_26 : vector<16xi32>
        %parallel_loop3A_593 = tpu.vector_load_idx %arg6[%parallel_loop3A_592] : memref<6528xf32, #tpu.memory_space<vmem>>[vector<16xi32>], vector<16xf32>,
        %parallel_loop3A_594 = arith.constant 9 : i32
        %parallel_loop3A_595 = vector.broadcast %parallel_loop3A_594 : i32 to vector<16x1xi32>
        %parallel_loop3A_596 = vector.shape_cast %parallel_loop3A_595 : vector<16x1xi32> to vector<16xi32>
        %parallel_loop3A_597 = tpu.dynamic_gather %parallel_loop3A_123[%parallel_loop3A_596] in [0] : vector<16xi32>, vector<16xi32> -> vector<16xi32>
        %parallel_loop3A_598 = arith.addi %parallel_loop3A_597, %add3A_5 : vector<16xi32>
        %parallel_loop3A_599 = tpu.vector_load_idx %arg6[%parallel_loop3A_598] : memref<6528xf32, #tpu.memory_space<vmem>>[vector<16xi32>], vector<16xf32>,
        %parallel_loop3A_600 = arith.addi %parallel_loop3A_597, %add3A_8 : vector<16xi32>
        %parallel_loop3A_601 = tpu.vector_load_idx %arg6[%parallel_loop3A_600] : memref<6528xf32, #tpu.memory_space<vmem>>[vector<16xi32>], vector<16xf32>,
        %parallel_loop3A_602 = arith.addi %parallel_loop3A_597, %add3A_11 : vector<16xi32>
        %parallel_loop3A_603 = tpu.vector_load_idx %arg6[%parallel_loop3A_602] : memref<6528xf32, #tpu.memory_space<vmem>>[vector<16xi32>], vector<16xf32>,
        %parallel_loop3A_604 = arith.addi %parallel_loop3A_597, %add3A_14 : vector<16xi32>
        %parallel_loop3A_605 = tpu.vector_load_idx %arg6[%parallel_loop3A_604] : memref<6528xf32, #tpu.memory_space<vmem>>[vector<16xi32>], vector<16xf32>,
        %parallel_loop3A_606 = arith.addi %parallel_loop3A_597, %add3A_17 : vector<16xi32>
        %parallel_loop3A_607 = tpu.vector_load_idx %arg6[%parallel_loop3A_606] : memref<6528xf32, #tpu.memory_space<vmem>>[vector<16xi32>], vector<16xf32>,
        %parallel_loop3A_608 = arith.addi %parallel_loop3A_597, %add3A_20 : vector<16xi32>
        %parallel_loop3A_609 = tpu.vector_load_idx %arg6[%parallel_loop3A_608] : memref<6528xf32, #tpu.memory_space<vmem>>[vector<16xi32>], vector<16xf32>,
        %parallel_loop3A_610 = arith.addi %parallel_loop3A_597, %add3A_23 : vector<16xi32>
        %parallel_loop3A_611 = tpu.vector_load_idx %arg6[%parallel_loop3A_610] : memref<6528xf32, #tpu.memory_space<vmem>>[vector<16xi32>], vector<16xf32>,
        %parallel_loop3A_612 = arith.addi %parallel_loop3A_597, %add3A_26 : vector<16xi32>
        %parallel_loop3A_613 = tpu.vector_load_idx %arg6[%parallel_loop3A_612] : memref<6528xf32, #tpu.memory_space<vmem>>[vector<16xi32>], vector<16xf32>,
        %parallel_loop3A_614 = arith.constant 6 : i32
        %parallel_loop3A_615 = vector.broadcast %parallel_loop3A_614 : i32 to vector<16x1xi32>
        %parallel_loop3A_616 = vector.shape_cast %parallel_loop3A_615 : vector<16x1xi32> to vector<16xi32>
        %parallel_loop3A_617 = tpu.dynamic_gather %parallel_loop3A_125[%parallel_loop3A_616] in [0] : vector<16xf32>, vector<16xi32> -> vector<16xf32>
        %parallel_loop3A_618 = arith.constant 6 : i32
        %parallel_loop3A_619 = arith.addi %parallel_loop3A_118, %parallel_loop3A_618 : i32
        %parallel_loop3A_620 = arith.constant 128 : i32
        %parallel_loop3A_621 = arith.muli %parallel_loop3A_619, %parallel_loop3A_620 : i32
        %parallel_loop3A_622 = arith.mulf %parallel_loop3A_443, %parallel_loop3A_617 : vector<16xf32>
        %parallel_loop3A_623 = arith.constant 0 : i32
        %parallel_loop3A_624 = arith.addi %parallel_loop3A_621, %parallel_loop3A_623 : i32
        %parallel_loop3A_625 = arith.index_cast %parallel_loop3A_624 : i32 to index
        %parallel_loop3A_626 = tpu.vector_load %arg12[%parallel_loop3A_625] {strides = array<i32>} : memref<51200xf32, #tpu.memory_space<vmem>>, vector<16xf32>,
        tpu.vector_store %arg12[%parallel_loop3A_625], %parallel_loop3A_622 {strides = array<i32>} : memref<51200xf32, #tpu.memory_space<vmem>>, vector<16xf32>,
        %parallel_loop3A_627 = arith.mulf %parallel_loop3A_445, %parallel_loop3A_617 : vector<16xf32>
        %parallel_loop3A_628 = arith.constant 16 : i32
        %parallel_loop3A_629 = arith.addi %parallel_loop3A_621, %parallel_loop3A_628 : i32
        %parallel_loop3A_630 = arith.index_cast %parallel_loop3A_629 : i32 to index
        %parallel_loop3A_631 = tpu.vector_load %arg12[%parallel_loop3A_630] {strides = array<i32>} : memref<51200xf32, #tpu.memory_space<vmem>>, vector<16xf32>,
        tpu.vector_store %arg12[%parallel_loop3A_630], %parallel_loop3A_627 {strides = array<i32>} : memref<51200xf32, #tpu.memory_space<vmem>>, vector<16xf32>,
        %parallel_loop3A_632 = arith.mulf %parallel_loop3A_447, %parallel_loop3A_617 : vector<16xf32>
        %parallel_loop3A_633 = arith.constant 32 : i32
        %parallel_loop3A_634 = arith.addi %parallel_loop3A_621, %parallel_loop3A_633 : i32
        %parallel_loop3A_635 = arith.index_cast %parallel_loop3A_634 : i32 to index
        %parallel_loop3A_636 = tpu.vector_load %arg12[%parallel_loop3A_635] {strides = array<i32>} : memref<51200xf32, #tpu.memory_space<vmem>>, vector<16xf32>,
        tpu.vector_store %arg12[%parallel_loop3A_635], %parallel_loop3A_632 {strides = array<i32>} : memref<51200xf32, #tpu.memory_space<vmem>>, vector<16xf32>,
        %parallel_loop3A_637 = arith.mulf %parallel_loop3A_449, %parallel_loop3A_617 : vector<16xf32>
        %parallel_loop3A_638 = arith.constant 48 : i32
        %parallel_loop3A_639 = arith.addi %parallel_loop3A_621, %parallel_loop3A_638 : i32
        %parallel_loop3A_640 = arith.index_cast %parallel_loop3A_639 : i32 to index
        %parallel_loop3A_641 = tpu.vector_load %arg12[%parallel_loop3A_640] {strides = array<i32>} : memref<51200xf32, #tpu.memory_space<vmem>>, vector<16xf32>,
        tpu.vector_store %arg12[%parallel_loop3A_640], %parallel_loop3A_637 {strides = array<i32>} : memref<51200xf32, #tpu.memory_space<vmem>>, vector<16xf32>,
        %parallel_loop3A_642 = arith.mulf %parallel_loop3A_451, %parallel_loop3A_617 : vector<16xf32>
        %parallel_loop3A_643 = arith.constant 64 : i32
        %parallel_loop3A_644 = arith.addi %parallel_loop3A_621, %parallel_loop3A_643 : i32
        %parallel_loop3A_645 = arith.index_cast %parallel_loop3A_644 : i32 to index
        %parallel_loop3A_646 = tpu.vector_load %arg12[%parallel_loop3A_645] {strides = array<i32>} : memref<51200xf32, #tpu.memory_space<vmem>>, vector<16xf32>,
        tpu.vector_store %arg12[%parallel_loop3A_645], %parallel_loop3A_642 {strides = array<i32>} : memref<51200xf32, #tpu.memory_space<vmem>>, vector<16xf32>,
        %parallel_loop3A_647 = arith.mulf %parallel_loop3A_453, %parallel_loop3A_617 : vector<16xf32>
        %parallel_loop3A_648 = arith.constant 80 : i32
        %parallel_loop3A_649 = arith.addi %parallel_loop3A_621, %parallel_loop3A_648 : i32
        %parallel_loop3A_650 = arith.index_cast %parallel_loop3A_649 : i32 to index
        %parallel_loop3A_651 = tpu.vector_load %arg12[%parallel_loop3A_650] {strides = array<i32>} : memref<51200xf32, #tpu.memory_space<vmem>>, vector<16xf32>,
        tpu.vector_store %arg12[%parallel_loop3A_650], %parallel_loop3A_647 {strides = array<i32>} : memref<51200xf32, #tpu.memory_space<vmem>>, vector<16xf32>,
        %parallel_loop3A_652 = arith.mulf %parallel_loop3A_455, %parallel_loop3A_617 : vector<16xf32>
        %parallel_loop3A_653 = arith.constant 96 : i32
        %parallel_loop3A_654 = arith.addi %parallel_loop3A_621, %parallel_loop3A_653 : i32
        %parallel_loop3A_655 = arith.index_cast %parallel_loop3A_654 : i32 to index
        %parallel_loop3A_656 = tpu.vector_load %arg12[%parallel_loop3A_655] {strides = array<i32>} : memref<51200xf32, #tpu.memory_space<vmem>>, vector<16xf32>,
        tpu.vector_store %arg12[%parallel_loop3A_655], %parallel_loop3A_652 {strides = array<i32>} : memref<51200xf32, #tpu.memory_space<vmem>>, vector<16xf32>,
        %parallel_loop3A_657 = arith.mulf %parallel_loop3A_457, %parallel_loop3A_617 : vector<16xf32>
        %parallel_loop3A_658 = arith.constant 112 : i32
        %parallel_loop3A_659 = arith.addi %parallel_loop3A_621, %parallel_loop3A_658 : i32
        %parallel_loop3A_660 = arith.index_cast %parallel_loop3A_659 : i32 to index
        %parallel_loop3A_661 = tpu.vector_load %arg12[%parallel_loop3A_660] {strides = array<i32>} : memref<51200xf32, #tpu.memory_space<vmem>>, vector<16xf32>,
        tpu.vector_store %arg12[%parallel_loop3A_660], %parallel_loop3A_657 {strides = array<i32>} : memref<51200xf32, #tpu.memory_space<vmem>>, vector<16xf32>,
        %parallel_loop3A_662 = arith.constant 7 : i32
        %parallel_loop3A_663 = vector.broadcast %parallel_loop3A_662 : i32 to vector<16x1xi32>
        %parallel_loop3A_664 = vector.shape_cast %parallel_loop3A_663 : vector<16x1xi32> to vector<16xi32>
        %parallel_loop3A_665 = tpu.dynamic_gather %parallel_loop3A_125[%parallel_loop3A_664] in [0] : vector<16xf32>, vector<16xi32> -> vector<16xf32>
        %parallel_loop3A_666 = arith.constant 7 : i32
        %parallel_loop3A_667 = arith.addi %parallel_loop3A_118, %parallel_loop3A_666 : i32
        %parallel_loop3A_668 = arith.constant 128 : i32
        %parallel_loop3A_669 = arith.muli %parallel_loop3A_667, %parallel_loop3A_668 : i32
        %parallel_loop3A_670 = arith.mulf %parallel_loop3A_463, %parallel_loop3A_665 : vector<16xf32>
        %parallel_loop3A_671 = arith.constant 0 : i32
        %parallel_loop3A_672 = arith.addi %parallel_loop3A_669, %parallel_loop3A_671 : i32
        %parallel_loop3A_673 = arith.index_cast %parallel_loop3A_672 : i32 to index
        %parallel_loop3A_674 = tpu.vector_load %arg12[%parallel_loop3A_673] {strides = array<i32>} : memref<51200xf32, #tpu.memory_space<vmem>>, vector<16xf32>,
        tpu.vector_store %arg12[%parallel_loop3A_673], %parallel_loop3A_670 {strides = array<i32>} : memref<51200xf32, #tpu.memory_space<vmem>>, vector<16xf32>,
        %parallel_loop3A_675 = arith.mulf %parallel_loop3A_465, %parallel_loop3A_665 : vector<16xf32>
        %parallel_loop3A_676 = arith.constant 16 : i32
        %parallel_loop3A_677 = arith.addi %parallel_loop3A_669, %parallel_loop3A_676 : i32
        %parallel_loop3A_678 = arith.index_cast %parallel_loop3A_677 : i32 to index
        %parallel_loop3A_679 = tpu.vector_load %arg12[%parallel_loop3A_678] {strides = array<i32>} : memref<51200xf32, #tpu.memory_space<vmem>>, vector<16xf32>,
        tpu.vector_store %arg12[%parallel_loop3A_678], %parallel_loop3A_675 {strides = array<i32>} : memref<51200xf32, #tpu.memory_space<vmem>>, vector<16xf32>,
        %parallel_loop3A_680 = arith.mulf %parallel_loop3A_467, %parallel_loop3A_665 : vector<16xf32>
        %parallel_loop3A_681 = arith.constant 32 : i32
        %parallel_loop3A_682 = arith.addi %parallel_loop3A_669, %parallel_loop3A_681 : i32
        %parallel_loop3A_683 = arith.index_cast %parallel_loop3A_682 : i32 to index
        %parallel_loop3A_684 = tpu.vector_load %arg12[%parallel_loop3A_683] {strides = array<i32>} : memref<51200xf32, #tpu.memory_space<vmem>>, vector<16xf32>,
        tpu.vector_store %arg12[%parallel_loop3A_683], %parallel_loop3A_680 {strides = array<i32>} : memref<51200xf32, #tpu.memory_space<vmem>>, vector<16xf32>,
        %parallel_loop3A_685 = arith.mulf %parallel_loop3A_469, %parallel_loop3A_665 : vector<16xf32>
        %parallel_loop3A_686 = arith.constant 48 : i32
        %parallel_loop3A_687 = arith.addi %parallel_loop3A_669, %parallel_loop3A_686 : i32
        %parallel_loop3A_688 = arith.index_cast %parallel_loop3A_687 : i32 to index
        %parallel_loop3A_689 = tpu.vector_load %arg12[%parallel_loop3A_688] {strides = array<i32>} : memref<51200xf32, #tpu.memory_space<vmem>>, vector<16xf32>,
        tpu.vector_store %arg12[%parallel_loop3A_688], %parallel_loop3A_685 {strides = array<i32>} : memref<51200xf32, #tpu.memory_space<vmem>>, vector<16xf32>,
        %parallel_loop3A_690 = arith.mulf %parallel_loop3A_471, %parallel_loop3A_665 : vector<16xf32>
        %parallel_loop3A_691 = arith.constant 64 : i32
        %parallel_loop3A_692 = arith.addi %parallel_loop3A_669, %parallel_loop3A_691 : i32
        %parallel_loop3A_693 = arith.index_cast %parallel_loop3A_692 : i32 to index
        %parallel_loop3A_694 = tpu.vector_load %arg12[%parallel_loop3A_693] {strides = array<i32>} : memref<51200xf32, #tpu.memory_space<vmem>>, vector<16xf32>,
        tpu.vector_store %arg12[%parallel_loop3A_693], %parallel_loop3A_690 {strides = array<i32>} : memref<51200xf32, #tpu.memory_space<vmem>>, vector<16xf32>,
        %parallel_loop3A_695 = arith.mulf %parallel_loop3A_473, %parallel_loop3A_665 : vector<16xf32>
        %parallel_loop3A_696 = arith.constant 80 : i32
        %parallel_loop3A_697 = arith.addi %parallel_loop3A_669, %parallel_loop3A_696 : i32
        %parallel_loop3A_698 = arith.index_cast %parallel_loop3A_697 : i32 to index
        %parallel_loop3A_699 = tpu.vector_load %arg12[%parallel_loop3A_698] {strides = array<i32>} : memref<51200xf32, #tpu.memory_space<vmem>>, vector<16xf32>,
        tpu.vector_store %arg12[%parallel_loop3A_698], %parallel_loop3A_695 {strides = array<i32>} : memref<51200xf32, #tpu.memory_space<vmem>>, vector<16xf32>,
        %parallel_loop3A_700 = arith.mulf %parallel_loop3A_475, %parallel_loop3A_665 : vector<16xf32>
        %parallel_loop3A_701 = arith.constant 96 : i32
        %parallel_loop3A_702 = arith.addi %parallel_loop3A_669, %parallel_loop3A_701 : i32
        %parallel_loop3A_703 = arith.index_cast %parallel_loop3A_702 : i32 to index
        %parallel_loop3A_704 = tpu.vector_load %arg12[%parallel_loop3A_703] {strides = array<i32>} : memref<51200xf32, #tpu.memory_space<vmem>>, vector<16xf32>,
        tpu.vector_store %arg12[%parallel_loop3A_703], %parallel_loop3A_700 {strides = array<i32>} : memref<51200xf32, #tpu.memory_space<vmem>>, vector<16xf32>,
        %parallel_loop3A_705 = arith.mulf %parallel_loop3A_477, %parallel_loop3A_665 : vector<16xf32>
        %parallel_loop3A_706 = arith.constant 112 : i32
        %parallel_loop3A_707 = arith.addi %parallel_loop3A_669, %parallel_loop3A_706 : i32
        %parallel_loop3A_708 = arith.index_cast %parallel_loop3A_707 : i32 to index
        %parallel_loop3A_709 = tpu.vector_load %arg12[%parallel_loop3A_708] {strides = array<i32>} : memref<51200xf32, #tpu.memory_space<vmem>>, vector<16xf32>,
        tpu.vector_store %arg12[%parallel_loop3A_708], %parallel_loop3A_705 {strides = array<i32>} : memref<51200xf32, #tpu.memory_space<vmem>>, vector<16xf32>,
        %parallel_loop3A_710 = arith.constant 10 : i32
        %parallel_loop3A_711 = vector.broadcast %parallel_loop3A_710 : i32 to vector<16x1xi32>
        %parallel_loop3A_712 = vector.shape_cast %parallel_loop3A_711 : vector<16x1xi32> to vector<16xi32>
        %parallel_loop3A_713 = tpu.dynamic_gather %parallel_loop3A_123[%parallel_loop3A_712] in [0] : vector<16xi32>, vector<16xi32> -> vector<16xi32>
        %parallel_loop3A_714 = arith.addi %parallel_loop3A_713, %add3A_5 : vector<16xi32>
        %parallel_loop3A_715 = tpu.vector_load_idx %arg6[%parallel_loop3A_714] : memref<6528xf32, #tpu.memory_space<vmem>>[vector<16xi32>], vector<16xf32>,
        %parallel_loop3A_716 = arith.addi %parallel_loop3A_713, %add3A_8 : vector<16xi32>
        %parallel_loop3A_717 = tpu.vector_load_idx %arg6[%parallel_loop3A_716] : memref<6528xf32, #tpu.memory_space<vmem>>[vector<16xi32>], vector<16xf32>,
        %parallel_loop3A_718 = arith.addi %parallel_loop3A_713, %add3A_11 : vector<16xi32>
        %parallel_loop3A_719 = tpu.vector_load_idx %arg6[%parallel_loop3A_718] : memref<6528xf32, #tpu.memory_space<vmem>>[vector<16xi32>], vector<16xf32>,
        %parallel_loop3A_720 = arith.addi %parallel_loop3A_713, %add3A_14 : vector<16xi32>
        %parallel_loop3A_721 = tpu.vector_load_idx %arg6[%parallel_loop3A_720] : memref<6528xf32, #tpu.memory_space<vmem>>[vector<16xi32>], vector<16xf32>,
        %parallel_loop3A_722 = arith.addi %parallel_loop3A_713, %add3A_17 : vector<16xi32>
        %parallel_loop3A_723 = tpu.vector_load_idx %arg6[%parallel_loop3A_722] : memref<6528xf32, #tpu.memory_space<vmem>>[vector<16xi32>], vector<16xf32>,
        %parallel_loop3A_724 = arith.addi %parallel_loop3A_713, %add3A_20 : vector<16xi32>
        %parallel_loop3A_725 = tpu.vector_load_idx %arg6[%parallel_loop3A_724] : memref<6528xf32, #tpu.memory_space<vmem>>[vector<16xi32>], vector<16xf32>,
        %parallel_loop3A_726 = arith.addi %parallel_loop3A_713, %add3A_23 : vector<16xi32>
        %parallel_loop3A_727 = tpu.vector_load_idx %arg6[%parallel_loop3A_726] : memref<6528xf32, #tpu.memory_space<vmem>>[vector<16xi32>], vector<16xf32>,
        %parallel_loop3A_728 = arith.addi %parallel_loop3A_713, %add3A_26 : vector<16xi32>
        %parallel_loop3A_729 = tpu.vector_load_idx %arg6[%parallel_loop3A_728] : memref<6528xf32, #tpu.memory_space<vmem>>[vector<16xi32>], vector<16xf32>,
        %parallel_loop3A_730 = arith.constant 11 : i32
        %parallel_loop3A_731 = vector.broadcast %parallel_loop3A_730 : i32 to vector<16x1xi32>
        %parallel_loop3A_732 = vector.shape_cast %parallel_loop3A_731 : vector<16x1xi32> to vector<16xi32>
        %parallel_loop3A_733 = tpu.dynamic_gather %parallel_loop3A_123[%parallel_loop3A_732] in [0] : vector<16xi32>, vector<16xi32> -> vector<16xi32>
        %parallel_loop3A_734 = arith.addi %parallel_loop3A_733, %add3A_5 : vector<16xi32>
        %parallel_loop3A_735 = tpu.vector_load_idx %arg6[%parallel_loop3A_734] : memref<6528xf32, #tpu.memory_space<vmem>>[vector<16xi32>], vector<16xf32>,
        %parallel_loop3A_736 = arith.addi %parallel_loop3A_733, %add3A_8 : vector<16xi32>
        %parallel_loop3A_737 = tpu.vector_load_idx %arg6[%parallel_loop3A_736] : memref<6528xf32, #tpu.memory_space<vmem>>[vector<16xi32>], vector<16xf32>,
        %parallel_loop3A_738 = arith.addi %parallel_loop3A_733, %add3A_11 : vector<16xi32>
        %parallel_loop3A_739 = tpu.vector_load_idx %arg6[%parallel_loop3A_738] : memref<6528xf32, #tpu.memory_space<vmem>>[vector<16xi32>], vector<16xf32>,
        %parallel_loop3A_740 = arith.addi %parallel_loop3A_733, %add3A_14 : vector<16xi32>
        %parallel_loop3A_741 = tpu.vector_load_idx %arg6[%parallel_loop3A_740] : memref<6528xf32, #tpu.memory_space<vmem>>[vector<16xi32>], vector<16xf32>,
        %parallel_loop3A_742 = arith.addi %parallel_loop3A_733, %add3A_17 : vector<16xi32>
        %parallel_loop3A_743 = tpu.vector_load_idx %arg6[%parallel_loop3A_742] : memref<6528xf32, #tpu.memory_space<vmem>>[vector<16xi32>], vector<16xf32>,
        %parallel_loop3A_744 = arith.addi %parallel_loop3A_733, %add3A_20 : vector<16xi32>
        %parallel_loop3A_745 = tpu.vector_load_idx %arg6[%parallel_loop3A_744] : memref<6528xf32, #tpu.memory_space<vmem>>[vector<16xi32>], vector<16xf32>,
        %parallel_loop3A_746 = arith.addi %parallel_loop3A_733, %add3A_23 : vector<16xi32>
        %parallel_loop3A_747 = tpu.vector_load_idx %arg6[%parallel_loop3A_746] : memref<6528xf32, #tpu.memory_space<vmem>>[vector<16xi32>], vector<16xf32>,
        %parallel_loop3A_748 = arith.addi %parallel_loop3A_733, %add3A_26 : vector<16xi32>
        %parallel_loop3A_749 = tpu.vector_load_idx %arg6[%parallel_loop3A_748] : memref<6528xf32, #tpu.memory_space<vmem>>[vector<16xi32>], vector<16xf32>,
        %parallel_loop3A_750 = arith.constant 8 : i32
        %parallel_loop3A_751 = vector.broadcast %parallel_loop3A_750 : i32 to vector<16x1xi32>
        %parallel_loop3A_752 = vector.shape_cast %parallel_loop3A_751 : vector<16x1xi32> to vector<16xi32>
        %parallel_loop3A_753 = tpu.dynamic_gather %parallel_loop3A_125[%parallel_loop3A_752] in [0] : vector<16xf32>, vector<16xi32> -> vector<16xf32>
        %parallel_loop3A_754 = arith.constant 8 : i32
        %parallel_loop3A_755 = arith.addi %parallel_loop3A_118, %parallel_loop3A_754 : i32
        %parallel_loop3A_756 = arith.constant 128 : i32
        %parallel_loop3A_757 = arith.muli %parallel_loop3A_755, %parallel_loop3A_756 : i32
        %parallel_loop3A_758 = arith.mulf %parallel_loop3A_579, %parallel_loop3A_753 : vector<16xf32>
        %parallel_loop3A_759 = arith.constant 0 : i32
        %parallel_loop3A_760 = arith.addi %parallel_loop3A_757, %parallel_loop3A_759 : i32
        %parallel_loop3A_761 = arith.index_cast %parallel_loop3A_760 : i32 to index
        %parallel_loop3A_762 = tpu.vector_load %arg12[%parallel_loop3A_761] {strides = array<i32>} : memref<51200xf32, #tpu.memory_space<vmem>>, vector<16xf32>,
        tpu.vector_store %arg12[%parallel_loop3A_761], %parallel_loop3A_758 {strides = array<i32>} : memref<51200xf32, #tpu.memory_space<vmem>>, vector<16xf32>,
        %parallel_loop3A_763 = arith.mulf %parallel_loop3A_581, %parallel_loop3A_753 : vector<16xf32>
        %parallel_loop3A_764 = arith.constant 16 : i32
        %parallel_loop3A_765 = arith.addi %parallel_loop3A_757, %parallel_loop3A_764 : i32
        %parallel_loop3A_766 = arith.index_cast %parallel_loop3A_765 : i32 to index
        %parallel_loop3A_767 = tpu.vector_load %arg12[%parallel_loop3A_766] {strides = array<i32>} : memref<51200xf32, #tpu.memory_space<vmem>>, vector<16xf32>,
        tpu.vector_store %arg12[%parallel_loop3A_766], %parallel_loop3A_763 {strides = array<i32>} : memref<51200xf32, #tpu.memory_space<vmem>>, vector<16xf32>,
        %parallel_loop3A_768 = arith.mulf %parallel_loop3A_583, %parallel_loop3A_753 : vector<16xf32>
        %parallel_loop3A_769 = arith.constant 32 : i32
        %parallel_loop3A_770 = arith.addi %parallel_loop3A_757, %parallel_loop3A_769 : i32
        %parallel_loop3A_771 = arith.index_cast %parallel_loop3A_770 : i32 to index
        %parallel_loop3A_772 = tpu.vector_load %arg12[%parallel_loop3A_771] {strides = array<i32>} : memref<51200xf32, #tpu.memory_space<vmem>>, vector<16xf32>,
        tpu.vector_store %arg12[%parallel_loop3A_771], %parallel_loop3A_768 {strides = array<i32>} : memref<51200xf32, #tpu.memory_space<vmem>>, vector<16xf32>,
        %parallel_loop3A_773 = arith.mulf %parallel_loop3A_585, %parallel_loop3A_753 : vector<16xf32>
        %parallel_loop3A_774 = arith.constant 48 : i32
        %parallel_loop3A_775 = arith.addi %parallel_loop3A_757, %parallel_loop3A_774 : i32
        %parallel_loop3A_776 = arith.index_cast %parallel_loop3A_775 : i32 to index
        %parallel_loop3A_777 = tpu.vector_load %arg12[%parallel_loop3A_776] {strides = array<i32>} : memref<51200xf32, #tpu.memory_space<vmem>>, vector<16xf32>,
        tpu.vector_store %arg12[%parallel_loop3A_776], %parallel_loop3A_773 {strides = array<i32>} : memref<51200xf32, #tpu.memory_space<vmem>>, vector<16xf32>,
        %parallel_loop3A_778 = arith.mulf %parallel_loop3A_587, %parallel_loop3A_753 : vector<16xf32>
        %parallel_loop3A_779 = arith.constant 64 : i32
        %parallel_loop3A_780 = arith.addi %parallel_loop3A_757, %parallel_loop3A_779 : i32
        %parallel_loop3A_781 = arith.index_cast %parallel_loop3A_780 : i32 to index
        %parallel_loop3A_782 = tpu.vector_load %arg12[%parallel_loop3A_781] {strides = array<i32>} : memref<51200xf32, #tpu.memory_space<vmem>>, vector<16xf32>,
        tpu.vector_store %arg12[%parallel_loop3A_781], %parallel_loop3A_778 {strides = array<i32>} : memref<51200xf32, #tpu.memory_space<vmem>>, vector<16xf32>,
        %parallel_loop3A_783 = arith.mulf %parallel_loop3A_589, %parallel_loop3A_753 : vector<16xf32>
        %parallel_loop3A_784 = arith.constant 80 : i32
        %parallel_loop3A_785 = arith.addi %parallel_loop3A_757, %parallel_loop3A_784 : i32
        %parallel_loop3A_786 = arith.index_cast %parallel_loop3A_785 : i32 to index
        %parallel_loop3A_787 = tpu.vector_load %arg12[%parallel_loop3A_786] {strides = array<i32>} : memref<51200xf32, #tpu.memory_space<vmem>>, vector<16xf32>,
        tpu.vector_store %arg12[%parallel_loop3A_786], %parallel_loop3A_783 {strides = array<i32>} : memref<51200xf32, #tpu.memory_space<vmem>>, vector<16xf32>,
        %parallel_loop3A_788 = arith.mulf %parallel_loop3A_591, %parallel_loop3A_753 : vector<16xf32>
        %parallel_loop3A_789 = arith.constant 96 : i32
        %parallel_loop3A_790 = arith.addi %parallel_loop3A_757, %parallel_loop3A_789 : i32
        %parallel_loop3A_791 = arith.index_cast %parallel_loop3A_790 : i32 to index
        %parallel_loop3A_792 = tpu.vector_load %arg12[%parallel_loop3A_791] {strides = array<i32>} : memref<51200xf32, #tpu.memory_space<vmem>>, vector<16xf32>,
        tpu.vector_store %arg12[%parallel_loop3A_791], %parallel_loop3A_788 {strides = array<i32>} : memref<51200xf32, #tpu.memory_space<vmem>>, vector<16xf32>,
        %parallel_loop3A_793 = arith.mulf %parallel_loop3A_593, %parallel_loop3A_753 : vector<16xf32>
        %parallel_loop3A_794 = arith.constant 112 : i32
        %parallel_loop3A_795 = arith.addi %parallel_loop3A_757, %parallel_loop3A_794 : i32
        %parallel_loop3A_796 = arith.index_cast %parallel_loop3A_795 : i32 to index
        %parallel_loop3A_797 = tpu.vector_load %arg12[%parallel_loop3A_796] {strides = array<i32>} : memref<51200xf32, #tpu.memory_space<vmem>>, vector<16xf32>,
        tpu.vector_store %arg12[%parallel_loop3A_796], %parallel_loop3A_793 {strides = array<i32>} : memref<51200xf32, #tpu.memory_space<vmem>>, vector<16xf32>,
        %parallel_loop3A_798 = arith.constant 9 : i32
        %parallel_loop3A_799 = vector.broadcast %parallel_loop3A_798 : i32 to vector<16x1xi32>
        %parallel_loop3A_800 = vector.shape_cast %parallel_loop3A_799 : vector<16x1xi32> to vector<16xi32>
        %parallel_loop3A_801 = tpu.dynamic_gather %parallel_loop3A_125[%parallel_loop3A_800] in [0] : vector<16xf32>, vector<16xi32> -> vector<16xf32>
        %parallel_loop3A_802 = arith.constant 9 : i32
        %parallel_loop3A_803 = arith.addi %parallel_loop3A_118, %parallel_loop3A_802 : i32
        %parallel_loop3A_804 = arith.constant 128 : i32
        %parallel_loop3A_805 = arith.muli %parallel_loop3A_803, %parallel_loop3A_804 : i32
        %parallel_loop3A_806 = arith.mulf %parallel_loop3A_599, %parallel_loop3A_801 : vector<16xf32>
        %parallel_loop3A_807 = arith.constant 0 : i32
        %parallel_loop3A_808 = arith.addi %parallel_loop3A_805, %parallel_loop3A_807 : i32
        %parallel_loop3A_809 = arith.index_cast %parallel_loop3A_808 : i32 to index
        %parallel_loop3A_810 = tpu.vector_load %arg12[%parallel_loop3A_809] {strides = array<i32>} : memref<51200xf32, #tpu.memory_space<vmem>>, vector<16xf32>,
        tpu.vector_store %arg12[%parallel_loop3A_809], %parallel_loop3A_806 {strides = array<i32>} : memref<51200xf32, #tpu.memory_space<vmem>>, vector<16xf32>,
        %parallel_loop3A_811 = arith.mulf %parallel_loop3A_601, %parallel_loop3A_801 : vector<16xf32>
        %parallel_loop3A_812 = arith.constant 16 : i32
        %parallel_loop3A_813 = arith.addi %parallel_loop3A_805, %parallel_loop3A_812 : i32
        %parallel_loop3A_814 = arith.index_cast %parallel_loop3A_813 : i32 to index
        %parallel_loop3A_815 = tpu.vector_load %arg12[%parallel_loop3A_814] {strides = array<i32>} : memref<51200xf32, #tpu.memory_space<vmem>>, vector<16xf32>,
        tpu.vector_store %arg12[%parallel_loop3A_814], %parallel_loop3A_811 {strides = array<i32>} : memref<51200xf32, #tpu.memory_space<vmem>>, vector<16xf32>,
        %parallel_loop3A_816 = arith.mulf %parallel_loop3A_603, %parallel_loop3A_801 : vector<16xf32>
        %parallel_loop3A_817 = arith.constant 32 : i32
        %parallel_loop3A_818 = arith.addi %parallel_loop3A_805, %parallel_loop3A_817 : i32
        %parallel_loop3A_819 = arith.index_cast %parallel_loop3A_818 : i32 to index
        %parallel_loop3A_820 = tpu.vector_load %arg12[%parallel_loop3A_819] {strides = array<i32>} : memref<51200xf32, #tpu.memory_space<vmem>>, vector<16xf32>,
        tpu.vector_store %arg12[%parallel_loop3A_819], %parallel_loop3A_816 {strides = array<i32>} : memref<51200xf32, #tpu.memory_space<vmem>>, vector<16xf32>,
        %parallel_loop3A_821 = arith.mulf %parallel_loop3A_605, %parallel_loop3A_801 : vector<16xf32>
        %parallel_loop3A_822 = arith.constant 48 : i32
        %parallel_loop3A_823 = arith.addi %parallel_loop3A_805, %parallel_loop3A_822 : i32
        %parallel_loop3A_824 = arith.index_cast %parallel_loop3A_823 : i32 to index
        %parallel_loop3A_825 = tpu.vector_load %arg12[%parallel_loop3A_824] {strides = array<i32>} : memref<51200xf32, #tpu.memory_space<vmem>>, vector<16xf32>,
        tpu.vector_store %arg12[%parallel_loop3A_824], %parallel_loop3A_821 {strides = array<i32>} : memref<51200xf32, #tpu.memory_space<vmem>>, vector<16xf32>,
        %parallel_loop3A_826 = arith.mulf %parallel_loop3A_607, %parallel_loop3A_801 : vector<16xf32>
        %parallel_loop3A_827 = arith.constant 64 : i32
        %parallel_loop3A_828 = arith.addi %parallel_loop3A_805, %parallel_loop3A_827 : i32
        %parallel_loop3A_829 = arith.index_cast %parallel_loop3A_828 : i32 to index
        %parallel_loop3A_830 = tpu.vector_load %arg12[%parallel_loop3A_829] {strides = array<i32>} : memref<51200xf32, #tpu.memory_space<vmem>>, vector<16xf32>,
        tpu.vector_store %arg12[%parallel_loop3A_829], %parallel_loop3A_826 {strides = array<i32>} : memref<51200xf32, #tpu.memory_space<vmem>>, vector<16xf32>,
        %parallel_loop3A_831 = arith.mulf %parallel_loop3A_609, %parallel_loop3A_801 : vector<16xf32>
        %parallel_loop3A_832 = arith.constant 80 : i32
        %parallel_loop3A_833 = arith.addi %parallel_loop3A_805, %parallel_loop3A_832 : i32
        %parallel_loop3A_834 = arith.index_cast %parallel_loop3A_833 : i32 to index
        %parallel_loop3A_835 = tpu.vector_load %arg12[%parallel_loop3A_834] {strides = array<i32>} : memref<51200xf32, #tpu.memory_space<vmem>>, vector<16xf32>,
        tpu.vector_store %arg12[%parallel_loop3A_834], %parallel_loop3A_831 {strides = array<i32>} : memref<51200xf32, #tpu.memory_space<vmem>>, vector<16xf32>,
        %parallel_loop3A_836 = arith.mulf %parallel_loop3A_611, %parallel_loop3A_801 : vector<16xf32>
        %parallel_loop3A_837 = arith.constant 96 : i32
        %parallel_loop3A_838 = arith.addi %parallel_loop3A_805, %parallel_loop3A_837 : i32
        %parallel_loop3A_839 = arith.index_cast %parallel_loop3A_838 : i32 to index
        %parallel_loop3A_840 = tpu.vector_load %arg12[%parallel_loop3A_839] {strides = array<i32>} : memref<51200xf32, #tpu.memory_space<vmem>>, vector<16xf32>,
        tpu.vector_store %arg12[%parallel_loop3A_839], %parallel_loop3A_836 {strides = array<i32>} : memref<51200xf32, #tpu.memory_space<vmem>>, vector<16xf32>,
        %parallel_loop3A_841 = arith.mulf %parallel_loop3A_613, %parallel_loop3A_801 : vector<16xf32>
        %parallel_loop3A_842 = arith.constant 112 : i32
        %parallel_loop3A_843 = arith.addi %parallel_loop3A_805, %parallel_loop3A_842 : i32
        %parallel_loop3A_844 = arith.index_cast %parallel_loop3A_843 : i32 to index
        %parallel_loop3A_845 = tpu.vector_load %arg12[%parallel_loop3A_844] {strides = array<i32>} : memref<51200xf32, #tpu.memory_space<vmem>>, vector<16xf32>,
        tpu.vector_store %arg12[%parallel_loop3A_844], %parallel_loop3A_841 {strides = array<i32>} : memref<51200xf32, #tpu.memory_space<vmem>>, vector<16xf32>,
        %parallel_loop3A_846 = arith.constant 12 : i32
        %parallel_loop3A_847 = vector.broadcast %parallel_loop3A_846 : i32 to vector<16x1xi32>
        %parallel_loop3A_848 = vector.shape_cast %parallel_loop3A_847 : vector<16x1xi32> to vector<16xi32>
        %parallel_loop3A_849 = tpu.dynamic_gather %parallel_loop3A_123[%parallel_loop3A_848] in [0] : vector<16xi32>, vector<16xi32> -> vector<16xi32>
        %parallel_loop3A_850 = arith.addi %parallel_loop3A_849, %add3A_5 : vector<16xi32>
        %parallel_loop3A_851 = tpu.vector_load_idx %arg6[%parallel_loop3A_850] : memref<6528xf32, #tpu.memory_space<vmem>>[vector<16xi32>], vector<16xf32>,
        %parallel_loop3A_852 = arith.addi %parallel_loop3A_849, %add3A_8 : vector<16xi32>
        %parallel_loop3A_853 = tpu.vector_load_idx %arg6[%parallel_loop3A_852] : memref<6528xf32, #tpu.memory_space<vmem>>[vector<16xi32>], vector<16xf32>,
        %parallel_loop3A_854 = arith.addi %parallel_loop3A_849, %add3A_11 : vector<16xi32>
        %parallel_loop3A_855 = tpu.vector_load_idx %arg6[%parallel_loop3A_854] : memref<6528xf32, #tpu.memory_space<vmem>>[vector<16xi32>], vector<16xf32>,
        %parallel_loop3A_856 = arith.addi %parallel_loop3A_849, %add3A_14 : vector<16xi32>
        %parallel_loop3A_857 = tpu.vector_load_idx %arg6[%parallel_loop3A_856] : memref<6528xf32, #tpu.memory_space<vmem>>[vector<16xi32>], vector<16xf32>,
        %parallel_loop3A_858 = arith.addi %parallel_loop3A_849, %add3A_17 : vector<16xi32>
        %parallel_loop3A_859 = tpu.vector_load_idx %arg6[%parallel_loop3A_858] : memref<6528xf32, #tpu.memory_space<vmem>>[vector<16xi32>], vector<16xf32>,
        %parallel_loop3A_860 = arith.addi %parallel_loop3A_849, %add3A_20 : vector<16xi32>
        %parallel_loop3A_861 = tpu.vector_load_idx %arg6[%parallel_loop3A_860] : memref<6528xf32, #tpu.memory_space<vmem>>[vector<16xi32>], vector<16xf32>,
        %parallel_loop3A_862 = arith.addi %parallel_loop3A_849, %add3A_23 : vector<16xi32>
        %parallel_loop3A_863 = tpu.vector_load_idx %arg6[%parallel_loop3A_862] : memref<6528xf32, #tpu.memory_space<vmem>>[vector<16xi32>], vector<16xf32>,
        %parallel_loop3A_864 = arith.addi %parallel_loop3A_849, %add3A_26 : vector<16xi32>
        %parallel_loop3A_865 = tpu.vector_load_idx %arg6[%parallel_loop3A_864] : memref<6528xf32, #tpu.memory_space<vmem>>[vector<16xi32>], vector<16xf32>,
        %parallel_loop3A_866 = arith.constant 13 : i32
        %parallel_loop3A_867 = vector.broadcast %parallel_loop3A_866 : i32 to vector<16x1xi32>
        %parallel_loop3A_868 = vector.shape_cast %parallel_loop3A_867 : vector<16x1xi32> to vector<16xi32>
        %parallel_loop3A_869 = tpu.dynamic_gather %parallel_loop3A_123[%parallel_loop3A_868] in [0] : vector<16xi32>, vector<16xi32> -> vector<16xi32>
        %parallel_loop3A_870 = arith.addi %parallel_loop3A_869, %add3A_5 : vector<16xi32>
        %parallel_loop3A_871 = tpu.vector_load_idx %arg6[%parallel_loop3A_870] : memref<6528xf32, #tpu.memory_space<vmem>>[vector<16xi32>], vector<16xf32>,
        %parallel_loop3A_872 = arith.addi %parallel_loop3A_869, %add3A_8 : vector<16xi32>
        %parallel_loop3A_873 = tpu.vector_load_idx %arg6[%parallel_loop3A_872] : memref<6528xf32, #tpu.memory_space<vmem>>[vector<16xi32>], vector<16xf32>,
        %parallel_loop3A_874 = arith.addi %parallel_loop3A_869, %add3A_11 : vector<16xi32>
        %parallel_loop3A_875 = tpu.vector_load_idx %arg6[%parallel_loop3A_874] : memref<6528xf32, #tpu.memory_space<vmem>>[vector<16xi32>], vector<16xf32>,
        %parallel_loop3A_876 = arith.addi %parallel_loop3A_869, %add3A_14 : vector<16xi32>
        %parallel_loop3A_877 = tpu.vector_load_idx %arg6[%parallel_loop3A_876] : memref<6528xf32, #tpu.memory_space<vmem>>[vector<16xi32>], vector<16xf32>,
        %parallel_loop3A_878 = arith.addi %parallel_loop3A_869, %add3A_17 : vector<16xi32>
        %parallel_loop3A_879 = tpu.vector_load_idx %arg6[%parallel_loop3A_878] : memref<6528xf32, #tpu.memory_space<vmem>>[vector<16xi32>], vector<16xf32>,
        %parallel_loop3A_880 = arith.addi %parallel_loop3A_869, %add3A_20 : vector<16xi32>
        %parallel_loop3A_881 = tpu.vector_load_idx %arg6[%parallel_loop3A_880] : memref<6528xf32, #tpu.memory_space<vmem>>[vector<16xi32>], vector<16xf32>,
        %parallel_loop3A_882 = arith.addi %parallel_loop3A_869, %add3A_23 : vector<16xi32>
        %parallel_loop3A_883 = tpu.vector_load_idx %arg6[%parallel_loop3A_882] : memref<6528xf32, #tpu.memory_space<vmem>>[vector<16xi32>], vector<16xf32>,
        %parallel_loop3A_884 = arith.addi %parallel_loop3A_869, %add3A_26 : vector<16xi32>
        %parallel_loop3A_885 = tpu.vector_load_idx %arg6[%parallel_loop3A_884] : memref<6528xf32, #tpu.memory_space<vmem>>[vector<16xi32>], vector<16xf32>,
        %parallel_loop3A_886 = arith.constant 10 : i32
        %parallel_loop3A_887 = vector.broadcast %parallel_loop3A_886 : i32 to vector<16x1xi32>
        %parallel_loop3A_888 = vector.shape_cast %parallel_loop3A_887 : vector<16x1xi32> to vector<16xi32>
        %parallel_loop3A_889 = tpu.dynamic_gather %parallel_loop3A_125[%parallel_loop3A_888] in [0] : vector<16xf32>, vector<16xi32> -> vector<16xf32>
        %parallel_loop3A_890 = arith.constant 10 : i32
        %parallel_loop3A_891 = arith.addi %parallel_loop3A_118, %parallel_loop3A_890 : i32
        %parallel_loop3A_892 = arith.constant 128 : i32
        %parallel_loop3A_893 = arith.muli %parallel_loop3A_891, %parallel_loop3A_892 : i32
        %parallel_loop3A_894 = arith.mulf %parallel_loop3A_715, %parallel_loop3A_889 : vector<16xf32>
        %parallel_loop3A_895 = arith.constant 0 : i32
        %parallel_loop3A_896 = arith.addi %parallel_loop3A_893, %parallel_loop3A_895 : i32
        %parallel_loop3A_897 = arith.index_cast %parallel_loop3A_896 : i32 to index
        %parallel_loop3A_898 = tpu.vector_load %arg12[%parallel_loop3A_897] {strides = array<i32>} : memref<51200xf32, #tpu.memory_space<vmem>>, vector<16xf32>,
        tpu.vector_store %arg12[%parallel_loop3A_897], %parallel_loop3A_894 {strides = array<i32>} : memref<51200xf32, #tpu.memory_space<vmem>>, vector<16xf32>,
        %parallel_loop3A_899 = arith.mulf %parallel_loop3A_717, %parallel_loop3A_889 : vector<16xf32>
        %parallel_loop3A_900 = arith.constant 16 : i32
        %parallel_loop3A_901 = arith.addi %parallel_loop3A_893, %parallel_loop3A_900 : i32
        %parallel_loop3A_902 = arith.index_cast %parallel_loop3A_901 : i32 to index
        %parallel_loop3A_903 = tpu.vector_load %arg12[%parallel_loop3A_902] {strides = array<i32>} : memref<51200xf32, #tpu.memory_space<vmem>>, vector<16xf32>,
        tpu.vector_store %arg12[%parallel_loop3A_902], %parallel_loop3A_899 {strides = array<i32>} : memref<51200xf32, #tpu.memory_space<vmem>>, vector<16xf32>,
        %parallel_loop3A_904 = arith.mulf %parallel_loop3A_719, %parallel_loop3A_889 : vector<16xf32>
        %parallel_loop3A_905 = arith.constant 32 : i32
        %parallel_loop3A_906 = arith.addi %parallel_loop3A_893, %parallel_loop3A_905 : i32
        %parallel_loop3A_907 = arith.index_cast %parallel_loop3A_906 : i32 to index
        %parallel_loop3A_908 = tpu.vector_load %arg12[%parallel_loop3A_907] {strides = array<i32>} : memref<51200xf32, #tpu.memory_space<vmem>>, vector<16xf32>,
        tpu.vector_store %arg12[%parallel_loop3A_907], %parallel_loop3A_904 {strides = array<i32>} : memref<51200xf32, #tpu.memory_space<vmem>>, vector<16xf32>,
        %parallel_loop3A_909 = arith.mulf %parallel_loop3A_721, %parallel_loop3A_889 : vector<16xf32>
        %parallel_loop3A_910 = arith.constant 48 : i32
        %parallel_loop3A_911 = arith.addi %parallel_loop3A_893, %parallel_loop3A_910 : i32
        %parallel_loop3A_912 = arith.index_cast %parallel_loop3A_911 : i32 to index
        %parallel_loop3A_913 = tpu.vector_load %arg12[%parallel_loop3A_912] {strides = array<i32>} : memref<51200xf32, #tpu.memory_space<vmem>>, vector<16xf32>,
        tpu.vector_store %arg12[%parallel_loop3A_912], %parallel_loop3A_909 {strides = array<i32>} : memref<51200xf32, #tpu.memory_space<vmem>>, vector<16xf32>,
        %parallel_loop3A_914 = arith.mulf %parallel_loop3A_723, %parallel_loop3A_889 : vector<16xf32>
        %parallel_loop3A_915 = arith.constant 64 : i32
        %parallel_loop3A_916 = arith.addi %parallel_loop3A_893, %parallel_loop3A_915 : i32
        %parallel_loop3A_917 = arith.index_cast %parallel_loop3A_916 : i32 to index
        %parallel_loop3A_918 = tpu.vector_load %arg12[%parallel_loop3A_917] {strides = array<i32>} : memref<51200xf32, #tpu.memory_space<vmem>>, vector<16xf32>,
        tpu.vector_store %arg12[%parallel_loop3A_917], %parallel_loop3A_914 {strides = array<i32>} : memref<51200xf32, #tpu.memory_space<vmem>>, vector<16xf32>,
        %parallel_loop3A_919 = arith.mulf %parallel_loop3A_725, %parallel_loop3A_889 : vector<16xf32>
        %parallel_loop3A_920 = arith.constant 80 : i32
        %parallel_loop3A_921 = arith.addi %parallel_loop3A_893, %parallel_loop3A_920 : i32
        %parallel_loop3A_922 = arith.index_cast %parallel_loop3A_921 : i32 to index
        %parallel_loop3A_923 = tpu.vector_load %arg12[%parallel_loop3A_922] {strides = array<i32>} : memref<51200xf32, #tpu.memory_space<vmem>>, vector<16xf32>,
        tpu.vector_store %arg12[%parallel_loop3A_922], %parallel_loop3A_919 {strides = array<i32>} : memref<51200xf32, #tpu.memory_space<vmem>>, vector<16xf32>,
        %parallel_loop3A_924 = arith.mulf %parallel_loop3A_727, %parallel_loop3A_889 : vector<16xf32>
        %parallel_loop3A_925 = arith.constant 96 : i32
        %parallel_loop3A_926 = arith.addi %parallel_loop3A_893, %parallel_loop3A_925 : i32
        %parallel_loop3A_927 = arith.index_cast %parallel_loop3A_926 : i32 to index
        %parallel_loop3A_928 = tpu.vector_load %arg12[%parallel_loop3A_927] {strides = array<i32>} : memref<51200xf32, #tpu.memory_space<vmem>>, vector<16xf32>,
        tpu.vector_store %arg12[%parallel_loop3A_927], %parallel_loop3A_924 {strides = array<i32>} : memref<51200xf32, #tpu.memory_space<vmem>>, vector<16xf32>,
        %parallel_loop3A_929 = arith.mulf %parallel_loop3A_729, %parallel_loop3A_889 : vector<16xf32>
        %parallel_loop3A_930 = arith.constant 112 : i32
        %parallel_loop3A_931 = arith.addi %parallel_loop3A_893, %parallel_loop3A_930 : i32
        %parallel_loop3A_932 = arith.index_cast %parallel_loop3A_931 : i32 to index
        %parallel_loop3A_933 = tpu.vector_load %arg12[%parallel_loop3A_932] {strides = array<i32>} : memref<51200xf32, #tpu.memory_space<vmem>>, vector<16xf32>,
        tpu.vector_store %arg12[%parallel_loop3A_932], %parallel_loop3A_929 {strides = array<i32>} : memref<51200xf32, #tpu.memory_space<vmem>>, vector<16xf32>,
        %parallel_loop3A_934 = arith.constant 11 : i32
        %parallel_loop3A_935 = vector.broadcast %parallel_loop3A_934 : i32 to vector<16x1xi32>
        %parallel_loop3A_936 = vector.shape_cast %parallel_loop3A_935 : vector<16x1xi32> to vector<16xi32>
        %parallel_loop3A_937 = tpu.dynamic_gather %parallel_loop3A_125[%parallel_loop3A_936] in [0] : vector<16xf32>, vector<16xi32> -> vector<16xf32>
        %parallel_loop3A_938 = arith.constant 11 : i32
        %parallel_loop3A_939 = arith.addi %parallel_loop3A_118, %parallel_loop3A_938 : i32
        %parallel_loop3A_940 = arith.constant 128 : i32
        %parallel_loop3A_941 = arith.muli %parallel_loop3A_939, %parallel_loop3A_940 : i32
        %parallel_loop3A_942 = arith.mulf %parallel_loop3A_735, %parallel_loop3A_937 : vector<16xf32>
        %parallel_loop3A_943 = arith.constant 0 : i32
        %parallel_loop3A_944 = arith.addi %parallel_loop3A_941, %parallel_loop3A_943 : i32
        %parallel_loop3A_945 = arith.index_cast %parallel_loop3A_944 : i32 to index
        %parallel_loop3A_946 = tpu.vector_load %arg12[%parallel_loop3A_945] {strides = array<i32>} : memref<51200xf32, #tpu.memory_space<vmem>>, vector<16xf32>,
        tpu.vector_store %arg12[%parallel_loop3A_945], %parallel_loop3A_942 {strides = array<i32>} : memref<51200xf32, #tpu.memory_space<vmem>>, vector<16xf32>,
        %parallel_loop3A_947 = arith.mulf %parallel_loop3A_737, %parallel_loop3A_937 : vector<16xf32>
        %parallel_loop3A_948 = arith.constant 16 : i32
        %parallel_loop3A_949 = arith.addi %parallel_loop3A_941, %parallel_loop3A_948 : i32
        %parallel_loop3A_950 = arith.index_cast %parallel_loop3A_949 : i32 to index
        %parallel_loop3A_951 = tpu.vector_load %arg12[%parallel_loop3A_950] {strides = array<i32>} : memref<51200xf32, #tpu.memory_space<vmem>>, vector<16xf32>,
        tpu.vector_store %arg12[%parallel_loop3A_950], %parallel_loop3A_947 {strides = array<i32>} : memref<51200xf32, #tpu.memory_space<vmem>>, vector<16xf32>,
        %parallel_loop3A_952 = arith.mulf %parallel_loop3A_739, %parallel_loop3A_937 : vector<16xf32>
        %parallel_loop3A_953 = arith.constant 32 : i32
        %parallel_loop3A_954 = arith.addi %parallel_loop3A_941, %parallel_loop3A_953 : i32
        %parallel_loop3A_955 = arith.index_cast %parallel_loop3A_954 : i32 to index
        %parallel_loop3A_956 = tpu.vector_load %arg12[%parallel_loop3A_955] {strides = array<i32>} : memref<51200xf32, #tpu.memory_space<vmem>>, vector<16xf32>,
        tpu.vector_store %arg12[%parallel_loop3A_955], %parallel_loop3A_952 {strides = array<i32>} : memref<51200xf32, #tpu.memory_space<vmem>>, vector<16xf32>,
        %parallel_loop3A_957 = arith.mulf %parallel_loop3A_741, %parallel_loop3A_937 : vector<16xf32>
        %parallel_loop3A_958 = arith.constant 48 : i32
        %parallel_loop3A_959 = arith.addi %parallel_loop3A_941, %parallel_loop3A_958 : i32
        %parallel_loop3A_960 = arith.index_cast %parallel_loop3A_959 : i32 to index
        %parallel_loop3A_961 = tpu.vector_load %arg12[%parallel_loop3A_960] {strides = array<i32>} : memref<51200xf32, #tpu.memory_space<vmem>>, vector<16xf32>,
        tpu.vector_store %arg12[%parallel_loop3A_960], %parallel_loop3A_957 {strides = array<i32>} : memref<51200xf32, #tpu.memory_space<vmem>>, vector<16xf32>,
        %parallel_loop3A_962 = arith.mulf %parallel_loop3A_743, %parallel_loop3A_937 : vector<16xf32>
        %parallel_loop3A_963 = arith.constant 64 : i32
        %parallel_loop3A_964 = arith.addi %parallel_loop3A_941, %parallel_loop3A_963 : i32
        %parallel_loop3A_965 = arith.index_cast %parallel_loop3A_964 : i32 to index
        %parallel_loop3A_966 = tpu.vector_load %arg12[%parallel_loop3A_965] {strides = array<i32>} : memref<51200xf32, #tpu.memory_space<vmem>>, vector<16xf32>,
        tpu.vector_store %arg12[%parallel_loop3A_965], %parallel_loop3A_962 {strides = array<i32>} : memref<51200xf32, #tpu.memory_space<vmem>>, vector<16xf32>,
        %parallel_loop3A_967 = arith.mulf %parallel_loop3A_745, %parallel_loop3A_937 : vector<16xf32>
        %parallel_loop3A_968 = arith.constant 80 : i32
        %parallel_loop3A_969 = arith.addi %parallel_loop3A_941, %parallel_loop3A_968 : i32
        %parallel_loop3A_970 = arith.index_cast %parallel_loop3A_969 : i32 to index
        %parallel_loop3A_971 = tpu.vector_load %arg12[%parallel_loop3A_970] {strides = array<i32>} : memref<51200xf32, #tpu.memory_space<vmem>>, vector<16xf32>,
        tpu.vector_store %arg12[%parallel_loop3A_970], %parallel_loop3A_967 {strides = array<i32>} : memref<51200xf32, #tpu.memory_space<vmem>>, vector<16xf32>,
        %parallel_loop3A_972 = arith.mulf %parallel_loop3A_747, %parallel_loop3A_937 : vector<16xf32>
        %parallel_loop3A_973 = arith.constant 96 : i32
        %parallel_loop3A_974 = arith.addi %parallel_loop3A_941, %parallel_loop3A_973 : i32
        %parallel_loop3A_975 = arith.index_cast %parallel_loop3A_974 : i32 to index
        %parallel_loop3A_976 = tpu.vector_load %arg12[%parallel_loop3A_975] {strides = array<i32>} : memref<51200xf32, #tpu.memory_space<vmem>>, vector<16xf32>,
        tpu.vector_store %arg12[%parallel_loop3A_975], %parallel_loop3A_972 {strides = array<i32>} : memref<51200xf32, #tpu.memory_space<vmem>>, vector<16xf32>,
        %parallel_loop3A_977 = arith.mulf %parallel_loop3A_749, %parallel_loop3A_937 : vector<16xf32>
        %parallel_loop3A_978 = arith.constant 112 : i32
        %parallel_loop3A_979 = arith.addi %parallel_loop3A_941, %parallel_loop3A_978 : i32
        %parallel_loop3A_980 = arith.index_cast %parallel_loop3A_979 : i32 to index
        %parallel_loop3A_981 = tpu.vector_load %arg12[%parallel_loop3A_980] {strides = array<i32>} : memref<51200xf32, #tpu.memory_space<vmem>>, vector<16xf32>,
        tpu.vector_store %arg12[%parallel_loop3A_980], %parallel_loop3A_977 {strides = array<i32>} : memref<51200xf32, #tpu.memory_space<vmem>>, vector<16xf32>,
        %parallel_loop3A_982 = arith.constant 14 : i32
        %parallel_loop3A_983 = vector.broadcast %parallel_loop3A_982 : i32 to vector<16x1xi32>
        %parallel_loop3A_984 = vector.shape_cast %parallel_loop3A_983 : vector<16x1xi32> to vector<16xi32>
        %parallel_loop3A_985 = tpu.dynamic_gather %parallel_loop3A_123[%parallel_loop3A_984] in [0] : vector<16xi32>, vector<16xi32> -> vector<16xi32>
        %parallel_loop3A_986 = arith.addi %parallel_loop3A_985, %add3A_5 : vector<16xi32>
        %parallel_loop3A_987 = tpu.vector_load_idx %arg6[%parallel_loop3A_986] : memref<6528xf32, #tpu.memory_space<vmem>>[vector<16xi32>], vector<16xf32>,
        %parallel_loop3A_988 = arith.addi %parallel_loop3A_985, %add3A_8 : vector<16xi32>
        %parallel_loop3A_989 = tpu.vector_load_idx %arg6[%parallel_loop3A_988] : memref<6528xf32, #tpu.memory_space<vmem>>[vector<16xi32>], vector<16xf32>,
        %parallel_loop3A_990 = arith.addi %parallel_loop3A_985, %add3A_11 : vector<16xi32>
        %parallel_loop3A_991 = tpu.vector_load_idx %arg6[%parallel_loop3A_990] : memref<6528xf32, #tpu.memory_space<vmem>>[vector<16xi32>], vector<16xf32>,
        %parallel_loop3A_992 = arith.addi %parallel_loop3A_985, %add3A_14 : vector<16xi32>
        %parallel_loop3A_993 = tpu.vector_load_idx %arg6[%parallel_loop3A_992] : memref<6528xf32, #tpu.memory_space<vmem>>[vector<16xi32>], vector<16xf32>,
        %parallel_loop3A_994 = arith.addi %parallel_loop3A_985, %add3A_17 : vector<16xi32>
        %parallel_loop3A_995 = tpu.vector_load_idx %arg6[%parallel_loop3A_994] : memref<6528xf32, #tpu.memory_space<vmem>>[vector<16xi32>], vector<16xf32>,
        %parallel_loop3A_996 = arith.addi %parallel_loop3A_985, %add3A_20 : vector<16xi32>
        %parallel_loop3A_997 = tpu.vector_load_idx %arg6[%parallel_loop3A_996] : memref<6528xf32, #tpu.memory_space<vmem>>[vector<16xi32>], vector<16xf32>,
        %parallel_loop3A_998 = arith.addi %parallel_loop3A_985, %add3A_23 : vector<16xi32>
        %parallel_loop3A_999 = tpu.vector_load_idx %arg6[%parallel_loop3A_998] : memref<6528xf32, #tpu.memory_space<vmem>>[vector<16xi32>], vector<16xf32>,
        %parallel_loop3A_1000 = arith.addi %parallel_loop3A_985, %add3A_26 : vector<16xi32>
        %parallel_loop3A_1001 = tpu.vector_load_idx %arg6[%parallel_loop3A_1000] : memref<6528xf32, #tpu.memory_space<vmem>>[vector<16xi32>], vector<16xf32>,
        %parallel_loop3A_1002 = arith.constant 15 : i32
        %parallel_loop3A_1003 = vector.broadcast %parallel_loop3A_1002 : i32 to vector<16x1xi32>
        %parallel_loop3A_1004 = vector.shape_cast %parallel_loop3A_1003 : vector<16x1xi32> to vector<16xi32>
        %parallel_loop3A_1005 = tpu.dynamic_gather %parallel_loop3A_123[%parallel_loop3A_1004] in [0] : vector<16xi32>, vector<16xi32> -> vector<16xi32>
        %parallel_loop3A_1006 = arith.addi %parallel_loop3A_1005, %add3A_5 : vector<16xi32>
        %parallel_loop3A_1007 = tpu.vector_load_idx %arg6[%parallel_loop3A_1006] : memref<6528xf32, #tpu.memory_space<vmem>>[vector<16xi32>], vector<16xf32>,
        %parallel_loop3A_1008 = arith.addi %parallel_loop3A_1005, %add3A_8 : vector<16xi32>
        %parallel_loop3A_1009 = tpu.vector_load_idx %arg6[%parallel_loop3A_1008] : memref<6528xf32, #tpu.memory_space<vmem>>[vector<16xi32>], vector<16xf32>,
        %parallel_loop3A_1010 = arith.addi %parallel_loop3A_1005, %add3A_11 : vector<16xi32>
        %parallel_loop3A_1011 = tpu.vector_load_idx %arg6[%parallel_loop3A_1010] : memref<6528xf32, #tpu.memory_space<vmem>>[vector<16xi32>], vector<16xf32>,
        %parallel_loop3A_1012 = arith.addi %parallel_loop3A_1005, %add3A_14 : vector<16xi32>
        %parallel_loop3A_1013 = tpu.vector_load_idx %arg6[%parallel_loop3A_1012] : memref<6528xf32, #tpu.memory_space<vmem>>[vector<16xi32>], vector<16xf32>,
        %parallel_loop3A_1014 = arith.addi %parallel_loop3A_1005, %add3A_17 : vector<16xi32>
        %parallel_loop3A_1015 = tpu.vector_load_idx %arg6[%parallel_loop3A_1014] : memref<6528xf32, #tpu.memory_space<vmem>>[vector<16xi32>], vector<16xf32>,
        %parallel_loop3A_1016 = arith.addi %parallel_loop3A_1005, %add3A_20 : vector<16xi32>
        %parallel_loop3A_1017 = tpu.vector_load_idx %arg6[%parallel_loop3A_1016] : memref<6528xf32, #tpu.memory_space<vmem>>[vector<16xi32>], vector<16xf32>,
        %parallel_loop3A_1018 = arith.addi %parallel_loop3A_1005, %add3A_23 : vector<16xi32>
        %parallel_loop3A_1019 = tpu.vector_load_idx %arg6[%parallel_loop3A_1018] : memref<6528xf32, #tpu.memory_space<vmem>>[vector<16xi32>], vector<16xf32>,
        %parallel_loop3A_1020 = arith.addi %parallel_loop3A_1005, %add3A_26 : vector<16xi32>
        %parallel_loop3A_1021 = tpu.vector_load_idx %arg6[%parallel_loop3A_1020] : memref<6528xf32, #tpu.memory_space<vmem>>[vector<16xi32>], vector<16xf32>,
        %parallel_loop3A_1022 = arith.constant 12 : i32
        %parallel_loop3A_1023 = vector.broadcast %parallel_loop3A_1022 : i32 to vector<16x1xi32>
        %parallel_loop3A_1024 = vector.shape_cast %parallel_loop3A_1023 : vector<16x1xi32> to vector<16xi32>
        %parallel_loop3A_1025 = tpu.dynamic_gather %parallel_loop3A_125[%parallel_loop3A_1024] in [0] : vector<16xf32>, vector<16xi32> -> vector<16xf32>
        %parallel_loop3A_1026 = arith.constant 12 : i32
        %parallel_loop3A_1027 = arith.addi %parallel_loop3A_118, %parallel_loop3A_1026 : i32
        %parallel_loop3A_1028 = arith.constant 128 : i32
        %parallel_loop3A_1029 = arith.muli %parallel_loop3A_1027, %parallel_loop3A_1028 : i32
        %parallel_loop3A_1030 = arith.mulf %parallel_loop3A_851, %parallel_loop3A_1025 : vector<16xf32>
        %parallel_loop3A_1031 = arith.constant 0 : i32
        %parallel_loop3A_1032 = arith.addi %parallel_loop3A_1029, %parallel_loop3A_1031 : i32
        %parallel_loop3A_1033 = arith.index_cast %parallel_loop3A_1032 : i32 to index
        %parallel_loop3A_1034 = tpu.vector_load %arg12[%parallel_loop3A_1033] {strides = array<i32>} : memref<51200xf32, #tpu.memory_space<vmem>>, vector<16xf32>,
        tpu.vector_store %arg12[%parallel_loop3A_1033], %parallel_loop3A_1030 {strides = array<i32>} : memref<51200xf32, #tpu.memory_space<vmem>>, vector<16xf32>,
        %parallel_loop3A_1035 = arith.mulf %parallel_loop3A_853, %parallel_loop3A_1025 : vector<16xf32>
        %parallel_loop3A_1036 = arith.constant 16 : i32
        %parallel_loop3A_1037 = arith.addi %parallel_loop3A_1029, %parallel_loop3A_1036 : i32
        %parallel_loop3A_1038 = arith.index_cast %parallel_loop3A_1037 : i32 to index
        %parallel_loop3A_1039 = tpu.vector_load %arg12[%parallel_loop3A_1038] {strides = array<i32>} : memref<51200xf32, #tpu.memory_space<vmem>>, vector<16xf32>,
        tpu.vector_store %arg12[%parallel_loop3A_1038], %parallel_loop3A_1035 {strides = array<i32>} : memref<51200xf32, #tpu.memory_space<vmem>>, vector<16xf32>,
        %parallel_loop3A_1040 = arith.mulf %parallel_loop3A_855, %parallel_loop3A_1025 : vector<16xf32>
        %parallel_loop3A_1041 = arith.constant 32 : i32
        %parallel_loop3A_1042 = arith.addi %parallel_loop3A_1029, %parallel_loop3A_1041 : i32
        %parallel_loop3A_1043 = arith.index_cast %parallel_loop3A_1042 : i32 to index
        %parallel_loop3A_1044 = tpu.vector_load %arg12[%parallel_loop3A_1043] {strides = array<i32>} : memref<51200xf32, #tpu.memory_space<vmem>>, vector<16xf32>,
        tpu.vector_store %arg12[%parallel_loop3A_1043], %parallel_loop3A_1040 {strides = array<i32>} : memref<51200xf32, #tpu.memory_space<vmem>>, vector<16xf32>,
        %parallel_loop3A_1045 = arith.mulf %parallel_loop3A_857, %parallel_loop3A_1025 : vector<16xf32>
        %parallel_loop3A_1046 = arith.constant 48 : i32
        %parallel_loop3A_1047 = arith.addi %parallel_loop3A_1029, %parallel_loop3A_1046 : i32
        %parallel_loop3A_1048 = arith.index_cast %parallel_loop3A_1047 : i32 to index
        %parallel_loop3A_1049 = tpu.vector_load %arg12[%parallel_loop3A_1048] {strides = array<i32>} : memref<51200xf32, #tpu.memory_space<vmem>>, vector<16xf32>,
        tpu.vector_store %arg12[%parallel_loop3A_1048], %parallel_loop3A_1045 {strides = array<i32>} : memref<51200xf32, #tpu.memory_space<vmem>>, vector<16xf32>,
        %parallel_loop3A_1050 = arith.mulf %parallel_loop3A_859, %parallel_loop3A_1025 : vector<16xf32>
        %parallel_loop3A_1051 = arith.constant 64 : i32
        %parallel_loop3A_1052 = arith.addi %parallel_loop3A_1029, %parallel_loop3A_1051 : i32
        %parallel_loop3A_1053 = arith.index_cast %parallel_loop3A_1052 : i32 to index
        %parallel_loop3A_1054 = tpu.vector_load %arg12[%parallel_loop3A_1053] {strides = array<i32>} : memref<51200xf32, #tpu.memory_space<vmem>>, vector<16xf32>,
        tpu.vector_store %arg12[%parallel_loop3A_1053], %parallel_loop3A_1050 {strides = array<i32>} : memref<51200xf32, #tpu.memory_space<vmem>>, vector<16xf32>,
        %parallel_loop3A_1055 = arith.mulf %parallel_loop3A_861, %parallel_loop3A_1025 : vector<16xf32>
        %parallel_loop3A_1056 = arith.constant 80 : i32
        %parallel_loop3A_1057 = arith.addi %parallel_loop3A_1029, %parallel_loop3A_1056 : i32
        %parallel_loop3A_1058 = arith.index_cast %parallel_loop3A_1057 : i32 to index
        %parallel_loop3A_1059 = tpu.vector_load %arg12[%parallel_loop3A_1058] {strides = array<i32>} : memref<51200xf32, #tpu.memory_space<vmem>>, vector<16xf32>,
        tpu.vector_store %arg12[%parallel_loop3A_1058], %parallel_loop3A_1055 {strides = array<i32>} : memref<51200xf32, #tpu.memory_space<vmem>>, vector<16xf32>,
        %parallel_loop3A_1060 = arith.mulf %parallel_loop3A_863, %parallel_loop3A_1025 : vector<16xf32>
        %parallel_loop3A_1061 = arith.constant 96 : i32
        %parallel_loop3A_1062 = arith.addi %parallel_loop3A_1029, %parallel_loop3A_1061 : i32
        %parallel_loop3A_1063 = arith.index_cast %parallel_loop3A_1062 : i32 to index
        %parallel_loop3A_1064 = tpu.vector_load %arg12[%parallel_loop3A_1063] {strides = array<i32>} : memref<51200xf32, #tpu.memory_space<vmem>>, vector<16xf32>,
        tpu.vector_store %arg12[%parallel_loop3A_1063], %parallel_loop3A_1060 {strides = array<i32>} : memref<51200xf32, #tpu.memory_space<vmem>>, vector<16xf32>,
        %parallel_loop3A_1065 = arith.mulf %parallel_loop3A_865, %parallel_loop3A_1025 : vector<16xf32>
        %parallel_loop3A_1066 = arith.constant 112 : i32
        %parallel_loop3A_1067 = arith.addi %parallel_loop3A_1029, %parallel_loop3A_1066 : i32
        %parallel_loop3A_1068 = arith.index_cast %parallel_loop3A_1067 : i32 to index
        %parallel_loop3A_1069 = tpu.vector_load %arg12[%parallel_loop3A_1068] {strides = array<i32>} : memref<51200xf32, #tpu.memory_space<vmem>>, vector<16xf32>,
        tpu.vector_store %arg12[%parallel_loop3A_1068], %parallel_loop3A_1065 {strides = array<i32>} : memref<51200xf32, #tpu.memory_space<vmem>>, vector<16xf32>,
        %parallel_loop3A_1070 = arith.constant 13 : i32
        %parallel_loop3A_1071 = vector.broadcast %parallel_loop3A_1070 : i32 to vector<16x1xi32>
        %parallel_loop3A_1072 = vector.shape_cast %parallel_loop3A_1071 : vector<16x1xi32> to vector<16xi32>
        %parallel_loop3A_1073 = tpu.dynamic_gather %parallel_loop3A_125[%parallel_loop3A_1072] in [0] : vector<16xf32>, vector<16xi32> -> vector<16xf32>
        %parallel_loop3A_1074 = arith.constant 13 : i32
        %parallel_loop3A_1075 = arith.addi %parallel_loop3A_118, %parallel_loop3A_1074 : i32
        %parallel_loop3A_1076 = arith.constant 128 : i32
        %parallel_loop3A_1077 = arith.muli %parallel_loop3A_1075, %parallel_loop3A_1076 : i32
        %parallel_loop3A_1078 = arith.mulf %parallel_loop3A_871, %parallel_loop3A_1073 : vector<16xf32>
        %parallel_loop3A_1079 = arith.constant 0 : i32
        %parallel_loop3A_1080 = arith.addi %parallel_loop3A_1077, %parallel_loop3A_1079 : i32
        %parallel_loop3A_1081 = arith.index_cast %parallel_loop3A_1080 : i32 to index
        %parallel_loop3A_1082 = tpu.vector_load %arg12[%parallel_loop3A_1081] {strides = array<i32>} : memref<51200xf32, #tpu.memory_space<vmem>>, vector<16xf32>,
        tpu.vector_store %arg12[%parallel_loop3A_1081], %parallel_loop3A_1078 {strides = array<i32>} : memref<51200xf32, #tpu.memory_space<vmem>>, vector<16xf32>,
        %parallel_loop3A_1083 = arith.mulf %parallel_loop3A_873, %parallel_loop3A_1073 : vector<16xf32>
        %parallel_loop3A_1084 = arith.constant 16 : i32
        %parallel_loop3A_1085 = arith.addi %parallel_loop3A_1077, %parallel_loop3A_1084 : i32
        %parallel_loop3A_1086 = arith.index_cast %parallel_loop3A_1085 : i32 to index
        %parallel_loop3A_1087 = tpu.vector_load %arg12[%parallel_loop3A_1086] {strides = array<i32>} : memref<51200xf32, #tpu.memory_space<vmem>>, vector<16xf32>,
        tpu.vector_store %arg12[%parallel_loop3A_1086], %parallel_loop3A_1083 {strides = array<i32>} : memref<51200xf32, #tpu.memory_space<vmem>>, vector<16xf32>,
        %parallel_loop3A_1088 = arith.mulf %parallel_loop3A_875, %parallel_loop3A_1073 : vector<16xf32>
        %parallel_loop3A_1089 = arith.constant 32 : i32
        %parallel_loop3A_1090 = arith.addi %parallel_loop3A_1077, %parallel_loop3A_1089 : i32
        %parallel_loop3A_1091 = arith.index_cast %parallel_loop3A_1090 : i32 to index
        %parallel_loop3A_1092 = tpu.vector_load %arg12[%parallel_loop3A_1091] {strides = array<i32>} : memref<51200xf32, #tpu.memory_space<vmem>>, vector<16xf32>,
        tpu.vector_store %arg12[%parallel_loop3A_1091], %parallel_loop3A_1088 {strides = array<i32>} : memref<51200xf32, #tpu.memory_space<vmem>>, vector<16xf32>,
        %parallel_loop3A_1093 = arith.mulf %parallel_loop3A_877, %parallel_loop3A_1073 : vector<16xf32>
        %parallel_loop3A_1094 = arith.constant 48 : i32
        %parallel_loop3A_1095 = arith.addi %parallel_loop3A_1077, %parallel_loop3A_1094 : i32
        %parallel_loop3A_1096 = arith.index_cast %parallel_loop3A_1095 : i32 to index
        %parallel_loop3A_1097 = tpu.vector_load %arg12[%parallel_loop3A_1096] {strides = array<i32>} : memref<51200xf32, #tpu.memory_space<vmem>>, vector<16xf32>,
        tpu.vector_store %arg12[%parallel_loop3A_1096], %parallel_loop3A_1093 {strides = array<i32>} : memref<51200xf32, #tpu.memory_space<vmem>>, vector<16xf32>,
        %parallel_loop3A_1098 = arith.mulf %parallel_loop3A_879, %parallel_loop3A_1073 : vector<16xf32>
        %parallel_loop3A_1099 = arith.constant 64 : i32
        %parallel_loop3A_1100 = arith.addi %parallel_loop3A_1077, %parallel_loop3A_1099 : i32
        %parallel_loop3A_1101 = arith.index_cast %parallel_loop3A_1100 : i32 to index
        %parallel_loop3A_1102 = tpu.vector_load %arg12[%parallel_loop3A_1101] {strides = array<i32>} : memref<51200xf32, #tpu.memory_space<vmem>>, vector<16xf32>,
        tpu.vector_store %arg12[%parallel_loop3A_1101], %parallel_loop3A_1098 {strides = array<i32>} : memref<51200xf32, #tpu.memory_space<vmem>>, vector<16xf32>,
        %parallel_loop3A_1103 = arith.mulf %parallel_loop3A_881, %parallel_loop3A_1073 : vector<16xf32>
        %parallel_loop3A_1104 = arith.constant 80 : i32
        %parallel_loop3A_1105 = arith.addi %parallel_loop3A_1077, %parallel_loop3A_1104 : i32
        %parallel_loop3A_1106 = arith.index_cast %parallel_loop3A_1105 : i32 to index
        %parallel_loop3A_1107 = tpu.vector_load %arg12[%parallel_loop3A_1106] {strides = array<i32>} : memref<51200xf32, #tpu.memory_space<vmem>>, vector<16xf32>,
        tpu.vector_store %arg12[%parallel_loop3A_1106], %parallel_loop3A_1103 {strides = array<i32>} : memref<51200xf32, #tpu.memory_space<vmem>>, vector<16xf32>,
        %parallel_loop3A_1108 = arith.mulf %parallel_loop3A_883, %parallel_loop3A_1073 : vector<16xf32>
        %parallel_loop3A_1109 = arith.constant 96 : i32
        %parallel_loop3A_1110 = arith.addi %parallel_loop3A_1077, %parallel_loop3A_1109 : i32
        %parallel_loop3A_1111 = arith.index_cast %parallel_loop3A_1110 : i32 to index
        %parallel_loop3A_1112 = tpu.vector_load %arg12[%parallel_loop3A_1111] {strides = array<i32>} : memref<51200xf32, #tpu.memory_space<vmem>>, vector<16xf32>,
        tpu.vector_store %arg12[%parallel_loop3A_1111], %parallel_loop3A_1108 {strides = array<i32>} : memref<51200xf32, #tpu.memory_space<vmem>>, vector<16xf32>,
        %parallel_loop3A_1113 = arith.mulf %parallel_loop3A_885, %parallel_loop3A_1073 : vector<16xf32>
        %parallel_loop3A_1114 = arith.constant 112 : i32
        %parallel_loop3A_1115 = arith.addi %parallel_loop3A_1077, %parallel_loop3A_1114 : i32
        %parallel_loop3A_1116 = arith.index_cast %parallel_loop3A_1115 : i32 to index
        %parallel_loop3A_1117 = tpu.vector_load %arg12[%parallel_loop3A_1116] {strides = array<i32>} : memref<51200xf32, #tpu.memory_space<vmem>>, vector<16xf32>,
        tpu.vector_store %arg12[%parallel_loop3A_1116], %parallel_loop3A_1113 {strides = array<i32>} : memref<51200xf32, #tpu.memory_space<vmem>>, vector<16xf32>,
        %parallel_loop3A_1118 = arith.constant 14 : i32
        %parallel_loop3A_1119 = vector.broadcast %parallel_loop3A_1118 : i32 to vector<16x1xi32>
        %parallel_loop3A_1120 = vector.shape_cast %parallel_loop3A_1119 : vector<16x1xi32> to vector<16xi32>
        %parallel_loop3A_1121 = tpu.dynamic_gather %parallel_loop3A_125[%parallel_loop3A_1120] in [0] : vector<16xf32>, vector<16xi32> -> vector<16xf32>
        %parallel_loop3A_1122 = arith.constant 14 : i32
        %parallel_loop3A_1123 = arith.addi %parallel_loop3A_118, %parallel_loop3A_1122 : i32
        %parallel_loop3A_1124 = arith.constant 128 : i32
        %parallel_loop3A_1125 = arith.muli %parallel_loop3A_1123, %parallel_loop3A_1124 : i32
        %parallel_loop3A_1126 = arith.mulf %parallel_loop3A_987, %parallel_loop3A_1121 : vector<16xf32>
        %parallel_loop3A_1127 = arith.constant 0 : i32
        %parallel_loop3A_1128 = arith.addi %parallel_loop3A_1125, %parallel_loop3A_1127 : i32
        %parallel_loop3A_1129 = arith.index_cast %parallel_loop3A_1128 : i32 to index
        %parallel_loop3A_1130 = tpu.vector_load %arg12[%parallel_loop3A_1129] {strides = array<i32>} : memref<51200xf32, #tpu.memory_space<vmem>>, vector<16xf32>,
        tpu.vector_store %arg12[%parallel_loop3A_1129], %parallel_loop3A_1126 {strides = array<i32>} : memref<51200xf32, #tpu.memory_space<vmem>>, vector<16xf32>,
        %parallel_loop3A_1131 = arith.mulf %parallel_loop3A_989, %parallel_loop3A_1121 : vector<16xf32>
        %parallel_loop3A_1132 = arith.constant 16 : i32
        %parallel_loop3A_1133 = arith.addi %parallel_loop3A_1125, %parallel_loop3A_1132 : i32
        %parallel_loop3A_1134 = arith.index_cast %parallel_loop3A_1133 : i32 to index
        %parallel_loop3A_1135 = tpu.vector_load %arg12[%parallel_loop3A_1134] {strides = array<i32>} : memref<51200xf32, #tpu.memory_space<vmem>>, vector<16xf32>,
        tpu.vector_store %arg12[%parallel_loop3A_1134], %parallel_loop3A_1131 {strides = array<i32>} : memref<51200xf32, #tpu.memory_space<vmem>>, vector<16xf32>,
        %parallel_loop3A_1136 = arith.mulf %parallel_loop3A_991, %parallel_loop3A_1121 : vector<16xf32>
        %parallel_loop3A_1137 = arith.constant 32 : i32
        %parallel_loop3A_1138 = arith.addi %parallel_loop3A_1125, %parallel_loop3A_1137 : i32
        %parallel_loop3A_1139 = arith.index_cast %parallel_loop3A_1138 : i32 to index
        %parallel_loop3A_1140 = tpu.vector_load %arg12[%parallel_loop3A_1139] {strides = array<i32>} : memref<51200xf32, #tpu.memory_space<vmem>>, vector<16xf32>,
        tpu.vector_store %arg12[%parallel_loop3A_1139], %parallel_loop3A_1136 {strides = array<i32>} : memref<51200xf32, #tpu.memory_space<vmem>>, vector<16xf32>,
        %parallel_loop3A_1141 = arith.mulf %parallel_loop3A_993, %parallel_loop3A_1121 : vector<16xf32>
        %parallel_loop3A_1142 = arith.constant 48 : i32
        %parallel_loop3A_1143 = arith.addi %parallel_loop3A_1125, %parallel_loop3A_1142 : i32
        %parallel_loop3A_1144 = arith.index_cast %parallel_loop3A_1143 : i32 to index
        %parallel_loop3A_1145 = tpu.vector_load %arg12[%parallel_loop3A_1144] {strides = array<i32>} : memref<51200xf32, #tpu.memory_space<vmem>>, vector<16xf32>,
        tpu.vector_store %arg12[%parallel_loop3A_1144], %parallel_loop3A_1141 {strides = array<i32>} : memref<51200xf32, #tpu.memory_space<vmem>>, vector<16xf32>,
        %parallel_loop3A_1146 = arith.mulf %parallel_loop3A_995, %parallel_loop3A_1121 : vector<16xf32>
        %parallel_loop3A_1147 = arith.constant 64 : i32
        %parallel_loop3A_1148 = arith.addi %parallel_loop3A_1125, %parallel_loop3A_1147 : i32
        %parallel_loop3A_1149 = arith.index_cast %parallel_loop3A_1148 : i32 to index
        %parallel_loop3A_1150 = tpu.vector_load %arg12[%parallel_loop3A_1149] {strides = array<i32>} : memref<51200xf32, #tpu.memory_space<vmem>>, vector<16xf32>,
        tpu.vector_store %arg12[%parallel_loop3A_1149], %parallel_loop3A_1146 {strides = array<i32>} : memref<51200xf32, #tpu.memory_space<vmem>>, vector<16xf32>,
        %parallel_loop3A_1151 = arith.mulf %parallel_loop3A_997, %parallel_loop3A_1121 : vector<16xf32>
        %parallel_loop3A_1152 = arith.constant 80 : i32
        %parallel_loop3A_1153 = arith.addi %parallel_loop3A_1125, %parallel_loop3A_1152 : i32
        %parallel_loop3A_1154 = arith.index_cast %parallel_loop3A_1153 : i32 to index
        %parallel_loop3A_1155 = tpu.vector_load %arg12[%parallel_loop3A_1154] {strides = array<i32>} : memref<51200xf32, #tpu.memory_space<vmem>>, vector<16xf32>,
        tpu.vector_store %arg12[%parallel_loop3A_1154], %parallel_loop3A_1151 {strides = array<i32>} : memref<51200xf32, #tpu.memory_space<vmem>>, vector<16xf32>,
        %parallel_loop3A_1156 = arith.mulf %parallel_loop3A_999, %parallel_loop3A_1121 : vector<16xf32>
        %parallel_loop3A_1157 = arith.constant 96 : i32
        %parallel_loop3A_1158 = arith.addi %parallel_loop3A_1125, %parallel_loop3A_1157 : i32
        %parallel_loop3A_1159 = arith.index_cast %parallel_loop3A_1158 : i32 to index
        %parallel_loop3A_1160 = tpu.vector_load %arg12[%parallel_loop3A_1159] {strides = array<i32>} : memref<51200xf32, #tpu.memory_space<vmem>>, vector<16xf32>,
        tpu.vector_store %arg12[%parallel_loop3A_1159], %parallel_loop3A_1156 {strides = array<i32>} : memref<51200xf32, #tpu.memory_space<vmem>>, vector<16xf32>,
        %parallel_loop3A_1161 = arith.mulf %parallel_loop3A_1001, %parallel_loop3A_1121 : vector<16xf32>
        %parallel_loop3A_1162 = arith.constant 112 : i32
        %parallel_loop3A_1163 = arith.addi %parallel_loop3A_1125, %parallel_loop3A_1162 : i32
        %parallel_loop3A_1164 = arith.index_cast %parallel_loop3A_1163 : i32 to index
        %parallel_loop3A_1165 = tpu.vector_load %arg12[%parallel_loop3A_1164] {strides = array<i32>} : memref<51200xf32, #tpu.memory_space<vmem>>, vector<16xf32>,
        tpu.vector_store %arg12[%parallel_loop3A_1164], %parallel_loop3A_1161 {strides = array<i32>} : memref<51200xf32, #tpu.memory_space<vmem>>, vector<16xf32>,
        %parallel_loop3A_1166 = arith.constant 15 : i32
        %parallel_loop3A_1167 = vector.broadcast %parallel_loop3A_1166 : i32 to vector<16x1xi32>
        %parallel_loop3A_1168 = vector.shape_cast %parallel_loop3A_1167 : vector<16x1xi32> to vector<16xi32>
        %parallel_loop3A_1169 = tpu.dynamic_gather %parallel_loop3A_125[%parallel_loop3A_1168] in [0] : vector<16xf32>, vector<16xi32> -> vector<16xf32>
        %parallel_loop3A_1170 = arith.constant 15 : i32
        %parallel_loop3A_1171 = arith.addi %parallel_loop3A_118, %parallel_loop3A_1170 : i32
        %parallel_loop3A_1172 = arith.constant 128 : i32
        %parallel_loop3A_1173 = arith.muli %parallel_loop3A_1171, %parallel_loop3A_1172 : i32
        %parallel_loop3A_1174 = arith.mulf %parallel_loop3A_1007, %parallel_loop3A_1169 : vector<16xf32>
        %parallel_loop3A_1175 = arith.constant 0 : i32
        %parallel_loop3A_1176 = arith.addi %parallel_loop3A_1173, %parallel_loop3A_1175 : i32
        %parallel_loop3A_1177 = arith.index_cast %parallel_loop3A_1176 : i32 to index
        %parallel_loop3A_1178 = tpu.vector_load %arg12[%parallel_loop3A_1177] {strides = array<i32>} : memref<51200xf32, #tpu.memory_space<vmem>>, vector<16xf32>,
        tpu.vector_store %arg12[%parallel_loop3A_1177], %parallel_loop3A_1174 {strides = array<i32>} : memref<51200xf32, #tpu.memory_space<vmem>>, vector<16xf32>,
        %parallel_loop3A_1179 = arith.mulf %parallel_loop3A_1009, %parallel_loop3A_1169 : vector<16xf32>
        %parallel_loop3A_1180 = arith.constant 16 : i32
        %parallel_loop3A_1181 = arith.addi %parallel_loop3A_1173, %parallel_loop3A_1180 : i32
        %parallel_loop3A_1182 = arith.index_cast %parallel_loop3A_1181 : i32 to index
        %parallel_loop3A_1183 = tpu.vector_load %arg12[%parallel_loop3A_1182] {strides = array<i32>} : memref<51200xf32, #tpu.memory_space<vmem>>, vector<16xf32>,
        tpu.vector_store %arg12[%parallel_loop3A_1182], %parallel_loop3A_1179 {strides = array<i32>} : memref<51200xf32, #tpu.memory_space<vmem>>, vector<16xf32>,
        %parallel_loop3A_1184 = arith.mulf %parallel_loop3A_1011, %parallel_loop3A_1169 : vector<16xf32>
        %parallel_loop3A_1185 = arith.constant 32 : i32
        %parallel_loop3A_1186 = arith.addi %parallel_loop3A_1173, %parallel_loop3A_1185 : i32
        %parallel_loop3A_1187 = arith.index_cast %parallel_loop3A_1186 : i32 to index
        %parallel_loop3A_1188 = tpu.vector_load %arg12[%parallel_loop3A_1187] {strides = array<i32>} : memref<51200xf32, #tpu.memory_space<vmem>>, vector<16xf32>,
        tpu.vector_store %arg12[%parallel_loop3A_1187], %parallel_loop3A_1184 {strides = array<i32>} : memref<51200xf32, #tpu.memory_space<vmem>>, vector<16xf32>,
        %parallel_loop3A_1189 = arith.mulf %parallel_loop3A_1013, %parallel_loop3A_1169 : vector<16xf32>
        %parallel_loop3A_1190 = arith.constant 48 : i32
        %parallel_loop3A_1191 = arith.addi %parallel_loop3A_1173, %parallel_loop3A_1190 : i32
        %parallel_loop3A_1192 = arith.index_cast %parallel_loop3A_1191 : i32 to index
        %parallel_loop3A_1193 = tpu.vector_load %arg12[%parallel_loop3A_1192] {strides = array<i32>} : memref<51200xf32, #tpu.memory_space<vmem>>, vector<16xf32>,
        tpu.vector_store %arg12[%parallel_loop3A_1192], %parallel_loop3A_1189 {strides = array<i32>} : memref<51200xf32, #tpu.memory_space<vmem>>, vector<16xf32>,
        %parallel_loop3A_1194 = arith.mulf %parallel_loop3A_1015, %parallel_loop3A_1169 : vector<16xf32>
        %parallel_loop3A_1195 = arith.constant 64 : i32
        %parallel_loop3A_1196 = arith.addi %parallel_loop3A_1173, %parallel_loop3A_1195 : i32
        %parallel_loop3A_1197 = arith.index_cast %parallel_loop3A_1196 : i32 to index
        %parallel_loop3A_1198 = tpu.vector_load %arg12[%parallel_loop3A_1197] {strides = array<i32>} : memref<51200xf32, #tpu.memory_space<vmem>>, vector<16xf32>,
        tpu.vector_store %arg12[%parallel_loop3A_1197], %parallel_loop3A_1194 {strides = array<i32>} : memref<51200xf32, #tpu.memory_space<vmem>>, vector<16xf32>,
        %parallel_loop3A_1199 = arith.mulf %parallel_loop3A_1017, %parallel_loop3A_1169 : vector<16xf32>
        %parallel_loop3A_1200 = arith.constant 80 : i32
        %parallel_loop3A_1201 = arith.addi %parallel_loop3A_1173, %parallel_loop3A_1200 : i32
        %parallel_loop3A_1202 = arith.index_cast %parallel_loop3A_1201 : i32 to index
        %parallel_loop3A_1203 = tpu.vector_load %arg12[%parallel_loop3A_1202] {strides = array<i32>} : memref<51200xf32, #tpu.memory_space<vmem>>, vector<16xf32>,
        tpu.vector_store %arg12[%parallel_loop3A_1202], %parallel_loop3A_1199 {strides = array<i32>} : memref<51200xf32, #tpu.memory_space<vmem>>, vector<16xf32>,
        %parallel_loop3A_1204 = arith.mulf %parallel_loop3A_1019, %parallel_loop3A_1169 : vector<16xf32>
        %parallel_loop3A_1205 = arith.constant 96 : i32
        %parallel_loop3A_1206 = arith.addi %parallel_loop3A_1173, %parallel_loop3A_1205 : i32
        %parallel_loop3A_1207 = arith.index_cast %parallel_loop3A_1206 : i32 to index
        %parallel_loop3A_1208 = tpu.vector_load %arg12[%parallel_loop3A_1207] {strides = array<i32>} : memref<51200xf32, #tpu.memory_space<vmem>>, vector<16xf32>,
        tpu.vector_store %arg12[%parallel_loop3A_1207], %parallel_loop3A_1204 {strides = array<i32>} : memref<51200xf32, #tpu.memory_space<vmem>>, vector<16xf32>,
        %parallel_loop3A_1209 = arith.mulf %parallel_loop3A_1021, %parallel_loop3A_1169 : vector<16xf32>
        %parallel_loop3A_1210 = arith.constant 112 : i32
        %parallel_loop3A_1211 = arith.addi %parallel_loop3A_1173, %parallel_loop3A_1210 : i32
        %parallel_loop3A_1212 = arith.index_cast %parallel_loop3A_1211 : i32 to index
        %parallel_loop3A_1213 = tpu.vector_load %arg12[%parallel_loop3A_1212] {strides = array<i32>} : memref<51200xf32, #tpu.memory_space<vmem>>, vector<16xf32>,
        tpu.vector_store %arg12[%parallel_loop3A_1212], %parallel_loop3A_1209 {strides = array<i32>} : memref<51200xf32, #tpu.memory_space<vmem>>, vector<16xf32>,
      } {sc.loop_unroll_factor = 1 : i64, sc.parallel_access}
      %mul3A_105 = arith.constant 128 : i32
      %mul3A_106 = arith.muli %add3A_101, %mul3A_105 : i32
      %dma_start3A_107 = tpu.memref_slice %arg5[%mul3A_106] : memref<26214400xf32, #tpu.memory_space<hbm>> -> memref<51200xf32, #tpu.memory_space<hbm>>
      %dma_start3A_108 = tpu.memref_slice %arg5[%mul3A_106] : memref<26214400xf32, #tpu.memory_space<hbm>> -> memref<51200xf32, #tpu.memory_space<hbm>>
      tpu.enqueue_dma source(%arg12 : memref<51200xf32, #tpu.memory_space<vmem>>) target(%dma_start3A_108 : memref<51200xf32, #tpu.memory_space<hbm>>) target_semaphore(%arg14 : memref<!tpu.dma_semaphore, #tpu.memory_space<semaphore_mem>>)
      %add3A_109 = arith.constant 2 : i32
      %add3A_110 = arith.addi %add3A_86, %add3A_109 : i32
      %lt3A_111 = arith.constant 16 : i32
      %lt3A_112 = arith.cmpi slt, %add3A_110, %lt3A_111 : i32
      %convert_element_type3A_113 = arith.extui %lt3A_112 : i1 to i32
      %cond3A_114 = arith.constant 0 : i32
      %cond3A_115 = arith.cmpi ne, %convert_element_type3A_113, %cond3A_114 : i32
      scf.if %cond3A_115 {
        %add3A_116 = arith.constant 2 : i32
        %add3A_117 = arith.addi %add3A_86, %add3A_116 : i32
        %mul3A_118 = arith.constant 400 : i32
        %mul3A_119 = arith.muli %add3A_117, %mul3A_118 : i32
        %add3A_120 = arith.addi %mul3A_2, %mul3A_119 : i32
        %dma_start3A_121 = tpu.memref_slice %arg2[%add3A_120] : memref<204800xi32, #tpu.memory_space<hbm>> -> memref<400xi32, #tpu.memory_space<hbm>>
        %dma_start3A_122 = tpu.memref_slice %arg2[%add3A_120] : memref<204800xi32, #tpu.memory_space<hbm>> -> memref<400xi32, #tpu.memory_space<hbm>>
        tpu.enqueue_dma source(%dma_start3A_122 : memref<400xi32, #tpu.memory_space<hbm>>) target(%arg8 : memref<400xi32, #tpu.memory_space<vmem>>) target_semaphore(%arg16 : memref<!tpu.dma_semaphore, #tpu.memory_space<semaphore_mem>>)
        %dma_start3A_123 = tpu.memref_slice %arg3[%add3A_120] : memref<204800xf32, #tpu.memory_space<hbm>> -> memref<400xf32, #tpu.memory_space<hbm>>
        %dma_start3A_124 = tpu.memref_slice %arg3[%add3A_120] : memref<204800xf32, #tpu.memory_space<hbm>> -> memref<400xf32, #tpu.memory_space<hbm>>
        tpu.enqueue_dma source(%dma_start3A_124 : memref<400xf32, #tpu.memory_space<hbm>>) target(%arg10 : memref<400xf32, #tpu.memory_space<vmem>>) target_semaphore(%arg16 : memref<!tpu.dma_semaphore, #tpu.memory_space<semaphore_mem>>)
      } else {
      }
    }
    %scan3A_42 = arith.constant 8 : i32
    %add3A_43 = arith.constant 5600 : i32
    %add3A_44 = arith.addi %mul3A_2, %add3A_43 : i32
    %mul3A_45 = arith.constant 128 : i32
    %mul3A_46 = arith.muli %add3A_44, %mul3A_45 : i32
    %dma_wait3A = tpu.memref_slice %arg5[%mul3A_46] : memref<26214400xf32, #tpu.memory_space<hbm>> -> memref<51200xf32, #tpu.memory_space<hbm>>
    %dma_wait3A_47 = tpu.memref_slice %arg5[%mul3A_46] : memref<26214400xf32, #tpu.memory_space<hbm>> -> memref<51200xf32, #tpu.memory_space<hbm>>
    tpu.wait_dma2 semaphore(%arg13 : memref<!tpu.dma_semaphore, #tpu.memory_space<semaphore_mem>>) src(%arg11 : memref<51200xf32, #tpu.memory_space<vmem>>) dst(%dma_wait3A_47 : memref<51200xf32, #tpu.memory_space<hbm>>)
    %add3A_48 = arith.constant 6000 : i32
    %add3A_49 = arith.addi %mul3A_2, %add3A_48 : i32
    %mul3A_50 = arith.constant 128 : i32
    %mul3A_51 = arith.muli %add3A_49, %mul3A_50 : i32
    %dma_wait3A_52 = tpu.memref_slice %arg5[%mul3A_51] : memref<26214400xf32, #tpu.memory_space<hbm>> -> memref<51200xf32, #tpu.memory_space<hbm>>
    %dma_wait3A_53 = tpu.memref_slice %arg5[%mul3A_51] : memref<26214400xf32, #tpu.memory_space<hbm>> -> memref<51200xf32, #tpu.memory_space<hbm>>
    tpu.wait_dma2 semaphore(%arg14 : memref<!tpu.dma_semaphore, #tpu.memory_space<semaphore_mem>>) src(%arg12 : memref<51200xf32, #tpu.memory_space<vmem>>) dst(%dma_wait3A_53 : memref<51200xf32, #tpu.memory_space<hbm>>)
    return
  }
}

</mosaic_0001>

<sc_bundles>
// kernel: kernel.3.cloned.1.call-start
scs
__scs_entry_jumppad:
0x0: {  	(pc) =	sbr.rel $0x88, $3  }
0x1: {  	(tag) =	ssettag $0x0;
	lr =	simm.s32 $0x1  }
0x2: {  	[smem:$0x3F9E] =	sst lr;
	_ =	strace $0xD0000000  }
0x3: {  	_ = 	snop  }
0x4: {  	_ = 	snop  }
0x5: {  	_ = 	snop  }
0x6: {  	_ = 	snop  }
0x7: {  	_ = 	snop  }
__scs_overlays_trampoline_lowered:
0x8: {  	[smem:$0x3FAD] =	sst s0  }
0x9: {  	[smem:$0x3FAE] =	sst s1  }
0xa: {  	[smem:$0x3FAF] =	sst s2  }
0xb: {  	[smem:$0x3FB0] =	sst s3  }
0xc: {  	[smem:$0x3FB1] =	sst s4  }
0xd: {  	[smem:$0x3FB2] =	sst s5  }
0xe: {  	[smem:$0x3FB3] =	sst s6  }
0xf: {  	[smem:$0x3FB4] =	sst s7  }
0x10: {  	[smem:$0x3FB5] =	sst s8  }
0x11: {  	[smem:$0x3FB6] =	sst s9;
	s0 =	simm.s32 @!p0 $0x0  }
0x12: {  	s1 =	sld [smem:$0x3F9C];
	s0 =	simm.s32 @p0 $0x1  }
0x13: {  	[smem:$0x3FB7] =	sst s0;
	s0 =	simm.s32 @!p1 $0x0  }
0x14: {  	s2 =	sld [smem:$0x3F9B];
	s0 =	simm.s32 @p1 $0x1  }
0x15: {  	[smem:$0x3FB8] =	sst s0;
	s0 =	simm.s32 @!p2 $0x0  }
0x16: {  	s3 =	sld [smem:$0x3FDB];
	s0 =	simm.s32 @p2 $0x1  }
0x17: {  	s4 =	simm.s32 $0x1BF5;
	[smem:$0x3FBA] =	sst s0  }
0x18: {  	s0 =	sld [smem:$0x3F9D];
	_ =	swait.ge [sflag:s4], $0x0  }
0x19: {  	s7 =	sld [smem:$0x3F9E]  }
0x1a: {  	s8 =	sadd.s32 $0xFFFFE003, lr  }
0x1b: {  	s9 =	sadd.s32 $0xFFFFFEF7, lr;
	s5 =	simm.s32 $0xFFFFFFFF;
	p2 =	slt.u32 s8, $0xFFFFF086  }
0x1c: {  	p1 =	slt.u32 s9, $0xF7A;
	s5 =	simm.s32 @!p2 $0x0  }
0x1d: {  	s5 =	simm.s32 @p1 $0x1;
	p0 =	seq.s32 s7, s2  }
0x1e: {  	s7 =	smul.u32 @!p0 $0xF7A, s2;
	p2 =	seq.s32 @!p0 s5, $0x0  }
0x1f: {  	s9 =	smul.u32 $0xF7A, s1;
	s8 =	simm.s32 @!p0 $0x1BF5;
	p2 =	por !p2, p0  }
0x20: {  	[sflag:s8] =	ssyncset.s32 @!p0 $0xFFFFF086;
	s6 =	sadd.s32 @!p0 s3, s7;
	s7 =	simm.s32 @!p0 $0x108  }
0x21: {  	s3 =	sadd.s32 s3, s9;
	s6 =	sadd.s32 @!p0 $0x88, s6;
	s7 =	simm.s32 @p2 $0x1082  }
0x22: {  	[simem:s7], [sflag:s8] =	dma.local @!p0 [hbm:s6], $0xF7A  }
0x23: {  	s9 =	sor.u32 $0xD0000000, s2;
	s6 =	simm.s32 $0x108;
	_ =	swait.ge @!p0 [sflag:s8], $0x0  }
0x24: {  	s3 =	sadd.s32 $0x88, s3;
	s6 =	simm.s32 @!p1 $0x1082;
	[sflag:s4] =	ssyncset.s32 $0xFFFFF086  }
0x25: {  	[simem:s6], [sflag:s4] =	dma.local [hbm:s3], $0xF7A  }
0x26: {  	[smem:$0x3F9E] =	sst s1;
	(tag) =	ssettag s2;
	_ =	strace s9  }
0x27: {  	s1 =	sld [smem:$0x3FAE]  }
0x28: {  	s2 =	sld [smem:$0x3FAF]  }
0x29: {  	s4 =	sld [smem:$0x3FB1]  }
0x2a: {  	p0 =	seq.s32 s5, $0x0;
	s5 =	sld [smem:$0x3FB2]  }
0x2b: {  	s6 =	sld [smem:$0x3FB3]  }
0x2c: {  	s7 =	sld [smem:$0x3FB4]  }
0x2d: {  	s3 =	simm.s32 $0x108;
	s8 =	sld [smem:$0x3FB5]  }
0x2e: {  	s3 =	simm.s32 @!p0 $0x1082;
	s9 =	sld [smem:$0x3FB6]  }
0x2f: {  	lr =	sadd.s32 s0, s3;
	s0 =	sld [smem:$0x3FAD]  }
0x30: {  	s3 =	sld [smem:$0x3FB0]  }
0x31: {  	[smem:$0x3FB9] =	sst s10  }
0x32: {  	s10 =	sld [smem:$0x3FB7];
	_ =	sdelay $0x3  }
0x33: {  	p0 =	seq.s32 s10, $0x1;
	s10 =	sld [smem:$0x3FB9];
	_ =	sdelay $0x3  }
0x34: {  	[smem:$0x3FB9] =	sst s10  }
0x35: {  	s10 =	sld [smem:$0x3FB8];
	_ =	sdelay $0x3  }
0x36: {  	p1 =	seq.s32 s10, $0x1;
	s10 =	sld [smem:$0x3FB9];
	_ =	sdelay $0x3  }
0x37: {  	[smem:$0x3FB9] =	sst s10  }
0x38: {  	s10 =	sld [smem:$0x3FBA]  }
0x39: {  	_ = 	snop;
	(pc) =	sbr.ind lr, $3  }
0x3a: {  	_ = 	snop  }
0x3b: {  	_ = 	snop  }
0x3c: {  	p2 =	seq.s32 s10, $0x1;
	s10 =	sld [smem:$0x3FB9]  }
0x3d: {  	_ =	shalt  }
0x3e: {  	_ =	shalt  }
0x3f: {  	_ =	shalt  }
0x40: {  	_ =	shalt  }
0x41: {  	_ =	shalt  }
0x42: {  	_ =	shalt  }
0x43: {  	_ =	shalt  }
0x44: {  	_ =	shalt  }
0x45: {  	_ =	shalt  }
0x46: {  	_ =	shalt  }
0x47: {  	_ =	shalt  }
0x48: {  	_ =	shalt  }
0x49: {  	_ =	shalt  }
0x4a: {  	_ =	shalt  }
0x4b: {  	_ =	shalt  }
0x4c: {  	_ =	shalt  }
0x4d: {  	_ =	shalt  }
0x4e: {  	_ =	shalt  }
0x4f: {  	_ =	shalt  }
0x50: {  	_ =	shalt  }
0x51: {  	_ =	shalt  }
0x52: {  	_ =	shalt  }
0x53: {  	_ =	shalt  }
0x54: {  	_ =	shalt  }
0x55: {  	_ =	shalt  }
0x56: {  	_ =	shalt  }
0x57: {  	_ =	shalt  }
0x58: {  	_ =	shalt  }
0x59: {  	_ =	shalt  }
0x5a: {  	_ =	shalt  }
0x5b: {  	_ =	shalt  }
0x5c: {  	_ =	shalt  }
0x5d: {  	_ =	shalt  }
0x5e: {  	_ =	shalt  }
0x5f: {  	_ =	shalt  }
0x60: {  	_ =	shalt  }
0x61: {  	_ =	shalt  }
0x62: {  	_ =	shalt  }
0x63: {  	_ =	shalt  }
0x64: {  	_ =	shalt  }
0x65: {  	_ =	shalt  }
0x66: {  	_ =	shalt  }
0x67: {  	_ =	shalt  }
0x68: {  	_ =	shalt  }
0x69: {  	_ =	shalt  }
0x6a: {  	_ =	shalt  }
0x6b: {  	_ =	shalt  }
0x6c: {  	_ =	shalt  }
0x6d: {  	_ =	shalt  }
0x6e: {  	_ =	shalt  }
0x6f: {  	_ =	shalt  }
0x70: {  	_ =	shalt  }
0x71: {  	_ =	shalt  }
0x72: {  	_ =	shalt  }
0x73: {  	_ =	shalt  }
0x74: {  	_ =	shalt  }
0x75: {  	_ =	shalt  }
0x76: {  	_ =	shalt  }
0x77: {  	_ =	shalt  }
0x78: {  	_ =	shalt  }
0x79: {  	_ =	shalt  }
0x7a: {  	_ =	shalt  }
0x7b: {  	_ =	shalt  }
0x7c: {  	_ =	shalt  }
0x7d: {  	_ =	shalt  }
0x7e: {  	_ =	shalt  }
0x7f: {  	_ =	shalt  }
0x80: {  	_ =	shalt  }
0x81: {  	_ =	shalt  }
0x82: {  	_ =	shalt  }
0x83: {  	_ =	shalt  }
0x84: {  	_ =	shalt  }
0x85: {  	_ =	shalt  }
0x86: {  	_ =	shalt  }
0x87: {  	_ =	shalt  }
.Lfunc_end0:
.L_simem_size_0:
called_computation_lowered:
.L_overlay_start_0:
0x88: {  	s2 =	sld [smem:$0x3FD9]  }
0x89: {  	s3 =	sld [smem:$0x3FFE];
	_ =	sdelay $0x1  }
0x8a: {  	s1 =	srdreg.scid  }
0x8b: {  	s0 =	sand.u32 $0x1, s1  }
0x8c: {  	s17 =	sshll.u32 s0, $0xA;
	s2 =	sadd.s32 s3, s2  }
0x8d: {  	s2 =	sadd.s32 s2, s17  }
0x8e: {  	[smem:$0x3FC5] =	sst s2  }
0x8f: {  	_ = 	snop  }
0x90: {  	s2 =	sld [smem:$0x3FC7]  }
0x91: {  	s18 =	sld [smem:$0x3FD0];
	(tm) =	ssettm $0x1  }
0x92: {  	s4 =	sld [smem:$0x3FFB];
	_ =	sdelay $0x3  }
0x93: {  	_ =	strace s4  }
0x94: {  	s4 =	sld [smem:$0x3FFC];
	_ =	sdelay $0x3  }
0x95: {  	_ =	strace s4  }
0x96: {  	s4 =	sld [smem:$0x3FFD];
	_ =	sdelay $0x3  }
0x97: {  	_ =	strace s4  }
0x98: {  	_ =	strace $0x8FFFFFFF  }
0x99: {  	s19 =	sld [smem:$0x3FDB];
	_ =	sdelay $0x1  }
0x9a: {  	s5 =	simm.s32 $_scs_section_size  }
0x9b: {  	s6 =	simm.s32 $_size__tile_overlayer_lowered;
	s7 =	simm.s32 $_tile_overlayer_lowered  }
0x9c: {  	s22 =	simm.s32 $0x1BFF;
	s21 =	sshll.u32 s7, $0x1;
	s4 =	sadd.s32 s5, s19  }
0x9d: {  	s8 =	simm.s32 $0x0;
	s20 =	sshll.u32 s6, $0x1;
	s6 =	sadd.s32 s21, s4  }
0x9e: {  	[timem:s8], [sflag:s22] =	dma.local [hbm:s6], s20  }
0x9f: {  	_ =	swait.ge [sflag:s22], s20  }
0xa0: {  	s5 =	ssub.s32 $0x0, s20;
	[sflag:s22] =	ssyncset.done $0x0  }
0xa1: {  	[sflag:s22] =	ssyncadd.s32 s5;
	_ =	sdelay $0x1  }
0xa2: {  	s23 =	simm.s32 $0x1B8B  }
0xa3: {  	_ =	swait.ge [sflag:s23], $0x1  }
0xa4: {  	[sflag:s23] =	ssyncset.done $0x0  }
0xa5: {  	s25 =	simm.s32 $0x1B8E;
	s24 =	sld [smem:$0x3FFE];
	[sflag:s23] =	ssyncadd.s32 $0xFFFFFFFF  }
0xa6: {  	s26 =	simm.s32 $execute0_lowered;
	[smem:$0x3FD2] =	sst s25  }
0xa7: {  	s6 =	sshll.u32 s26, $0x1;
	_ =	strace $0x80000046;
	[dreg:$0x1] =	wrdreg $0xFFFFFFFF  }
0xa8: {  	s28 =	simm.s32 $_size_execute0_lowered;
	s4 =	sadd.s32 s4, s6;
	[dreg:$0x0] =	wrdreg $0x0  }
0xa9: {  	s6 =	sshll.u32 s28, $0x1;
	[dreg:$0x2] =	wrdreg s4  }
0xaa: {  	[dreg:$0x3] =	wrdreg s6  }
0xab: {  	[dreg:$0x4] =	wrdreg $0xC0  }
0xac: {  	_ =	task [dreg:s8], $0x5FFFF  }
0xad: {  	[dreg:$0x1] =	wrdreg $0xFFFFFFFF  }
0xae: {  	[dreg:$0x0] =	wrdreg $0x60  }
0xaf: {  	[dreg:$0x2] =	wrdreg s24  }
0xb0: {  	[dreg:$0x3] =	wrdreg s2  }
0xb1: {  	[dreg:$0x4] =	wrdreg s18  }
0xb2: {  	[dreg:$0x5] =	wrdreg $0x9  }
0xb3: {  	_ =	task.clear_ibuf [dreg:s8], $0x6FFFF;
	_ =	strace $0x90000046  }
0xb4: {  	s29 =	simm.s32 $0x9;
	_ =	strace $0x80000048  }
0xb5: {  	_ =	swait.ge [sflag:s29], $0x1  }
0xb6: {  	[sflag:s29] =	ssyncadd.s32 $0xFFFFFFFF  }
0xb7: {  	_ =	strace $0x90000048  }
0xb8: {  	_ =	sfence  }
0xb9: {  	s30 =	sld [smem:$0x0];
	_ =	sdelay $0x2  }
0xba: {  	s31 =	sshll.u32 s1, $0xD;
	s1 =	sshrl.u32 s1, $0x2  }
0xbb: {  	s3 =	sand.u32 $0x4000, s31;
	s1 =	sadd.s32 s1, s30  }
0xbc: {  	s0 =	sor.u32 s3, s0;
	s1 =	sshll.u32 s1, $0x11  }
0xbd: {  	s0 =	sor.u32 s1, s0  }
0xbe: {  	s0 =	sadd.s32 $0x8F2B, s0  }
0xbf: {  	[sflag:s0] =	ssyncadd.remote.s32 $0x1  }
0xc0: {  	_ =	sfence.sel $0xFFFF  }
0xc1: {  	[dreg:$0x0] =	wrdreg $0xFFFFFFFF;
	(pc) =	sbr.abs _section_cstart, $3  }
0xc2: {  	[dreg:$0x1] =	wrdreg $0xFFFFFFFF  }
0xc3: {  	_ =	task.clear_ibuf [dreg:s8], $0x2FFFF;
	_ =	strace $0x9FFFFFFF  }
0xc4: {  	(tm) =	ssettm $0x7FFFFFFF  }
0xc5: {  	_ =	shalt  }
tec
execute0_lowered:
.L_overlay_start_1:
0x0: {  	(tag) =	ssettag $0x1  }
0x1: {  	s0 =	rddreg [dreg:$0x0]  }
0x2: {  	s3 =	rddreg [dreg:$0x2];
	s1 =	srdreg.scid  }
0x3: {  	s2 =	stileid.u32;
	s4 =	simm.s32 $0x0;
	s16 =	simm.s32 $0x5  }
0x4: {  	s17 =	simm.s32 $0x1980;
	s18 =	simm.s32 $0x1D80;
	s19 =	simm.s32 $0x1B80  }
0x5: {  	s20 =	simm.s32 $0x1F80;
	s21 =	simm.s32 $0x3;
	s22 =	simm.s32 $0x2180  }
0x6: {  	s23 =	simm.s32 $0x4;
	s24 =	simm.s32 $0xE980;
	s25 =	simm.s32 $0x1  }
0x7: {  	v0 =	vimm.s32 $0x7;
	v1 =	vimm.s32 $0x0;
	v2 =	vlaneseq.u32;
	s26 =	simm.s32 $0x2;
	s1 =	sand.u32 $0x1, s1;
	s5 =	sshll.u32 s2, $0x1  }
0x8: {  	v10 =	vimm.s32 $0x1;
	v11 =	vimm.s32 $0x2;
	v12 =	vimm.s32 $0x3;
	s28 =	simm.s32 $0x0;
	[smem:$0x7FF] =	sst s4;
	s5 =	sor.u32 s1, s5  }
0x9: {  	v13 =	vimm.s32 $0x4;
	v14 =	vimm.s32 $0x5;
	v15 =	vimm.s32 $0x6;
	s6 =	sadd.s32 $0x400, s0;
	s30 =	ssub.s32 $0x2, s1;
	s5 =	smul.u32 $0x1900, s5  }
.Ltmp0:
0xa: {  	v16 =	vimm.s32 $0x8;
	v17 =	vimm.s32 $0x9;
	v18 =	vimm.s32 $0xA;
	s7 =	sadd.s32 $0x6800, s0;
	s1 =	sshrl.u32 s30, $0x1;
	(pc) =	sbr.rel .LBB2_1-.Ltmp0, $4  }
0xb: {  	v19 =	vimm.s32 $0xB;
	v20 =	vimm.s32 $0xC;
	v21 =	vimm.s32 $0xD;
	_ =	strace $0x80000047;
	s0 =	ssub.s32 s30, s1;
	s10 =	sshrl.u32 s5, $0x3  }
0xc: {  	v22 =	vimm.s32 $0xE;
	v23 =	vimm.s32 $0xF;
	v3 =	vor.u32 $0x10, v2;
	s8 =	sadd.s32 $0x190, s5;
	s13 =	sadd.s32 $0x320, s5;
	s14 =	sadd.s32 $0x4B0, s5  }
0xd: {  	v4 =	vor.u32 $0x20, v2;
	v5 =	vor.u32 $0x30, v2;
	v6 =	vor.u32 $0x40, v2;
	s15 =	smax.u32 s0, $0x1;
	s9 =	sadd.s32 s6, s10;
	s31 =	sshrl.u32 s8, $0x3  }
0xe: {  	v7 =	vor.u32 $0x50, v2;
	v8 =	vor.u32 $0x60, v2;
	v9 =	vor.u32 $0x70, v2;
	s10 =	sadd.s32 s7, s10;
	s11 =	sadd.s32 s6, s31;
	s12 =	sadd.s32 s7, s31  }
.LBB2_8:
0xf: {  	s28 =	sadd.s32 $0x1, s28  }
0x10: {  	_ =	swait.ge [sflag:s25], $0xC800;
	p0 =	sne.s32 s28, s15  }
.Ltmp1:
0x11: {  	[sflag:s25] =	ssyncset.done $0x0;
	(pc) =	sbr.rel @!p0 .LBB2_9-.Ltmp1, $4  }
0x12: {  	[sflag:s25] =	ssyncadd.s32 $0xFFFF3800  }
0x13: {  	_ =	swait.ge [sflag:s26], $0xC800  }
0x14: {  	[sflag:s26] =	ssyncset.done $0x0  }
0x15: {  	[sflag:s26] =	ssyncadd.s32 $0xFFFF3800  }
.LBB2_1:
0x16: {  	s0 =	rddreg [dreg:$0x1]  }
0x17: {  	[tilespmem:s4], [sflag:$0x5] =	stream.linear.gather [hbm4b:s0+s4], $0x1980, $0x38;
	[tilespmem:$0x1B180] =	vst v63  }
0x18: {  	_ =	swait.ge [sflag:s16], $0x1980  }
0x19: {  	[sflag:s16] =	ssyncset.done $0x0  }
0x1a: {  	[sflag:s16] =	ssyncadd.s32 $0xFFFFE680  }
0x1b: {  	[tilespmem:s17], [sflag:$0x3] =	stream.linear.gather [hbm4b:s9+s4], $0x190, $0x38;
	[tilespmem:$0x1B180] =	vst v63  }
0x1c: {  	_ = 	snop  }
0x1d: {  	[tilespmem:s18], [sflag:$0x3] =	stream.linear.gather [hbm4b:s10+s4], $0x190, $0x38;
	[tilespmem:$0x1B180] =	vst v63  }
0x1e: {  	_ = 	snop  }
0x1f: {  	[tilespmem:s19], [sflag:$0x4] =	stream.linear.gather [hbm4b:s11+s4], $0x190, $0x38;
	[tilespmem:$0x1B180] =	vst v63  }
0x20: {  	s29 =	simm.s32 $0x0  }
0x21: {  	[tilespmem:s20], [sflag:$0x4] =	stream.linear.gather [hbm4b:s12+s4], $0x190, $0x38;
	[tilespmem:$0x1B180] =	vst v63  }
.LBB2_2:
0x22: {  	_ =	swait.ge [sflag:s21], $0x190  }
0x23: {  	[sflag:s21] =	ssyncset.done $0x0  }
0x24: {  	[sflag:s21] =	ssyncadd.s32 $0xFFFFFE70  }
0x25: {  	_ =	swait.ge [sflag:s21], $0x190  }
0x26: {  	p0 =	seq.s32 s29, $0x0;
	[sflag:s21] =	ssyncset.done $0x0  }
0x27: {  	s0 =	simm.s32 @!p0 $0x1;
	[sflag:s21] =	ssyncadd.s32 $0xFFFFFE70  }
0x28: {  	s30 =	smul.u32 $0x320, s29;
	_ =	swait.ge @!p0 [sflag:s0], $0xC800  }
0x29: {  	s1 =	simm.s32 $0x2580;
	[sflag:s0] =	ssyncset.done @!p0 $0x0  }
0x2a: {  	s31 =	sadd.s32 s5, s30;
	[sflag:s0] =	ssyncadd.s32 @!p0 $0xFFFF3800;
	s0 =	simm.s32 $0x0  }
.LBB2_3:
0x2b: {  	s2 =	sshra.s32 s0, $0x2  }
0x2c: {  	v24 =	vld [tilespmem:s2+$0x1980];
	_ =	sdelay $0x4  }
0x2d: {  	v25 =	vshll.u32 v24, $0x7  }
0x2e: {  	v26 =	vperm.xlane v25, v1;
	_ =	sdelay $0x1  }
0x2f: {  	v27 =	vadd.s32 v2, v26  }
0x30: {  	v28 =	vadd.s32 v3, v26  }
0x31: {  	v29 =	vadd.s32 v4, v26  }
0x32: {  	v30 =	vadd.s32 v5, v26  }
0x33: {  	v24 =	vld [tilespmem:s2+$0x1D80];
	v31 =	vadd.s32 v6, v26  }
0x34: {  	v32 =	vadd.s32 v7, v26;
	v27 =	vld.idx.msk [tilespmem:v27+s4+$0x0], $0xffff  }
0x35: {  	v34 =	vperm.xlane v25, v10;
	v33 =	vadd.s32 v8, v26;
	v28 =	vld.idx.msk [tilespmem:v28+s4+$0x0], $0xffff  }
0x36: {  	v26 =	vadd.s32 v9, v26;
	v29 =	vld.idx.msk [tilespmem:v29+s4+$0x0], $0xffff  }
0x37: {  	v35 =	vadd.s32 v2, v34;
	v30 =	vld.idx.msk [tilespmem:v30+s4+$0x0], $0xffff  }
0x38: {  	v36 =	vadd.s32 v3, v34;
	v31 =	vld.idx.msk [tilespmem:v31+s4+$0x0], $0xffff  }
0x39: {  	v37 =	vadd.s32 v4, v34;
	v32 =	vld.idx.msk [tilespmem:v32+s4+$0x0], $0xffff  }
0x3a: {  	v38 =	vadd.s32 v5, v34;
	v33 =	vld.idx.msk [tilespmem:v33+s4+$0x0], $0xffff  }
0x3b: {  	v39 =	vadd.s32 v6, v34;
	v26 =	vld.idx.msk [tilespmem:v26+s4+$0x0], $0xffff  }
0x3c: {  	v40 =	vadd.s32 v7, v34;
	v35 =	vld.idx.msk [tilespmem:v35+s4+$0x0], $0xffff  }
0x3d: {  	v42 =	vperm.xlane v25, v11;
	v41 =	vadd.s32 v8, v34;
	v36 =	vld.idx.msk [tilespmem:v36+s4+$0x0], $0xffff  }
0x3e: {  	v34 =	vadd.s32 v9, v34;
	v37 =	vld.idx.msk [tilespmem:v37+s4+$0x0], $0xffff  }
0x3f: {  	v43 =	vadd.s32 v2, v42;
	v38 =	vld.idx.msk [tilespmem:v38+s4+$0x0], $0xffff  }
0x40: {  	v44 =	vadd.s32 v3, v42;
	v39 =	vld.idx.msk [tilespmem:v39+s4+$0x0], $0xffff  }
0x41: {  	v45 =	vadd.s32 v4, v42;
	v40 =	vld.idx.msk [tilespmem:v40+s4+$0x0], $0xffff  }
0x42: {  	v46 =	vadd.s32 v5, v42;
	v41 =	vld.idx.msk [tilespmem:v41+s4+$0x0], $0xffff  }
0x43: {  	v47 =	vadd.s32 v6, v42;
	v34 =	vld.idx.msk [tilespmem:v34+s4+$0x0], $0xffff  }
0x44: {  	v48 =	vadd.s32 v7, v42;
	v43 =	vld.idx.msk [tilespmem:v43+s4+$0x0], $0xffff  }
0x45: {  	v50 =	vperm.xlane v25, v12;
	v49 =	vadd.s32 v8, v42;
	v44 =	vld.idx.msk [tilespmem:v44+s4+$0x0], $0xffff  }
0x46: {  	v42 =	vadd.s32 v9, v42;
	v45 =	vld.idx.msk [tilespmem:v45+s4+$0x0], $0xffff  }
0x47: {  	v51 =	vadd.s32 v2, v50;
	v46 =	vld.idx.msk [tilespmem:v46+s4+$0x0], $0xffff  }
0x48: {  	v52 =	vadd.s32 v3, v50;
	v47 =	vld.idx.msk [tilespmem:v47+s4+$0x0], $0xffff  }
0x49: {  	v53 =	vadd.s32 v4, v50;
	v48 =	vld.idx.msk [tilespmem:v48+s4+$0x0], $0xffff  }
0x4a: {  	v54 =	vadd.s32 v5, v50;
	v49 =	vld.idx.msk [tilespmem:v49+s4+$0x0], $0xffff  }
0x4b: {  	v55 =	vadd.s32 v6, v50;
	v42 =	vld.idx.msk [tilespmem:v42+s4+$0x0], $0xffff  }
0x4c: {  	v56 =	vadd.s32 v7, v50;
	v51 =	vld.idx.msk [tilespmem:v51+s4+$0x0], $0xffff  }
0x4d: {  	v57 =	vadd.s32 v8, v50;
	v52 =	vld.idx.msk [tilespmem:v52+s4+$0x0], $0xffff  }
0x4e: {  	v50 =	vadd.s32 v9, v50;
	v53 =	vld.idx.msk [tilespmem:v53+s4+$0x0], $0xffff  }
0x4f: {  	v58 =	vperm.xlane v24, v1;
	v54 =	vld.idx.msk [tilespmem:v54+s4+$0x0], $0xffff  }
0x50: {  	v55 =	vld.idx.msk [tilespmem:v55+s4+$0x0], $0xffff  }
0x51: {  	v56 =	vld.idx.msk [tilespmem:v56+s4+$0x0], $0xffff;
	v27 =	vmul.f32 v58, v27  }
0x52: {  	v57 =	vld.idx.msk [tilespmem:v57+s4+$0x0], $0xffff;
	v28 =	vmul.f32 v58, v28  }
0x53: {  	v50 =	vld.idx.msk [tilespmem:v50+s4+$0x0], $0xffff;
	v60 =	vmul.f32 v58, v29;
	[tilespmem:s1+$0xFFFFFC00] =	vst v27  }
0x54: {  	v61 =	vmul.f32 v58, v30;
	[tilespmem:s1+$0xFFFFFC10] =	vst v28  }
0x55: {  	v62 =	vmul.f32 v58, v31;
	[tilespmem:s1+$0xFFFFFC20] =	vst v60  }
0x56: {  	v63 =	vmul.f32 v58, v32;
	[tilespmem:s1+$0xFFFFFC30] =	vst v61  }
0x57: {  	v32 =	vmul.f32 v58, v33;
	v33 =	vperm.xlane v24, v10;
	[tilespmem:s1+$0xFFFFFC40] =	vst v62  }
0x58: {  	v26 =	vmul.f32 v58, v26;
	[tilespmem:s1+$0xFFFFFC50] =	vst v63  }
0x59: {  	[tilespmem:s1+$0xFFFFFC60] =	vst v32;
	v59 =	vmul.f32 v33, v35  }
0x5a: {  	[tilespmem:s1+$0xFFFFFC70] =	vst v26;
	v60 =	vmul.f32 v33, v36  }
0x5b: {  	v61 =	vmul.f32 v33, v37;
	[tilespmem:s1+$0xFFFFFC80] =	vst v59  }
0x5c: {  	v62 =	vmul.f32 v33, v38;
	v63 =	vperm.xlane v25, v13;
	[tilespmem:s1+$0xFFFFFC90] =	vst v60  }
0x5d: {  	v36 =	vmul.f32 v33, v39;
	[tilespmem:s1+$0xFFFFFCA0] =	vst v61  }
0x5e: {  	v37 =	vmul.f32 v33, v40;
	[tilespmem:s1+$0xFFFFFCB0] =	vst v62;
	v38 =	vadd.s32 v2, v63  }
0x5f: {  	v39 =	vmul.f32 v33, v41;
	[tilespmem:s1+$0xFFFFFCC0] =	vst v36;
	v40 =	vadd.s32 v3, v63  }
0x60: {  	v41 =	vmul.f32 v33, v34;
	[tilespmem:s1+$0xFFFFFCD0] =	vst v37;
	v58 =	vadd.s32 v4, v63  }
0x61: {  	[tilespmem:s1+$0xFFFFFCE0] =	vst v39;
	v59 =	vadd.s32 v5, v63  }
0x62: {  	[tilespmem:s1+$0xFFFFFCF0] =	vst v41;
	v60 =	vadd.s32 v6, v63  }
0x63: {  	v61 =	vadd.s32 v7, v63;
	v30 =	vld.idx.msk [tilespmem:v38+s4+$0x0], $0xffff  }
0x64: {  	v34 =	vperm.xlane v25, v14;
	v62 =	vadd.s32 v8, v63;
	v31 =	vld.idx.msk [tilespmem:v40+s4+$0x0], $0xffff  }
0x65: {  	v28 =	vadd.s32 v9, v63;
	v29 =	vld.idx.msk [tilespmem:v58+s4+$0x0], $0xffff  }
0x66: {  	v63 =	vadd.s32 v2, v34;
	v27 =	vld.idx.msk [tilespmem:v59+s4+$0x0], $0xffff  }
0x67: {  	v26 =	vld.idx.msk [tilespmem:v60+s4+$0x0], $0xffff;
	v58 =	vadd.s32 v3, v34  }
0x68: {  	v32 =	vld.idx.msk [tilespmem:v61+s4+$0x0], $0xffff;
	v59 =	vadd.s32 v4, v34  }
0x69: {  	v33 =	vld.idx.msk [tilespmem:v62+s4+$0x0], $0xffff;
	v60 =	vadd.s32 v5, v34  }
0x6a: {  	v28 =	vld.idx.msk [tilespmem:v28+s4+$0x0], $0xffff;
	v61 =	vadd.s32 v6, v34  }
0x6b: {  	v35 =	vld.idx.msk [tilespmem:v63+s4+$0x0], $0xffff;
	v62 =	vadd.s32 v7, v34  }
0x6c: {  	v63 =	vadd.s32 v8, v34;
	v36 =	vld.idx.msk [tilespmem:v58+s4+$0x0], $0xffff  }
0x6d: {  	v34 =	vadd.s32 v9, v34;
	v37 =	vld.idx.msk [tilespmem:v59+s4+$0x0], $0xffff  }
0x6e: {  	v38 =	vld.idx.msk [tilespmem:v60+s4+$0x0], $0xffff;
	v60 =	vperm.xlane v24, v11  }
0x6f: {  	v39 =	vld.idx.msk [tilespmem:v61+s4+$0x0], $0xffff  }
0x70: {  	v40 =	vld.idx.msk [tilespmem:v62+s4+$0x0], $0xffff;
	v43 =	vmul.f32 v60, v43  }
0x71: {  	v41 =	vld.idx.msk [tilespmem:v63+s4+$0x0], $0xffff;
	v44 =	vmul.f32 v60, v44  }
0x72: {  	v34 =	vld.idx.msk [tilespmem:v34+s4+$0x0], $0xffff;
	v61 =	vmul.f32 v60, v45;
	[tilespmem:s1+$0xFFFFFD00] =	vst v43  }
0x73: {  	v62 =	vmul.f32 v60, v46;
	[tilespmem:s1+$0xFFFFFD10] =	vst v44  }
0x74: {  	v63 =	vmul.f32 v60, v47;
	[tilespmem:s1+$0xFFFFFD20] =	vst v61  }
0x75: {  	v48 =	vmul.f32 v60, v48;
	[tilespmem:s1+$0xFFFFFD30] =	vst v62  }
0x76: {  	v49 =	vmul.f32 v60, v49;
	v45 =	vperm.xlane v24, v12;
	[tilespmem:s1+$0xFFFFFD40] =	vst v63  }
0x77: {  	v42 =	vmul.f32 v60, v42;
	[tilespmem:s1+$0xFFFFFD50] =	vst v48  }
0x78: {  	[tilespmem:s1+$0xFFFFFD60] =	vst v49;
	v59 =	vmul.f32 v45, v51  }
0x79: {  	[tilespmem:s1+$0xFFFFFD70] =	vst v42;
	v60 =	vmul.f32 v45, v52  }
0x7a: {  	v61 =	vmul.f32 v45, v53;
	[tilespmem:s1+$0xFFFFFD80] =	vst v59  }
0x7b: {  	v62 =	vmul.f32 v45, v54;
	v63 =	vperm.xlane v25, v15;
	[tilespmem:s1+$0xFFFFFD90] =	vst v60  }
0x7c: {  	v48 =	vmul.f32 v45, v55;
	[tilespmem:s1+$0xFFFFFDA0] =	vst v61  }
0x7d: {  	v49 =	vmul.f32 v45, v56;
	[tilespmem:s1+$0xFFFFFDB0] =	vst v62;
	v51 =	vadd.s32 v2, v63  }
0x7e: {  	v52 =	vmul.f32 v45, v57;
	[tilespmem:s1+$0xFFFFFDC0] =	vst v48;
	v53 =	vadd.s32 v3, v63  }
0x7f: {  	v54 =	vmul.f32 v45, v50;
	[tilespmem:s1+$0xFFFFFDD0] =	vst v49;
	v55 =	vadd.s32 v4, v63  }
0x80: {  	[tilespmem:s1+$0xFFFFFDE0] =	vst v52;
	v56 =	vadd.s32 v5, v63  }
0x81: {  	[tilespmem:s1+$0xFFFFFDF0] =	vst v54;
	v57 =	vadd.s32 v6, v63  }
0x82: {  	v58 =	vadd.s32 v7, v63;
	v46 =	vld.idx.msk [tilespmem:v51+s4+$0x0], $0xffff  }
0x83: {  	v50 =	vperm.xlane v25, v0;
	v59 =	vadd.s32 v8, v63;
	v47 =	vld.idx.msk [tilespmem:v53+s4+$0x0], $0xffff  }
0x84: {  	v44 =	vadd.s32 v9, v63;
	v45 =	vld.idx.msk [tilespmem:v55+s4+$0x0], $0xffff  }
0x85: {  	v60 =	vadd.s32 v2, v50;
	v43 =	vld.idx.msk [tilespmem:v56+s4+$0x0], $0xffff  }
0x86: {  	v61 =	vadd.s32 v3, v50;
	v42 =	vld.idx.msk [tilespmem:v57+s4+$0x0], $0xffff  }
0x87: {  	v62 =	vadd.s32 v5, v50;
	v48 =	vld.idx.msk [tilespmem:v58+s4+$0x0], $0xffff  }
0x88: {  	v63 =	vadd.s32 v6, v50;
	v49 =	vld.idx.msk [tilespmem:v59+s4+$0x0], $0xffff  }
0x89: {  	v53 =	vadd.s32 v4, v50;
	v44 =	vld.idx.msk [tilespmem:v44+s4+$0x0], $0xffff  }
0x8a: {  	v51 =	vld.idx.msk [tilespmem:v60+s4+$0x0], $0xffff;
	v60 =	vadd.s32 v7, v50  }
0x8b: {  	v52 =	vld.idx.msk [tilespmem:v61+s4+$0x0], $0xffff;
	v61 =	vadd.s32 v8, v50  }
0x8c: {  	v50 =	vadd.s32 v9, v50;
	v54 =	vld.idx.msk [tilespmem:v62+s4+$0x0], $0xffff  }
0x8d: {  	v55 =	vld.idx.msk [tilespmem:v63+s4+$0x0], $0xffff;
	v62 =	vperm.xlane v24, v13  }
0x8e: {  	v53 =	vld.idx.msk [tilespmem:v53+s4+$0x0], $0xffff  }
0x8f: {  	v30 =	vmul.f32 v62, v30;
	v56 =	vld.idx.msk [tilespmem:v60+s4+$0x0], $0xffff  }
0x90: {  	v31 =	vmul.f32 v62, v31;
	v57 =	vld.idx.msk [tilespmem:v61+s4+$0x0], $0xffff  }
0x91: {  	v29 =	vmul.f32 v62, v29;
	v50 =	vld.idx.msk [tilespmem:v50+s4+$0x0], $0xffff;
	[tilespmem:s1+$0xFFFFFE00] =	vst v30  }
0x92: {  	v27 =	vmul.f32 v62, v27;
	[tilespmem:s1+$0xFFFFFE10] =	vst v31  }
0x93: {  	v26 =	vmul.f32 v62, v26;
	[tilespmem:s1+$0xFFFFFE20] =	vst v29  }
0x94: {  	v63 =	vmul.f32 v62, v32;
	[tilespmem:s1+$0xFFFFFE30] =	vst v27  }
0x95: {  	v32 =	vmul.f32 v62, v33;
	v33 =	vperm.xlane v24, v14;
	[tilespmem:s1+$0xFFFFFE40] =	vst v26  }
0x96: {  	v58 =	vmul.f32 v62, v28;
	[tilespmem:s1+$0xFFFFFE50] =	vst v63  }
0x97: {  	v59 =	vmul.f32 v33, v35;
	[tilespmem:s1+$0xFFFFFE60] =	vst v32  }
0x98: {  	v62 =	vmul.f32 v33, v38;
	[tilespmem:s1+$0xFFFFFE70] =	vst v58  }
0x99: {  	v35 =	vmul.f32 v33, v39;
	[tilespmem:s1+$0xFFFFFE80] =	vst v59  }
0x9a: {  	v38 =	vmul.f32 v33, v41;
	v63 =	vperm.xlane v25, v16;
	[tilespmem:s1+$0xFFFFFEB0] =	vst v62  }
0x9b: {  	v60 =	vmul.f32 v33, v36;
	[tilespmem:s1+$0xFFFFFEC0] =	vst v35  }
0x9c: {  	v61 =	vmul.f32 v33, v37;
	[tilespmem:s1+$0xFFFFFEE0] =	vst v38;
	v37 =	vadd.s32 v2, v63  }
0x9d: {  	v36 =	vmul.f32 v33, v40;
	[tilespmem:s1+$0xFFFFFE90] =	vst v60;
	v39 =	vadd.s32 v3, v63  }
0x9e: {  	v40 =	vmul.f32 v33, v34;
	[tilespmem:s1+$0xFFFFFEA0] =	vst v61;
	v41 =	vadd.s32 v4, v63  }
0x9f: {  	[tilespmem:s1+$0xFFFFFED0] =	vst v36;
	v58 =	vadd.s32 v5, v63  }
0xa0: {  	[tilespmem:s1+$0xFFFFFEF0] =	vst v40;
	v59 =	vadd.s32 v6, v63  }
0xa1: {  	v60 =	vadd.s32 v7, v63;
	v30 =	vld.idx.msk [tilespmem:v37+s4+$0x0], $0xffff  }
0xa2: {  	v34 =	vperm.xlane v25, v17;
	v61 =	vadd.s32 v8, v63;
	v31 =	vld.idx.msk [tilespmem:v39+s4+$0x0], $0xffff  }
0xa3: {  	v28 =	vadd.s32 v9, v63;
	v29 =	vld.idx.msk [tilespmem:v41+s4+$0x0], $0xffff  }
0xa4: {  	v62 =	vadd.s32 v2, v34;
	v26 =	vld.idx.msk [tilespmem:v58+s4+$0x0], $0xffff  }
0xa5: {  	v63 =	vadd.s32 v3, v34;
	v27 =	vld.idx.msk [tilespmem:v59+s4+$0x0], $0xffff  }
0xa6: {  	v32 =	vld.idx.msk [tilespmem:v60+s4+$0x0], $0xffff;
	v58 =	vadd.s32 v4, v34  }
0xa7: {  	v33 =	vld.idx.msk [tilespmem:v61+s4+$0x0], $0xffff;
	v59 =	vadd.s32 v5, v34  }
0xa8: {  	v28 =	vld.idx.msk [tilespmem:v28+s4+$0x0], $0xffff;
	v60 =	vadd.s32 v6, v34  }
0xa9: {  	v35 =	vld.idx.msk [tilespmem:v62+s4+$0x0], $0xffff;
	v61 =	vadd.s32 v7, v34  }
0xaa: {  	v36 =	vld.idx.msk [tilespmem:v63+s4+$0x0], $0xffff;
	v62 =	vadd.s32 v8, v34  }
0xab: {  	v34 =	vadd.s32 v9, v34;
	v37 =	vld.idx.msk [tilespmem:v58+s4+$0x0], $0xffff  }
0xac: {  	v63 =	vperm.xlane v24, v15;
	v38 =	vld.idx.msk [tilespmem:v59+s4+$0x0], $0xffff  }
0xad: {  	v39 =	vld.idx.msk [tilespmem:v60+s4+$0x0], $0xffff  }
0xae: {  	v46 =	vmul.f32 v63, v46;
	v40 =	vld.idx.msk [tilespmem:v61+s4+$0x0], $0xffff  }
0xaf: {  	v47 =	vmul.f32 v63, v47;
	v41 =	vld.idx.msk [tilespmem:v62+s4+$0x0], $0xffff  }
0xb0: {  	v45 =	vmul.f32 v63, v45;
	v34 =	vld.idx.msk [tilespmem:v34+s4+$0x0], $0xffff;
	[tilespmem:s1+$0xFFFFFF00] =	vst v46  }
0xb1: {  	v43 =	vmul.f32 v63, v43;
	[tilespmem:s1+$0xFFFFFF10] =	vst v47  }
0xb2: {  	v42 =	vmul.f32 v63, v42;
	[tilespmem:s1+$0xFFFFFF20] =	vst v45  }
0xb3: {  	v48 =	vmul.f32 v63, v48;
	[tilespmem:s1+$0xFFFFFF30] =	vst v43  }
0xb4: {  	v49 =	vmul.f32 v63, v49;
	[tilespmem:s1+$0xFFFFFF40] =	vst v42;
	v45 =	vperm.xlane v24, v0  }
0xb5: {  	[tilespmem:s1+$0xFFFFFF50] =	vst v48;
	v58 =	vmul.f32 v63, v44  }
0xb6: {  	[tilespmem:s1+$0xFFFFFF60] =	vst v49;
	v59 =	vmul.f32 v45, v51  }
0xb7: {  	[tilespmem:s1+$0xFFFFFF70] =	vst v58;
	v60 =	vmul.f32 v45, v52  }
0xb8: {  	v61 =	vmul.f32 v45, v53;
	[tilespmem:s1+$0xFFFFFF80] =	vst v59  }
0xb9: {  	v63 =	vperm.xlane v25, v18;
	v62 =	vmul.f32 v45, v54;
	[tilespmem:s1+$0xFFFFFF90] =	vst v60  }
0xba: {  	v48 =	vmul.f32 v45, v55;
	[tilespmem:s1+$0xFFFFFFA0] =	vst v61  }
0xbb: {  	v49 =	vmul.f32 v45, v56;
	v51 =	vadd.s32 v2, v63;
	[tilespmem:s1+$0xFFFFFFB0] =	vst v62  }
0xbc: {  	v52 =	vmul.f32 v45, v57;
	v53 =	vadd.s32 v3, v63;
	[tilespmem:s1+$0xFFFFFFC0] =	vst v48  }
0xbd: {  	v54 =	vmul.f32 v45, v50;
	v55 =	vadd.s32 v4, v63;
	[tilespmem:s1+$0xFFFFFFD0] =	vst v49  }
0xbe: {  	v56 =	vadd.s32 v5, v63;
	[tilespmem:s1+$0xFFFFFFE0] =	vst v52  }
0xbf: {  	v57 =	vadd.s32 v6, v63;
	[tilespmem:s1+$0xFFFFFFF0] =	vst v54  }
0xc0: {  	v58 =	vadd.s32 v7, v63;
	v46 =	vld.idx.msk [tilespmem:v51+s4+$0x0], $0xffff  }
0xc1: {  	v50 =	vperm.xlane v25, v19;
	v44 =	vadd.s32 v9, v63;
	v47 =	vld.idx.msk [tilespmem:v53+s4+$0x0], $0xffff  }
0xc2: {  	v59 =	vadd.s32 v8, v63;
	v45 =	vld.idx.msk [tilespmem:v55+s4+$0x0], $0xffff  }
0xc3: {  	v60 =	vadd.s32 v2, v50;
	v42 =	vld.idx.msk [tilespmem:v56+s4+$0x0], $0xffff  }
0xc4: {  	v61 =	vadd.s32 v3, v50;
	v43 =	vld.idx.msk [tilespmem:v57+s4+$0x0], $0xffff  }
0xc5: {  	v62 =	vadd.s32 v5, v50;
	v48 =	vld.idx.msk [tilespmem:v58+s4+$0x0], $0xffff  }
0xc6: {  	v63 =	vadd.s32 v6, v50;
	v44 =	vld.idx.msk [tilespmem:v44+s4+$0x0], $0xffff  }
0xc7: {  	v53 =	vadd.s32 v4, v50;
	v49 =	vld.idx.msk [tilespmem:v59+s4+$0x0], $0xffff  }
0xc8: {  	v51 =	vld.idx.msk [tilespmem:v60+s4+$0x0], $0xffff;
	v60 =	vadd.s32 v7, v50  }
0xc9: {  	v52 =	vld.idx.msk [tilespmem:v61+s4+$0x0], $0xffff;
	v61 =	vadd.s32 v8, v50  }
0xca: {  	v50 =	vadd.s32 v9, v50;
	v54 =	vld.idx.msk [tilespmem:v62+s4+$0x0], $0xffff  }
0xcb: {  	v55 =	vld.idx.msk [tilespmem:v63+s4+$0x0], $0xffff;
	v62 =	vperm.xlane v24, v16  }
0xcc: {  	v53 =	vld.idx.msk [tilespmem:v53+s4+$0x0], $0xffff  }
0xcd: {  	v30 =	vmul.f32 v62, v30;
	v56 =	vld.idx.msk [tilespmem:v60+s4+$0x0], $0xffff  }
0xce: {  	v31 =	vmul.f32 v62, v31;
	v57 =	vld.idx.msk [tilespmem:v61+s4+$0x0], $0xffff  }
0xcf: {  	v29 =	vmul.f32 v62, v29;
	v50 =	vld.idx.msk [tilespmem:v50+s4+$0x0], $0xffff;
	[tilespmem:s1+$0x0] =	vst v30  }
0xd0: {  	v26 =	vmul.f32 v62, v26;
	[tilespmem:s1+$0x10] =	vst v31  }
0xd1: {  	v27 =	vmul.f32 v62, v27;
	[tilespmem:s1+$0x20] =	vst v29  }
0xd2: {  	v63 =	vmul.f32 v62, v32;
	[tilespmem:s1+$0x30] =	vst v26  }
0xd3: {  	v32 =	vmul.f32 v62, v33;
	v33 =	vperm.xlane v24, v17;
	[tilespmem:s1+$0x40] =	vst v27  }
0xd4: {  	v58 =	vmul.f32 v62, v28;
	[tilespmem:s1+$0x50] =	vst v63  }
0xd5: {  	v59 =	vmul.f32 v33, v35;
	[tilespmem:s1+$0x60] =	vst v32  }
0xd6: {  	v62 =	vmul.f32 v33, v38;
	[tilespmem:s1+$0x70] =	vst v58  }
0xd7: {  	v60 =	vmul.f32 v33, v36;
	[tilespmem:s1+$0x80] =	vst v59  }
0xd8: {  	v61 =	vmul.f32 v33, v37;
	v63 =	vperm.xlane v25, v20;
	[tilespmem:s1+$0xB0] =	vst v62  }
0xd9: {  	v36 =	vmul.f32 v33, v39;
	[tilespmem:s1+$0x90] =	vst v60  }
0xda: {  	v37 =	vmul.f32 v33, v40;
	[tilespmem:s1+$0xA0] =	vst v61;
	v38 =	vadd.s32 v2, v63  }
0xdb: {  	v39 =	vmul.f32 v33, v41;
	[tilespmem:s1+$0xC0] =	vst v36;
	v40 =	vadd.s32 v3, v63  }
0xdc: {  	v41 =	vmul.f32 v33, v34;
	[tilespmem:s1+$0xD0] =	vst v37;
	v58 =	vadd.s32 v4, v63  }
0xdd: {  	[tilespmem:s1+$0xE0] =	vst v39;
	v59 =	vadd.s32 v5, v63  }
0xde: {  	[tilespmem:s1+$0xF0] =	vst v41;
	v60 =	vadd.s32 v6, v63  }
0xdf: {  	v61 =	vadd.s32 v7, v63;
	v30 =	vld.idx.msk [tilespmem:v38+s4+$0x0], $0xffff  }
0xe0: {  	v34 =	vperm.xlane v25, v21;
	v62 =	vadd.s32 v8, v63;
	v31 =	vld.idx.msk [tilespmem:v40+s4+$0x0], $0xffff  }
0xe1: {  	v28 =	vadd.s32 v9, v63;
	v29 =	vld.idx.msk [tilespmem:v58+s4+$0x0], $0xffff  }
0xe2: {  	v63 =	vadd.s32 v2, v34;
	v27 =	vld.idx.msk [tilespmem:v59+s4+$0x0], $0xffff  }
0xe3: {  	v26 =	vld.idx.msk [tilespmem:v60+s4+$0x0], $0xffff;
	v58 =	vadd.s32 v3, v34  }
0xe4: {  	v32 =	vld.idx.msk [tilespmem:v61+s4+$0x0], $0xffff;
	v59 =	vadd.s32 v4, v34  }
0xe5: {  	v33 =	vld.idx.msk [tilespmem:v62+s4+$0x0], $0xffff;
	v61 =	vadd.s32 v5, v34  }
0xe6: {  	v28 =	vld.idx.msk [tilespmem:v28+s4+$0x0], $0xffff;
	v62 =	vadd.s32 v6, v34  }
0xe7: {  	v35 =	vld.idx.msk [tilespmem:v63+s4+$0x0], $0xffff;
	v63 =	vadd.s32 v7, v34  }
0xe8: {  	v60 =	vadd.s32 v8, v34;
	v36 =	vld.idx.msk [tilespmem:v58+s4+$0x0], $0xffff  }
0xe9: {  	v34 =	vadd.s32 v9, v34;
	v37 =	vld.idx.msk [tilespmem:v59+s4+$0x0], $0xffff  }
0xea: {  	v38 =	vld.idx.msk [tilespmem:v61+s4+$0x0], $0xffff;
	v61 =	vperm.xlane v24, v18  }
0xeb: {  	v39 =	vld.idx.msk [tilespmem:v62+s4+$0x0], $0xffff  }
0xec: {  	v40 =	vld.idx.msk [tilespmem:v63+s4+$0x0], $0xffff;
	v46 =	vmul.f32 v61, v46  }
0xed: {  	v41 =	vld.idx.msk [tilespmem:v60+s4+$0x0], $0xffff;
	v47 =	vmul.f32 v61, v47  }
0xee: {  	v34 =	vld.idx.msk [tilespmem:v34+s4+$0x0], $0xffff;
	v45 =	vmul.f32 v61, v45;
	[tilespmem:s1+$0x100] =	vst v46  }
0xef: {  	v42 =	vmul.f32 v61, v42;
	[tilespmem:s1+$0x110] =	vst v47  }
0xf0: {  	v43 =	vmul.f32 v61, v43;
	[tilespmem:s1+$0x120] =	vst v45  }
0xf1: {  	v62 =	vmul.f32 v61, v48;
	[tilespmem:s1+$0x130] =	vst v42  }
0xf2: {  	v63 =	vmul.f32 v61, v49;
	v48 =	vperm.xlane v24, v19;
	[tilespmem:s1+$0x140] =	vst v43  }
0xf3: {  	v58 =	vmul.f32 v61, v44;
	[tilespmem:s1+$0x150] =	vst v62  }
0xf4: {  	[tilespmem:s1+$0x160] =	vst v63;
	v59 =	vmul.f32 v48, v51  }
0xf5: {  	[tilespmem:s1+$0x170] =	vst v58;
	v60 =	vmul.f32 v48, v52  }
0xf6: {  	v61 =	vmul.f32 v48, v53;
	[tilespmem:s1+$0x180] =	vst v59  }
0xf7: {  	v62 =	vmul.f32 v48, v54;
	v63 =	vperm.xlane v25, v22;
	[tilespmem:s1+$0x190] =	vst v60  }
0xf8: {  	v49 =	vmul.f32 v48, v55;
	[tilespmem:s1+$0x1A0] =	vst v61  }
0xf9: {  	v51 =	vmul.f32 v48, v56;
	[tilespmem:s1+$0x1B0] =	vst v62;
	v52 =	vadd.s32 v2, v63  }
0xfa: {  	v53 =	vmul.f32 v48, v57;
	[tilespmem:s1+$0x1C0] =	vst v49;
	v54 =	vadd.s32 v3, v63  }
0xfb: {  	v55 =	vmul.f32 v48, v50;
	[tilespmem:s1+$0x1D0] =	vst v51;
	v56 =	vadd.s32 v4, v63  }
0xfc: {  	[tilespmem:s1+$0x1E0] =	vst v53;
	v57 =	vadd.s32 v5, v63  }
0xfd: {  	[tilespmem:s1+$0x1F0] =	vst v55;
	v58 =	vadd.s32 v6, v63  }
0xfe: {  	v59 =	vadd.s32 v7, v63;
	v46 =	vld.idx.msk [tilespmem:v52+s4+$0x0], $0xffff  }
0xff: {  	v25 =	vperm.xlane v25, v23;
	v60 =	vadd.s32 v8, v63;
	v47 =	vld.idx.msk [tilespmem:v54+s4+$0x0], $0xffff  }
0x100: {  	v44 =	vadd.s32 v9, v63;
	v45 =	vld.idx.msk [tilespmem:v56+s4+$0x0], $0xffff  }
0x101: {  	v61 =	vadd.s32 v2, v25;
	v43 =	vld.idx.msk [tilespmem:v57+s4+$0x0], $0xffff  }
0x102: {  	v62 =	vadd.s32 v3, v25;
	v42 =	vld.idx.msk [tilespmem:v58+s4+$0x0], $0xffff  }
0x103: {  	v63 =	vadd.s32 v5, v25;
	v48 =	vld.idx.msk [tilespmem:v59+s4+$0x0], $0xffff  }
0x104: {  	v52 =	vadd.s32 v4, v25;
	v49 =	vld.idx.msk [tilespmem:v60+s4+$0x0], $0xffff  }
0x105: {  	v44 =	vld.idx.msk [tilespmem:v44+s4+$0x0], $0xffff;
	v60 =	vadd.s32 v6, v25  }
0x106: {  	v50 =	vld.idx.msk [tilespmem:v61+s4+$0x0], $0xffff;
	v61 =	vadd.s32 v7, v25  }
0x107: {  	v51 =	vld.idx.msk [tilespmem:v62+s4+$0x0], $0xffff;
	v62 =	vadd.s32 v8, v25  }
0x108: {  	v25 =	vadd.s32 v9, v25;
	v53 =	vld.idx.msk [tilespmem:v63+s4+$0x0], $0xffff  }
0x109: {  	v63 =	vperm.xlane v24, v20;
	v52 =	vld.idx.msk [tilespmem:v52+s4+$0x0], $0xffff  }
0x10a: {  	v54 =	vld.idx.msk [tilespmem:v60+s4+$0x0], $0xffff  }
0x10b: {  	v30 =	vmul.f32 v63, v30;
	v55 =	vld.idx.msk [tilespmem:v61+s4+$0x0], $0xffff  }
0x10c: {  	v31 =	vmul.f32 v63, v31;
	v56 =	vld.idx.msk [tilespmem:v62+s4+$0x0], $0xffff  }
0x10d: {  	v29 =	vmul.f32 v63, v29;
	v25 =	vld.idx.msk [tilespmem:v25+s4+$0x0], $0xffff;
	[tilespmem:s1+$0x200] =	vst v30  }
0x10e: {  	v27 =	vmul.f32 v63, v27;
	[tilespmem:s1+$0x210] =	vst v31  }
0x10f: {  	v26 =	vmul.f32 v63, v26;
	[tilespmem:s1+$0x220] =	vst v29  }
0x110: {  	v59 =	vmul.f32 v63, v32;
	[tilespmem:s1+$0x230] =	vst v27  }
0x111: {  	[tilespmem:s1+$0x240] =	vst v26;
	v60 =	vmul.f32 v63, v33;
	v61 =	vperm.xlane v24, v21  }
0x112: {  	[tilespmem:s1+$0x250] =	vst v59;
	v62 =	vmul.f32 v63, v28  }
0x113: {  	[tilespmem:s1+$0x260] =	vst v60;
	v63 =	vmul.f32 v61, v35  }
0x114: {  	[tilespmem:s1+$0x270] =	vst v62;
	v30 =	vmul.f32 v61, v36  }
0x115: {  	v31 =	vmul.f32 v61, v37;
	[tilespmem:s1+$0x280] =	vst v63  }
0x116: {  	v32 =	vmul.f32 v61, v38;
	[tilespmem:s1+$0x290] =	vst v30  }
0x117: {  	v33 =	vmul.f32 v61, v39;
	[tilespmem:s1+$0x2A0] =	vst v31  }
0x118: {  	v35 =	vmul.f32 v61, v40;
	[tilespmem:s1+$0x2B0] =	vst v32  }
0x119: {  	v36 =	vmul.f32 v61, v41;
	v37 =	vperm.xlane v24, v22;
	[tilespmem:s1+$0x2C0] =	vst v33  }
0x11a: {  	v38 =	vmul.f32 v61, v34;
	[tilespmem:s1+$0x2D0] =	vst v35  }
0x11b: {  	[tilespmem:s1+$0x2E0] =	vst v36;
	v39 =	vmul.f32 v37, v46  }
0x11c: {  	[tilespmem:s1+$0x2F0] =	vst v38;
	v40 =	vmul.f32 v37, v47  }
0x11d: {  	v41 =	vmul.f32 v37, v45;
	[tilespmem:s1+$0x300] =	vst v39  }
0x11e: {  	v45 =	vmul.f32 v37, v43;
	[tilespmem:s1+$0x310] =	vst v40  }
0x11f: {  	v46 =	vmul.f32 v37, v42;
	[tilespmem:s1+$0x320] =	vst v41  }
0x120: {  	v47 =	vmul.f32 v37, v48;
	[tilespmem:s1+$0x330] =	vst v45  }
0x121: {  	v24 =	vperm.xlane v24, v23;
	v48 =	vmul.f32 v37, v49;
	[tilespmem:s1+$0x340] =	vst v46  }
0x122: {  	v49 =	vmul.f32 v37, v44;
	[tilespmem:s1+$0x350] =	vst v47  }
0x123: {  	v57 =	vmul.f32 v24, v50;
	[tilespmem:s1+$0x360] =	vst v48  }
0x124: {  	v58 =	vmul.f32 v24, v51;
	[tilespmem:s1+$0x370] =	vst v49  }
0x125: {  	v60 =	vmul.f32 v24, v53;
	[tilespmem:s1+$0x380] =	vst v57  }
0x126: {  	v59 =	vmul.f32 v24, v52;
	[tilespmem:s1+$0x390] =	vst v58  }
0x127: {  	p1 =	sne.s32 s0, $0x600;
	v61 =	vmul.f32 v24, v54;
	[tilespmem:s1+$0x3B0] =	vst v60  }
.Ltmp2:
0x128: {  	v62 =	vmul.f32 v24, v55;
	[tilespmem:s1+$0x3A0] =	vst v59;
	(pc) =	sbr.rel @p1 .LBB2_3-.Ltmp2, $4  }
0x129: {  	v63 =	vmul.f32 v24, v56;
	[tilespmem:s1+$0x3C0] =	vst v61  }
0x12a: {  	v24 =	vmul.f32 v24, v25;
	[tilespmem:s1+$0x3D0] =	vst v62  }
0x12b: {  	[tilespmem:s1+$0x3E0] =	vst v63  }
0x12c: {  	s0 =	sadd.s32 $0x40, s0;
	[tilespmem:s1+$0x3F0] =	vst v24;
	s1 =	sadd.s32 $0x800, s1  }
0x12d: {  	s0 =	sshll.u32 s31, $0x4  }
0x12e: {  	p1 =	seq.s32 s29, $0x7;
	s0 =	sadd.s32 s3, s0  }
0x12f: {  	[hbm4b:s0+s4] =	stream.linear.scatter [tilespmem:s22], [sflag:$0x1], $0xC800, $0x38;
	[tilespmem:$0x1B180] =	vst v63  }
0x130: {  	s0 =	sadd.s32 @!p1 s30, s13  }
0x131: {  	s0 =	sshrl.u32 @!p1 s0, $0x3  }
0x132: {  	s2 =	simm.s32 @!p1 $0x0;
	s31 =	simm.s32 @!p1 $0x1980;
	s1 =	sadd.s32 @!p1 s6, s0  }
0x133: {  	[tilespmem:s31], [sflag:$0x3] =	stream.linear.gather @!p1 [hbm4b:s1+s2], $0x190, $0x38;
	[tilespmem:$0x1B180] =	vst v63  }
0x134: {  	s0 =	sadd.s32 @!p1 s7, s0;
	s1 =	simm.s32 @!p1 $0x1D80  }
0x135: {  	[tilespmem:s1], [sflag:$0x3] =	stream.linear.gather @!p1 [hbm4b:s0+s2], $0x190, $0x38;
	[tilespmem:$0x1B180] =	vst v63  }
0x136: {  	_ =	swait.ge [sflag:s23], $0x190  }
0x137: {  	[sflag:s23] =	ssyncset.done $0x0  }
0x138: {  	[sflag:s23] =	ssyncadd.s32 $0xFFFFFE70  }
0x139: {  	_ =	swait.ge [sflag:s23], $0x190  }
0x13a: {  	[sflag:s23] =	ssyncset.done $0x0  }
0x13b: {  	s0 =	simm.s32 @!p0 $0x2;
	[sflag:s23] =	ssyncadd.s32 $0xFFFFFE70  }
0x13c: {  	_ =	swait.ge @!p0 [sflag:s0], $0xC800  }
0x13d: {  	s31 =	sadd.s32 s30, s8;
	[sflag:s0] =	ssyncset.done @!p0 $0x0  }
0x13e: {  	s1 =	simm.s32 $0xED80;
	[sflag:s0] =	ssyncadd.s32 @!p0 $0xFFFF3800;
	s0 =	simm.s32 $0x0  }
.LBB2_5:
0x13f: {  	s2 =	sshra.s32 s0, $0x2  }
0x140: {  	v24 =	vld [tilespmem:s2+$0x1B80];
	_ =	sdelay $0x4  }
0x141: {  	v25 =	vshll.u32 v24, $0x7  }
0x142: {  	v26 =	vperm.xlane v25, v1;
	_ =	sdelay $0x1  }
0x143: {  	v27 =	vadd.s32 v2, v26  }
0x144: {  	v28 =	vadd.s32 v3, v26  }
0x145: {  	v29 =	vadd.s32 v4, v26  }
0x146: {  	v30 =	vadd.s32 v5, v26  }
0x147: {  	v24 =	vld [tilespmem:s2+$0x1F80];
	v31 =	vadd.s32 v6, v26  }
0x148: {  	v32 =	vadd.s32 v7, v26;
	v27 =	vld.idx.msk [tilespmem:v27+s4+$0x0], $0xffff  }
0x149: {  	v34 =	vperm.xlane v25, v10;
	v33 =	vadd.s32 v8, v26;
	v28 =	vld.idx.msk [tilespmem:v28+s4+$0x0], $0xffff  }
0x14a: {  	v26 =	vadd.s32 v9, v26;
	v29 =	vld.idx.msk [tilespmem:v29+s4+$0x0], $0xffff  }
0x14b: {  	v35 =	vadd.s32 v2, v34;
	v30 =	vld.idx.msk [tilespmem:v30+s4+$0x0], $0xffff  }
0x14c: {  	v36 =	vadd.s32 v3, v34;
	v31 =	vld.idx.msk [tilespmem:v31+s4+$0x0], $0xffff  }
0x14d: {  	v37 =	vadd.s32 v4, v34;
	v32 =	vld.idx.msk [tilespmem:v32+s4+$0x0], $0xffff  }
0x14e: {  	v38 =	vadd.s32 v5, v34;
	v33 =	vld.idx.msk [tilespmem:v33+s4+$0x0], $0xffff  }
0x14f: {  	v39 =	vadd.s32 v6, v34;
	v26 =	vld.idx.msk [tilespmem:v26+s4+$0x0], $0xffff  }
0x150: {  	v40 =	vadd.s32 v7, v34;
	v35 =	vld.idx.msk [tilespmem:v35+s4+$0x0], $0xffff  }
0x151: {  	v42 =	vperm.xlane v25, v11;
	v41 =	vadd.s32 v8, v34;
	v36 =	vld.idx.msk [tilespmem:v36+s4+$0x0], $0xffff  }
0x152: {  	v34 =	vadd.s32 v9, v34;
	v37 =	vld.idx.msk [tilespmem:v37+s4+$0x0], $0xffff  }
0x153: {  	v43 =	vadd.s32 v2, v42;
	v38 =	vld.idx.msk [tilespmem:v38+s4+$0x0], $0xffff  }
0x154: {  	v44 =	vadd.s32 v3, v42;
	v39 =	vld.idx.msk [tilespmem:v39+s4+$0x0], $0xffff  }
0x155: {  	v45 =	vadd.s32 v4, v42;
	v40 =	vld.idx.msk [tilespmem:v40+s4+$0x0], $0xffff  }
0x156: {  	v46 =	vadd.s32 v5, v42;
	v41 =	vld.idx.msk [tilespmem:v41+s4+$0x0], $0xffff  }
0x157: {  	v47 =	vadd.s32 v6, v42;
	v34 =	vld.idx.msk [tilespmem:v34+s4+$0x0], $0xffff  }
0x158: {  	v48 =	vadd.s32 v7, v42;
	v43 =	vld.idx.msk [tilespmem:v43+s4+$0x0], $0xffff  }
0x159: {  	v50 =	vperm.xlane v25, v12;
	v49 =	vadd.s32 v8, v42;
	v44 =	vld.idx.msk [tilespmem:v44+s4+$0x0], $0xffff  }
0x15a: {  	v42 =	vadd.s32 v9, v42;
	v45 =	vld.idx.msk [tilespmem:v45+s4+$0x0], $0xffff  }
0x15b: {  	v51 =	vadd.s32 v2, v50;
	v46 =	vld.idx.msk [tilespmem:v46+s4+$0x0], $0xffff  }
0x15c: {  	v52 =	vadd.s32 v3, v50;
	v47 =	vld.idx.msk [tilespmem:v47+s4+$0x0], $0xffff  }
0x15d: {  	v53 =	vadd.s32 v4, v50;
	v48 =	vld.idx.msk [tilespmem:v48+s4+$0x0], $0xffff  }
0x15e: {  	v54 =	vadd.s32 v5, v50;
	v49 =	vld.idx.msk [tilespmem:v49+s4+$0x0], $0xffff  }
0x15f: {  	v55 =	vadd.s32 v6, v50;
	v42 =	vld.idx.msk [tilespmem:v42+s4+$0x0], $0xffff  }
0x160: {  	v56 =	vadd.s32 v7, v50;
	v51 =	vld.idx.msk [tilespmem:v51+s4+$0x0], $0xffff  }
0x161: {  	v57 =	vadd.s32 v8, v50;
	v52 =	vld.idx.msk [tilespmem:v52+s4+$0x0], $0xffff  }
0x162: {  	v50 =	vadd.s32 v9, v50;
	v53 =	vld.idx.msk [tilespmem:v53+s4+$0x0], $0xffff  }
0x163: {  	v58 =	vperm.xlane v24, v1;
	v54 =	vld.idx.msk [tilespmem:v54+s4+$0x0], $0xffff  }
0x164: {  	v55 =	vld.idx.msk [tilespmem:v55+s4+$0x0], $0xffff  }
0x165: {  	v56 =	vld.idx.msk [tilespmem:v56+s4+$0x0], $0xffff;
	v27 =	vmul.f32 v58, v27  }
0x166: {  	v57 =	vld.idx.msk [tilespmem:v57+s4+$0x0], $0xffff;
	v28 =	vmul.f32 v58, v28  }
0x167: {  	v50 =	vld.idx.msk [tilespmem:v50+s4+$0x0], $0xffff;
	v60 =	vmul.f32 v58, v29;
	[tilespmem:s1+$0xFFFFFC00] =	vst v27  }
0x168: {  	v61 =	vmul.f32 v58, v30;
	[tilespmem:s1+$0xFFFFFC10] =	vst v28  }
0x169: {  	v62 =	vmul.f32 v58, v31;
	[tilespmem:s1+$0xFFFFFC20] =	vst v60  }
0x16a: {  	v63 =	vmul.f32 v58, v32;
	[tilespmem:s1+$0xFFFFFC30] =	vst v61  }
0x16b: {  	v32 =	vmul.f32 v58, v33;
	v33 =	vperm.xlane v24, v10;
	[tilespmem:s1+$0xFFFFFC40] =	vst v62  }
0x16c: {  	v26 =	vmul.f32 v58, v26;
	[tilespmem:s1+$0xFFFFFC50] =	vst v63  }
0x16d: {  	[tilespmem:s1+$0xFFFFFC60] =	vst v32;
	v59 =	vmul.f32 v33, v35  }
0x16e: {  	[tilespmem:s1+$0xFFFFFC70] =	vst v26;
	v60 =	vmul.f32 v33, v36  }
0x16f: {  	v61 =	vmul.f32 v33, v37;
	[tilespmem:s1+$0xFFFFFC80] =	vst v59  }
0x170: {  	v62 =	vmul.f32 v33, v38;
	v63 =	vperm.xlane v25, v13;
	[tilespmem:s1+$0xFFFFFC90] =	vst v60  }
0x171: {  	v36 =	vmul.f32 v33, v39;
	[tilespmem:s1+$0xFFFFFCA0] =	vst v61  }
0x172: {  	v37 =	vmul.f32 v33, v40;
	[tilespmem:s1+$0xFFFFFCB0] =	vst v62;
	v38 =	vadd.s32 v2, v63  }
0x173: {  	v39 =	vmul.f32 v33, v41;
	[tilespmem:s1+$0xFFFFFCC0] =	vst v36;
	v40 =	vadd.s32 v3, v63  }
0x174: {  	v41 =	vmul.f32 v33, v34;
	[tilespmem:s1+$0xFFFFFCD0] =	vst v37;
	v58 =	vadd.s32 v4, v63  }
0x175: {  	[tilespmem:s1+$0xFFFFFCE0] =	vst v39;
	v59 =	vadd.s32 v5, v63  }
0x176: {  	[tilespmem:s1+$0xFFFFFCF0] =	vst v41;
	v60 =	vadd.s32 v6, v63  }
0x177: {  	v61 =	vadd.s32 v7, v63;
	v30 =	vld.idx.msk [tilespmem:v38+s4+$0x0], $0xffff  }
0x178: {  	v34 =	vperm.xlane v25, v14;
	v62 =	vadd.s32 v8, v63;
	v31 =	vld.idx.msk [tilespmem:v40+s4+$0x0], $0xffff  }
0x179: {  	v28 =	vadd.s32 v9, v63;
	v29 =	vld.idx.msk [tilespmem:v58+s4+$0x0], $0xffff  }
0x17a: {  	v63 =	vadd.s32 v2, v34;
	v27 =	vld.idx.msk [tilespmem:v59+s4+$0x0], $0xffff  }
0x17b: {  	v26 =	vld.idx.msk [tilespmem:v60+s4+$0x0], $0xffff;
	v58 =	vadd.s32 v3, v34  }
0x17c: {  	v32 =	vld.idx.msk [tilespmem:v61+s4+$0x0], $0xffff;
	v59 =	vadd.s32 v4, v34  }
0x17d: {  	v33 =	vld.idx.msk [tilespmem:v62+s4+$0x0], $0xffff;
	v60 =	vadd.s32 v5, v34  }
0x17e: {  	v28 =	vld.idx.msk [tilespmem:v28+s4+$0x0], $0xffff;
	v61 =	vadd.s32 v6, v34  }
0x17f: {  	v35 =	vld.idx.msk [tilespmem:v63+s4+$0x0], $0xffff;
	v62 =	vadd.s32 v7, v34  }
0x180: {  	v63 =	vadd.s32 v8, v34;
	v36 =	vld.idx.msk [tilespmem:v58+s4+$0x0], $0xffff  }
0x181: {  	v34 =	vadd.s32 v9, v34;
	v37 =	vld.idx.msk [tilespmem:v59+s4+$0x0], $0xffff  }
0x182: {  	v38 =	vld.idx.msk [tilespmem:v60+s4+$0x0], $0xffff;
	v60 =	vperm.xlane v24, v11  }
0x183: {  	v39 =	vld.idx.msk [tilespmem:v61+s4+$0x0], $0xffff  }
0x184: {  	v40 =	vld.idx.msk [tilespmem:v62+s4+$0x0], $0xffff;
	v43 =	vmul.f32 v60, v43  }
0x185: {  	v41 =	vld.idx.msk [tilespmem:v63+s4+$0x0], $0xffff;
	v44 =	vmul.f32 v60, v44  }
0x186: {  	v34 =	vld.idx.msk [tilespmem:v34+s4+$0x0], $0xffff;
	v61 =	vmul.f32 v60, v45;
	[tilespmem:s1+$0xFFFFFD00] =	vst v43  }
0x187: {  	v62 =	vmul.f32 v60, v46;
	[tilespmem:s1+$0xFFFFFD10] =	vst v44  }
0x188: {  	v63 =	vmul.f32 v60, v47;
	[tilespmem:s1+$0xFFFFFD20] =	vst v61  }
0x189: {  	v48 =	vmul.f32 v60, v48;
	[tilespmem:s1+$0xFFFFFD30] =	vst v62  }
0x18a: {  	v49 =	vmul.f32 v60, v49;
	v45 =	vperm.xlane v24, v12;
	[tilespmem:s1+$0xFFFFFD40] =	vst v63  }
0x18b: {  	v42 =	vmul.f32 v60, v42;
	[tilespmem:s1+$0xFFFFFD50] =	vst v48  }
0x18c: {  	[tilespmem:s1+$0xFFFFFD60] =	vst v49;
	v59 =	vmul.f32 v45, v51  }
0x18d: {  	[tilespmem:s1+$0xFFFFFD70] =	vst v42;
	v60 =	vmul.f32 v45, v52  }
0x18e: {  	v61 =	vmul.f32 v45, v53;
	[tilespmem:s1+$0xFFFFFD80] =	vst v59  }
0x18f: {  	v62 =	vmul.f32 v45, v54;
	v63 =	vperm.xlane v25, v15;
	[tilespmem:s1+$0xFFFFFD90] =	vst v60  }
0x190: {  	v48 =	vmul.f32 v45, v55;
	[tilespmem:s1+$0xFFFFFDA0] =	vst v61  }
0x191: {  	v49 =	vmul.f32 v45, v56;
	[tilespmem:s1+$0xFFFFFDB0] =	vst v62;
	v51 =	vadd.s32 v2, v63  }
0x192: {  	v52 =	vmul.f32 v45, v57;
	[tilespmem:s1+$0xFFFFFDC0] =	vst v48;
	v53 =	vadd.s32 v3, v63  }
0x193: {  	v54 =	vmul.f32 v45, v50;
	[tilespmem:s1+$0xFFFFFDD0] =	vst v49;
	v55 =	vadd.s32 v4, v63  }
0x194: {  	[tilespmem:s1+$0xFFFFFDE0] =	vst v52;
	v56 =	vadd.s32 v5, v63  }
0x195: {  	[tilespmem:s1+$0xFFFFFDF0] =	vst v54;
	v57 =	vadd.s32 v6, v63  }
0x196: {  	v58 =	vadd.s32 v7, v63;
	v46 =	vld.idx.msk [tilespmem:v51+s4+$0x0], $0xffff  }
0x197: {  	v50 =	vperm.xlane v25, v0;
	v59 =	vadd.s32 v8, v63;
	v47 =	vld.idx.msk [tilespmem:v53+s4+$0x0], $0xffff  }
0x198: {  	v44 =	vadd.s32 v9, v63;
	v45 =	vld.idx.msk [tilespmem:v55+s4+$0x0], $0xffff  }
0x199: {  	v60 =	vadd.s32 v2, v50;
	v43 =	vld.idx.msk [tilespmem:v56+s4+$0x0], $0xffff  }
0x19a: {  	v61 =	vadd.s32 v3, v50;
	v42 =	vld.idx.msk [tilespmem:v57+s4+$0x0], $0xffff  }
0x19b: {  	v62 =	vadd.s32 v5, v50;
	v48 =	vld.idx.msk [tilespmem:v58+s4+$0x0], $0xffff  }
0x19c: {  	v63 =	vadd.s32 v6, v50;
	v49 =	vld.idx.msk [tilespmem:v59+s4+$0x0], $0xffff  }
0x19d: {  	v53 =	vadd.s32 v4, v50;
	v44 =	vld.idx.msk [tilespmem:v44+s4+$0x0], $0xffff  }
0x19e: {  	v51 =	vld.idx.msk [tilespmem:v60+s4+$0x0], $0xffff;
	v60 =	vadd.s32 v7, v50  }
0x19f: {  	v52 =	vld.idx.msk [tilespmem:v61+s4+$0x0], $0xffff;
	v61 =	vadd.s32 v8, v50  }
0x1a0: {  	v50 =	vadd.s32 v9, v50;
	v54 =	vld.idx.msk [tilespmem:v62+s4+$0x0], $0xffff  }
0x1a1: {  	v55 =	vld.idx.msk [tilespmem:v63+s4+$0x0], $0xffff;
	v62 =	vperm.xlane v24, v13  }
0x1a2: {  	v53 =	vld.idx.msk [tilespmem:v53+s4+$0x0], $0xffff  }
0x1a3: {  	v30 =	vmul.f32 v62, v30;
	v56 =	vld.idx.msk [tilespmem:v60+s4+$0x0], $0xffff  }
0x1a4: {  	v31 =	vmul.f32 v62, v31;
	v57 =	vld.idx.msk [tilespmem:v61+s4+$0x0], $0xffff  }
0x1a5: {  	v29 =	vmul.f32 v62, v29;
	v50 =	vld.idx.msk [tilespmem:v50+s4+$0x0], $0xffff;
	[tilespmem:s1+$0xFFFFFE00] =	vst v30  }
0x1a6: {  	v27 =	vmul.f32 v62, v27;
	[tilespmem:s1+$0xFFFFFE10] =	vst v31  }
0x1a7: {  	v26 =	vmul.f32 v62, v26;
	[tilespmem:s1+$0xFFFFFE20] =	vst v29  }
0x1a8: {  	v63 =	vmul.f32 v62, v32;
	[tilespmem:s1+$0xFFFFFE30] =	vst v27  }
0x1a9: {  	v32 =	vmul.f32 v62, v33;
	v33 =	vperm.xlane v24, v14;
	[tilespmem:s1+$0xFFFFFE40] =	vst v26  }
0x1aa: {  	v58 =	vmul.f32 v62, v28;
	[tilespmem:s1+$0xFFFFFE50] =	vst v63  }
0x1ab: {  	v59 =	vmul.f32 v33, v35;
	[tilespmem:s1+$0xFFFFFE60] =	vst v32  }
0x1ac: {  	v62 =	vmul.f32 v33, v38;
	[tilespmem:s1+$0xFFFFFE70] =	vst v58  }
0x1ad: {  	v35 =	vmul.f32 v33, v39;
	[tilespmem:s1+$0xFFFFFE80] =	vst v59  }
0x1ae: {  	v38 =	vmul.f32 v33, v41;
	v63 =	vperm.xlane v25, v16;
	[tilespmem:s1+$0xFFFFFEB0] =	vst v62  }
0x1af: {  	v60 =	vmul.f32 v33, v36;
	[tilespmem:s1+$0xFFFFFEC0] =	vst v35  }
0x1b0: {  	v61 =	vmul.f32 v33, v37;
	[tilespmem:s1+$0xFFFFFEE0] =	vst v38;
	v37 =	vadd.s32 v2, v63  }
0x1b1: {  	v36 =	vmul.f32 v33, v40;
	[tilespmem:s1+$0xFFFFFE90] =	vst v60;
	v39 =	vadd.s32 v3, v63  }
0x1b2: {  	v40 =	vmul.f32 v33, v34;
	[tilespmem:s1+$0xFFFFFEA0] =	vst v61;
	v41 =	vadd.s32 v4, v63  }
0x1b3: {  	[tilespmem:s1+$0xFFFFFED0] =	vst v36;
	v58 =	vadd.s32 v5, v63  }
0x1b4: {  	[tilespmem:s1+$0xFFFFFEF0] =	vst v40;
	v59 =	vadd.s32 v6, v63  }
0x1b5: {  	v60 =	vadd.s32 v7, v63;
	v30 =	vld.idx.msk [tilespmem:v37+s4+$0x0], $0xffff  }
0x1b6: {  	v34 =	vperm.xlane v25, v17;
	v61 =	vadd.s32 v8, v63;
	v31 =	vld.idx.msk [tilespmem:v39+s4+$0x0], $0xffff  }
0x1b7: {  	v28 =	vadd.s32 v9, v63;
	v29 =	vld.idx.msk [tilespmem:v41+s4+$0x0], $0xffff  }
0x1b8: {  	v62 =	vadd.s32 v2, v34;
	v26 =	vld.idx.msk [tilespmem:v58+s4+$0x0], $0xffff  }
0x1b9: {  	v63 =	vadd.s32 v3, v34;
	v27 =	vld.idx.msk [tilespmem:v59+s4+$0x0], $0xffff  }
0x1ba: {  	v32 =	vld.idx.msk [tilespmem:v60+s4+$0x0], $0xffff;
	v58 =	vadd.s32 v4, v34  }
0x1bb: {  	v33 =	vld.idx.msk [tilespmem:v61+s4+$0x0], $0xffff;
	v59 =	vadd.s32 v5, v34  }
0x1bc: {  	v28 =	vld.idx.msk [tilespmem:v28+s4+$0x0], $0xffff;
	v60 =	vadd.s32 v6, v34  }
0x1bd: {  	v35 =	vld.idx.msk [tilespmem:v62+s4+$0x0], $0xffff;
	v61 =	vadd.s32 v7, v34  }
0x1be: {  	v36 =	vld.idx.msk [tilespmem:v63+s4+$0x0], $0xffff;
	v62 =	vadd.s32 v8, v34  }
0x1bf: {  	v34 =	vadd.s32 v9, v34;
	v37 =	vld.idx.msk [tilespmem:v58+s4+$0x0], $0xffff  }
0x1c0: {  	v63 =	vperm.xlane v24, v15;
	v38 =	vld.idx.msk [tilespmem:v59+s4+$0x0], $0xffff  }
0x1c1: {  	v39 =	vld.idx.msk [tilespmem:v60+s4+$0x0], $0xffff  }
0x1c2: {  	v46 =	vmul.f32 v63, v46;
	v40 =	vld.idx.msk [tilespmem:v61+s4+$0x0], $0xffff  }
0x1c3: {  	v47 =	vmul.f32 v63, v47;
	v41 =	vld.idx.msk [tilespmem:v62+s4+$0x0], $0xffff  }
0x1c4: {  	v45 =	vmul.f32 v63, v45;
	v34 =	vld.idx.msk [tilespmem:v34+s4+$0x0], $0xffff;
	[tilespmem:s1+$0xFFFFFF00] =	vst v46  }
0x1c5: {  	v43 =	vmul.f32 v63, v43;
	[tilespmem:s1+$0xFFFFFF10] =	vst v47  }
0x1c6: {  	v42 =	vmul.f32 v63, v42;
	[tilespmem:s1+$0xFFFFFF20] =	vst v45  }
0x1c7: {  	v48 =	vmul.f32 v63, v48;
	[tilespmem:s1+$0xFFFFFF30] =	vst v43  }
0x1c8: {  	v49 =	vmul.f32 v63, v49;
	[tilespmem:s1+$0xFFFFFF40] =	vst v42;
	v45 =	vperm.xlane v24, v0  }
0x1c9: {  	[tilespmem:s1+$0xFFFFFF50] =	vst v48;
	v58 =	vmul.f32 v63, v44  }
0x1ca: {  	[tilespmem:s1+$0xFFFFFF60] =	vst v49;
	v59 =	vmul.f32 v45, v51  }
0x1cb: {  	[tilespmem:s1+$0xFFFFFF70] =	vst v58;
	v60 =	vmul.f32 v45, v52  }
0x1cc: {  	v61 =	vmul.f32 v45, v53;
	[tilespmem:s1+$0xFFFFFF80] =	vst v59  }
0x1cd: {  	v63 =	vperm.xlane v25, v18;
	v62 =	vmul.f32 v45, v54;
	[tilespmem:s1+$0xFFFFFF90] =	vst v60  }
0x1ce: {  	v48 =	vmul.f32 v45, v55;
	[tilespmem:s1+$0xFFFFFFA0] =	vst v61  }
0x1cf: {  	v49 =	vmul.f32 v45, v56;
	v51 =	vadd.s32 v2, v63;
	[tilespmem:s1+$0xFFFFFFB0] =	vst v62  }
0x1d0: {  	v52 =	vmul.f32 v45, v57;
	v53 =	vadd.s32 v3, v63;
	[tilespmem:s1+$0xFFFFFFC0] =	vst v48  }
0x1d1: {  	v54 =	vmul.f32 v45, v50;
	v55 =	vadd.s32 v4, v63;
	[tilespmem:s1+$0xFFFFFFD0] =	vst v49  }
0x1d2: {  	v56 =	vadd.s32 v5, v63;
	[tilespmem:s1+$0xFFFFFFE0] =	vst v52  }
0x1d3: {  	v57 =	vadd.s32 v6, v63;
	[tilespmem:s1+$0xFFFFFFF0] =	vst v54  }
0x1d4: {  	v58 =	vadd.s32 v7, v63;
	v46 =	vld.idx.msk [tilespmem:v51+s4+$0x0], $0xffff  }
0x1d5: {  	v50 =	vperm.xlane v25, v19;
	v44 =	vadd.s32 v9, v63;
	v47 =	vld.idx.msk [tilespmem:v53+s4+$0x0], $0xffff  }
0x1d6: {  	v59 =	vadd.s32 v8, v63;
	v45 =	vld.idx.msk [tilespmem:v55+s4+$0x0], $0xffff  }
0x1d7: {  	v60 =	vadd.s32 v2, v50;
	v42 =	vld.idx.msk [tilespmem:v56+s4+$0x0], $0xffff  }
0x1d8: {  	v61 =	vadd.s32 v3, v50;
	v43 =	vld.idx.msk [tilespmem:v57+s4+$0x0], $0xffff  }
0x1d9: {  	v62 =	vadd.s32 v5, v50;
	v48 =	vld.idx.msk [tilespmem:v58+s4+$0x0], $0xffff  }
0x1da: {  	v63 =	vadd.s32 v6, v50;
	v44 =	vld.idx.msk [tilespmem:v44+s4+$0x0], $0xffff  }
0x1db: {  	v53 =	vadd.s32 v4, v50;
	v49 =	vld.idx.msk [tilespmem:v59+s4+$0x0], $0xffff  }
0x1dc: {  	v51 =	vld.idx.msk [tilespmem:v60+s4+$0x0], $0xffff;
	v60 =	vadd.s32 v7, v50  }
0x1dd: {  	v52 =	vld.idx.msk [tilespmem:v61+s4+$0x0], $0xffff;
	v61 =	vadd.s32 v8, v50  }
0x1de: {  	v50 =	vadd.s32 v9, v50;
	v54 =	vld.idx.msk [tilespmem:v62+s4+$0x0], $0xffff  }
0x1df: {  	v55 =	vld.idx.msk [tilespmem:v63+s4+$0x0], $0xffff;
	v62 =	vperm.xlane v24, v16  }
0x1e0: {  	v53 =	vld.idx.msk [tilespmem:v53+s4+$0x0], $0xffff  }
0x1e1: {  	v30 =	vmul.f32 v62, v30;
	v56 =	vld.idx.msk [tilespmem:v60+s4+$0x0], $0xffff  }
0x1e2: {  	v31 =	vmul.f32 v62, v31;
	v57 =	vld.idx.msk [tilespmem:v61+s4+$0x0], $0xffff  }
0x1e3: {  	v29 =	vmul.f32 v62, v29;
	v50 =	vld.idx.msk [tilespmem:v50+s4+$0x0], $0xffff;
	[tilespmem:s1+$0x0] =	vst v30  }
0x1e4: {  	v26 =	vmul.f32 v62, v26;
	[tilespmem:s1+$0x10] =	vst v31  }
0x1e5: {  	v27 =	vmul.f32 v62, v27;
	[tilespmem:s1+$0x20] =	vst v29  }
0x1e6: {  	v63 =	vmul.f32 v62, v32;
	[tilespmem:s1+$0x30] =	vst v26  }
0x1e7: {  	v32 =	vmul.f32 v62, v33;
	v33 =	vperm.xlane v24, v17;
	[tilespmem:s1+$0x40] =	vst v27  }
0x1e8: {  	v58 =	vmul.f32 v62, v28;
	[tilespmem:s1+$0x50] =	vst v63  }
0x1e9: {  	v59 =	vmul.f32 v33, v35;
	[tilespmem:s1+$0x60] =	vst v32  }
0x1ea: {  	v62 =	vmul.f32 v33, v38;
	[tilespmem:s1+$0x70] =	vst v58  }
0x1eb: {  	v60 =	vmul.f32 v33, v36;
	[tilespmem:s1+$0x80] =	vst v59  }
0x1ec: {  	v61 =	vmul.f32 v33, v37;
	v63 =	vperm.xlane v25, v20;
	[tilespmem:s1+$0xB0] =	vst v62  }
0x1ed: {  	v36 =	vmul.f32 v33, v39;
	[tilespmem:s1+$0x90] =	vst v60  }
0x1ee: {  	v37 =	vmul.f32 v33, v40;
	[tilespmem:s1+$0xA0] =	vst v61;
	v38 =	vadd.s32 v2, v63  }
0x1ef: {  	v39 =	vmul.f32 v33, v41;
	[tilespmem:s1+$0xC0] =	vst v36;
	v40 =	vadd.s32 v3, v63  }
0x1f0: {  	v41 =	vmul.f32 v33, v34;
	[tilespmem:s1+$0xD0] =	vst v37;
	v58 =	vadd.s32 v4, v63  }
0x1f1: {  	[tilespmem:s1+$0xE0] =	vst v39;
	v59 =	vadd.s32 v5, v63  }
0x1f2: {  	[tilespmem:s1+$0xF0] =	vst v41;
	v60 =	vadd.s32 v6, v63  }
0x1f3: {  	v61 =	vadd.s32 v7, v63;
	v30 =	vld.idx.msk [tilespmem:v38+s4+$0x0], $0xffff  }
0x1f4: {  	v34 =	vperm.xlane v25, v21;
	v62 =	vadd.s32 v8, v63;
	v31 =	vld.idx.msk [tilespmem:v40+s4+$0x0], $0xffff  }
0x1f5: {  	v28 =	vadd.s32 v9, v63;
	v29 =	vld.idx.msk [tilespmem:v58+s4+$0x0], $0xffff  }
0x1f6: {  	v63 =	vadd.s32 v2, v34;
	v27 =	vld.idx.msk [tilespmem:v59+s4+$0x0], $0xffff  }
0x1f7: {  	v26 =	vld.idx.msk [tilespmem:v60+s4+$0x0], $0xffff;
	v58 =	vadd.s32 v3, v34  }
0x1f8: {  	v32 =	vld.idx.msk [tilespmem:v61+s4+$0x0], $0xffff;
	v59 =	vadd.s32 v4, v34  }
0x1f9: {  	v33 =	vld.idx.msk [tilespmem:v62+s4+$0x0], $0xffff;
	v61 =	vadd.s32 v5, v34  }
0x1fa: {  	v28 =	vld.idx.msk [tilespmem:v28+s4+$0x0], $0xffff;
	v62 =	vadd.s32 v6, v34  }
0x1fb: {  	v35 =	vld.idx.msk [tilespmem:v63+s4+$0x0], $0xffff;
	v63 =	vadd.s32 v7, v34  }
0x1fc: {  	v60 =	vadd.s32 v8, v34;
	v36 =	vld.idx.msk [tilespmem:v58+s4+$0x0], $0xffff  }
0x1fd: {  	v34 =	vadd.s32 v9, v34;
	v37 =	vld.idx.msk [tilespmem:v59+s4+$0x0], $0xffff  }
0x1fe: {  	v38 =	vld.idx.msk [tilespmem:v61+s4+$0x0], $0xffff;
	v61 =	vperm.xlane v24, v18  }
0x1ff: {  	v39 =	vld.idx.msk [tilespmem:v62+s4+$0x0], $0xffff  }
0x200: {  	v40 =	vld.idx.msk [tilespmem:v63+s4+$0x0], $0xffff;
	v46 =	vmul.f32 v61, v46  }
0x201: {  	v41 =	vld.idx.msk [tilespmem:v60+s4+$0x0], $0xffff;
	v47 =	vmul.f32 v61, v47  }
0x202: {  	v34 =	vld.idx.msk [tilespmem:v34+s4+$0x0], $0xffff;
	v45 =	vmul.f32 v61, v45;
	[tilespmem:s1+$0x100] =	vst v46  }
0x203: {  	v42 =	vmul.f32 v61, v42;
	[tilespmem:s1+$0x110] =	vst v47  }
0x204: {  	v43 =	vmul.f32 v61, v43;
	[tilespmem:s1+$0x120] =	vst v45  }
0x205: {  	v62 =	vmul.f32 v61, v48;
	[tilespmem:s1+$0x130] =	vst v42  }
0x206: {  	v63 =	vmul.f32 v61, v49;
	v48 =	vperm.xlane v24, v19;
	[tilespmem:s1+$0x140] =	vst v43  }
0x207: {  	v58 =	vmul.f32 v61, v44;
	[tilespmem:s1+$0x150] =	vst v62  }
0x208: {  	[tilespmem:s1+$0x160] =	vst v63;
	v59 =	vmul.f32 v48, v51  }
0x209: {  	[tilespmem:s1+$0x170] =	vst v58;
	v60 =	vmul.f32 v48, v52  }
0x20a: {  	v61 =	vmul.f32 v48, v53;
	[tilespmem:s1+$0x180] =	vst v59  }
0x20b: {  	v62 =	vmul.f32 v48, v54;
	v63 =	vperm.xlane v25, v22;
	[tilespmem:s1+$0x190] =	vst v60  }
0x20c: {  	v49 =	vmul.f32 v48, v55;
	[tilespmem:s1+$0x1A0] =	vst v61  }
0x20d: {  	v51 =	vmul.f32 v48, v56;
	[tilespmem:s1+$0x1B0] =	vst v62;
	v52 =	vadd.s32 v2, v63  }
0x20e: {  	v53 =	vmul.f32 v48, v57;
	[tilespmem:s1+$0x1C0] =	vst v49;
	v54 =	vadd.s32 v3, v63  }
0x20f: {  	v55 =	vmul.f32 v48, v50;
	[tilespmem:s1+$0x1D0] =	vst v51;
	v56 =	vadd.s32 v4, v63  }
0x210: {  	[tilespmem:s1+$0x1E0] =	vst v53;
	v57 =	vadd.s32 v5, v63  }
0x211: {  	[tilespmem:s1+$0x1F0] =	vst v55;
	v58 =	vadd.s32 v6, v63  }
0x212: {  	v59 =	vadd.s32 v7, v63;
	v46 =	vld.idx.msk [tilespmem:v52+s4+$0x0], $0xffff  }
0x213: {  	v25 =	vperm.xlane v25, v23;
	v60 =	vadd.s32 v8, v63;
	v47 =	vld.idx.msk [tilespmem:v54+s4+$0x0], $0xffff  }
0x214: {  	v44 =	vadd.s32 v9, v63;
	v45 =	vld.idx.msk [tilespmem:v56+s4+$0x0], $0xffff  }
0x215: {  	v61 =	vadd.s32 v2, v25;
	v43 =	vld.idx.msk [tilespmem:v57+s4+$0x0], $0xffff  }
0x216: {  	v62 =	vadd.s32 v3, v25;
	v42 =	vld.idx.msk [tilespmem:v58+s4+$0x0], $0xffff  }
0x217: {  	v63 =	vadd.s32 v5, v25;
	v48 =	vld.idx.msk [tilespmem:v59+s4+$0x0], $0xffff  }
0x218: {  	v52 =	vadd.s32 v4, v25;
	v49 =	vld.idx.msk [tilespmem:v60+s4+$0x0], $0xffff  }
0x219: {  	v44 =	vld.idx.msk [tilespmem:v44+s4+$0x0], $0xffff;
	v60 =	vadd.s32 v6, v25  }
0x21a: {  	v50 =	vld.idx.msk [tilespmem:v61+s4+$0x0], $0xffff;
	v61 =	vadd.s32 v7, v25  }
0x21b: {  	v51 =	vld.idx.msk [tilespmem:v62+s4+$0x0], $0xffff;
	v62 =	vadd.s32 v8, v25  }
0x21c: {  	v25 =	vadd.s32 v9, v25;
	v53 =	vld.idx.msk [tilespmem:v63+s4+$0x0], $0xffff  }
0x21d: {  	v63 =	vperm.xlane v24, v20;
	v52 =	vld.idx.msk [tilespmem:v52+s4+$0x0], $0xffff  }
0x21e: {  	v54 =	vld.idx.msk [tilespmem:v60+s4+$0x0], $0xffff  }
0x21f: {  	v30 =	vmul.f32 v63, v30;
	v55 =	vld.idx.msk [tilespmem:v61+s4+$0x0], $0xffff  }
0x220: {  	v31 =	vmul.f32 v63, v31;
	v56 =	vld.idx.msk [tilespmem:v62+s4+$0x0], $0xffff  }
0x221: {  	v29 =	vmul.f32 v63, v29;
	v25 =	vld.idx.msk [tilespmem:v25+s4+$0x0], $0xffff;
	[tilespmem:s1+$0x200] =	vst v30  }
0x222: {  	v27 =	vmul.f32 v63, v27;
	[tilespmem:s1+$0x210] =	vst v31  }
0x223: {  	v26 =	vmul.f32 v63, v26;
	[tilespmem:s1+$0x220] =	vst v29  }
0x224: {  	v59 =	vmul.f32 v63, v32;
	[tilespmem:s1+$0x230] =	vst v27  }
0x225: {  	[tilespmem:s1+$0x240] =	vst v26;
	v60 =	vmul.f32 v63, v33;
	v61 =	vperm.xlane v24, v21  }
0x226: {  	[tilespmem:s1+$0x250] =	vst v59;
	v62 =	vmul.f32 v63, v28  }
0x227: {  	[tilespmem:s1+$0x260] =	vst v60;
	v63 =	vmul.f32 v61, v35  }
0x228: {  	[tilespmem:s1+$0x270] =	vst v62;
	v30 =	vmul.f32 v61, v36  }
0x229: {  	v31 =	vmul.f32 v61, v37;
	[tilespmem:s1+$0x280] =	vst v63  }
0x22a: {  	v32 =	vmul.f32 v61, v38;
	[tilespmem:s1+$0x290] =	vst v30  }
0x22b: {  	v33 =	vmul.f32 v61, v39;
	[tilespmem:s1+$0x2A0] =	vst v31  }
0x22c: {  	v35 =	vmul.f32 v61, v40;
	[tilespmem:s1+$0x2B0] =	vst v32  }
0x22d: {  	v36 =	vmul.f32 v61, v41;
	v37 =	vperm.xlane v24, v22;
	[tilespmem:s1+$0x2C0] =	vst v33  }
0x22e: {  	v38 =	vmul.f32 v61, v34;
	[tilespmem:s1+$0x2D0] =	vst v35  }
0x22f: {  	[tilespmem:s1+$0x2E0] =	vst v36;
	v39 =	vmul.f32 v37, v46  }
0x230: {  	[tilespmem:s1+$0x2F0] =	vst v38;
	v40 =	vmul.f32 v37, v47  }
0x231: {  	v41 =	vmul.f32 v37, v45;
	[tilespmem:s1+$0x300] =	vst v39  }
0x232: {  	v45 =	vmul.f32 v37, v43;
	[tilespmem:s1+$0x310] =	vst v40  }
0x233: {  	v46 =	vmul.f32 v37, v42;
	[tilespmem:s1+$0x320] =	vst v41  }
0x234: {  	v47 =	vmul.f32 v37, v48;
	[tilespmem:s1+$0x330] =	vst v45  }
0x235: {  	v24 =	vperm.xlane v24, v23;
	v48 =	vmul.f32 v37, v49;
	[tilespmem:s1+$0x340] =	vst v46  }
0x236: {  	v49 =	vmul.f32 v37, v44;
	[tilespmem:s1+$0x350] =	vst v47  }
0x237: {  	v57 =	vmul.f32 v24, v50;
	[tilespmem:s1+$0x360] =	vst v48  }
0x238: {  	v58 =	vmul.f32 v24, v51;
	[tilespmem:s1+$0x370] =	vst v49  }
0x239: {  	v60 =	vmul.f32 v24, v53;
	[tilespmem:s1+$0x380] =	vst v57  }
0x23a: {  	v59 =	vmul.f32 v24, v52;
	[tilespmem:s1+$0x390] =	vst v58  }
0x23b: {  	p0 =	sne.s32 s0, $0x600;
	v61 =	vmul.f32 v24, v54;
	[tilespmem:s1+$0x3B0] =	vst v60  }
.Ltmp3:
0x23c: {  	v62 =	vmul.f32 v24, v55;
	[tilespmem:s1+$0x3A0] =	vst v59;
	(pc) =	sbr.rel @p0 .LBB2_5-.Ltmp3, $4  }
0x23d: {  	v63 =	vmul.f32 v24, v56;
	[tilespmem:s1+$0x3C0] =	vst v61  }
0x23e: {  	v24 =	vmul.f32 v24, v25;
	[tilespmem:s1+$0x3D0] =	vst v62  }
0x23f: {  	[tilespmem:s1+$0x3E0] =	vst v63  }
0x240: {  	s0 =	sadd.s32 $0x40, s0;
	[tilespmem:s1+$0x3F0] =	vst v24;
	s1 =	sadd.s32 $0x800, s1  }
.Ltmp4:
0x241: {  	(pc) =	sbr.rel @p1 .LBB2_8-.Ltmp4, $4  }
0x242: {  	s0 =	sshll.u32 s31, $0x4  }
0x243: {  	s0 =	sand.u32 $0x1FFFFF00, s0  }
0x244: {  	s0 =	sadd.s32 s3, s0  }
0x245: {  	[hbm4b:s0+s4] =	stream.linear.scatter [tilespmem:s24], [sflag:$0x2], $0xC800, $0x38;
	[tilespmem:$0x1B180] =	vst v63  }
0x246: {  	s0 =	sadd.s32 s30, s14  }
.Ltmp5:
0x247: {  	s0 =	sshrl.u32 s0, $0x3;
	(pc) =	sbr.rel .LBB2_2-.Ltmp5, $4  }
0x248: {  	s1 =	sadd.s32 s6, s0  }
0x249: {  	[tilespmem:s19], [sflag:$0x4] =	stream.linear.gather [hbm4b:s1+s4], $0x190, $0x38;
	[tilespmem:$0x1B180] =	vst v63  }
0x24a: {  	s29 =	sadd.s32 $0x1, s29;
	s0 =	sadd.s32 s7, s0  }
0x24b: {  	[tilespmem:s20], [sflag:$0x4] =	stream.linear.gather [hbm4b:s0+s4], $0x190, $0x38;
	[tilespmem:$0x1B180] =	vst v63  }
.LBB2_9:
0x24c: {  	_ =	sfence.sel $0x180000  }
0x24d: {  	[bflag:$0x0] =	sbarrier.arrive $0xFFFF  }
0x24e: {  	_ =	strace $0x90000047  }
0x24f: {  	s0 =	stileid.u32;
	[bflag:$0x2] =	sbarrier.arrive $0xFFFF  }
0x250: {  	p0 =	sne.s32 s0, $0x0;
	s0 =	rddreg [dreg:$0x3]  }
0x251: {  	s0 =	sadd.s32 @!p0 $0x100000, s0  }
0x252: {  	[sflag:s0] =	ssyncadd.tile.s32 @!p0 $0x1;
	_ =	shalt  }
.Lfunc_end2:
_tile_overlayer_lowered:
.L_overlay_start_2:
0x253: {  	(tag) =	ssettag $0x2  }
0x254: {  	s0 =	rddreg [dreg:$0x0];
	s2 =	stileid.u32  }
0x255: {  	s1 =	rddreg [dreg:$0x1];
	p0 =	sne.s32 s2, $0x0  }
0x256: {  	s3 =	rddreg [dreg:$0x2];
	[bflag:$0x3] =	sbarrier.arrive $0xFFFF;
	s2 =	simm.s32 @!p0 $0x1C05  }
0x257: {  	[timem:s3], [sflag:s2] =	dma.local @!p0 [hbm:s0], s1  }
0x258: {  	s0 =	simm.s32 @!p0 $0x5  }
0x259: {  	_ =	swait.ge @!p0 [sflag:s0], s1  }
0x25a: {  	s1 =	ssub.s32 @!p0 $0x0, s1;
	[sflag:s0] =	ssyncset.done @!p0 $0x0  }
0x25b: {  	[sflag:s0] =	ssyncadd.s32 @!p0 s1  }
0x25c: {  	[bflag:$0x3] =	sbarrier.arrive $0xFFFF  }
0x25d: {  	_ =	shalt  }

</sc_bundles>
